<compile_context>
chip_gen: v7x
topology: tpu7x:2x2x1
jax: 0.10.2.dev20260603
libtpu: 0.0.44.dev20260713+nightly
codegen_flags: <defaults>
</compile_context>

<pallas_src>
import functools

import jax
import jax.numpy as jnp
from jax import lax
from jax.experimental import pallas as pl
from jax.experimental.pallas import tpu as pltpu
from jax.experimental.pallas import tpu_sc as plsc

N = 10000
E = 160000
PERIODS = 12
OUT = 64
W = 32
NP = 10240
EP = 163840
NC = 2
NS = 16
ROWS_PER_TILE = NP // (NC * NS)
ROWS_PER_SUB = NP // NS
CH1 = EP // NS // 128
CH3 = EP // (NC * NS) // 128
BN = 2048
NB3 = 4

@functools.cache
def _mesh():
    return plsc.VectorSubcoreMesh(core_axis_name="c", subcore_axis_name="s",
                                  num_cores=NC, num_subcores=NS)


def _k1_body(col_hbm, w_hbm, deg_hbm, col_v, w_v, zb_v, deg_row, deg_sh,
             dsem):
    cid = lax.axis_index("c")
    sid = lax.axis_index("s")
    wid = sid * NC + cid

    def zfill(i, _):
        zb_v[pl.ds(i * 16, 16)] = jnp.zeros((16,), jnp.float32)
        return 0
    lax.fori_loop(0, ROWS_PER_SUB // 16, zfill, 0)
    pltpu.sync_copy(zb_v, deg_sh.at[pl.ds(sid * ROWS_PER_SUB, ROWS_PER_SUB)])
    plsc.subcore_barrier()

    pltpu.sync_copy(col_hbm.at[sid], col_v)
    pltpu.sync_copy(w_hbm.at[sid], w_v)

    def dfire(j, _):
        pltpu.async_copy(w_v.at[j], deg_sh.at[col_v.at[j]], dsem, add=True)
        return 0
    lax.fori_loop(0, CH1, dfire, 0)

    def ddrain(j, _):
        pltpu.make_async_copy(w_v.at[j], deg_sh.at[col_v.at[j]], dsem).wait()
        return 0
    lax.fori_loop(0, CH1, ddrain, 0)
    plsc.subcore_barrier()

    r0 = wid * ROWS_PER_TILE
    pltpu.sync_copy(deg_sh.at[pl.ds(r0, ROWS_PER_TILE)], deg_row)
    pltpu.sync_copy(deg_row, deg_hbm.at[pl.ds(r0, ROWS_PER_TILE)])


@functools.cache
def _k1_build():
    return pl.kernel(
        _k1_body,
        out_type=jax.ShapeDtypeStruct((NP,), jnp.float32),
        mesh=_mesh(),
        scratch_types=[
            pltpu.VMEM((CH1, 128), jnp.int32),
            pltpu.VMEM((CH1, 128), jnp.float32),
            pltpu.VMEM((ROWS_PER_SUB,), jnp.float32),
            pltpu.VMEM((ROWS_PER_TILE,), jnp.float32),
            pltpu.VMEM_SHARED((NP,), jnp.float32),
            pltpu.SemaphoreType.DMA,
        ],
    )


def _k1(col16, w16):
    return _k1_build()(col16, w16)


EROWS = E // 128
EPROWS = EP // 128


def _prep_body(ei_ref, w_ref, x_ref, row_ref, col_ref, wp_ref, xf_ref):
    i32, f32 = jnp.int32, jnp.float32
    row_ref[pl.ds(0, EROWS), :] = ei_ref[0]
    col_ref[pl.ds(0, EROWS), :] = ei_ref[1]
    wp_ref[pl.ds(0, EROWS), :] = w_ref[...]
    npad = EPROWS - EROWS
    flat = (jax.lax.broadcasted_iota(i32, (npad, 128), 0) * 128
            + jax.lax.broadcasted_iota(i32, (npad, 128), 1))
    spread = (flat * 7) % NP
    row_ref[pl.ds(EROWS, npad), :] = spread
    col_ref[pl.ds(EROWS, npad), :] = spread
    wp_ref[pl.ds(EROWS, npad), :] = jnp.zeros((npad, 128), f32)
    xf_ref[...] = jnp.zeros((NP, W), f32)
    xf_ref[pl.ds(0, N), pl.ds(0, 2 * PERIODS)] = x_ref[...]


def _prep(ei, w, x24):
    i32, f32 = jnp.int32, jnp.float32
    return pl.pallas_call(
        _prep_body,
        out_shape=(jax.ShapeDtypeStruct((EPROWS, 128), i32),
                   jax.ShapeDtypeStruct((EPROWS, 128), i32),
                   jax.ShapeDtypeStruct((EPROWS, 128), f32),
                   jax.ShapeDtypeStruct((NP, W), f32)),
    )(ei.reshape(2, EROWS, 128), w.reshape(EROWS, 128), x24)


def _k2_body(deg_ref, xf_ref, u_ref, db_ref):
    dinv = lax.rsqrt(deg_ref[...] + 1.0)
    db = jnp.broadcast_to(dinv, (NP, W))
    db_ref[...] = db
    u_ref[...] = db * xf_ref[...]


def _k2(deg, xf):
    return pl.pallas_call(
        _k2_body,
        out_shape=(jax.ShapeDtypeStruct((NP, W), jnp.float32),
                   jax.ShapeDtypeStruct((NP, W), jnp.float32)),
    )(deg.reshape(NP, 1), xf)


def _k3_body(row_hbm, col_hbm, w_hbm, u_hbm, sp_hbm,
             row_v, col_v, w_v, rows_v, zb_v, s_sh, *sems):
    cid = lax.axis_index("c")
    sid = lax.axis_index("s")
    wid = sid * NC + cid

    def zfill(i, _):
        zb_v[pl.ds(i * 16, 16), :] = jnp.zeros((16, W), jnp.float32)
        return 0
    lax.fori_loop(0, 4, zfill, 0)

    def zcopy(i, _):
        pltpu.sync_copy(zb_v, s_sh.at[pl.ds(sid * ROWS_PER_SUB + i * 64, 64)])
        return 0
    lax.fori_loop(0, ROWS_PER_SUB // 64, zcopy, 0)
    plsc.subcore_barrier()

    pltpu.sync_copy(row_hbm.at[wid], row_v)
    pltpu.sync_copy(col_hbm.at[wid], col_v)
    pltpu.sync_copy(w_hbm.at[wid], w_v)

    for b in range(NB3):
        pltpu.async_copy(u_hbm.at[row_v.at[b]], rows_v.at[b], sems[b])

    def outer(jo, _):
        for b in range(NB3):
            j = jo * NB3 + b
            pltpu.make_async_copy(u_hbm.at[row_v.at[j]], rows_v.at[b],
                                  sems[b]).wait()

            def escale(g, _):
                wv = w_v[j, pl.ds(g * 16, 16)]
                for k in range(16):
                    e = g * 16 + k
                    s = lax.broadcast_in_dim(wv[k], (16,), ())
                    rows_v[b, e, pl.ds(0, 16)] = rows_v[b, e, pl.ds(0, 16)] * s
                    rows_v[b, e, pl.ds(16, 16)] = rows_v[b, e, pl.ds(16, 16)] * s
                return 0
            lax.fori_loop(0, 8, escale, 0)

            pltpu.sync_copy(rows_v.at[b], s_sh.at[col_v.at[j]], add=True)
            jn = j + NB3

            @pl.when(jn < CH3)
            def _fire():
                pltpu.async_copy(u_hbm.at[row_v.at[jn]], rows_v.at[b], sems[b])
        return 0
    lax.fori_loop(0, CH3 // NB3, outer, 0)
    plsc.subcore_barrier()

    pltpu.sync_copy(s_sh.at[pl.ds(sid * ROWS_PER_SUB, ROWS_PER_SUB)],
                    sp_hbm.at[cid, pl.ds(sid * ROWS_PER_SUB, ROWS_PER_SUB)])


@functools.cache
def _k3_build():
    return pl.kernel(
        _k3_body,
        out_type=jax.ShapeDtypeStruct((NC, NP, W), jnp.float32),
        mesh=_mesh(),
        compiler_params=pltpu.CompilerParams(use_tc_tiling_on_sc=False),
        scratch_types=[
            pltpu.VMEM((CH3, 128), jnp.int32),
            pltpu.VMEM((CH3, 128), jnp.int32),
            pltpu.VMEM((CH3, 128), jnp.float32),
            pltpu.VMEM((NB3, 128, W), jnp.float32),
            pltpu.VMEM((64, W), jnp.float32),
            pltpu.VMEM_SHARED((NP, W), jnp.float32),
        ] + [pltpu.SemaphoreType.DMA] * NB3,
    )


def _k3(row32, col32, w32, u):
    return _k3_build()(row32, col32, w32, u)


def _gru_body(sp_ref, u_ref, db_ref, att_ref,
              czw_ref, czb_ref, lzw_ref, lzb_ref,
              crw_ref, crb_ref, lrw_ref, lrb_ref,
              chw_ref, chb_ref, lhw_ref, lhb_ref, out_ref):
    f32 = jnp.float32

    def dg(x, m):
        return lax.dot_general(x, m, (((1,), (1,)), ((), ())),
                               preferred_element_type=f32)

    Y = db_ref[...] * (sp_ref[0] + sp_ref[1] + u_ref[...])

    att = att_ref[...]
    ex = jnp.exp(att - jnp.max(att, axis=1, keepdims=True))
    probs = ex / jnp.sum(ex, axis=1, keepdims=True)

    def fold(lw_ref, lb_ref, cw_ref, cb_ref):
        A = lw_ref[:, 0:OUT]
        B = lw_ref[:, OUT:2 * OUT]
        M = lax.dot_general(A, cw_ref[...], (((1,), (0,)), ((), ())),
                            preferred_element_type=f32)
        b = dg(cb_ref[...], A) + lb_ref[...]
        return M, B, b

    Mz, Bz, bz = fold(lzw_ref, lzb_ref, czw_ref, czb_ref)
    Mr, Br, br = fold(lrw_ref, lrb_ref, crw_ref, crb_ref)
    Mh, Bh, bh = fold(lhw_ref, lhb_ref, chw_ref, chb_ref)

    Y24 = Y[:, 0:2 * PERIODS]

    def sel(M, p):
        a = jnp.pad(M[:, 0:1], ((0, 0), (p, 2 * PERIODS - 1 - p)))
        b = jnp.pad(M[:, 1:2], ((0, 0), (PERIODS + p, PERIODS - 1 - p)))
        return a + b

    H = jnp.zeros((BN, OUT), f32)
    acc = jnp.zeros((BN, OUT), f32)
    sg = lambda x: 0.5 * (jnp.tanh(0.5 * x) + 1.0)
    for p in range(PERIODS):
        Z = sg(dg(Y24, sel(Mz, p)) + dg(H, Bz) + bz)
        R = sg(dg(Y24, sel(Mr, p)) + dg(H, Br) + br)
        Ht = jnp.tanh(dg(Y24, sel(Mh, p)) + dg(H * R, Bh) + bh)
        H = Z * H + (1.0 - Z) * Ht
        acc = acc + probs[0, p] * H
    out_ref[...] = acc.T


def kernel(X, edge_index, edge_weight, attention,
           conv_z_W, conv_z_b, lin_z_W, lin_z_b,
           conv_r_W, conv_r_b, lin_r_W, lin_r_b,
           conv_h_W, conv_h_b, lin_h_W, lin_h_b):
    f32 = jnp.float32
    ei = edge_index.astype(jnp.int32)
    w = edge_weight.astype(f32)
    rowp, colp, wp, Xf = _prep(ei, w, X[0].reshape(N, 2 * PERIODS))

    col16 = colp.reshape(NS, CH1, 128)
    w16 = wp.reshape(NS, CH1, 128)
    row32 = rowp.reshape(NC * NS, CH3, 128)
    col32 = colp.reshape(NC * NS, CH3, 128)
    w32 = wp.reshape(NC * NS, CH3, 128)

    deg = _k1(col16, w16)
    U, dB = _k2(deg, Xf)
    SP = _k3(row32, col32, w32, U)

    full = lambda s: pl.BlockSpec(s, lambda i: (0,) * len(s))
    out = pl.pallas_call(
        _gru_body,
        grid=(NP // BN,),
        in_specs=[
            pl.BlockSpec((NC, BN, W), lambda i: (0, i, 0)),
            pl.BlockSpec((BN, W), lambda i: (i, 0)),
            pl.BlockSpec((BN, W), lambda i: (i, 0)),
            full((1, PERIODS)),
            full((OUT, 2)), full((1, OUT)), full((OUT, 2 * OUT)), full((1, OUT)),
            full((OUT, 2)), full((1, OUT)), full((OUT, 2 * OUT)), full((1, OUT)),
            full((OUT, 2)), full((1, OUT)), full((OUT, 2 * OUT)), full((1, OUT)),
        ],
        out_specs=pl.BlockSpec((OUT, BN), lambda i: (0, i)),
        out_shape=jax.ShapeDtypeStruct((OUT, N), f32),
    )(SP, U, dB, attention.reshape(1, PERIODS),
      conv_z_W, conv_z_b.reshape(1, OUT), lin_z_W, lin_z_b.reshape(1, OUT),
      conv_r_W, conv_r_b.reshape(1, OUT), lin_r_W, lin_r_b.reshape(1, OUT),
      conv_h_W, conv_h_b.reshape(1, OUT), lin_h_W, lin_h_b.reshape(1, OUT))

    return jnp.transpose(out)[jnp.newaxis]

# --- scband reference (transcript-rebuilt; emitter-appended) ---
"""Pipeline reference for scband-a3-tgcn-78769700208933 (READ-ONLY COPY).

The authoritative reference and input builder live on the scoring server;
editing this copy changes nothing except your own understanding.
"""

import jax, jax.numpy as jnp
import numpy as np

N = 10000
E = 160000
IN_CH = 2
OUT_CH = 64
PERIODS = 12


def setup_inputs(seed: int = 0) -> dict:
    key = jax.random.key(seed)
    ks = jax.random.split(key, 16)
    X = jax.random.normal(ks[0], (1, N, IN_CH, PERIODS), dtype=jnp.float32)
    edge_index = jax.random.randint(ks[1], (2, E), 0, N)
    edge_weight = jax.random.uniform(ks[2], (E,), dtype=jnp.float32)
    attention = jax.random.uniform(ks[3], (PERIODS,), dtype=jnp.float32)
    s_in = 1.0 / np.sqrt(IN_CH)
    s_cat = 1.0 / np.sqrt(2 * OUT_CH)
    conv_z_W = jax.random.uniform(ks[4], (OUT_CH, IN_CH), dtype=jnp.float32, minval=-s_in, maxval=s_in)
    conv_z_b = jnp.zeros((OUT_CH,), jnp.float32)
    lin_z_W = jax.random.uniform(ks[5], (OUT_CH, 2 * OUT_CH), dtype=jnp.float32, minval=-s_cat, maxval=s_cat)
    lin_z_b = jax.random.uniform(ks[6], (OUT_CH,), dtype=jnp.float32, minval=-s_cat, maxval=s_cat)
    conv_r_W = jax.random.uniform(ks[7], (OUT_CH, IN_CH), dtype=jnp.float32, minval=-s_in, maxval=s_in)
    conv_r_b = jnp.zeros((OUT_CH,), jnp.float32)
    lin_r_W = jax.random.uniform(ks[8], (OUT_CH, 2 * OUT_CH), dtype=jnp.float32, minval=-s_cat, maxval=s_cat)
    lin_r_b = jax.random.uniform(ks[9], (OUT_CH,), dtype=jnp.float32, minval=-s_cat, maxval=s_cat)
    conv_h_W = jax.random.uniform(ks[10], (OUT_CH, IN_CH), dtype=jnp.float32, minval=-s_in, maxval=s_in)
    conv_h_b = jnp.zeros((OUT_CH,), jnp.float32)
    lin_h_W = jax.random.uniform(ks[11], (OUT_CH, 2 * OUT_CH), dtype=jnp.float32, minval=-s_cat, maxval=s_cat)
    lin_h_b = jax.random.uniform(ks[12], (OUT_CH,), dtype=jnp.float32, minval=-s_cat, maxval=s_cat)
    return {"X": X, "edge_index": edge_index, "edge_weight": edge_weight,
            "attention": attention,
            "conv_z_W": conv_z_W, "conv_z_b": conv_z_b, "lin_z_W": lin_z_W, "lin_z_b": lin_z_b,
            "conv_r_W": conv_r_W, "conv_r_b": conv_r_b, "lin_r_W": lin_r_W, "lin_r_b": lin_r_b,
            "conv_h_W": conv_h_W, "conv_h_b": conv_h_b, "lin_h_W": lin_h_W, "lin_h_b": lin_h_b}


def _gcn_conv(Xc, edge_index, edge_weight, W, b):
    # GCNConv: out = D^{-1/2} (A + I) D^{-1/2} (X W^T) + b, node dim = -2
    row = edge_index[0]
    col = edge_index[1]
    loop = jnp.arange(N, dtype=edge_index.dtype)
    row_f = jnp.concatenate([row, loop])
    col_f = jnp.concatenate([col, loop])
    w_f = jnp.concatenate([edge_weight, jnp.ones((N,), Xc.dtype)])
    deg = jnp.zeros((N,), Xc.dtype).at[col_f].add(w_f)
    dinv = jnp.where(deg > 0, 1.0 / jnp.sqrt(deg), 0.0)
    norm = dinv[row_f] * w_f * dinv[col_f]
    Xw = jnp.einsum('bnf,of->bno', Xc, W)
    msg = Xw[:, row_f, :] * norm[None, :, None]
    out = jnp.zeros_like(Xw).at[:, col_f, :].add(msg)
    return out + b


def reference(X, edge_index, edge_weight, attention,
              conv_z_W, conv_z_b, lin_z_W, lin_z_b,
              conv_r_W, conv_r_b, lin_r_W, lin_r_b,
              conv_h_W, conv_h_b, lin_h_W, lin_h_b):
    B = X.shape[0]
    H = jnp.zeros((B, N, OUT_CH), X.dtype)
    probs = jax.nn.softmax(attention, axis=0)
    H_accum = jnp.zeros((B, N, OUT_CH), X.dtype)
    for p in range(PERIODS):
        Xc = X[:, :, :, p]
        cz = _gcn_conv(Xc, edge_index, edge_weight, conv_z_W, conv_z_b)
        Z = jax.nn.sigmoid(jnp.concatenate([cz, H], axis=-1) @ lin_z_W.T + lin_z_b)
        cr = _gcn_conv(Xc, edge_index, edge_weight, conv_r_W, conv_r_b)
        R = jax.nn.sigmoid(jnp.concatenate([cr, H], axis=-1) @ lin_r_W.T + lin_r_b)
        ch = _gcn_conv(Xc, edge_index, edge_weight, conv_h_W, conv_h_b)
        H_tilde = jnp.tanh(jnp.concatenate([ch, H * R], axis=-1) @ lin_h_W.T + lin_h_b)
        H = Z * H + (1.0 - Z) * H_tilde
        H_accum = H_accum + probs[p] * H
    return H_accum

if __name__ == "__main__":
    import jax
    _d = setup_inputs()
    print(jax.jit(kernel)(*tuple(_d.values())))

</pallas_src>

<mosaic_0001>
#map = affine_map<(d0, d1) -> (0, 0, 0)>
#map1 = affine_map<(d0, d1) -> (0)>
module attributes {stable_mosaic.version = 14 : i64} {
  func.func @_k1_body(%arg0: i32, %arg1: i32, %arg2: memref<16x80x128xi32, #tpu.memory_space<hbm>>, %arg3: memref<16x80x128xf32, #tpu.memory_space<hbm>>, %arg4: memref<10240xf32, #tpu.memory_space<hbm>>, %arg5: memref<80x128xi32, #tpu.memory_space<vmem>>, %arg6: memref<80x128xf32, #tpu.memory_space<vmem>>, %arg7: memref<640xf32, #tpu.memory_space<vmem>>, %arg8: memref<320xf32, #tpu.memory_space<vmem>>, %arg9: memref<10240xf32, #tpu.memory_space<vmem_shared>>, %arg10: memref<!tpu.dma_semaphore, #tpu.memory_space<semaphore_mem>>) attributes {dimension_semantics = [#tpu.dimension_semantics<core_parallel>, #tpu.dimension_semantics<subcore_parallel>], iteration_bounds = array<i64: 2, 16>, scalar_prefetch = 0 : i64, scratch_operands = 6 : i64, tpu.core_type = #tpu.core_type<sc_vector_subcore>, window_params = [{transform_indices = #map}, {transform_indices = #map}, {transform_indices = #map1}]} {
    %mul3A = arith.constant 2 : i32
    %mul3A_0 = arith.muli %arg1, %mul3A : i32
    %add3A = arith.addi %mul3A_0, %arg0 : i32
    %scan3A = arith.constant 0 : i32
    %scan3A_1 = arith.constant 0 : i32
    %scan3A_2 = arith.constant 40 : i32
    %scan3A_3 = arith.addi %scan3A_1, %scan3A_2 : i32
    %scan3A_4 = arith.constant 1 : i32
    %scan3A_5 = scf.for %scan3A_26 = %scan3A_1 to %scan3A_3 step %scan3A_4 iter_args(%scan3A_27 = %scan3A) -> (i32)  : i32 {
      %broadcast_in_dim3A = arith.constant 0.000000e+00 : f32
      %broadcast_in_dim3A_28 = vector.broadcast %broadcast_in_dim3A : f32 to vector<16xf32>
      %mul3A_29 = arith.constant 16 : i32
      %mul3A_30 = arith.muli %scan3A_26, %mul3A_29 : i32
      %swap3A = arith.index_cast %mul3A_30 : i32 to index
      %swap3A_31 = tpu.vector_load %arg7[%swap3A] {strides = array<i32>} : memref<640xf32, #tpu.memory_space<vmem>>, vector<16xf32>,
      %swap3A_32 = vector.shape_cast %swap3A_31 : vector<16xf32> to vector<16xf32>
      %swap3A_33 = vector.shape_cast %broadcast_in_dim3A_28 : vector<16xf32> to vector<16xf32>
      tpu.vector_store %arg7[%swap3A], %swap3A_33 {strides = array<i32>} : memref<640xf32, #tpu.memory_space<vmem>>, vector<16xf32>,
      %scan3A_34 = arith.constant 0 : i32
      scf.yield %scan3A_34 : i32
    }
    %scan3A_6 = arith.constant 40 : i32
    %mul3A_7 = arith.constant 640 : i32
    %mul3A_8 = arith.muli %arg1, %mul3A_7 : i32
    "tpu.region"() ({
      %run_scoped3A = tpu.sem_alloc : memref<!tpu.dma_semaphore, #tpu.memory_space<semaphore_mem>>
      %dma_start3A = tpu.memref_slice %arg9[%mul3A_8] : memref<10240xf32, #tpu.memory_space<vmem_shared>> -> memref<640xf32, #tpu.memory_space<vmem_shared>>
      %dma_start3A_26 = tpu.memref_slice %arg9[%mul3A_8] : memref<10240xf32, #tpu.memory_space<vmem_shared>> -> memref<640xf32, #tpu.memory_space<vmem_shared>>
      tpu.enqueue_dma source(%arg7 : memref<640xf32, #tpu.memory_space<vmem>>) target(%dma_start3A_26 : memref<640xf32, #tpu.memory_space<vmem_shared>>) target_semaphore(%run_scoped3A : memref<!tpu.dma_semaphore, #tpu.memory_space<semaphore_mem>>)
      %dma_wait3A = tpu.memref_slice %arg9[%mul3A_8] : memref<10240xf32, #tpu.memory_space<vmem_shared>> -> memref<640xf32, #tpu.memory_space<vmem_shared>>
      %dma_wait3A_27 = tpu.memref_slice %arg9[%mul3A_8] : memref<10240xf32, #tpu.memory_space<vmem_shared>> -> memref<640xf32, #tpu.memory_space<vmem_shared>>
      tpu.wait_dma2 semaphore(%run_scoped3A : memref<!tpu.dma_semaphore, #tpu.memory_space<semaphore_mem>>) src(%arg7 : memref<640xf32, #tpu.memory_space<vmem>>) dst(%dma_wait3A_27 : memref<640xf32, #tpu.memory_space<vmem_shared>>)
      tpu.yield
    }) : () -> ()
    %barrier3A = arith.constant 0 : index
    tpu.barrier barrier_id(%barrier3A)
    "tpu.region"() ({
      %run_scoped3A = tpu.sem_alloc : memref<!tpu.dma_semaphore, #tpu.memory_space<semaphore_mem>>
      %dma_start3A = arith.constant 0 : i32
      %dma_start3A_26 = arith.constant 0 : i32
      %dma_start3A_27 = tpu.memref_slice %arg2[%arg1, %dma_start3A, %dma_start3A_26] : memref<16x80x128xi32, #tpu.memory_space<hbm>> -> memref<1x80x128xi32, #tpu.memory_space<hbm>>
      %dma_start3A_28 = tpu.memref_squeeze %dma_start3A_27 : memref<1x80x128xi32, #tpu.memory_space<hbm>> -> memref<80x128xi32, #tpu.memory_space<hbm>>
      %dma_start3A_29 = arith.constant 0 : i32
      %dma_start3A_30 = arith.constant 0 : i32
      %dma_start3A_31 = tpu.memref_slice %arg2[%arg1, %dma_start3A_29, %dma_start3A_30] : memref<16x80x128xi32, #tpu.memory_space<hbm>> -> memref<1x80x128xi32, #tpu.memory_space<hbm>>
      %dma_start3A_32 = tpu.memref_squeeze %dma_start3A_31 : memref<1x80x128xi32, #tpu.memory_space<hbm>> -> memref<80x128xi32, #tpu.memory_space<hbm>>
      tpu.enqueue_dma source(%dma_start3A_32 : memref<80x128xi32, #tpu.memory_space<hbm>>) target(%arg5 : memref<80x128xi32, #tpu.memory_space<vmem>>) target_semaphore(%run_scoped3A : memref<!tpu.dma_semaphore, #tpu.memory_space<semaphore_mem>>)
      %dma_wait3A = arith.constant 0 : i32
      %dma_wait3A_33 = arith.constant 0 : i32
      %dma_wait3A_34 = tpu.memref_slice %arg2[%arg1, %dma_wait3A, %dma_wait3A_33] : memref<16x80x128xi32, #tpu.memory_space<hbm>> -> memref<1x80x128xi32, #tpu.memory_space<hbm>>
      %dma_wait3A_35 = tpu.memref_squeeze %dma_wait3A_34 : memref<1x80x128xi32, #tpu.memory_space<hbm>> -> memref<80x128xi32, #tpu.memory_space<hbm>>
      %dma_wait3A_36 = arith.constant 0 : i32
      %dma_wait3A_37 = arith.constant 0 : i32
      %dma_wait3A_38 = tpu.memref_slice %arg2[%arg1, %dma_wait3A_36, %dma_wait3A_37] : memref<16x80x128xi32, #tpu.memory_space<hbm>> -> memref<1x80x128xi32, #tpu.memory_space<hbm>>
      %dma_wait3A_39 = tpu.memref_squeeze %dma_wait3A_38 : memref<1x80x128xi32, #tpu.memory_space<hbm>> -> memref<80x128xi32, #tpu.memory_space<hbm>>
      tpu.wait_dma2 semaphore(%run_scoped3A : memref<!tpu.dma_semaphore, #tpu.memory_space<semaphore_mem>>) src(%dma_wait3A_39 : memref<80x128xi32, #tpu.memory_space<hbm>>) dst(%arg5 : memref<80x128xi32, #tpu.memory_space<vmem>>)
      tpu.yield
    }) : () -> ()
    "tpu.region"() ({
      %run_scoped3A = tpu.sem_alloc : memref<!tpu.dma_semaphore, #tpu.memory_space<semaphore_mem>>
      %dma_start3A = arith.constant 0 : i32
      %dma_start3A_26 = arith.constant 0 : i32
      %dma_start3A_27 = tpu.memref_slice %arg3[%arg1, %dma_start3A, %dma_start3A_26] : memref<16x80x128xf32, #tpu.memory_space<hbm>> -> memref<1x80x128xf32, #tpu.memory_space<hbm>>
      %dma_start3A_28 = tpu.memref_squeeze %dma_start3A_27 : memref<1x80x128xf32, #tpu.memory_space<hbm>> -> memref<80x128xf32, #tpu.memory_space<hbm>>
      %dma_start3A_29 = arith.constant 0 : i32
      %dma_start3A_30 = arith.constant 0 : i32
      %dma_start3A_31 = tpu.memref_slice %arg3[%arg1, %dma_start3A_29, %dma_start3A_30] : memref<16x80x128xf32, #tpu.memory_space<hbm>> -> memref<1x80x128xf32, #tpu.memory_space<hbm>>
      %dma_start3A_32 = tpu.memref_squeeze %dma_start3A_31 : memref<1x80x128xf32, #tpu.memory_space<hbm>> -> memref<80x128xf32, #tpu.memory_space<hbm>>
      tpu.enqueue_dma source(%dma_start3A_32 : memref<80x128xf32, #tpu.memory_space<hbm>>) target(%arg6 : memref<80x128xf32, #tpu.memory_space<vmem>>) target_semaphore(%run_scoped3A : memref<!tpu.dma_semaphore, #tpu.memory_space<semaphore_mem>>)
      %dma_wait3A = arith.constant 0 : i32
      %dma_wait3A_33 = arith.constant 0 : i32
      %dma_wait3A_34 = tpu.memref_slice %arg3[%arg1, %dma_wait3A, %dma_wait3A_33] : memref<16x80x128xf32, #tpu.memory_space<hbm>> -> memref<1x80x128xf32, #tpu.memory_space<hbm>>
      %dma_wait3A_35 = tpu.memref_squeeze %dma_wait3A_34 : memref<1x80x128xf32, #tpu.memory_space<hbm>> -> memref<80x128xf32, #tpu.memory_space<hbm>>
      %dma_wait3A_36 = arith.constant 0 : i32
      %dma_wait3A_37 = arith.constant 0 : i32
      %dma_wait3A_38 = tpu.memref_slice %arg3[%arg1, %dma_wait3A_36, %dma_wait3A_37] : memref<16x80x128xf32, #tpu.memory_space<hbm>> -> memref<1x80x128xf32, #tpu.memory_space<hbm>>
      %dma_wait3A_39 = tpu.memref_squeeze %dma_wait3A_38 : memref<1x80x128xf32, #tpu.memory_space<hbm>> -> memref<80x128xf32, #tpu.memory_space<hbm>>
      tpu.wait_dma2 semaphore(%run_scoped3A : memref<!tpu.dma_semaphore, #tpu.memory_space<semaphore_mem>>) src(%dma_wait3A_39 : memref<80x128xf32, #tpu.memory_space<hbm>>) dst(%arg6 : memref<80x128xf32, #tpu.memory_space<vmem>>)
      tpu.yield
    }) : () -> ()
    %scan3A_9 = arith.constant 0 : i32
    %scan3A_10 = arith.constant 0 : i32
    %scan3A_11 = arith.constant 80 : i32
    %scan3A_12 = arith.addi %scan3A_10, %scan3A_11 : i32
    %scan3A_13 = arith.constant 1 : i32
    %scan3A_14 = scf.for %scan3A_26 = %scan3A_10 to %scan3A_12 step %scan3A_13 iter_args(%scan3A_27 = %scan3A_9) -> (i32)  : i32 {
      %dma_start3A = arith.constant 0 : i32
      %dma_start3A_28 = tpu.memref_slice %arg6[%scan3A_26, %dma_start3A] : memref<80x128xf32, #tpu.memory_space<vmem>> -> memref<1x128xf32, #tpu.memory_space<vmem>>
      %dma_start3A_29 = tpu.memref_squeeze %dma_start3A_28 : memref<1x128xf32, #tpu.memory_space<vmem>> -> memref<128xf32, #tpu.memory_space<vmem>>
      %dma_start3A_30 = arith.constant 0 : i32
      %dma_start3A_31 = tpu.memref_slice %arg5[%scan3A_26, %dma_start3A_30] : memref<80x128xi32, #tpu.memory_space<vmem>> -> memref<1x128xi32, #tpu.memory_space<vmem>>
      %dma_start3A_32 = tpu.memref_squeeze %dma_start3A_31 : memref<1x128xi32, #tpu.memory_space<vmem>> -> memref<128xi32, #tpu.memory_space<vmem>>
      %dma_start3A_33 = arith.constant 0 : i32
      %dma_start3A_34 = tpu.memref_slice %arg9[%dma_start3A_33] : memref<10240xf32, #tpu.memory_space<vmem_shared>> -> memref<10240xf32, #tpu.memory_space<vmem_shared>>
      tpu.enqueue_indirect_dma source(%dma_start3A_29 : memref<128xf32, #tpu.memory_space<vmem>>) target(%dma_start3A_34 : memref<10240xf32, #tpu.memory_space<vmem_shared>>) offsets(%dma_start3A_32 : memref<128xi32, #tpu.memory_space<vmem>>) semaphore(%arg10 : memref<!tpu.dma_semaphore, #tpu.memory_space<semaphore_mem>>) {add = true}
      %scan3A_35 = arith.constant 0 : i32
      scf.yield %scan3A_35 : i32
    }
    %scan3A_15 = arith.constant 80 : i32
    %scan3A_16 = arith.constant 0 : i32
    %scan3A_17 = arith.constant 0 : i32
    %scan3A_18 = arith.constant 80 : i32
    %scan3A_19 = arith.addi %scan3A_17, %scan3A_18 : i32
    %scan3A_20 = arith.constant 1 : i32
    %scan3A_21 = scf.for %scan3A_26 = %scan3A_17 to %scan3A_19 step %scan3A_20 iter_args(%scan3A_27 = %scan3A_16) -> (i32)  : i32 {
      %dma_wait3A = arith.constant 0 : i32
      %dma_wait3A_28 = tpu.memref_slice %arg6[%scan3A_26, %dma_wait3A] : memref<80x128xf32, #tpu.memory_space<vmem>> -> memref<1x128xf32, #tpu.memory_space<vmem>>
      %dma_wait3A_29 = tpu.memref_squeeze %dma_wait3A_28 : memref<1x128xf32, #tpu.memory_space<vmem>> -> memref<128xf32, #tpu.memory_space<vmem>>
      %dma_wait3A_30 = arith.constant 0 : i32
      %dma_wait3A_31 = tpu.memref_slice %arg5[%scan3A_26, %dma_wait3A_30] : memref<80x128xi32, #tpu.memory_space<vmem>> -> memref<1x128xi32, #tpu.memory_space<vmem>>
      %dma_wait3A_32 = tpu.memref_squeeze %dma_wait3A_31 : memref<1x128xi32, #tpu.memory_space<vmem>> -> memref<128xi32, #tpu.memory_space<vmem>>
      %dma_wait3A_33 = arith.constant 0 : i32
      %dma_wait3A_34 = tpu.memref_slice %arg9[%dma_wait3A_33] : memref<10240xf32, #tpu.memory_space<vmem_shared>> -> memref<10240xf32, #tpu.memory_space<vmem_shared>>
      tpu.wait_indirect_dma semaphore(%arg10 : memref<!tpu.dma_semaphore, #tpu.memory_space<semaphore_mem>>) src(%dma_wait3A_29 : memref<128xf32, #tpu.memory_space<vmem>>) dst(%dma_wait3A_34 : memref<10240xf32, #tpu.memory_space<vmem_shared>>)
      %scan3A_35 = arith.constant 0 : i32
      scf.yield %scan3A_35 : i32
    }
    %scan3A_22 = arith.constant 80 : i32
    %barrier3A_23 = arith.constant 0 : index
    tpu.barrier barrier_id(%barrier3A_23)
    %mul3A_24 = arith.constant 320 : i32
    %mul3A_25 = arith.muli %add3A, %mul3A_24 : i32
    "tpu.region"() ({
      %run_scoped3A = tpu.sem_alloc : memref<!tpu.dma_semaphore, #tpu.memory_space<semaphore_mem>>
      %dma_start3A = tpu.memref_slice %arg9[%mul3A_25] : memref<10240xf32, #tpu.memory_space<vmem_shared>> -> memref<320xf32, #tpu.memory_space<vmem_shared>>
      %dma_start3A_26 = tpu.memref_slice %arg9[%mul3A_25] : memref<10240xf32, #tpu.memory_space<vmem_shared>> -> memref<320xf32, #tpu.memory_space<vmem_shared>>
      tpu.enqueue_dma source(%dma_start3A_26 : memref<320xf32, #tpu.memory_space<vmem_shared>>) target(%arg8 : memref<320xf32, #tpu.memory_space<vmem>>) target_semaphore(%run_scoped3A : memref<!tpu.dma_semaphore, #tpu.memory_space<semaphore_mem>>)
      %dma_wait3A = tpu.memref_slice %arg9[%mul3A_25] : memref<10240xf32, #tpu.memory_space<vmem_shared>> -> memref<320xf32, #tpu.memory_space<vmem_shared>>
      %dma_wait3A_27 = tpu.memref_slice %arg9[%mul3A_25] : memref<10240xf32, #tpu.memory_space<vmem_shared>> -> memref<320xf32, #tpu.memory_space<vmem_shared>>
      tpu.wait_dma2 semaphore(%run_scoped3A : memref<!tpu.dma_semaphore, #tpu.memory_space<semaphore_mem>>) src(%dma_wait3A_27 : memref<320xf32, #tpu.memory_space<vmem_shared>>) dst(%arg8 : memref<320xf32, #tpu.memory_space<vmem>>)
      tpu.yield
    }) : () -> ()
    "tpu.region"() ({
      %run_scoped3A = tpu.sem_alloc : memref<!tpu.dma_semaphore, #tpu.memory_space<semaphore_mem>>
      %dma_start3A = tpu.memref_slice %arg4[%mul3A_25] : memref<10240xf32, #tpu.memory_space<hbm>> -> memref<320xf32, #tpu.memory_space<hbm>>
      %dma_start3A_26 = tpu.memref_slice %arg4[%mul3A_25] : memref<10240xf32, #tpu.memory_space<hbm>> -> memref<320xf32, #tpu.memory_space<hbm>>
      tpu.enqueue_dma source(%arg8 : memref<320xf32, #tpu.memory_space<vmem>>) target(%dma_start3A_26 : memref<320xf32, #tpu.memory_space<hbm>>) target_semaphore(%run_scoped3A : memref<!tpu.dma_semaphore, #tpu.memory_space<semaphore_mem>>)
      %dma_wait3A = tpu.memref_slice %arg4[%mul3A_25] : memref<10240xf32, #tpu.memory_space<hbm>> -> memref<320xf32, #tpu.memory_space<hbm>>
      %dma_wait3A_27 = tpu.memref_slice %arg4[%mul3A_25] : memref<10240xf32, #tpu.memory_space<hbm>> -> memref<320xf32, #tpu.memory_space<hbm>>
      tpu.wait_dma2 semaphore(%run_scoped3A : memref<!tpu.dma_semaphore, #tpu.memory_space<semaphore_mem>>) src(%arg8 : memref<320xf32, #tpu.memory_space<vmem>>) dst(%dma_wait3A_27 : memref<320xf32, #tpu.memory_space<hbm>>)
      tpu.yield
    }) : () -> ()
    return
  }
}

#map = affine_map<(d0, d1) -> (0, 0, 0)>
#map1 = affine_map<(d0, d1) -> (0, 0)>
module attributes {stable_mosaic.version = 14 : i64} {
  func.func @_k3_body(%arg0: i32, %arg1: i32, %arg2: memref<32x40x128xi32, #tpu.memory_space<hbm>>, %arg3: memref<32x40x128xi32, #tpu.memory_space<hbm>>, %arg4: memref<32x40x128xf32, #tpu.memory_space<hbm>>, %arg5: memref<10240x32xf32, #tpu.memory_space<hbm>>, %arg6: memref<2x10240x32xf32, #tpu.memory_space<hbm>>, %arg7: memref<40x128xi32, #tpu.memory_space<vmem>>, %arg8: memref<40x128xi32, #tpu.memory_space<vmem>>, %arg9: memref<40x128xf32, #tpu.memory_space<vmem>>, %arg10: memref<4x128x32xf32, #tpu.memory_space<vmem>>, %arg11: memref<64x32xf32, #tpu.memory_space<vmem>>, %arg12: memref<10240x32xf32, #tpu.memory_space<vmem_shared>>, %arg13: memref<!tpu.dma_semaphore, #tpu.memory_space<semaphore_mem>>, %arg14: memref<!tpu.dma_semaphore, #tpu.memory_space<semaphore_mem>>, %arg15: memref<!tpu.dma_semaphore, #tpu.memory_space<semaphore_mem>>, %arg16: memref<!tpu.dma_semaphore, #tpu.memory_space<semaphore_mem>>) attributes {dimension_semantics = [#tpu.dimension_semantics<core_parallel>, #tpu.dimension_semantics<subcore_parallel>], iteration_bounds = array<i64: 2, 16>, scalar_prefetch = 0 : i64, scratch_operands = 10 : i64, tpu.core_type = #tpu.core_type<sc_vector_subcore>, window_params = [{transform_indices = #map}, {transform_indices = #map}, {transform_indices = #map}, {transform_indices = #map1}, {transform_indices = #map}]} {
    %mul3A = arith.constant 2 : i32
    %mul3A_0 = arith.muli %arg1, %mul3A : i32
    %add3A = arith.addi %mul3A_0, %arg0 : i32
    %scan3A = arith.constant 0 : i32
    %scan3A_1 = arith.constant 0 : i32
    %scan3A_2 = arith.constant 4 : i32
    %scan3A_3 = arith.addi %scan3A_1, %scan3A_2 : i32
    %scan3A_4 = arith.constant 1 : i32
    %scan3A_5 = scf.for %scan3A_73 = %scan3A_1 to %scan3A_3 step %scan3A_4 iter_args(%scan3A_74 = %scan3A) -> (i32)  : i32 {
      %broadcast_in_dim3A = arith.constant 0.000000e+00 : f32
      %broadcast_in_dim3A_75 = vector.broadcast %broadcast_in_dim3A : f32 to vector<16x32xf32>
      %mul3A_76 = arith.constant 16 : i32
      %mul3A_77 = arith.muli %scan3A_73, %mul3A_76 : i32
      %swap3A = arith.index_cast %mul3A_77 : i32 to index
      %swap3A_78 = arith.constant 0 : index
      %swap3A_79 = tpu.vector_load %arg11[%swap3A, %swap3A_78] {strides = array<i32>} : memref<64x32xf32, #tpu.memory_space<vmem>>, vector<16x32xf32>,
      %swap3A_80 = vector.shape_cast %swap3A_79 : vector<16x32xf32> to vector<16x32xf32>
      %swap3A_81 = vector.shape_cast %broadcast_in_dim3A_75 : vector<16x32xf32> to vector<16x32xf32>
      tpu.vector_store %arg11[%swap3A, %swap3A_78], %swap3A_81 {strides = array<i32>} : memref<64x32xf32, #tpu.memory_space<vmem>>, vector<16x32xf32>,
      %scan3A_82 = arith.constant 0 : i32
      scf.yield %scan3A_82 : i32
    }
    %scan3A_6 = arith.constant 4 : i32
    %scan3A_7 = arith.constant 0 : i32
    %scan3A_8 = arith.constant 0 : i32
    %scan3A_9 = arith.constant 10 : i32
    %scan3A_10 = arith.addi %scan3A_8, %scan3A_9 : i32
    %scan3A_11 = arith.constant 1 : i32
    %scan3A_12 = scf.for %scan3A_73 = %scan3A_8 to %scan3A_10 step %scan3A_11 iter_args(%scan3A_74 = %scan3A_7) -> (i32)  : i32 {
      %mul3A_75 = arith.constant 640 : i32
      %mul3A_76 = arith.muli %arg1, %mul3A_75 : i32
      %mul3A_77 = arith.constant 64 : i32
      %mul3A_78 = arith.muli %scan3A_73, %mul3A_77 : i32
      %add3A_79 = arith.addi %mul3A_76, %mul3A_78 : i32
      "tpu.region"() ({
        %run_scoped3A = tpu.sem_alloc : memref<!tpu.dma_semaphore, #tpu.memory_space<semaphore_mem>>
        %dma_start3A_81 = arith.constant 0 : i32
        %dma_start3A_82 = tpu.memref_slice %arg12[%add3A_79, %dma_start3A_81] : memref<10240x32xf32, #tpu.memory_space<vmem_shared>> -> memref<64x32xf32, #tpu.memory_space<vmem_shared>>
        %dma_start3A_83 = arith.constant 0 : i32
        %dma_start3A_84 = tpu.memref_slice %arg12[%add3A_79, %dma_start3A_83] : memref<10240x32xf32, #tpu.memory_space<vmem_shared>> -> memref<64x32xf32, #tpu.memory_space<vmem_shared>>
        tpu.enqueue_dma source(%arg11 : memref<64x32xf32, #tpu.memory_space<vmem>>) target(%dma_start3A_84 : memref<64x32xf32, #tpu.memory_space<vmem_shared>>) target_semaphore(%run_scoped3A : memref<!tpu.dma_semaphore, #tpu.memory_space<semaphore_mem>>)
        %dma_wait3A = arith.constant 0 : i32
        %dma_wait3A_85 = tpu.memref_slice %arg12[%add3A_79, %dma_wait3A] : memref<10240x32xf32, #tpu.memory_space<vmem_shared>> -> memref<64x32xf32, #tpu.memory_space<vmem_shared>>
        %dma_wait3A_86 = arith.constant 0 : i32
        %dma_wait3A_87 = tpu.memref_slice %arg12[%add3A_79, %dma_wait3A_86] : memref<10240x32xf32, #tpu.memory_space<vmem_shared>> -> memref<64x32xf32, #tpu.memory_space<vmem_shared>>
        tpu.wait_dma2 semaphore(%run_scoped3A : memref<!tpu.dma_semaphore, #tpu.memory_space<semaphore_mem>>) src(%arg11 : memref<64x32xf32, #tpu.memory_space<vmem>>) dst(%dma_wait3A_87 : memref<64x32xf32, #tpu.memory_space<vmem_shared>>)
        tpu.yield
      }) : () -> ()
      %scan3A_80 = arith.constant 0 : i32
      scf.yield %scan3A_80 : i32
    }
    %scan3A_13 = arith.constant 10 : i32
    %barrier3A = arith.constant 0 : index
    tpu.barrier barrier_id(%barrier3A)
    "tpu.region"() ({
      %run_scoped3A = tpu.sem_alloc : memref<!tpu.dma_semaphore, #tpu.memory_space<semaphore_mem>>
      %dma_start3A_73 = arith.constant 0 : i32
      %dma_start3A_74 = arith.constant 0 : i32
      %dma_start3A_75 = tpu.memref_slice %arg2[%add3A, %dma_start3A_73, %dma_start3A_74] : memref<32x40x128xi32, #tpu.memory_space<hbm>> -> memref<1x40x128xi32, #tpu.memory_space<hbm>>
      %dma_start3A_76 = tpu.memref_squeeze %dma_start3A_75 : memref<1x40x128xi32, #tpu.memory_space<hbm>> -> memref<40x128xi32, #tpu.memory_space<hbm>>
      %dma_start3A_77 = arith.constant 0 : i32
      %dma_start3A_78 = arith.constant 0 : i32
      %dma_start3A_79 = tpu.memref_slice %arg2[%add3A, %dma_start3A_77, %dma_start3A_78] : memref<32x40x128xi32, #tpu.memory_space<hbm>> -> memref<1x40x128xi32, #tpu.memory_space<hbm>>
      %dma_start3A_80 = tpu.memref_squeeze %dma_start3A_79 : memref<1x40x128xi32, #tpu.memory_space<hbm>> -> memref<40x128xi32, #tpu.memory_space<hbm>>
      tpu.enqueue_dma source(%dma_start3A_80 : memref<40x128xi32, #tpu.memory_space<hbm>>) target(%arg7 : memref<40x128xi32, #tpu.memory_space<vmem>>) target_semaphore(%run_scoped3A : memref<!tpu.dma_semaphore, #tpu.memory_space<semaphore_mem>>)
      %dma_wait3A = arith.constant 0 : i32
      %dma_wait3A_81 = arith.constant 0 : i32
      %dma_wait3A_82 = tpu.memref_slice %arg2[%add3A, %dma_wait3A, %dma_wait3A_81] : memref<32x40x128xi32, #tpu.memory_space<hbm>> -> memref<1x40x128xi32, #tpu.memory_space<hbm>>
      %dma_wait3A_83 = tpu.memref_squeeze %dma_wait3A_82 : memref<1x40x128xi32, #tpu.memory_space<hbm>> -> memref<40x128xi32, #tpu.memory_space<hbm>>
      %dma_wait3A_84 = arith.constant 0 : i32
      %dma_wait3A_85 = arith.constant 0 : i32
      %dma_wait3A_86 = tpu.memref_slice %arg2[%add3A, %dma_wait3A_84, %dma_wait3A_85] : memref<32x40x128xi32, #tpu.memory_space<hbm>> -> memref<1x40x128xi32, #tpu.memory_space<hbm>>
      %dma_wait3A_87 = tpu.memref_squeeze %dma_wait3A_86 : memref<1x40x128xi32, #tpu.memory_space<hbm>> -> memref<40x128xi32, #tpu.memory_space<hbm>>
      tpu.wait_dma2 semaphore(%run_scoped3A : memref<!tpu.dma_semaphore, #tpu.memory_space<semaphore_mem>>) src(%dma_wait3A_87 : memref<40x128xi32, #tpu.memory_space<hbm>>) dst(%arg7 : memref<40x128xi32, #tpu.memory_space<vmem>>)
      tpu.yield
    }) : () -> ()
    "tpu.region"() ({
      %run_scoped3A = tpu.sem_alloc : memref<!tpu.dma_semaphore, #tpu.memory_space<semaphore_mem>>
      %dma_start3A_73 = arith.constant 0 : i32
      %dma_start3A_74 = arith.constant 0 : i32
      %dma_start3A_75 = tpu.memref_slice %arg3[%add3A, %dma_start3A_73, %dma_start3A_74] : memref<32x40x128xi32, #tpu.memory_space<hbm>> -> memref<1x40x128xi32, #tpu.memory_space<hbm>>
      %dma_start3A_76 = tpu.memref_squeeze %dma_start3A_75 : memref<1x40x128xi32, #tpu.memory_space<hbm>> -> memref<40x128xi32, #tpu.memory_space<hbm>>
      %dma_start3A_77 = arith.constant 0 : i32
      %dma_start3A_78 = arith.constant 0 : i32
      %dma_start3A_79 = tpu.memref_slice %arg3[%add3A, %dma_start3A_77, %dma_start3A_78] : memref<32x40x128xi32, #tpu.memory_space<hbm>> -> memref<1x40x128xi32, #tpu.memory_space<hbm>>
      %dma_start3A_80 = tpu.memref_squeeze %dma_start3A_79 : memref<1x40x128xi32, #tpu.memory_space<hbm>> -> memref<40x128xi32, #tpu.memory_space<hbm>>
      tpu.enqueue_dma source(%dma_start3A_80 : memref<40x128xi32, #tpu.memory_space<hbm>>) target(%arg8 : memref<40x128xi32, #tpu.memory_space<vmem>>) target_semaphore(%run_scoped3A : memref<!tpu.dma_semaphore, #tpu.memory_space<semaphore_mem>>)
      %dma_wait3A = arith.constant 0 : i32
      %dma_wait3A_81 = arith.constant 0 : i32
      %dma_wait3A_82 = tpu.memref_slice %arg3[%add3A, %dma_wait3A, %dma_wait3A_81] : memref<32x40x128xi32, #tpu.memory_space<hbm>> -> memref<1x40x128xi32, #tpu.memory_space<hbm>>
      %dma_wait3A_83 = tpu.memref_squeeze %dma_wait3A_82 : memref<1x40x128xi32, #tpu.memory_space<hbm>> -> memref<40x128xi32, #tpu.memory_space<hbm>>
      %dma_wait3A_84 = arith.constant 0 : i32
      %dma_wait3A_85 = arith.constant 0 : i32
      %dma_wait3A_86 = tpu.memref_slice %arg3[%add3A, %dma_wait3A_84, %dma_wait3A_85] : memref<32x40x128xi32, #tpu.memory_space<hbm>> -> memref<1x40x128xi32, #tpu.memory_space<hbm>>
      %dma_wait3A_87 = tpu.memref_squeeze %dma_wait3A_86 : memref<1x40x128xi32, #tpu.memory_space<hbm>> -> memref<40x128xi32, #tpu.memory_space<hbm>>
      tpu.wait_dma2 semaphore(%run_scoped3A : memref<!tpu.dma_semaphore, #tpu.memory_space<semaphore_mem>>) src(%dma_wait3A_87 : memref<40x128xi32, #tpu.memory_space<hbm>>) dst(%arg8 : memref<40x128xi32, #tpu.memory_space<vmem>>)
      tpu.yield
    }) : () -> ()
    "tpu.region"() ({
      %run_scoped3A = tpu.sem_alloc : memref<!tpu.dma_semaphore, #tpu.memory_space<semaphore_mem>>
      %dma_start3A_73 = arith.constant 0 : i32
      %dma_start3A_74 = arith.constant 0 : i32
      %dma_start3A_75 = tpu.memref_slice %arg4[%add3A, %dma_start3A_73, %dma_start3A_74] : memref<32x40x128xf32, #tpu.memory_space<hbm>> -> memref<1x40x128xf32, #tpu.memory_space<hbm>>
      %dma_start3A_76 = tpu.memref_squeeze %dma_start3A_75 : memref<1x40x128xf32, #tpu.memory_space<hbm>> -> memref<40x128xf32, #tpu.memory_space<hbm>>
      %dma_start3A_77 = arith.constant 0 : i32
      %dma_start3A_78 = arith.constant 0 : i32
      %dma_start3A_79 = tpu.memref_slice %arg4[%add3A, %dma_start3A_77, %dma_start3A_78] : memref<32x40x128xf32, #tpu.memory_space<hbm>> -> memref<1x40x128xf32, #tpu.memory_space<hbm>>
      %dma_start3A_80 = tpu.memref_squeeze %dma_start3A_79 : memref<1x40x128xf32, #tpu.memory_space<hbm>> -> memref<40x128xf32, #tpu.memory_space<hbm>>
      tpu.enqueue_dma source(%dma_start3A_80 : memref<40x128xf32, #tpu.memory_space<hbm>>) target(%arg9 : memref<40x128xf32, #tpu.memory_space<vmem>>) target_semaphore(%run_scoped3A : memref<!tpu.dma_semaphore, #tpu.memory_space<semaphore_mem>>)
      %dma_wait3A = arith.constant 0 : i32
      %dma_wait3A_81 = arith.constant 0 : i32
      %dma_wait3A_82 = tpu.memref_slice %arg4[%add3A, %dma_wait3A, %dma_wait3A_81] : memref<32x40x128xf32, #tpu.memory_space<hbm>> -> memref<1x40x128xf32, #tpu.memory_space<hbm>>
      %dma_wait3A_83 = tpu.memref_squeeze %dma_wait3A_82 : memref<1x40x128xf32, #tpu.memory_space<hbm>> -> memref<40x128xf32, #tpu.memory_space<hbm>>
      %dma_wait3A_84 = arith.constant 0 : i32
      %dma_wait3A_85 = arith.constant 0 : i32
      %dma_wait3A_86 = tpu.memref_slice %arg4[%add3A, %dma_wait3A_84, %dma_wait3A_85] : memref<32x40x128xf32, #tpu.memory_space<hbm>> -> memref<1x40x128xf32, #tpu.memory_space<hbm>>
      %dma_wait3A_87 = tpu.memref_squeeze %dma_wait3A_86 : memref<1x40x128xf32, #tpu.memory_space<hbm>> -> memref<40x128xf32, #tpu.memory_space<hbm>>
      tpu.wait_dma2 semaphore(%run_scoped3A : memref<!tpu.dma_semaphore, #tpu.memory_space<semaphore_mem>>) src(%dma_wait3A_87 : memref<40x128xf32, #tpu.memory_space<hbm>>) dst(%arg9 : memref<40x128xf32, #tpu.memory_space<vmem>>)
      tpu.yield
    }) : () -> ()
    %dma_start3A = arith.constant 0 : i32
    %dma_start3A_14 = arith.constant 0 : i32
    %dma_start3A_15 = arith.constant 0 : i32
    %dma_start3A_16 = arith.constant 0 : i32
    %dma_start3A_17 = tpu.memref_slice %arg10[%dma_start3A_14, %dma_start3A_15, %dma_start3A_16] : memref<4x128x32xf32, #tpu.memory_space<vmem>> -> memref<1x128x32xf32, #tpu.memory_space<vmem>>
    %dma_start3A_18 = tpu.memref_squeeze %dma_start3A_17 : memref<1x128x32xf32, #tpu.memory_space<vmem>> -> memref<128x32xf32, #tpu.memory_space<vmem>>
    %dma_start3A_19 = arith.constant 0 : i32
    %dma_start3A_20 = tpu.memref_slice %arg7[%dma_start3A, %dma_start3A_19] : memref<40x128xi32, #tpu.memory_space<vmem>> -> memref<1x128xi32, #tpu.memory_space<vmem>>
    %dma_start3A_21 = tpu.memref_squeeze %dma_start3A_20 : memref<1x128xi32, #tpu.memory_space<vmem>> -> memref<128xi32, #tpu.memory_space<vmem>>
    %dma_start3A_22 = arith.constant 0 : i32
    %dma_start3A_23 = arith.constant 0 : i32
    %dma_start3A_24 = tpu.memref_slice %arg5[%dma_start3A_22, %dma_start3A_23] : memref<10240x32xf32, #tpu.memory_space<hbm>> -> memref<10240x32xf32, #tpu.memory_space<hbm>>
    tpu.enqueue_indirect_dma source(%dma_start3A_24 : memref<10240x32xf32, #tpu.memory_space<hbm>>) target(%dma_start3A_18 : memref<128x32xf32, #tpu.memory_space<vmem>>) offsets(%dma_start3A_21 : memref<128xi32, #tpu.memory_space<vmem>>) semaphore(%arg13 : memref<!tpu.dma_semaphore, #tpu.memory_space<semaphore_mem>>)
    %dma_start3A_25 = arith.constant 1 : i32
    %dma_start3A_26 = arith.constant 1 : i32
    %dma_start3A_27 = arith.constant 0 : i32
    %dma_start3A_28 = arith.constant 0 : i32
    %dma_start3A_29 = tpu.memref_slice %arg10[%dma_start3A_26, %dma_start3A_27, %dma_start3A_28] : memref<4x128x32xf32, #tpu.memory_space<vmem>> -> memref<1x128x32xf32, #tpu.memory_space<vmem>>
    %dma_start3A_30 = tpu.memref_squeeze %dma_start3A_29 : memref<1x128x32xf32, #tpu.memory_space<vmem>> -> memref<128x32xf32, #tpu.memory_space<vmem>>
    %dma_start3A_31 = arith.constant 0 : i32
    %dma_start3A_32 = tpu.memref_slice %arg7[%dma_start3A_25, %dma_start3A_31] : memref<40x128xi32, #tpu.memory_space<vmem>> -> memref<1x128xi32, #tpu.memory_space<vmem>>
    %dma_start3A_33 = tpu.memref_squeeze %dma_start3A_32 : memref<1x128xi32, #tpu.memory_space<vmem>> -> memref<128xi32, #tpu.memory_space<vmem>>
    %dma_start3A_34 = arith.constant 0 : i32
    %dma_start3A_35 = arith.constant 0 : i32
    %dma_start3A_36 = tpu.memref_slice %arg5[%dma_start3A_34, %dma_start3A_35] : memref<10240x32xf32, #tpu.memory_space<hbm>> -> memref<10240x32xf32, #tpu.memory_space<hbm>>
    tpu.enqueue_indirect_dma source(%dma_start3A_36 : memref<10240x32xf32, #tpu.memory_space<hbm>>) target(%dma_start3A_30 : memref<128x32xf32, #tpu.memory_space<vmem>>) offsets(%dma_start3A_33 : memref<128xi32, #tpu.memory_space<vmem>>) semaphore(%arg14 : memref<!tpu.dma_semaphore, #tpu.memory_space<semaphore_mem>>)
    %dma_start3A_37 = arith.constant 2 : i32
    %dma_start3A_38 = arith.constant 2 : i32
    %dma_start3A_39 = arith.constant 0 : i32
    %dma_start3A_40 = arith.constant 0 : i32
    %dma_start3A_41 = tpu.memref_slice %arg10[%dma_start3A_38, %dma_start3A_39, %dma_start3A_40] : memref<4x128x32xf32, #tpu.memory_space<vmem>> -> memref<1x128x32xf32, #tpu.memory_space<vmem>>
    %dma_start3A_42 = tpu.memref_squeeze %dma_start3A_41 : memref<1x128x32xf32, #tpu.memory_space<vmem>> -> memref<128x32xf32, #tpu.memory_space<vmem>>
    %dma_start3A_43 = arith.constant 0 : i32
    %dma_start3A_44 = tpu.memref_slice %arg7[%dma_start3A_37, %dma_start3A_43] : memref<40x128xi32, #tpu.memory_space<vmem>> -> memref<1x128xi32, #tpu.memory_space<vmem>>
    %dma_start3A_45 = tpu.memref_squeeze %dma_start3A_44 : memref<1x128xi32, #tpu.memory_space<vmem>> -> memref<128xi32, #tpu.memory_space<vmem>>
    %dma_start3A_46 = arith.constant 0 : i32
    %dma_start3A_47 = arith.constant 0 : i32
    %dma_start3A_48 = tpu.memref_slice %arg5[%dma_start3A_46, %dma_start3A_47] : memref<10240x32xf32, #tpu.memory_space<hbm>> -> memref<10240x32xf32, #tpu.memory_space<hbm>>
    tpu.enqueue_indirect_dma source(%dma_start3A_48 : memref<10240x32xf32, #tpu.memory_space<hbm>>) target(%dma_start3A_42 : memref<128x32xf32, #tpu.memory_space<vmem>>) offsets(%dma_start3A_45 : memref<128xi32, #tpu.memory_space<vmem>>) semaphore(%arg15 : memref<!tpu.dma_semaphore, #tpu.memory_space<semaphore_mem>>)
    %dma_start3A_49 = arith.constant 3 : i32
    %dma_start3A_50 = arith.constant 3 : i32
    %dma_start3A_51 = arith.constant 0 : i32
    %dma_start3A_52 = arith.constant 0 : i32
    %dma_start3A_53 = tpu.memref_slice %arg10[%dma_start3A_50, %dma_start3A_51, %dma_start3A_52] : memref<4x128x32xf32, #tpu.memory_space<vmem>> -> memref<1x128x32xf32, #tpu.memory_space<vmem>>
    %dma_start3A_54 = tpu.memref_squeeze %dma_start3A_53 : memref<1x128x32xf32, #tpu.memory_space<vmem>> -> memref<128x32xf32, #tpu.memory_space<vmem>>
    %dma_start3A_55 = arith.constant 0 : i32
    %dma_start3A_56 = tpu.memref_slice %arg7[%dma_start3A_49, %dma_start3A_55] : memref<40x128xi32, #tpu.memory_space<vmem>> -> memref<1x128xi32, #tpu.memory_space<vmem>>
    %dma_start3A_57 = tpu.memref_squeeze %dma_start3A_56 : memref<1x128xi32, #tpu.memory_space<vmem>> -> memref<128xi32, #tpu.memory_space<vmem>>
    %dma_start3A_58 = arith.constant 0 : i32
    %dma_start3A_59 = arith.constant 0 : i32
    %dma_start3A_60 = tpu.memref_slice %arg5[%dma_start3A_58, %dma_start3A_59] : memref<10240x32xf32, #tpu.memory_space<hbm>> -> memref<10240x32xf32, #tpu.memory_space<hbm>>
    tpu.enqueue_indirect_dma source(%dma_start3A_60 : memref<10240x32xf32, #tpu.memory_space<hbm>>) target(%dma_start3A_54 : memref<128x32xf32, #tpu.memory_space<vmem>>) offsets(%dma_start3A_57 : memref<128xi32, #tpu.memory_space<vmem>>) semaphore(%arg16 : memref<!tpu.dma_semaphore, #tpu.memory_space<semaphore_mem>>)
    %scan3A_61 = arith.constant 0 : i32
    %scan3A_62 = arith.constant 0 : i32
    %scan3A_63 = arith.constant 10 : i32
    %scan3A_64 = arith.addi %scan3A_62, %scan3A_63 : i32
    %scan3A_65 = arith.constant 1 : i32
    %scan3A_66 = scf.for %scan3A_73 = %scan3A_62 to %scan3A_64 step %scan3A_65 iter_args(%scan3A_74 = %scan3A_61) -> (i32)  : i32 {
      %mul3A_75 = arith.constant 4 : i32
      %mul3A_76 = arith.muli %scan3A_73, %mul3A_75 : i32
      %add3A_77 = arith.constant 0 : i32
      %add3A_78 = arith.addi %mul3A_76, %add3A_77 : i32
      %dma_wait3A = arith.constant 0 : i32
      %dma_wait3A_79 = arith.constant 0 : i32
      %dma_wait3A_80 = arith.constant 0 : i32
      %dma_wait3A_81 = tpu.memref_slice %arg10[%dma_wait3A, %dma_wait3A_79, %dma_wait3A_80] : memref<4x128x32xf32, #tpu.memory_space<vmem>> -> memref<1x128x32xf32, #tpu.memory_space<vmem>>
      %dma_wait3A_82 = tpu.memref_squeeze %dma_wait3A_81 : memref<1x128x32xf32, #tpu.memory_space<vmem>> -> memref<128x32xf32, #tpu.memory_space<vmem>>
      %dma_wait3A_83 = arith.constant 0 : i32
      %dma_wait3A_84 = tpu.memref_slice %arg7[%add3A_78, %dma_wait3A_83] : memref<40x128xi32, #tpu.memory_space<vmem>> -> memref<1x128xi32, #tpu.memory_space<vmem>>
      %dma_wait3A_85 = tpu.memref_squeeze %dma_wait3A_84 : memref<1x128xi32, #tpu.memory_space<vmem>> -> memref<128xi32, #tpu.memory_space<vmem>>
      %dma_wait3A_86 = arith.constant 0 : i32
      %dma_wait3A_87 = arith.constant 0 : i32
      %dma_wait3A_88 = tpu.memref_slice %arg5[%dma_wait3A_86, %dma_wait3A_87] : memref<10240x32xf32, #tpu.memory_space<hbm>> -> memref<10240x32xf32, #tpu.memory_space<hbm>>
      tpu.wait_indirect_dma semaphore(%arg13 : memref<!tpu.dma_semaphore, #tpu.memory_space<semaphore_mem>>) src(%dma_wait3A_88 : memref<10240x32xf32, #tpu.memory_space<hbm>>) dst(%dma_wait3A_82 : memref<128x32xf32, #tpu.memory_space<vmem>>)
      %scan3A_89 = arith.constant 0 : i32
      %scan3A_90 = arith.constant 0 : i32
      %scan3A_91 = arith.constant 8 : i32
      %scan3A_92 = arith.addi %scan3A_90, %scan3A_91 : i32
      %scan3A_93 = arith.constant 1 : i32
      %scan3A_94 = scf.for %scan3A_191 = %scan3A_90 to %scan3A_92 step %scan3A_93 iter_args(%scan3A_192 = %scan3A_89) -> (i32)  : i32 {
        %mul3A_193 = arith.constant 16 : i32
        %mul3A_194 = arith.muli %scan3A_191, %mul3A_193 : i32
        %get3A = arith.index_cast %add3A_78 : i32 to index
        %get3A_195 = arith.index_cast %mul3A_194 : i32 to index
        %get3A_196 = tpu.vector_load %arg9[%get3A, %get3A_195] {strides = array<i32>} : memref<40x128xf32, #tpu.memory_space<vmem>>, vector<1x16xf32>,
        %get3A_197 = vector.shape_cast %get3A_196 : vector<1x16xf32> to vector<16xf32>
        %mul3A_198 = arith.constant 16 : i32
        %mul3A_199 = arith.muli %scan3A_191, %mul3A_198 : i32
        %add3A_200 = arith.constant 0 : i32
        %add3A_201 = arith.addi %mul3A_199, %add3A_200 : i32
        %slice3A = vector.extract_strided_slice %get3A_197 {offsets = [0], sizes = [1], strides = [1]} : vector<16xf32> to vector<1xf32>
        %squeeze3A = vector.extract %slice3A[0] : f32 from vector<1xf32>
        %broadcast_in_dim3A = vector.broadcast %squeeze3A : f32 to vector<16xf32>
        %get3A_202 = arith.constant 0 : i32
        %get3A_203 = arith.index_cast %get3A_202 : i32 to index
        %get3A_204 = arith.index_cast %add3A_201 : i32 to index
        %get3A_205 = arith.constant 0 : index
        %get3A_206 = tpu.vector_load %arg10[%get3A_203, %get3A_204, %get3A_205] {strides = array<i32>} : memref<4x128x32xf32, #tpu.memory_space<vmem>>, vector<1x1x16xf32>,
        %get3A_207 = vector.shape_cast %get3A_206 : vector<1x1x16xf32> to vector<16xf32>
        %mul3A_208 = arith.mulf %get3A_207, %broadcast_in_dim3A : vector<16xf32>
        %swap3A = arith.constant 0 : i32
        %swap3A_209 = arith.index_cast %swap3A : i32 to index
        %swap3A_210 = arith.index_cast %add3A_201 : i32 to index
        %swap3A_211 = arith.constant 0 : index
        %swap3A_212 = tpu.vector_load %arg10[%swap3A_209, %swap3A_210, %swap3A_211] {strides = array<i32>} : memref<4x128x32xf32, #tpu.memory_space<vmem>>, vector<1x1x16xf32>,
        %swap3A_213 = vector.shape_cast %swap3A_212 : vector<1x1x16xf32> to vector<16xf32>
        %swap3A_214 = vector.shape_cast %mul3A_208 : vector<16xf32> to vector<1x1x16xf32>
        tpu.vector_store %arg10[%swap3A_209, %swap3A_210, %swap3A_211], %swap3A_214 {strides = array<i32>} : memref<4x128x32xf32, #tpu.memory_space<vmem>>, vector<1x1x16xf32>,
        %get3A_215 = arith.constant 0 : i32
        %get3A_216 = arith.index_cast %get3A_215 : i32 to index
        %get3A_217 = arith.index_cast %add3A_201 : i32 to index
        %get3A_218 = arith.constant 16 : index
        %get3A_219 = tpu.vector_load %arg10[%get3A_216, %get3A_217, %get3A_218] {strides = array<i32>} : memref<4x128x32xf32, #tpu.memory_space<vmem>>, vector<1x1x16xf32>,
        %get3A_220 = vector.shape_cast %get3A_219 : vector<1x1x16xf32> to vector<16xf32>
        %mul3A_221 = arith.mulf %get3A_220, %broadcast_in_dim3A : vector<16xf32>
        %swap3A_222 = arith.constant 0 : i32
        %swap3A_223 = arith.index_cast %swap3A_222 : i32 to index
        %swap3A_224 = arith.index_cast %add3A_201 : i32 to index
        %swap3A_225 = arith.constant 16 : index
        %swap3A_226 = tpu.vector_load %arg10[%swap3A_223, %swap3A_224, %swap3A_225] {strides = array<i32>} : memref<4x128x32xf32, #tpu.memory_space<vmem>>, vector<1x1x16xf32>,
        %swap3A_227 = vector.shape_cast %swap3A_226 : vector<1x1x16xf32> to vector<16xf32>
        %swap3A_228 = vector.shape_cast %mul3A_221 : vector<16xf32> to vector<1x1x16xf32>
        tpu.vector_store %arg10[%swap3A_223, %swap3A_224, %swap3A_225], %swap3A_228 {strides = array<i32>} : memref<4x128x32xf32, #tpu.memory_space<vmem>>, vector<1x1x16xf32>,
        %mul3A_229 = arith.constant 16 : i32
        %mul3A_230 = arith.muli %scan3A_191, %mul3A_229 : i32
        %add3A_231 = arith.constant 1 : i32
        %add3A_232 = arith.addi %mul3A_230, %add3A_231 : i32
        %slice3A_233 = vector.extract_strided_slice %get3A_197 {offsets = [1], sizes = [1], strides = [1]} : vector<16xf32> to vector<1xf32>
        %squeeze3A_234 = vector.extract %slice3A_233[0] : f32 from vector<1xf32>
        %broadcast_in_dim3A_235 = vector.broadcast %squeeze3A_234 : f32 to vector<16xf32>
        %get3A_236 = arith.constant 0 : i32
        %get3A_237 = arith.index_cast %get3A_236 : i32 to index
        %get3A_238 = arith.index_cast %add3A_232 : i32 to index
        %get3A_239 = arith.constant 0 : index
        %get3A_240 = tpu.vector_load %arg10[%get3A_237, %get3A_238, %get3A_239] {strides = array<i32>} : memref<4x128x32xf32, #tpu.memory_space<vmem>>, vector<1x1x16xf32>,
        %get3A_241 = vector.shape_cast %get3A_240 : vector<1x1x16xf32> to vector<16xf32>
        %mul3A_242 = arith.mulf %get3A_241, %broadcast_in_dim3A_235 : vector<16xf32>
        %swap3A_243 = arith.constant 0 : i32
        %swap3A_244 = arith.index_cast %swap3A_243 : i32 to index
        %swap3A_245 = arith.index_cast %add3A_232 : i32 to index
        %swap3A_246 = arith.constant 0 : index
        %swap3A_247 = tpu.vector_load %arg10[%swap3A_244, %swap3A_245, %swap3A_246] {strides = array<i32>} : memref<4x128x32xf32, #tpu.memory_space<vmem>>, vector<1x1x16xf32>,
        %swap3A_248 = vector.shape_cast %swap3A_247 : vector<1x1x16xf32> to vector<16xf32>
        %swap3A_249 = vector.shape_cast %mul3A_242 : vector<16xf32> to vector<1x1x16xf32>
        tpu.vector_store %arg10[%swap3A_244, %swap3A_245, %swap3A_246], %swap3A_249 {strides = array<i32>} : memref<4x128x32xf32, #tpu.memory_space<vmem>>, vector<1x1x16xf32>,
        %get3A_250 = arith.constant 0 : i32
        %get3A_251 = arith.index_cast %get3A_250 : i32 to index
        %get3A_252 = arith.index_cast %add3A_232 : i32 to index
        %get3A_253 = arith.constant 16 : index
        %get3A_254 = tpu.vector_load %arg10[%get3A_251, %get3A_252, %get3A_253] {strides = array<i32>} : memref<4x128x32xf32, #tpu.memory_space<vmem>>, vector<1x1x16xf32>,
        %get3A_255 = vector.shape_cast %get3A_254 : vector<1x1x16xf32> to vector<16xf32>
        %mul3A_256 = arith.mulf %get3A_255, %broadcast_in_dim3A_235 : vector<16xf32>
        %swap3A_257 = arith.constant 0 : i32
        %swap3A_258 = arith.index_cast %swap3A_257 : i32 to index
        %swap3A_259 = arith.index_cast %add3A_232 : i32 to index
        %swap3A_260 = arith.constant 16 : index
        %swap3A_261 = tpu.vector_load %arg10[%swap3A_258, %swap3A_259, %swap3A_260] {strides = array<i32>} : memref<4x128x32xf32, #tpu.memory_space<vmem>>, vector<1x1x16xf32>,
        %swap3A_262 = vector.shape_cast %swap3A_261 : vector<1x1x16xf32> to vector<16xf32>
        %swap3A_263 = vector.shape_cast %mul3A_256 : vector<16xf32> to vector<1x1x16xf32>
        tpu.vector_store %arg10[%swap3A_258, %swap3A_259, %swap3A_260], %swap3A_263 {strides = array<i32>} : memref<4x128x32xf32, #tpu.memory_space<vmem>>, vector<1x1x16xf32>,
        %mul3A_264 = arith.constant 16 : i32
        %mul3A_265 = arith.muli %scan3A_191, %mul3A_264 : i32
        %add3A_266 = arith.constant 2 : i32
        %add3A_267 = arith.addi %mul3A_265, %add3A_266 : i32
        %slice3A_268 = vector.extract_strided_slice %get3A_197 {offsets = [2], sizes = [1], strides = [1]} : vector<16xf32> to vector<1xf32>
        %squeeze3A_269 = vector.extract %slice3A_268[0] : f32 from vector<1xf32>
        %broadcast_in_dim3A_270 = vector.broadcast %squeeze3A_269 : f32 to vector<16xf32>
        %get3A_271 = arith.constant 0 : i32
        %get3A_272 = arith.index_cast %get3A_271 : i32 to index
        %get3A_273 = arith.index_cast %add3A_267 : i32 to index
        %get3A_274 = arith.constant 0 : index
        %get3A_275 = tpu.vector_load %arg10[%get3A_272, %get3A_273, %get3A_274] {strides = array<i32>} : memref<4x128x32xf32, #tpu.memory_space<vmem>>, vector<1x1x16xf32>,
        %get3A_276 = vector.shape_cast %get3A_275 : vector<1x1x16xf32> to vector<16xf32>
        %mul3A_277 = arith.mulf %get3A_276, %broadcast_in_dim3A_270 : vector<16xf32>
        %swap3A_278 = arith.constant 0 : i32
        %swap3A_279 = arith.index_cast %swap3A_278 : i32 to index
        %swap3A_280 = arith.index_cast %add3A_267 : i32 to index
        %swap3A_281 = arith.constant 0 : index
        %swap3A_282 = tpu.vector_load %arg10[%swap3A_279, %swap3A_280, %swap3A_281] {strides = array<i32>} : memref<4x128x32xf32, #tpu.memory_space<vmem>>, vector<1x1x16xf32>,
        %swap3A_283 = vector.shape_cast %swap3A_282 : vector<1x1x16xf32> to vector<16xf32>
        %swap3A_284 = vector.shape_cast %mul3A_277 : vector<16xf32> to vector<1x1x16xf32>
        tpu.vector_store %arg10[%swap3A_279, %swap3A_280, %swap3A_281], %swap3A_284 {strides = array<i32>} : memref<4x128x32xf32, #tpu.memory_space<vmem>>, vector<1x1x16xf32>,
        %get3A_285 = arith.constant 0 : i32
        %get3A_286 = arith.index_cast %get3A_285 : i32 to index
        %get3A_287 = arith.index_cast %add3A_267 : i32 to index
        %get3A_288 = arith.constant 16 : index
        %get3A_289 = tpu.vector_load %arg10[%get3A_286, %get3A_287, %get3A_288] {strides = array<i32>} : memref<4x128x32xf32, #tpu.memory_space<vmem>>, vector<1x1x16xf32>,
        %get3A_290 = vector.shape_cast %get3A_289 : vector<1x1x16xf32> to vector<16xf32>
        %mul3A_291 = arith.mulf %get3A_290, %broadcast_in_dim3A_270 : vector<16xf32>
        %swap3A_292 = arith.constant 0 : i32
        %swap3A_293 = arith.index_cast %swap3A_292 : i32 to index
        %swap3A_294 = arith.index_cast %add3A_267 : i32 to index
        %swap3A_295 = arith.constant 16 : index
        %swap3A_296 = tpu.vector_load %arg10[%swap3A_293, %swap3A_294, %swap3A_295] {strides = array<i32>} : memref<4x128x32xf32, #tpu.memory_space<vmem>>, vector<1x1x16xf32>,
        %swap3A_297 = vector.shape_cast %swap3A_296 : vector<1x1x16xf32> to vector<16xf32>
        %swap3A_298 = vector.shape_cast %mul3A_291 : vector<16xf32> to vector<1x1x16xf32>
        tpu.vector_store %arg10[%swap3A_293, %swap3A_294, %swap3A_295], %swap3A_298 {strides = array<i32>} : memref<4x128x32xf32, #tpu.memory_space<vmem>>, vector<1x1x16xf32>,
        %mul3A_299 = arith.constant 16 : i32
        %mul3A_300 = arith.muli %scan3A_191, %mul3A_299 : i32
        %add3A_301 = arith.constant 3 : i32
        %add3A_302 = arith.addi %mul3A_300, %add3A_301 : i32
        %slice3A_303 = vector.extract_strided_slice %get3A_197 {offsets = [3], sizes = [1], strides = [1]} : vector<16xf32> to vector<1xf32>
        %squeeze3A_304 = vector.extract %slice3A_303[0] : f32 from vector<1xf32>
        %broadcast_in_dim3A_305 = vector.broadcast %squeeze3A_304 : f32 to vector<16xf32>
        %get3A_306 = arith.constant 0 : i32
        %get3A_307 = arith.index_cast %get3A_306 : i32 to index
        %get3A_308 = arith.index_cast %add3A_302 : i32 to index
        %get3A_309 = arith.constant 0 : index
        %get3A_310 = tpu.vector_load %arg10[%get3A_307, %get3A_308, %get3A_309] {strides = array<i32>} : memref<4x128x32xf32, #tpu.memory_space<vmem>>, vector<1x1x16xf32>,
        %get3A_311 = vector.shape_cast %get3A_310 : vector<1x1x16xf32> to vector<16xf32>
        %mul3A_312 = arith.mulf %get3A_311, %broadcast_in_dim3A_305 : vector<16xf32>
        %swap3A_313 = arith.constant 0 : i32
        %swap3A_314 = arith.index_cast %swap3A_313 : i32 to index
        %swap3A_315 = arith.index_cast %add3A_302 : i32 to index
        %swap3A_316 = arith.constant 0 : index
        %swap3A_317 = tpu.vector_load %arg10[%swap3A_314, %swap3A_315, %swap3A_316] {strides = array<i32>} : memref<4x128x32xf32, #tpu.memory_space<vmem>>, vector<1x1x16xf32>,
        %swap3A_318 = vector.shape_cast %swap3A_317 : vector<1x1x16xf32> to vector<16xf32>
        %swap3A_319 = vector.shape_cast %mul3A_312 : vector<16xf32> to vector<1x1x16xf32>
        tpu.vector_store %arg10[%swap3A_314, %swap3A_315, %swap3A_316], %swap3A_319 {strides = array<i32>} : memref<4x128x32xf32, #tpu.memory_space<vmem>>, vector<1x1x16xf32>,
        %get3A_320 = arith.constant 0 : i32
        %get3A_321 = arith.index_cast %get3A_320 : i32 to index
        %get3A_322 = arith.index_cast %add3A_302 : i32 to index
        %get3A_323 = arith.constant 16 : index
        %get3A_324 = tpu.vector_load %arg10[%get3A_321, %get3A_322, %get3A_323] {strides = array<i32>} : memref<4x128x32xf32, #tpu.memory_space<vmem>>, vector<1x1x16xf32>,
        %get3A_325 = vector.shape_cast %get3A_324 : vector<1x1x16xf32> to vector<16xf32>
        %mul3A_326 = arith.mulf %get3A_325, %broadcast_in_dim3A_305 : vector<16xf32>
        %swap3A_327 = arith.constant 0 : i32
        %swap3A_328 = arith.index_cast %swap3A_327 : i32 to index
        %swap3A_329 = arith.index_cast %add3A_302 : i32 to index
        %swap3A_330 = arith.constant 16 : index
        %swap3A_331 = tpu.vector_load %arg10[%swap3A_328, %swap3A_329, %swap3A_330] {strides = array<i32>} : memref<4x128x32xf32, #tpu.memory_space<vmem>>, vector<1x1x16xf32>,
        %swap3A_332 = vector.shape_cast %swap3A_331 : vector<1x1x16xf32> to vector<16xf32>
        %swap3A_333 = vector.shape_cast %mul3A_326 : vector<16xf32> to vector<1x1x16xf32>
        tpu.vector_store %arg10[%swap3A_328, %swap3A_329, %swap3A_330], %swap3A_333 {strides = array<i32>} : memref<4x128x32xf32, #tpu.memory_space<vmem>>, vector<1x1x16xf32>,
        %mul3A_334 = arith.constant 16 : i32
        %mul3A_335 = arith.muli %scan3A_191, %mul3A_334 : i32
        %add3A_336 = arith.constant 4 : i32
        %add3A_337 = arith.addi %mul3A_335, %add3A_336 : i32
        %slice3A_338 = vector.extract_strided_slice %get3A_197 {offsets = [4], sizes = [1], strides = [1]} : vector<16xf32> to vector<1xf32>
        %squeeze3A_339 = vector.extract %slice3A_338[0] : f32 from vector<1xf32>
        %broadcast_in_dim3A_340 = vector.broadcast %squeeze3A_339 : f32 to vector<16xf32>
        %get3A_341 = arith.constant 0 : i32
        %get3A_342 = arith.index_cast %get3A_341 : i32 to index
        %get3A_343 = arith.index_cast %add3A_337 : i32 to index
        %get3A_344 = arith.constant 0 : index
        %get3A_345 = tpu.vector_load %arg10[%get3A_342, %get3A_343, %get3A_344] {strides = array<i32>} : memref<4x128x32xf32, #tpu.memory_space<vmem>>, vector<1x1x16xf32>,
        %get3A_346 = vector.shape_cast %get3A_345 : vector<1x1x16xf32> to vector<16xf32>
        %mul3A_347 = arith.mulf %get3A_346, %broadcast_in_dim3A_340 : vector<16xf32>
        %swap3A_348 = arith.constant 0 : i32
        %swap3A_349 = arith.index_cast %swap3A_348 : i32 to index
        %swap3A_350 = arith.index_cast %add3A_337 : i32 to index
        %swap3A_351 = arith.constant 0 : index
        %swap3A_352 = tpu.vector_load %arg10[%swap3A_349, %swap3A_350, %swap3A_351] {strides = array<i32>} : memref<4x128x32xf32, #tpu.memory_space<vmem>>, vector<1x1x16xf32>,
        %swap3A_353 = vector.shape_cast %swap3A_352 : vector<1x1x16xf32> to vector<16xf32>
        %swap3A_354 = vector.shape_cast %mul3A_347 : vector<16xf32> to vector<1x1x16xf32>
        tpu.vector_store %arg10[%swap3A_349, %swap3A_350, %swap3A_351], %swap3A_354 {strides = array<i32>} : memref<4x128x32xf32, #tpu.memory_space<vmem>>, vector<1x1x16xf32>,
        %get3A_355 = arith.constant 0 : i32
        %get3A_356 = arith.index_cast %get3A_355 : i32 to index
        %get3A_357 = arith.index_cast %add3A_337 : i32 to index
        %get3A_358 = arith.constant 16 : index
        %get3A_359 = tpu.vector_load %arg10[%get3A_356, %get3A_357, %get3A_358] {strides = array<i32>} : memref<4x128x32xf32, #tpu.memory_space<vmem>>, vector<1x1x16xf32>,
        %get3A_360 = vector.shape_cast %get3A_359 : vector<1x1x16xf32> to vector<16xf32>
        %mul3A_361 = arith.mulf %get3A_360, %broadcast_in_dim3A_340 : vector<16xf32>
        %swap3A_362 = arith.constant 0 : i32
        %swap3A_363 = arith.index_cast %swap3A_362 : i32 to index
        %swap3A_364 = arith.index_cast %add3A_337 : i32 to index
        %swap3A_365 = arith.constant 16 : index
        %swap3A_366 = tpu.vector_load %arg10[%swap3A_363, %swap3A_364, %swap3A_365] {strides = array<i32>} : memref<4x128x32xf32, #tpu.memory_space<vmem>>, vector<1x1x16xf32>,
        %swap3A_367 = vector.shape_cast %swap3A_366 : vector<1x1x16xf32> to vector<16xf32>
        %swap3A_368 = vector.shape_cast %mul3A_361 : vector<16xf32> to vector<1x1x16xf32>
        tpu.vector_store %arg10[%swap3A_363, %swap3A_364, %swap3A_365], %swap3A_368 {strides = array<i32>} : memref<4x128x32xf32, #tpu.memory_space<vmem>>, vector<1x1x16xf32>,
        %mul3A_369 = arith.constant 16 : i32
        %mul3A_370 = arith.muli %scan3A_191, %mul3A_369 : i32
        %add3A_371 = arith.constant 5 : i32
        %add3A_372 = arith.addi %mul3A_370, %add3A_371 : i32
        %slice3A_373 = vector.extract_strided_slice %get3A_197 {offsets = [5], sizes = [1], strides = [1]} : vector<16xf32> to vector<1xf32>
        %squeeze3A_374 = vector.extract %slice3A_373[0] : f32 from vector<1xf32>
        %broadcast_in_dim3A_375 = vector.broadcast %squeeze3A_374 : f32 to vector<16xf32>
        %get3A_376 = arith.constant 0 : i32
        %get3A_377 = arith.index_cast %get3A_376 : i32 to index
        %get3A_378 = arith.index_cast %add3A_372 : i32 to index
        %get3A_379 = arith.constant 0 : index
        %get3A_380 = tpu.vector_load %arg10[%get3A_377, %get3A_378, %get3A_379] {strides = array<i32>} : memref<4x128x32xf32, #tpu.memory_space<vmem>>, vector<1x1x16xf32>,
        %get3A_381 = vector.shape_cast %get3A_380 : vector<1x1x16xf32> to vector<16xf32>
        %mul3A_382 = arith.mulf %get3A_381, %broadcast_in_dim3A_375 : vector<16xf32>
        %swap3A_383 = arith.constant 0 : i32
        %swap3A_384 = arith.index_cast %swap3A_383 : i32 to index
        %swap3A_385 = arith.index_cast %add3A_372 : i32 to index
        %swap3A_386 = arith.constant 0 : index
        %swap3A_387 = tpu.vector_load %arg10[%swap3A_384, %swap3A_385, %swap3A_386] {strides = array<i32>} : memref<4x128x32xf32, #tpu.memory_space<vmem>>, vector<1x1x16xf32>,
        %swap3A_388 = vector.shape_cast %swap3A_387 : vector<1x1x16xf32> to vector<16xf32>
        %swap3A_389 = vector.shape_cast %mul3A_382 : vector<16xf32> to vector<1x1x16xf32>
        tpu.vector_store %arg10[%swap3A_384, %swap3A_385, %swap3A_386], %swap3A_389 {strides = array<i32>} : memref<4x128x32xf32, #tpu.memory_space<vmem>>, vector<1x1x16xf32>,
        %get3A_390 = arith.constant 0 : i32
        %get3A_391 = arith.index_cast %get3A_390 : i32 to index
        %get3A_392 = arith.index_cast %add3A_372 : i32 to index
        %get3A_393 = arith.constant 16 : index
        %get3A_394 = tpu.vector_load %arg10[%get3A_391, %get3A_392, %get3A_393] {strides = array<i32>} : memref<4x128x32xf32, #tpu.memory_space<vmem>>, vector<1x1x16xf32>,
        %get3A_395 = vector.shape_cast %get3A_394 : vector<1x1x16xf32> to vector<16xf32>
        %mul3A_396 = arith.mulf %get3A_395, %broadcast_in_dim3A_375 : vector<16xf32>
        %swap3A_397 = arith.constant 0 : i32
        %swap3A_398 = arith.index_cast %swap3A_397 : i32 to index
        %swap3A_399 = arith.index_cast %add3A_372 : i32 to index
        %swap3A_400 = arith.constant 16 : index
        %swap3A_401 = tpu.vector_load %arg10[%swap3A_398, %swap3A_399, %swap3A_400] {strides = array<i32>} : memref<4x128x32xf32, #tpu.memory_space<vmem>>, vector<1x1x16xf32>,
        %swap3A_402 = vector.shape_cast %swap3A_401 : vector<1x1x16xf32> to vector<16xf32>
        %swap3A_403 = vector.shape_cast %mul3A_396 : vector<16xf32> to vector<1x1x16xf32>
        tpu.vector_store %arg10[%swap3A_398, %swap3A_399, %swap3A_400], %swap3A_403 {strides = array<i32>} : memref<4x128x32xf32, #tpu.memory_space<vmem>>, vector<1x1x16xf32>,
        %mul3A_404 = arith.constant 16 : i32
        %mul3A_405 = arith.muli %scan3A_191, %mul3A_404 : i32
        %add3A_406 = arith.constant 6 : i32
        %add3A_407 = arith.addi %mul3A_405, %add3A_406 : i32
        %slice3A_408 = vector.extract_strided_slice %get3A_197 {offsets = [6], sizes = [1], strides = [1]} : vector<16xf32> to vector<1xf32>
        %squeeze3A_409 = vector.extract %slice3A_408[0] : f32 from vector<1xf32>
        %broadcast_in_dim3A_410 = vector.broadcast %squeeze3A_409 : f32 to vector<16xf32>
        %get3A_411 = arith.constant 0 : i32
        %get3A_412 = arith.index_cast %get3A_411 : i32 to index
        %get3A_413 = arith.index_cast %add3A_407 : i32 to index
        %get3A_414 = arith.constant 0 : index
        %get3A_415 = tpu.vector_load %arg10[%get3A_412, %get3A_413, %get3A_414] {strides = array<i32>} : memref<4x128x32xf32, #tpu.memory_space<vmem>>, vector<1x1x16xf32>,
        %get3A_416 = vector.shape_cast %get3A_415 : vector<1x1x16xf32> to vector<16xf32>
        %mul3A_417 = arith.mulf %get3A_416, %broadcast_in_dim3A_410 : vector<16xf32>
        %swap3A_418 = arith.constant 0 : i32
        %swap3A_419 = arith.index_cast %swap3A_418 : i32 to index
        %swap3A_420 = arith.index_cast %add3A_407 : i32 to index
        %swap3A_421 = arith.constant 0 : index
        %swap3A_422 = tpu.vector_load %arg10[%swap3A_419, %swap3A_420, %swap3A_421] {strides = array<i32>} : memref<4x128x32xf32, #tpu.memory_space<vmem>>, vector<1x1x16xf32>,
        %swap3A_423 = vector.shape_cast %swap3A_422 : vector<1x1x16xf32> to vector<16xf32>
        %swap3A_424 = vector.shape_cast %mul3A_417 : vector<16xf32> to vector<1x1x16xf32>
        tpu.vector_store %arg10[%swap3A_419, %swap3A_420, %swap3A_421], %swap3A_424 {strides = array<i32>} : memref<4x128x32xf32, #tpu.memory_space<vmem>>, vector<1x1x16xf32>,
        %get3A_425 = arith.constant 0 : i32
        %get3A_426 = arith.index_cast %get3A_425 : i32 to index
        %get3A_427 = arith.index_cast %add3A_407 : i32 to index
        %get3A_428 = arith.constant 16 : index
        %get3A_429 = tpu.vector_load %arg10[%get3A_426, %get3A_427, %get3A_428] {strides = array<i32>} : memref<4x128x32xf32, #tpu.memory_space<vmem>>, vector<1x1x16xf32>,
        %get3A_430 = vector.shape_cast %get3A_429 : vector<1x1x16xf32> to vector<16xf32>
        %mul3A_431 = arith.mulf %get3A_430, %broadcast_in_dim3A_410 : vector<16xf32>
        %swap3A_432 = arith.constant 0 : i32
        %swap3A_433 = arith.index_cast %swap3A_432 : i32 to index
        %swap3A_434 = arith.index_cast %add3A_407 : i32 to index
        %swap3A_435 = arith.constant 16 : index
        %swap3A_436 = tpu.vector_load %arg10[%swap3A_433, %swap3A_434, %swap3A_435] {strides = array<i32>} : memref<4x128x32xf32, #tpu.memory_space<vmem>>, vector<1x1x16xf32>,
        %swap3A_437 = vector.shape_cast %swap3A_436 : vector<1x1x16xf32> to vector<16xf32>
        %swap3A_438 = vector.shape_cast %mul3A_431 : vector<16xf32> to vector<1x1x16xf32>
        tpu.vector_store %arg10[%swap3A_433, %swap3A_434, %swap3A_435], %swap3A_438 {strides = array<i32>} : memref<4x128x32xf32, #tpu.memory_space<vmem>>, vector<1x1x16xf32>,
        %mul3A_439 = arith.constant 16 : i32
        %mul3A_440 = arith.muli %scan3A_191, %mul3A_439 : i32
        %add3A_441 = arith.constant 7 : i32
        %add3A_442 = arith.addi %mul3A_440, %add3A_441 : i32
        %slice3A_443 = vector.extract_strided_slice %get3A_197 {offsets = [7], sizes = [1], strides = [1]} : vector<16xf32> to vector<1xf32>
        %squeeze3A_444 = vector.extract %slice3A_443[0] : f32 from vector<1xf32>
        %broadcast_in_dim3A_445 = vector.broadcast %squeeze3A_444 : f32 to vector<16xf32>
        %get3A_446 = arith.constant 0 : i32
        %get3A_447 = arith.index_cast %get3A_446 : i32 to index
        %get3A_448 = arith.index_cast %add3A_442 : i32 to index
        %get3A_449 = arith.constant 0 : index
        %get3A_450 = tpu.vector_load %arg10[%get3A_447, %get3A_448, %get3A_449] {strides = array<i32>} : memref<4x128x32xf32, #tpu.memory_space<vmem>>, vector<1x1x16xf32>,
        %get3A_451 = vector.shape_cast %get3A_450 : vector<1x1x16xf32> to vector<16xf32>
        %mul3A_452 = arith.mulf %get3A_451, %broadcast_in_dim3A_445 : vector<16xf32>
        %swap3A_453 = arith.constant 0 : i32
        %swap3A_454 = arith.index_cast %swap3A_453 : i32 to index
        %swap3A_455 = arith.index_cast %add3A_442 : i32 to index
        %swap3A_456 = arith.constant 0 : index
        %swap3A_457 = tpu.vector_load %arg10[%swap3A_454, %swap3A_455, %swap3A_456] {strides = array<i32>} : memref<4x128x32xf32, #tpu.memory_space<vmem>>, vector<1x1x16xf32>,
        %swap3A_458 = vector.shape_cast %swap3A_457 : vector<1x1x16xf32> to vector<16xf32>
        %swap3A_459 = vector.shape_cast %mul3A_452 : vector<16xf32> to vector<1x1x16xf32>
        tpu.vector_store %arg10[%swap3A_454, %swap3A_455, %swap3A_456], %swap3A_459 {strides = array<i32>} : memref<4x128x32xf32, #tpu.memory_space<vmem>>, vector<1x1x16xf32>,
        %get3A_460 = arith.constant 0 : i32
        %get3A_461 = arith.index_cast %get3A_460 : i32 to index
        %get3A_462 = arith.index_cast %add3A_442 : i32 to index
        %get3A_463 = arith.constant 16 : index
        %get3A_464 = tpu.vector_load %arg10[%get3A_461, %get3A_462, %get3A_463] {strides = array<i32>} : memref<4x128x32xf32, #tpu.memory_space<vmem>>, vector<1x1x16xf32>,
        %get3A_465 = vector.shape_cast %get3A_464 : vector<1x1x16xf32> to vector<16xf32>
        %mul3A_466 = arith.mulf %get3A_465, %broadcast_in_dim3A_445 : vector<16xf32>
        %swap3A_467 = arith.constant 0 : i32
        %swap3A_468 = arith.index_cast %swap3A_467 : i32 to index
        %swap3A_469 = arith.index_cast %add3A_442 : i32 to index
        %swap3A_470 = arith.constant 16 : index
        %swap3A_471 = tpu.vector_load %arg10[%swap3A_468, %swap3A_469, %swap3A_470] {strides = array<i32>} : memref<4x128x32xf32, #tpu.memory_space<vmem>>, vector<1x1x16xf32>,
        %swap3A_472 = vector.shape_cast %swap3A_471 : vector<1x1x16xf32> to vector<16xf32>
        %swap3A_473 = vector.shape_cast %mul3A_466 : vector<16xf32> to vector<1x1x16xf32>
        tpu.vector_store %arg10[%swap3A_468, %swap3A_469, %swap3A_470], %swap3A_473 {strides = array<i32>} : memref<4x128x32xf32, #tpu.memory_space<vmem>>, vector<1x1x16xf32>,
        %mul3A_474 = arith.constant 16 : i32
        %mul3A_475 = arith.muli %scan3A_191, %mul3A_474 : i32
        %add3A_476 = arith.constant 8 : i32
        %add3A_477 = arith.addi %mul3A_475, %add3A_476 : i32
        %slice3A_478 = vector.extract_strided_slice %get3A_197 {offsets = [8], sizes = [1], strides = [1]} : vector<16xf32> to vector<1xf32>
        %squeeze3A_479 = vector.extract %slice3A_478[0] : f32 from vector<1xf32>
        %broadcast_in_dim3A_480 = vector.broadcast %squeeze3A_479 : f32 to vector<16xf32>
        %get3A_481 = arith.constant 0 : i32
        %get3A_482 = arith.index_cast %get3A_481 : i32 to index
        %get3A_483 = arith.index_cast %add3A_477 : i32 to index
        %get3A_484 = arith.constant 0 : index
        %get3A_485 = tpu.vector_load %arg10[%get3A_482, %get3A_483, %get3A_484] {strides = array<i32>} : memref<4x128x32xf32, #tpu.memory_space<vmem>>, vector<1x1x16xf32>,
        %get3A_486 = vector.shape_cast %get3A_485 : vector<1x1x16xf32> to vector<16xf32>
        %mul3A_487 = arith.mulf %get3A_486, %broadcast_in_dim3A_480 : vector<16xf32>
        %swap3A_488 = arith.constant 0 : i32
        %swap3A_489 = arith.index_cast %swap3A_488 : i32 to index
        %swap3A_490 = arith.index_cast %add3A_477 : i32 to index
        %swap3A_491 = arith.constant 0 : index
        %swap3A_492 = tpu.vector_load %arg10[%swap3A_489, %swap3A_490, %swap3A_491] {strides = array<i32>} : memref<4x128x32xf32, #tpu.memory_space<vmem>>, vector<1x1x16xf32>,
        %swap3A_493 = vector.shape_cast %swap3A_492 : vector<1x1x16xf32> to vector<16xf32>
        %swap3A_494 = vector.shape_cast %mul3A_487 : vector<16xf32> to vector<1x1x16xf32>
        tpu.vector_store %arg10[%swap3A_489, %swap3A_490, %swap3A_491], %swap3A_494 {strides = array<i32>} : memref<4x128x32xf32, #tpu.memory_space<vmem>>, vector<1x1x16xf32>,
        %get3A_495 = arith.constant 0 : i32
        %get3A_496 = arith.index_cast %get3A_495 : i32 to index
        %get3A_497 = arith.index_cast %add3A_477 : i32 to index
        %get3A_498 = arith.constant 16 : index
        %get3A_499 = tpu.vector_load %arg10[%get3A_496, %get3A_497, %get3A_498] {strides = array<i32>} : memref<4x128x32xf32, #tpu.memory_space<vmem>>, vector<1x1x16xf32>,
        %get3A_500 = vector.shape_cast %get3A_499 : vector<1x1x16xf32> to vector<16xf32>
        %mul3A_501 = arith.mulf %get3A_500, %broadcast_in_dim3A_480 : vector<16xf32>
        %swap3A_502 = arith.constant 0 : i32
        %swap3A_503 = arith.index_cast %swap3A_502 : i32 to index
        %swap3A_504 = arith.index_cast %add3A_477 : i32 to index
        %swap3A_505 = arith.constant 16 : index
        %swap3A_506 = tpu.vector_load %arg10[%swap3A_503, %swap3A_504, %swap3A_505] {strides = array<i32>} : memref<4x128x32xf32, #tpu.memory_space<vmem>>, vector<1x1x16xf32>,
        %swap3A_507 = vector.shape_cast %swap3A_506 : vector<1x1x16xf32> to vector<16xf32>
        %swap3A_508 = vector.shape_cast %mul3A_501 : vector<16xf32> to vector<1x1x16xf32>
        tpu.vector_store %arg10[%swap3A_503, %swap3A_504, %swap3A_505], %swap3A_508 {strides = array<i32>} : memref<4x128x32xf32, #tpu.memory_space<vmem>>, vector<1x1x16xf32>,
        %mul3A_509 = arith.constant 16 : i32
        %mul3A_510 = arith.muli %scan3A_191, %mul3A_509 : i32
        %add3A_511 = arith.constant 9 : i32
        %add3A_512 = arith.addi %mul3A_510, %add3A_511 : i32
        %slice3A_513 = vector.extract_strided_slice %get3A_197 {offsets = [9], sizes = [1], strides = [1]} : vector<16xf32> to vector<1xf32>
        %squeeze3A_514 = vector.extract %slice3A_513[0] : f32 from vector<1xf32>
        %broadcast_in_dim3A_515 = vector.broadcast %squeeze3A_514 : f32 to vector<16xf32>
        %get3A_516 = arith.constant 0 : i32
        %get3A_517 = arith.index_cast %get3A_516 : i32 to index
        %get3A_518 = arith.index_cast %add3A_512 : i32 to index
        %get3A_519 = arith.constant 0 : index
        %get3A_520 = tpu.vector_load %arg10[%get3A_517, %get3A_518, %get3A_519] {strides = array<i32>} : memref<4x128x32xf32, #tpu.memory_space<vmem>>, vector<1x1x16xf32>,
        %get3A_521 = vector.shape_cast %get3A_520 : vector<1x1x16xf32> to vector<16xf32>
        %mul3A_522 = arith.mulf %get3A_521, %broadcast_in_dim3A_515 : vector<16xf32>
        %swap3A_523 = arith.constant 0 : i32
        %swap3A_524 = arith.index_cast %swap3A_523 : i32 to index
        %swap3A_525 = arith.index_cast %add3A_512 : i32 to index
        %swap3A_526 = arith.constant 0 : index
        %swap3A_527 = tpu.vector_load %arg10[%swap3A_524, %swap3A_525, %swap3A_526] {strides = array<i32>} : memref<4x128x32xf32, #tpu.memory_space<vmem>>, vector<1x1x16xf32>,
        %swap3A_528 = vector.shape_cast %swap3A_527 : vector<1x1x16xf32> to vector<16xf32>
        %swap3A_529 = vector.shape_cast %mul3A_522 : vector<16xf32> to vector<1x1x16xf32>
        tpu.vector_store %arg10[%swap3A_524, %swap3A_525, %swap3A_526], %swap3A_529 {strides = array<i32>} : memref<4x128x32xf32, #tpu.memory_space<vmem>>, vector<1x1x16xf32>,
        %get3A_530 = arith.constant 0 : i32
        %get3A_531 = arith.index_cast %get3A_530 : i32 to index
        %get3A_532 = arith.index_cast %add3A_512 : i32 to index
        %get3A_533 = arith.constant 16 : index
        %get3A_534 = tpu.vector_load %arg10[%get3A_531, %get3A_532, %get3A_533] {strides = array<i32>} : memref<4x128x32xf32, #tpu.memory_space<vmem>>, vector<1x1x16xf32>,
        %get3A_535 = vector.shape_cast %get3A_534 : vector<1x1x16xf32> to vector<16xf32>
        %mul3A_536 = arith.mulf %get3A_535, %broadcast_in_dim3A_515 : vector<16xf32>
        %swap3A_537 = arith.constant 0 : i32
        %swap3A_538 = arith.index_cast %swap3A_537 : i32 to index
        %swap3A_539 = arith.index_cast %add3A_512 : i32 to index
        %swap3A_540 = arith.constant 16 : index
        %swap3A_541 = tpu.vector_load %arg10[%swap3A_538, %swap3A_539, %swap3A_540] {strides = array<i32>} : memref<4x128x32xf32, #tpu.memory_space<vmem>>, vector<1x1x16xf32>,
        %swap3A_542 = vector.shape_cast %swap3A_541 : vector<1x1x16xf32> to vector<16xf32>
        %swap3A_543 = vector.shape_cast %mul3A_536 : vector<16xf32> to vector<1x1x16xf32>
        tpu.vector_store %arg10[%swap3A_538, %swap3A_539, %swap3A_540], %swap3A_543 {strides = array<i32>} : memref<4x128x32xf32, #tpu.memory_space<vmem>>, vector<1x1x16xf32>,
        %mul3A_544 = arith.constant 16 : i32
        %mul3A_545 = arith.muli %scan3A_191, %mul3A_544 : i32
        %add3A_546 = arith.constant 10 : i32
        %add3A_547 = arith.addi %mul3A_545, %add3A_546 : i32
        %slice3A_548 = vector.extract_strided_slice %get3A_197 {offsets = [10], sizes = [1], strides = [1]} : vector<16xf32> to vector<1xf32>
        %squeeze3A_549 = vector.extract %slice3A_548[0] : f32 from vector<1xf32>
        %broadcast_in_dim3A_550 = vector.broadcast %squeeze3A_549 : f32 to vector<16xf32>
        %get3A_551 = arith.constant 0 : i32
        %get3A_552 = arith.index_cast %get3A_551 : i32 to index
        %get3A_553 = arith.index_cast %add3A_547 : i32 to index
        %get3A_554 = arith.constant 0 : index
        %get3A_555 = tpu.vector_load %arg10[%get3A_552, %get3A_553, %get3A_554] {strides = array<i32>} : memref<4x128x32xf32, #tpu.memory_space<vmem>>, vector<1x1x16xf32>,
        %get3A_556 = vector.shape_cast %get3A_555 : vector<1x1x16xf32> to vector<16xf32>
        %mul3A_557 = arith.mulf %get3A_556, %broadcast_in_dim3A_550 : vector<16xf32>
        %swap3A_558 = arith.constant 0 : i32
        %swap3A_559 = arith.index_cast %swap3A_558 : i32 to index
        %swap3A_560 = arith.index_cast %add3A_547 : i32 to index
        %swap3A_561 = arith.constant 0 : index
        %swap3A_562 = tpu.vector_load %arg10[%swap3A_559, %swap3A_560, %swap3A_561] {strides = array<i32>} : memref<4x128x32xf32, #tpu.memory_space<vmem>>, vector<1x1x16xf32>,
        %swap3A_563 = vector.shape_cast %swap3A_562 : vector<1x1x16xf32> to vector<16xf32>
        %swap3A_564 = vector.shape_cast %mul3A_557 : vector<16xf32> to vector<1x1x16xf32>
        tpu.vector_store %arg10[%swap3A_559, %swap3A_560, %swap3A_561], %swap3A_564 {strides = array<i32>} : memref<4x128x32xf32, #tpu.memory_space<vmem>>, vector<1x1x16xf32>,
        %get3A_565 = arith.constant 0 : i32
        %get3A_566 = arith.index_cast %get3A_565 : i32 to index
        %get3A_567 = arith.index_cast %add3A_547 : i32 to index
        %get3A_568 = arith.constant 16 : index
        %get3A_569 = tpu.vector_load %arg10[%get3A_566, %get3A_567, %get3A_568] {strides = array<i32>} : memref<4x128x32xf32, #tpu.memory_space<vmem>>, vector<1x1x16xf32>,
        %get3A_570 = vector.shape_cast %get3A_569 : vector<1x1x16xf32> to vector<16xf32>
        %mul3A_571 = arith.mulf %get3A_570, %broadcast_in_dim3A_550 : vector<16xf32>
        %swap3A_572 = arith.constant 0 : i32
        %swap3A_573 = arith.index_cast %swap3A_572 : i32 to index
        %swap3A_574 = arith.index_cast %add3A_547 : i32 to index
        %swap3A_575 = arith.constant 16 : index
        %swap3A_576 = tpu.vector_load %arg10[%swap3A_573, %swap3A_574, %swap3A_575] {strides = array<i32>} : memref<4x128x32xf32, #tpu.memory_space<vmem>>, vector<1x1x16xf32>,
        %swap3A_577 = vector.shape_cast %swap3A_576 : vector<1x1x16xf32> to vector<16xf32>
        %swap3A_578 = vector.shape_cast %mul3A_571 : vector<16xf32> to vector<1x1x16xf32>
        tpu.vector_store %arg10[%swap3A_573, %swap3A_574, %swap3A_575], %swap3A_578 {strides = array<i32>} : memref<4x128x32xf32, #tpu.memory_space<vmem>>, vector<1x1x16xf32>,
        %mul3A_579 = arith.constant 16 : i32
        %mul3A_580 = arith.muli %scan3A_191, %mul3A_579 : i32
        %add3A_581 = arith.constant 11 : i32
        %add3A_582 = arith.addi %mul3A_580, %add3A_581 : i32
        %slice3A_583 = vector.extract_strided_slice %get3A_197 {offsets = [11], sizes = [1], strides = [1]} : vector<16xf32> to vector<1xf32>
        %squeeze3A_584 = vector.extract %slice3A_583[0] : f32 from vector<1xf32>
        %broadcast_in_dim3A_585 = vector.broadcast %squeeze3A_584 : f32 to vector<16xf32>
        %get3A_586 = arith.constant 0 : i32
        %get3A_587 = arith.index_cast %get3A_586 : i32 to index
        %get3A_588 = arith.index_cast %add3A_582 : i32 to index
        %get3A_589 = arith.constant 0 : index
        %get3A_590 = tpu.vector_load %arg10[%get3A_587, %get3A_588, %get3A_589] {strides = array<i32>} : memref<4x128x32xf32, #tpu.memory_space<vmem>>, vector<1x1x16xf32>,
        %get3A_591 = vector.shape_cast %get3A_590 : vector<1x1x16xf32> to vector<16xf32>
        %mul3A_592 = arith.mulf %get3A_591, %broadcast_in_dim3A_585 : vector<16xf32>
        %swap3A_593 = arith.constant 0 : i32
        %swap3A_594 = arith.index_cast %swap3A_593 : i32 to index
        %swap3A_595 = arith.index_cast %add3A_582 : i32 to index
        %swap3A_596 = arith.constant 0 : index
        %swap3A_597 = tpu.vector_load %arg10[%swap3A_594, %swap3A_595, %swap3A_596] {strides = array<i32>} : memref<4x128x32xf32, #tpu.memory_space<vmem>>, vector<1x1x16xf32>,
        %swap3A_598 = vector.shape_cast %swap3A_597 : vector<1x1x16xf32> to vector<16xf32>
        %swap3A_599 = vector.shape_cast %mul3A_592 : vector<16xf32> to vector<1x1x16xf32>
        tpu.vector_store %arg10[%swap3A_594, %swap3A_595, %swap3A_596], %swap3A_599 {strides = array<i32>} : memref<4x128x32xf32, #tpu.memory_space<vmem>>, vector<1x1x16xf32>,
        %get3A_600 = arith.constant 0 : i32
        %get3A_601 = arith.index_cast %get3A_600 : i32 to index
        %get3A_602 = arith.index_cast %add3A_582 : i32 to index
        %get3A_603 = arith.constant 16 : index
        %get3A_604 = tpu.vector_load %arg10[%get3A_601, %get3A_602, %get3A_603] {strides = array<i32>} : memref<4x128x32xf32, #tpu.memory_space<vmem>>, vector<1x1x16xf32>,
        %get3A_605 = vector.shape_cast %get3A_604 : vector<1x1x16xf32> to vector<16xf32>
        %mul3A_606 = arith.mulf %get3A_605, %broadcast_in_dim3A_585 : vector<16xf32>
        %swap3A_607 = arith.constant 0 : i32
        %swap3A_608 = arith.index_cast %swap3A_607 : i32 to index
        %swap3A_609 = arith.index_cast %add3A_582 : i32 to index
        %swap3A_610 = arith.constant 16 : index
        %swap3A_611 = tpu.vector_load %arg10[%swap3A_608, %swap3A_609, %swap3A_610] {strides = array<i32>} : memref<4x128x32xf32, #tpu.memory_space<vmem>>, vector<1x1x16xf32>,
        %swap3A_612 = vector.shape_cast %swap3A_611 : vector<1x1x16xf32> to vector<16xf32>
        %swap3A_613 = vector.shape_cast %mul3A_606 : vector<16xf32> to vector<1x1x16xf32>
        tpu.vector_store %arg10[%swap3A_608, %swap3A_609, %swap3A_610], %swap3A_613 {strides = array<i32>} : memref<4x128x32xf32, #tpu.memory_space<vmem>>, vector<1x1x16xf32>,
        %mul3A_614 = arith.constant 16 : i32
        %mul3A_615 = arith.muli %scan3A_191, %mul3A_614 : i32
        %add3A_616 = arith.constant 12 : i32
        %add3A_617 = arith.addi %mul3A_615, %add3A_616 : i32
        %slice3A_618 = vector.extract_strided_slice %get3A_197 {offsets = [12], sizes = [1], strides = [1]} : vector<16xf32> to vector<1xf32>
        %squeeze3A_619 = vector.extract %slice3A_618[0] : f32 from vector<1xf32>
        %broadcast_in_dim3A_620 = vector.broadcast %squeeze3A_619 : f32 to vector<16xf32>
        %get3A_621 = arith.constant 0 : i32
        %get3A_622 = arith.index_cast %get3A_621 : i32 to index
        %get3A_623 = arith.index_cast %add3A_617 : i32 to index
        %get3A_624 = arith.constant 0 : index
        %get3A_625 = tpu.vector_load %arg10[%get3A_622, %get3A_623, %get3A_624] {strides = array<i32>} : memref<4x128x32xf32, #tpu.memory_space<vmem>>, vector<1x1x16xf32>,
        %get3A_626 = vector.shape_cast %get3A_625 : vector<1x1x16xf32> to vector<16xf32>
        %mul3A_627 = arith.mulf %get3A_626, %broadcast_in_dim3A_620 : vector<16xf32>
        %swap3A_628 = arith.constant 0 : i32
        %swap3A_629 = arith.index_cast %swap3A_628 : i32 to index
        %swap3A_630 = arith.index_cast %add3A_617 : i32 to index
        %swap3A_631 = arith.constant 0 : index
        %swap3A_632 = tpu.vector_load %arg10[%swap3A_629, %swap3A_630, %swap3A_631] {strides = array<i32>} : memref<4x128x32xf32, #tpu.memory_space<vmem>>, vector<1x1x16xf32>,
        %swap3A_633 = vector.shape_cast %swap3A_632 : vector<1x1x16xf32> to vector<16xf32>
        %swap3A_634 = vector.shape_cast %mul3A_627 : vector<16xf32> to vector<1x1x16xf32>
        tpu.vector_store %arg10[%swap3A_629, %swap3A_630, %swap3A_631], %swap3A_634 {strides = array<i32>} : memref<4x128x32xf32, #tpu.memory_space<vmem>>, vector<1x1x16xf32>,
        %get3A_635 = arith.constant 0 : i32
        %get3A_636 = arith.index_cast %get3A_635 : i32 to index
        %get3A_637 = arith.index_cast %add3A_617 : i32 to index
        %get3A_638 = arith.constant 16 : index
        %get3A_639 = tpu.vector_load %arg10[%get3A_636, %get3A_637, %get3A_638] {strides = array<i32>} : memref<4x128x32xf32, #tpu.memory_space<vmem>>, vector<1x1x16xf32>,
        %get3A_640 = vector.shape_cast %get3A_639 : vector<1x1x16xf32> to vector<16xf32>
        %mul3A_641 = arith.mulf %get3A_640, %broadcast_in_dim3A_620 : vector<16xf32>
        %swap3A_642 = arith.constant 0 : i32
        %swap3A_643 = arith.index_cast %swap3A_642 : i32 to index
        %swap3A_644 = arith.index_cast %add3A_617 : i32 to index
        %swap3A_645 = arith.constant 16 : index
        %swap3A_646 = tpu.vector_load %arg10[%swap3A_643, %swap3A_644, %swap3A_645] {strides = array<i32>} : memref<4x128x32xf32, #tpu.memory_space<vmem>>, vector<1x1x16xf32>,
        %swap3A_647 = vector.shape_cast %swap3A_646 : vector<1x1x16xf32> to vector<16xf32>
        %swap3A_648 = vector.shape_cast %mul3A_641 : vector<16xf32> to vector<1x1x16xf32>
        tpu.vector_store %arg10[%swap3A_643, %swap3A_644, %swap3A_645], %swap3A_648 {strides = array<i32>} : memref<4x128x32xf32, #tpu.memory_space<vmem>>, vector<1x1x16xf32>,
        %mul3A_649 = arith.constant 16 : i32
        %mul3A_650 = arith.muli %scan3A_191, %mul3A_649 : i32
        %add3A_651 = arith.constant 13 : i32
        %add3A_652 = arith.addi %mul3A_650, %add3A_651 : i32
        %slice3A_653 = vector.extract_strided_slice %get3A_197 {offsets = [13], sizes = [1], strides = [1]} : vector<16xf32> to vector<1xf32>
        %squeeze3A_654 = vector.extract %slice3A_653[0] : f32 from vector<1xf32>
        %broadcast_in_dim3A_655 = vector.broadcast %squeeze3A_654 : f32 to vector<16xf32>
        %get3A_656 = arith.constant 0 : i32
        %get3A_657 = arith.index_cast %get3A_656 : i32 to index
        %get3A_658 = arith.index_cast %add3A_652 : i32 to index
        %get3A_659 = arith.constant 0 : index
        %get3A_660 = tpu.vector_load %arg10[%get3A_657, %get3A_658, %get3A_659] {strides = array<i32>} : memref<4x128x32xf32, #tpu.memory_space<vmem>>, vector<1x1x16xf32>,
        %get3A_661 = vector.shape_cast %get3A_660 : vector<1x1x16xf32> to vector<16xf32>
        %mul3A_662 = arith.mulf %get3A_661, %broadcast_in_dim3A_655 : vector<16xf32>
        %swap3A_663 = arith.constant 0 : i32
        %swap3A_664 = arith.index_cast %swap3A_663 : i32 to index
        %swap3A_665 = arith.index_cast %add3A_652 : i32 to index
        %swap3A_666 = arith.constant 0 : index
        %swap3A_667 = tpu.vector_load %arg10[%swap3A_664, %swap3A_665, %swap3A_666] {strides = array<i32>} : memref<4x128x32xf32, #tpu.memory_space<vmem>>, vector<1x1x16xf32>,
        %swap3A_668 = vector.shape_cast %swap3A_667 : vector<1x1x16xf32> to vector<16xf32>
        %swap3A_669 = vector.shape_cast %mul3A_662 : vector<16xf32> to vector<1x1x16xf32>
        tpu.vector_store %arg10[%swap3A_664, %swap3A_665, %swap3A_666], %swap3A_669 {strides = array<i32>} : memref<4x128x32xf32, #tpu.memory_space<vmem>>, vector<1x1x16xf32>,
        %get3A_670 = arith.constant 0 : i32
        %get3A_671 = arith.index_cast %get3A_670 : i32 to index
        %get3A_672 = arith.index_cast %add3A_652 : i32 to index
        %get3A_673 = arith.constant 16 : index
        %get3A_674 = tpu.vector_load %arg10[%get3A_671, %get3A_672, %get3A_673] {strides = array<i32>} : memref<4x128x32xf32, #tpu.memory_space<vmem>>, vector<1x1x16xf32>,
        %get3A_675 = vector.shape_cast %get3A_674 : vector<1x1x16xf32> to vector<16xf32>
        %mul3A_676 = arith.mulf %get3A_675, %broadcast_in_dim3A_655 : vector<16xf32>
        %swap3A_677 = arith.constant 0 : i32
        %swap3A_678 = arith.index_cast %swap3A_677 : i32 to index
        %swap3A_679 = arith.index_cast %add3A_652 : i32 to index
        %swap3A_680 = arith.constant 16 : index
        %swap3A_681 = tpu.vector_load %arg10[%swap3A_678, %swap3A_679, %swap3A_680] {strides = array<i32>} : memref<4x128x32xf32, #tpu.memory_space<vmem>>, vector<1x1x16xf32>,
        %swap3A_682 = vector.shape_cast %swap3A_681 : vector<1x1x16xf32> to vector<16xf32>
        %swap3A_683 = vector.shape_cast %mul3A_676 : vector<16xf32> to vector<1x1x16xf32>
        tpu.vector_store %arg10[%swap3A_678, %swap3A_679, %swap3A_680], %swap3A_683 {strides = array<i32>} : memref<4x128x32xf32, #tpu.memory_space<vmem>>, vector<1x1x16xf32>,
        %mul3A_684 = arith.constant 16 : i32
        %mul3A_685 = arith.muli %scan3A_191, %mul3A_684 : i32
        %add3A_686 = arith.constant 14 : i32
        %add3A_687 = arith.addi %mul3A_685, %add3A_686 : i32
        %slice3A_688 = vector.extract_strided_slice %get3A_197 {offsets = [14], sizes = [1], strides = [1]} : vector<16xf32> to vector<1xf32>
        %squeeze3A_689 = vector.extract %slice3A_688[0] : f32 from vector<1xf32>
        %broadcast_in_dim3A_690 = vector.broadcast %squeeze3A_689 : f32 to vector<16xf32>
        %get3A_691 = arith.constant 0 : i32
        %get3A_692 = arith.index_cast %get3A_691 : i32 to index
        %get3A_693 = arith.index_cast %add3A_687 : i32 to index
        %get3A_694 = arith.constant 0 : index
        %get3A_695 = tpu.vector_load %arg10[%get3A_692, %get3A_693, %get3A_694] {strides = array<i32>} : memref<4x128x32xf32, #tpu.memory_space<vmem>>, vector<1x1x16xf32>,
        %get3A_696 = vector.shape_cast %get3A_695 : vector<1x1x16xf32> to vector<16xf32>
        %mul3A_697 = arith.mulf %get3A_696, %broadcast_in_dim3A_690 : vector<16xf32>
        %swap3A_698 = arith.constant 0 : i32
        %swap3A_699 = arith.index_cast %swap3A_698 : i32 to index
        %swap3A_700 = arith.index_cast %add3A_687 : i32 to index
        %swap3A_701 = arith.constant 0 : index
        %swap3A_702 = tpu.vector_load %arg10[%swap3A_699, %swap3A_700, %swap3A_701] {strides = array<i32>} : memref<4x128x32xf32, #tpu.memory_space<vmem>>, vector<1x1x16xf32>,
        %swap3A_703 = vector.shape_cast %swap3A_702 : vector<1x1x16xf32> to vector<16xf32>
        %swap3A_704 = vector.shape_cast %mul3A_697 : vector<16xf32> to vector<1x1x16xf32>
        tpu.vector_store %arg10[%swap3A_699, %swap3A_700, %swap3A_701], %swap3A_704 {strides = array<i32>} : memref<4x128x32xf32, #tpu.memory_space<vmem>>, vector<1x1x16xf32>,
        %get3A_705 = arith.constant 0 : i32
        %get3A_706 = arith.index_cast %get3A_705 : i32 to index
        %get3A_707 = arith.index_cast %add3A_687 : i32 to index
        %get3A_708 = arith.constant 16 : index
        %get3A_709 = tpu.vector_load %arg10[%get3A_706, %get3A_707, %get3A_708] {strides = array<i32>} : memref<4x128x32xf32, #tpu.memory_space<vmem>>, vector<1x1x16xf32>,
        %get3A_710 = vector.shape_cast %get3A_709 : vector<1x1x16xf32> to vector<16xf32>
        %mul3A_711 = arith.mulf %get3A_710, %broadcast_in_dim3A_690 : vector<16xf32>
        %swap3A_712 = arith.constant 0 : i32
        %swap3A_713 = arith.index_cast %swap3A_712 : i32 to index
        %swap3A_714 = arith.index_cast %add3A_687 : i32 to index
        %swap3A_715 = arith.constant 16 : index
        %swap3A_716 = tpu.vector_load %arg10[%swap3A_713, %swap3A_714, %swap3A_715] {strides = array<i32>} : memref<4x128x32xf32, #tpu.memory_space<vmem>>, vector<1x1x16xf32>,
        %swap3A_717 = vector.shape_cast %swap3A_716 : vector<1x1x16xf32> to vector<16xf32>
        %swap3A_718 = vector.shape_cast %mul3A_711 : vector<16xf32> to vector<1x1x16xf32>
        tpu.vector_store %arg10[%swap3A_713, %swap3A_714, %swap3A_715], %swap3A_718 {strides = array<i32>} : memref<4x128x32xf32, #tpu.memory_space<vmem>>, vector<1x1x16xf32>,
        %mul3A_719 = arith.constant 16 : i32
        %mul3A_720 = arith.muli %scan3A_191, %mul3A_719 : i32
        %add3A_721 = arith.constant 15 : i32
        %add3A_722 = arith.addi %mul3A_720, %add3A_721 : i32
        %slice3A_723 = vector.extract_strided_slice %get3A_197 {offsets = [15], sizes = [1], strides = [1]} : vector<16xf32> to vector<1xf32>
        %squeeze3A_724 = vector.extract %slice3A_723[0] : f32 from vector<1xf32>
        %broadcast_in_dim3A_725 = vector.broadcast %squeeze3A_724 : f32 to vector<16xf32>
        %get3A_726 = arith.constant 0 : i32
        %get3A_727 = arith.index_cast %get3A_726 : i32 to index
        %get3A_728 = arith.index_cast %add3A_722 : i32 to index
        %get3A_729 = arith.constant 0 : index
        %get3A_730 = tpu.vector_load %arg10[%get3A_727, %get3A_728, %get3A_729] {strides = array<i32>} : memref<4x128x32xf32, #tpu.memory_space<vmem>>, vector<1x1x16xf32>,
        %get3A_731 = vector.shape_cast %get3A_730 : vector<1x1x16xf32> to vector<16xf32>
        %mul3A_732 = arith.mulf %get3A_731, %broadcast_in_dim3A_725 : vector<16xf32>
        %swap3A_733 = arith.constant 0 : i32
        %swap3A_734 = arith.index_cast %swap3A_733 : i32 to index
        %swap3A_735 = arith.index_cast %add3A_722 : i32 to index
        %swap3A_736 = arith.constant 0 : index
        %swap3A_737 = tpu.vector_load %arg10[%swap3A_734, %swap3A_735, %swap3A_736] {strides = array<i32>} : memref<4x128x32xf32, #tpu.memory_space<vmem>>, vector<1x1x16xf32>,
        %swap3A_738 = vector.shape_cast %swap3A_737 : vector<1x1x16xf32> to vector<16xf32>
        %swap3A_739 = vector.shape_cast %mul3A_732 : vector<16xf32> to vector<1x1x16xf32>
        tpu.vector_store %arg10[%swap3A_734, %swap3A_735, %swap3A_736], %swap3A_739 {strides = array<i32>} : memref<4x128x32xf32, #tpu.memory_space<vmem>>, vector<1x1x16xf32>,
        %get3A_740 = arith.constant 0 : i32
        %get3A_741 = arith.index_cast %get3A_740 : i32 to index
        %get3A_742 = arith.index_cast %add3A_722 : i32 to index
        %get3A_743 = arith.constant 16 : index
        %get3A_744 = tpu.vector_load %arg10[%get3A_741, %get3A_742, %get3A_743] {strides = array<i32>} : memref<4x128x32xf32, #tpu.memory_space<vmem>>, vector<1x1x16xf32>,
        %get3A_745 = vector.shape_cast %get3A_744 : vector<1x1x16xf32> to vector<16xf32>
        %mul3A_746 = arith.mulf %get3A_745, %broadcast_in_dim3A_725 : vector<16xf32>
        %swap3A_747 = arith.constant 0 : i32
        %swap3A_748 = arith.index_cast %swap3A_747 : i32 to index
        %swap3A_749 = arith.index_cast %add3A_722 : i32 to index
        %swap3A_750 = arith.constant 16 : index
        %swap3A_751 = tpu.vector_load %arg10[%swap3A_748, %swap3A_749, %swap3A_750] {strides = array<i32>} : memref<4x128x32xf32, #tpu.memory_space<vmem>>, vector<1x1x16xf32>,
        %swap3A_752 = vector.shape_cast %swap3A_751 : vector<1x1x16xf32> to vector<16xf32>
        %swap3A_753 = vector.shape_cast %mul3A_746 : vector<16xf32> to vector<1x1x16xf32>
        tpu.vector_store %arg10[%swap3A_748, %swap3A_749, %swap3A_750], %swap3A_753 {strides = array<i32>} : memref<4x128x32xf32, #tpu.memory_space<vmem>>, vector<1x1x16xf32>,
        %scan3A_754 = arith.constant 0 : i32
        scf.yield %scan3A_754 : i32
      }
      %scan3A_95 = arith.constant 8 : i32
      %run_scoped3A = arith.constant 0 : i32
      "tpu.region"() ({
        %run_scoped3A_191 = tpu.sem_alloc : memref<!tpu.dma_semaphore, #tpu.memory_space<semaphore_mem>>
        %dma_start3A_192 = arith.constant 0 : i32
        %dma_start3A_193 = arith.constant 0 : i32
        %dma_start3A_194 = tpu.memref_slice %arg10[%run_scoped3A, %dma_start3A_192, %dma_start3A_193] : memref<4x128x32xf32, #tpu.memory_space<vmem>> -> memref<1x128x32xf32, #tpu.memory_space<vmem>>
        %dma_start3A_195 = tpu.memref_squeeze %dma_start3A_194 : memref<1x128x32xf32, #tpu.memory_space<vmem>> -> memref<128x32xf32, #tpu.memory_space<vmem>>
        %dma_start3A_196 = arith.constant 0 : i32
        %dma_start3A_197 = tpu.memref_slice %arg8[%add3A_78, %dma_start3A_196] : memref<40x128xi32, #tpu.memory_space<vmem>> -> memref<1x128xi32, #tpu.memory_space<vmem>>
        %dma_start3A_198 = tpu.memref_squeeze %dma_start3A_197 : memref<1x128xi32, #tpu.memory_space<vmem>> -> memref<128xi32, #tpu.memory_space<vmem>>
        %dma_start3A_199 = arith.constant 0 : i32
        %dma_start3A_200 = arith.constant 0 : i32
        %dma_start3A_201 = tpu.memref_slice %arg12[%dma_start3A_199, %dma_start3A_200] : memref<10240x32xf32, #tpu.memory_space<vmem_shared>> -> memref<10240x32xf32, #tpu.memory_space<vmem_shared>>
        tpu.enqueue_indirect_dma source(%dma_start3A_195 : memref<128x32xf32, #tpu.memory_space<vmem>>) target(%dma_start3A_201 : memref<10240x32xf32, #tpu.memory_space<vmem_shared>>) offsets(%dma_start3A_198 : memref<128xi32, #tpu.memory_space<vmem>>) semaphore(%run_scoped3A_191 : memref<!tpu.dma_semaphore, #tpu.memory_space<semaphore_mem>>) {add = true}
        %dma_wait3A_202 = arith.constant 0 : i32
        %dma_wait3A_203 = arith.constant 0 : i32
        %dma_wait3A_204 = tpu.memref_slice %arg10[%run_scoped3A, %dma_wait3A_202, %dma_wait3A_203] : memref<4x128x32xf32, #tpu.memory_space<vmem>> -> memref<1x128x32xf32, #tpu.memory_space<vmem>>
        %dma_wait3A_205 = tpu.memref_squeeze %dma_wait3A_204 : memref<1x128x32xf32, #tpu.memory_space<vmem>> -> memref<128x32xf32, #tpu.memory_space<vmem>>
        %dma_wait3A_206 = arith.constant 0 : i32
        %dma_wait3A_207 = tpu.memref_slice %arg8[%add3A_78, %dma_wait3A_206] : memref<40x128xi32, #tpu.memory_space<vmem>> -> memref<1x128xi32, #tpu.memory_space<vmem>>
        %dma_wait3A_208 = tpu.memref_squeeze %dma_wait3A_207 : memref<1x128xi32, #tpu.memory_space<vmem>> -> memref<128xi32, #tpu.memory_space<vmem>>
        %dma_wait3A_209 = arith.constant 0 : i32
        %dma_wait3A_210 = arith.constant 0 : i32
        %dma_wait3A_211 = tpu.memref_slice %arg12[%dma_wait3A_209, %dma_wait3A_210] : memref<10240x32xf32, #tpu.memory_space<vmem_shared>> -> memref<10240x32xf32, #tpu.memory_space<vmem_shared>>
        tpu.wait_indirect_dma semaphore(%run_scoped3A_191 : memref<!tpu.dma_semaphore, #tpu.memory_space<semaphore_mem>>) src(%dma_wait3A_205 : memref<128x32xf32, #tpu.memory_space<vmem>>) dst(%dma_wait3A_211 : memref<10240x32xf32, #tpu.memory_space<vmem_shared>>)
        tpu.yield
      }) : () -> ()
      %add3A_96 = arith.constant 4 : i32
      %add3A_97 = arith.addi %add3A_78, %add3A_96 : i32
      %lt3A = arith.constant 40 : i32
      %lt3A_98 = arith.cmpi slt, %add3A_97, %lt3A : i32
      %convert_element_type3A = arith.extui %lt3A_98 : i1 to i32
      %cond3A = arith.constant 0 : i32
      %cond3A_99 = arith.cmpi ne, %convert_element_type3A, %cond3A : i32
      scf.if %cond3A_99 {
        %dma_start3A_191 = arith.constant 0 : i32
        %dma_start3A_192 = arith.constant 0 : i32
        %dma_start3A_193 = arith.constant 0 : i32
        %dma_start3A_194 = tpu.memref_slice %arg10[%dma_start3A_191, %dma_start3A_192, %dma_start3A_193] : memref<4x128x32xf32, #tpu.memory_space<vmem>> -> memref<1x128x32xf32, #tpu.memory_space<vmem>>
        %dma_start3A_195 = tpu.memref_squeeze %dma_start3A_194 : memref<1x128x32xf32, #tpu.memory_space<vmem>> -> memref<128x32xf32, #tpu.memory_space<vmem>>
        %dma_start3A_196 = arith.constant 0 : i32
        %dma_start3A_197 = tpu.memref_slice %arg7[%add3A_97, %dma_start3A_196] : memref<40x128xi32, #tpu.memory_space<vmem>> -> memref<1x128xi32, #tpu.memory_space<vmem>>
        %dma_start3A_198 = tpu.memref_squeeze %dma_start3A_197 : memref<1x128xi32, #tpu.memory_space<vmem>> -> memref<128xi32, #tpu.memory_space<vmem>>
        %dma_start3A_199 = arith.constant 0 : i32
        %dma_start3A_200 = arith.constant 0 : i32
        %dma_start3A_201 = tpu.memref_slice %arg5[%dma_start3A_199, %dma_start3A_200] : memref<10240x32xf32, #tpu.memory_space<hbm>> -> memref<10240x32xf32, #tpu.memory_space<hbm>>
        tpu.enqueue_indirect_dma source(%dma_start3A_201 : memref<10240x32xf32, #tpu.memory_space<hbm>>) target(%dma_start3A_195 : memref<128x32xf32, #tpu.memory_space<vmem>>) offsets(%dma_start3A_198 : memref<128xi32, #tpu.memory_space<vmem>>) semaphore(%arg13 : memref<!tpu.dma_semaphore, #tpu.memory_space<semaphore_mem>>)
      } else {
      }
      %mul3A_100 = arith.constant 4 : i32
      %mul3A_101 = arith.muli %scan3A_73, %mul3A_100 : i32
      %add3A_102 = arith.constant 1 : i32
      %add3A_103 = arith.addi %mul3A_101, %add3A_102 : i32
      %dma_wait3A_104 = arith.constant 1 : i32
      %dma_wait3A_105 = arith.constant 0 : i32
      %dma_wait3A_106 = arith.constant 0 : i32
      %dma_wait3A_107 = tpu.memref_slice %arg10[%dma_wait3A_104, %dma_wait3A_105, %dma_wait3A_106] : memref<4x128x32xf32, #tpu.memory_space<vmem>> -> memref<1x128x32xf32, #tpu.memory_space<vmem>>
      %dma_wait3A_108 = tpu.memref_squeeze %dma_wait3A_107 : memref<1x128x32xf32, #tpu.memory_space<vmem>> -> memref<128x32xf32, #tpu.memory_space<vmem>>
      %dma_wait3A_109 = arith.constant 0 : i32
      %dma_wait3A_110 = tpu.memref_slice %arg7[%add3A_103, %dma_wait3A_109] : memref<40x128xi32, #tpu.memory_space<vmem>> -> memref<1x128xi32, #tpu.memory_space<vmem>>
      %dma_wait3A_111 = tpu.memref_squeeze %dma_wait3A_110 : memref<1x128xi32, #tpu.memory_space<vmem>> -> memref<128xi32, #tpu.memory_space<vmem>>
      %dma_wait3A_112 = arith.constant 0 : i32
      %dma_wait3A_113 = arith.constant 0 : i32
      %dma_wait3A_114 = tpu.memref_slice %arg5[%dma_wait3A_112, %dma_wait3A_113] : memref<10240x32xf32, #tpu.memory_space<hbm>> -> memref<10240x32xf32, #tpu.memory_space<hbm>>
      tpu.wait_indirect_dma semaphore(%arg14 : memref<!tpu.dma_semaphore, #tpu.memory_space<semaphore_mem>>) src(%dma_wait3A_114 : memref<10240x32xf32, #tpu.memory_space<hbm>>) dst(%dma_wait3A_108 : memref<128x32xf32, #tpu.memory_space<vmem>>)
      %scan3A_115 = arith.constant 0 : i32
      %scan3A_116 = arith.constant 0 : i32
      %scan3A_117 = arith.constant 8 : i32
      %scan3A_118 = arith.addi %scan3A_116, %scan3A_117 : i32
      %scan3A_119 = arith.constant 1 : i32
      %scan3A_120 = scf.for %scan3A_191 = %scan3A_116 to %scan3A_118 step %scan3A_119 iter_args(%scan3A_192 = %scan3A_115) -> (i32)  : i32 {
        %mul3A_193 = arith.constant 16 : i32
        %mul3A_194 = arith.muli %scan3A_191, %mul3A_193 : i32
        %get3A = arith.index_cast %add3A_103 : i32 to index
        %get3A_195 = arith.index_cast %mul3A_194 : i32 to index
        %get3A_196 = tpu.vector_load %arg9[%get3A, %get3A_195] {strides = array<i32>} : memref<40x128xf32, #tpu.memory_space<vmem>>, vector<1x16xf32>,
        %get3A_197 = vector.shape_cast %get3A_196 : vector<1x16xf32> to vector<16xf32>
        %mul3A_198 = arith.constant 16 : i32
        %mul3A_199 = arith.muli %scan3A_191, %mul3A_198 : i32
        %add3A_200 = arith.constant 0 : i32
        %add3A_201 = arith.addi %mul3A_199, %add3A_200 : i32
        %slice3A = vector.extract_strided_slice %get3A_197 {offsets = [0], sizes = [1], strides = [1]} : vector<16xf32> to vector<1xf32>
        %squeeze3A = vector.extract %slice3A[0] : f32 from vector<1xf32>
        %broadcast_in_dim3A = vector.broadcast %squeeze3A : f32 to vector<16xf32>
        %get3A_202 = arith.constant 1 : i32
        %get3A_203 = arith.index_cast %get3A_202 : i32 to index
        %get3A_204 = arith.index_cast %add3A_201 : i32 to index
        %get3A_205 = arith.constant 0 : index
        %get3A_206 = tpu.vector_load %arg10[%get3A_203, %get3A_204, %get3A_205] {strides = array<i32>} : memref<4x128x32xf32, #tpu.memory_space<vmem>>, vector<1x1x16xf32>,
        %get3A_207 = vector.shape_cast %get3A_206 : vector<1x1x16xf32> to vector<16xf32>
        %mul3A_208 = arith.mulf %get3A_207, %broadcast_in_dim3A : vector<16xf32>
        %swap3A = arith.constant 1 : i32
        %swap3A_209 = arith.index_cast %swap3A : i32 to index
        %swap3A_210 = arith.index_cast %add3A_201 : i32 to index
        %swap3A_211 = arith.constant 0 : index
        %swap3A_212 = tpu.vector_load %arg10[%swap3A_209, %swap3A_210, %swap3A_211] {strides = array<i32>} : memref<4x128x32xf32, #tpu.memory_space<vmem>>, vector<1x1x16xf32>,
        %swap3A_213 = vector.shape_cast %swap3A_212 : vector<1x1x16xf32> to vector<16xf32>
        %swap3A_214 = vector.shape_cast %mul3A_208 : vector<16xf32> to vector<1x1x16xf32>
        tpu.vector_store %arg10[%swap3A_209, %swap3A_210, %swap3A_211], %swap3A_214 {strides = array<i32>} : memref<4x128x32xf32, #tpu.memory_space<vmem>>, vector<1x1x16xf32>,
        %get3A_215 = arith.constant 1 : i32
        %get3A_216 = arith.index_cast %get3A_215 : i32 to index
        %get3A_217 = arith.index_cast %add3A_201 : i32 to index
        %get3A_218 = arith.constant 16 : index
        %get3A_219 = tpu.vector_load %arg10[%get3A_216, %get3A_217, %get3A_218] {strides = array<i32>} : memref<4x128x32xf32, #tpu.memory_space<vmem>>, vector<1x1x16xf32>,
        %get3A_220 = vector.shape_cast %get3A_219 : vector<1x1x16xf32> to vector<16xf32>
        %mul3A_221 = arith.mulf %get3A_220, %broadcast_in_dim3A : vector<16xf32>
        %swap3A_222 = arith.constant 1 : i32
        %swap3A_223 = arith.index_cast %swap3A_222 : i32 to index
        %swap3A_224 = arith.index_cast %add3A_201 : i32 to index
        %swap3A_225 = arith.constant 16 : index
        %swap3A_226 = tpu.vector_load %arg10[%swap3A_223, %swap3A_224, %swap3A_225] {strides = array<i32>} : memref<4x128x32xf32, #tpu.memory_space<vmem>>, vector<1x1x16xf32>,
        %swap3A_227 = vector.shape_cast %swap3A_226 : vector<1x1x16xf32> to vector<16xf32>
        %swap3A_228 = vector.shape_cast %mul3A_221 : vector<16xf32> to vector<1x1x16xf32>
        tpu.vector_store %arg10[%swap3A_223, %swap3A_224, %swap3A_225], %swap3A_228 {strides = array<i32>} : memref<4x128x32xf32, #tpu.memory_space<vmem>>, vector<1x1x16xf32>,
        %mul3A_229 = arith.constant 16 : i32
        %mul3A_230 = arith.muli %scan3A_191, %mul3A_229 : i32
        %add3A_231 = arith.constant 1 : i32
        %add3A_232 = arith.addi %mul3A_230, %add3A_231 : i32
        %slice3A_233 = vector.extract_strided_slice %get3A_197 {offsets = [1], sizes = [1], strides = [1]} : vector<16xf32> to vector<1xf32>
        %squeeze3A_234 = vector.extract %slice3A_233[0] : f32 from vector<1xf32>
        %broadcast_in_dim3A_235 = vector.broadcast %squeeze3A_234 : f32 to vector<16xf32>
        %get3A_236 = arith.constant 1 : i32
        %get3A_237 = arith.index_cast %get3A_236 : i32 to index
        %get3A_238 = arith.index_cast %add3A_232 : i32 to index
        %get3A_239 = arith.constant 0 : index
        %get3A_240 = tpu.vector_load %arg10[%get3A_237, %get3A_238, %get3A_239] {strides = array<i32>} : memref<4x128x32xf32, #tpu.memory_space<vmem>>, vector<1x1x16xf32>,
        %get3A_241 = vector.shape_cast %get3A_240 : vector<1x1x16xf32> to vector<16xf32>
        %mul3A_242 = arith.mulf %get3A_241, %broadcast_in_dim3A_235 : vector<16xf32>
        %swap3A_243 = arith.constant 1 : i32
        %swap3A_244 = arith.index_cast %swap3A_243 : i32 to index
        %swap3A_245 = arith.index_cast %add3A_232 : i32 to index
        %swap3A_246 = arith.constant 0 : index
        %swap3A_247 = tpu.vector_load %arg10[%swap3A_244, %swap3A_245, %swap3A_246] {strides = array<i32>} : memref<4x128x32xf32, #tpu.memory_space<vmem>>, vector<1x1x16xf32>,
        %swap3A_248 = vector.shape_cast %swap3A_247 : vector<1x1x16xf32> to vector<16xf32>
        %swap3A_249 = vector.shape_cast %mul3A_242 : vector<16xf32> to vector<1x1x16xf32>
        tpu.vector_store %arg10[%swap3A_244, %swap3A_245, %swap3A_246], %swap3A_249 {strides = array<i32>} : memref<4x128x32xf32, #tpu.memory_space<vmem>>, vector<1x1x16xf32>,
        %get3A_250 = arith.constant 1 : i32
        %get3A_251 = arith.index_cast %get3A_250 : i32 to index
        %get3A_252 = arith.index_cast %add3A_232 : i32 to index
        %get3A_253 = arith.constant 16 : index
        %get3A_254 = tpu.vector_load %arg10[%get3A_251, %get3A_252, %get3A_253] {strides = array<i32>} : memref<4x128x32xf32, #tpu.memory_space<vmem>>, vector<1x1x16xf32>,
        %get3A_255 = vector.shape_cast %get3A_254 : vector<1x1x16xf32> to vector<16xf32>
        %mul3A_256 = arith.mulf %get3A_255, %broadcast_in_dim3A_235 : vector<16xf32>
        %swap3A_257 = arith.constant 1 : i32
        %swap3A_258 = arith.index_cast %swap3A_257 : i32 to index
        %swap3A_259 = arith.index_cast %add3A_232 : i32 to index
        %swap3A_260 = arith.constant 16 : index
        %swap3A_261 = tpu.vector_load %arg10[%swap3A_258, %swap3A_259, %swap3A_260] {strides = array<i32>} : memref<4x128x32xf32, #tpu.memory_space<vmem>>, vector<1x1x16xf32>,
        %swap3A_262 = vector.shape_cast %swap3A_261 : vector<1x1x16xf32> to vector<16xf32>
        %swap3A_263 = vector.shape_cast %mul3A_256 : vector<16xf32> to vector<1x1x16xf32>
        tpu.vector_store %arg10[%swap3A_258, %swap3A_259, %swap3A_260], %swap3A_263 {strides = array<i32>} : memref<4x128x32xf32, #tpu.memory_space<vmem>>, vector<1x1x16xf32>,
        %mul3A_264 = arith.constant 16 : i32
        %mul3A_265 = arith.muli %scan3A_191, %mul3A_264 : i32
        %add3A_266 = arith.constant 2 : i32
        %add3A_267 = arith.addi %mul3A_265, %add3A_266 : i32
        %slice3A_268 = vector.extract_strided_slice %get3A_197 {offsets = [2], sizes = [1], strides = [1]} : vector<16xf32> to vector<1xf32>
        %squeeze3A_269 = vector.extract %slice3A_268[0] : f32 from vector<1xf32>
        %broadcast_in_dim3A_270 = vector.broadcast %squeeze3A_269 : f32 to vector<16xf32>
        %get3A_271 = arith.constant 1 : i32
        %get3A_272 = arith.index_cast %get3A_271 : i32 to index
        %get3A_273 = arith.index_cast %add3A_267 : i32 to index
        %get3A_274 = arith.constant 0 : index
        %get3A_275 = tpu.vector_load %arg10[%get3A_272, %get3A_273, %get3A_274] {strides = array<i32>} : memref<4x128x32xf32, #tpu.memory_space<vmem>>, vector<1x1x16xf32>,
        %get3A_276 = vector.shape_cast %get3A_275 : vector<1x1x16xf32> to vector<16xf32>
        %mul3A_277 = arith.mulf %get3A_276, %broadcast_in_dim3A_270 : vector<16xf32>
        %swap3A_278 = arith.constant 1 : i32
        %swap3A_279 = arith.index_cast %swap3A_278 : i32 to index
        %swap3A_280 = arith.index_cast %add3A_267 : i32 to index
        %swap3A_281 = arith.constant 0 : index
        %swap3A_282 = tpu.vector_load %arg10[%swap3A_279, %swap3A_280, %swap3A_281] {strides = array<i32>} : memref<4x128x32xf32, #tpu.memory_space<vmem>>, vector<1x1x16xf32>,
        %swap3A_283 = vector.shape_cast %swap3A_282 : vector<1x1x16xf32> to vector<16xf32>
        %swap3A_284 = vector.shape_cast %mul3A_277 : vector<16xf32> to vector<1x1x16xf32>
        tpu.vector_store %arg10[%swap3A_279, %swap3A_280, %swap3A_281], %swap3A_284 {strides = array<i32>} : memref<4x128x32xf32, #tpu.memory_space<vmem>>, vector<1x1x16xf32>,
        %get3A_285 = arith.constant 1 : i32
        %get3A_286 = arith.index_cast %get3A_285 : i32 to index
        %get3A_287 = arith.index_cast %add3A_267 : i32 to index
        %get3A_288 = arith.constant 16 : index
        %get3A_289 = tpu.vector_load %arg10[%get3A_286, %get3A_287, %get3A_288] {strides = array<i32>} : memref<4x128x32xf32, #tpu.memory_space<vmem>>, vector<1x1x16xf32>,
        %get3A_290 = vector.shape_cast %get3A_289 : vector<1x1x16xf32> to vector<16xf32>
        %mul3A_291 = arith.mulf %get3A_290, %broadcast_in_dim3A_270 : vector<16xf32>
        %swap3A_292 = arith.constant 1 : i32
        %swap3A_293 = arith.index_cast %swap3A_292 : i32 to index
        %swap3A_294 = arith.index_cast %add3A_267 : i32 to index
        %swap3A_295 = arith.constant 16 : index
        %swap3A_296 = tpu.vector_load %arg10[%swap3A_293, %swap3A_294, %swap3A_295] {strides = array<i32>} : memref<4x128x32xf32, #tpu.memory_space<vmem>>, vector<1x1x16xf32>,
        %swap3A_297 = vector.shape_cast %swap3A_296 : vector<1x1x16xf32> to vector<16xf32>
        %swap3A_298 = vector.shape_cast %mul3A_291 : vector<16xf32> to vector<1x1x16xf32>
        tpu.vector_store %arg10[%swap3A_293, %swap3A_294, %swap3A_295], %swap3A_298 {strides = array<i32>} : memref<4x128x32xf32, #tpu.memory_space<vmem>>, vector<1x1x16xf32>,
        %mul3A_299 = arith.constant 16 : i32
        %mul3A_300 = arith.muli %scan3A_191, %mul3A_299 : i32
        %add3A_301 = arith.constant 3 : i32
        %add3A_302 = arith.addi %mul3A_300, %add3A_301 : i32
        %slice3A_303 = vector.extract_strided_slice %get3A_197 {offsets = [3], sizes = [1], strides = [1]} : vector<16xf32> to vector<1xf32>
        %squeeze3A_304 = vector.extract %slice3A_303[0] : f32 from vector<1xf32>
        %broadcast_in_dim3A_305 = vector.broadcast %squeeze3A_304 : f32 to vector<16xf32>
        %get3A_306 = arith.constant 1 : i32
        %get3A_307 = arith.index_cast %get3A_306 : i32 to index
        %get3A_308 = arith.index_cast %add3A_302 : i32 to index
        %get3A_309 = arith.constant 0 : index
        %get3A_310 = tpu.vector_load %arg10[%get3A_307, %get3A_308, %get3A_309] {strides = array<i32>} : memref<4x128x32xf32, #tpu.memory_space<vmem>>, vector<1x1x16xf32>,
        %get3A_311 = vector.shape_cast %get3A_310 : vector<1x1x16xf32> to vector<16xf32>
        %mul3A_312 = arith.mulf %get3A_311, %broadcast_in_dim3A_305 : vector<16xf32>
        %swap3A_313 = arith.constant 1 : i32
        %swap3A_314 = arith.index_cast %swap3A_313 : i32 to index
        %swap3A_315 = arith.index_cast %add3A_302 : i32 to index
        %swap3A_316 = arith.constant 0 : index
        %swap3A_317 = tpu.vector_load %arg10[%swap3A_314, %swap3A_315, %swap3A_316] {strides = array<i32>} : memref<4x128x32xf32, #tpu.memory_space<vmem>>, vector<1x1x16xf32>,
        %swap3A_318 = vector.shape_cast %swap3A_317 : vector<1x1x16xf32> to vector<16xf32>
        %swap3A_319 = vector.shape_cast %mul3A_312 : vector<16xf32> to vector<1x1x16xf32>
        tpu.vector_store %arg10[%swap3A_314, %swap3A_315, %swap3A_316], %swap3A_319 {strides = array<i32>} : memref<4x128x32xf32, #tpu.memory_space<vmem>>, vector<1x1x16xf32>,
        %get3A_320 = arith.constant 1 : i32
        %get3A_321 = arith.index_cast %get3A_320 : i32 to index
        %get3A_322 = arith.index_cast %add3A_302 : i32 to index
        %get3A_323 = arith.constant 16 : index
        %get3A_324 = tpu.vector_load %arg10[%get3A_321, %get3A_322, %get3A_323] {strides = array<i32>} : memref<4x128x32xf32, #tpu.memory_space<vmem>>, vector<1x1x16xf32>,
        %get3A_325 = vector.shape_cast %get3A_324 : vector<1x1x16xf32> to vector<16xf32>
        %mul3A_326 = arith.mulf %get3A_325, %broadcast_in_dim3A_305 : vector<16xf32>
        %swap3A_327 = arith.constant 1 : i32
        %swap3A_328 = arith.index_cast %swap3A_327 : i32 to index
        %swap3A_329 = arith.index_cast %add3A_302 : i32 to index
        %swap3A_330 = arith.constant 16 : index
        %swap3A_331 = tpu.vector_load %arg10[%swap3A_328, %swap3A_329, %swap3A_330] {strides = array<i32>} : memref<4x128x32xf32, #tpu.memory_space<vmem>>, vector<1x1x16xf32>,
        %swap3A_332 = vector.shape_cast %swap3A_331 : vector<1x1x16xf32> to vector<16xf32>
        %swap3A_333 = vector.shape_cast %mul3A_326 : vector<16xf32> to vector<1x1x16xf32>
        tpu.vector_store %arg10[%swap3A_328, %swap3A_329, %swap3A_330], %swap3A_333 {strides = array<i32>} : memref<4x128x32xf32, #tpu.memory_space<vmem>>, vector<1x1x16xf32>,
        %mul3A_334 = arith.constant 16 : i32
        %mul3A_335 = arith.muli %scan3A_191, %mul3A_334 : i32
        %add3A_336 = arith.constant 4 : i32
        %add3A_337 = arith.addi %mul3A_335, %add3A_336 : i32
        %slice3A_338 = vector.extract_strided_slice %get3A_197 {offsets = [4], sizes = [1], strides = [1]} : vector<16xf32> to vector<1xf32>
        %squeeze3A_339 = vector.extract %slice3A_338[0] : f32 from vector<1xf32>
        %broadcast_in_dim3A_340 = vector.broadcast %squeeze3A_339 : f32 to vector<16xf32>
        %get3A_341 = arith.constant 1 : i32
        %get3A_342 = arith.index_cast %get3A_341 : i32 to index
        %get3A_343 = arith.index_cast %add3A_337 : i32 to index
        %get3A_344 = arith.constant 0 : index
        %get3A_345 = tpu.vector_load %arg10[%get3A_342, %get3A_343, %get3A_344] {strides = array<i32>} : memref<4x128x32xf32, #tpu.memory_space<vmem>>, vector<1x1x16xf32>,
        %get3A_346 = vector.shape_cast %get3A_345 : vector<1x1x16xf32> to vector<16xf32>
        %mul3A_347 = arith.mulf %get3A_346, %broadcast_in_dim3A_340 : vector<16xf32>
        %swap3A_348 = arith.constant 1 : i32
        %swap3A_349 = arith.index_cast %swap3A_348 : i32 to index
        %swap3A_350 = arith.index_cast %add3A_337 : i32 to index
        %swap3A_351 = arith.constant 0 : index
        %swap3A_352 = tpu.vector_load %arg10[%swap3A_349, %swap3A_350, %swap3A_351] {strides = array<i32>} : memref<4x128x32xf32, #tpu.memory_space<vmem>>, vector<1x1x16xf32>,
        %swap3A_353 = vector.shape_cast %swap3A_352 : vector<1x1x16xf32> to vector<16xf32>
        %swap3A_354 = vector.shape_cast %mul3A_347 : vector<16xf32> to vector<1x1x16xf32>
        tpu.vector_store %arg10[%swap3A_349, %swap3A_350, %swap3A_351], %swap3A_354 {strides = array<i32>} : memref<4x128x32xf32, #tpu.memory_space<vmem>>, vector<1x1x16xf32>,
        %get3A_355 = arith.constant 1 : i32
        %get3A_356 = arith.index_cast %get3A_355 : i32 to index
        %get3A_357 = arith.index_cast %add3A_337 : i32 to index
        %get3A_358 = arith.constant 16 : index
        %get3A_359 = tpu.vector_load %arg10[%get3A_356, %get3A_357, %get3A_358] {strides = array<i32>} : memref<4x128x32xf32, #tpu.memory_space<vmem>>, vector<1x1x16xf32>,
        %get3A_360 = vector.shape_cast %get3A_359 : vector<1x1x16xf32> to vector<16xf32>
        %mul3A_361 = arith.mulf %get3A_360, %broadcast_in_dim3A_340 : vector<16xf32>
        %swap3A_362 = arith.constant 1 : i32
        %swap3A_363 = arith.index_cast %swap3A_362 : i32 to index
        %swap3A_364 = arith.index_cast %add3A_337 : i32 to index
        %swap3A_365 = arith.constant 16 : index
        %swap3A_366 = tpu.vector_load %arg10[%swap3A_363, %swap3A_364, %swap3A_365] {strides = array<i32>} : memref<4x128x32xf32, #tpu.memory_space<vmem>>, vector<1x1x16xf32>,
        %swap3A_367 = vector.shape_cast %swap3A_366 : vector<1x1x16xf32> to vector<16xf32>
        %swap3A_368 = vector.shape_cast %mul3A_361 : vector<16xf32> to vector<1x1x16xf32>
        tpu.vector_store %arg10[%swap3A_363, %swap3A_364, %swap3A_365], %swap3A_368 {strides = array<i32>} : memref<4x128x32xf32, #tpu.memory_space<vmem>>, vector<1x1x16xf32>,
        %mul3A_369 = arith.constant 16 : i32
        %mul3A_370 = arith.muli %scan3A_191, %mul3A_369 : i32
        %add3A_371 = arith.constant 5 : i32
        %add3A_372 = arith.addi %mul3A_370, %add3A_371 : i32
        %slice3A_373 = vector.extract_strided_slice %get3A_197 {offsets = [5], sizes = [1], strides = [1]} : vector<16xf32> to vector<1xf32>
        %squeeze3A_374 = vector.extract %slice3A_373[0] : f32 from vector<1xf32>
        %broadcast_in_dim3A_375 = vector.broadcast %squeeze3A_374 : f32 to vector<16xf32>
        %get3A_376 = arith.constant 1 : i32
        %get3A_377 = arith.index_cast %get3A_376 : i32 to index
        %get3A_378 = arith.index_cast %add3A_372 : i32 to index
        %get3A_379 = arith.constant 0 : index
        %get3A_380 = tpu.vector_load %arg10[%get3A_377, %get3A_378, %get3A_379] {strides = array<i32>} : memref<4x128x32xf32, #tpu.memory_space<vmem>>, vector<1x1x16xf32>,
        %get3A_381 = vector.shape_cast %get3A_380 : vector<1x1x16xf32> to vector<16xf32>
        %mul3A_382 = arith.mulf %get3A_381, %broadcast_in_dim3A_375 : vector<16xf32>
        %swap3A_383 = arith.constant 1 : i32
        %swap3A_384 = arith.index_cast %swap3A_383 : i32 to index
        %swap3A_385 = arith.index_cast %add3A_372 : i32 to index
        %swap3A_386 = arith.constant 0 : index
        %swap3A_387 = tpu.vector_load %arg10[%swap3A_384, %swap3A_385, %swap3A_386] {strides = array<i32>} : memref<4x128x32xf32, #tpu.memory_space<vmem>>, vector<1x1x16xf32>,
        %swap3A_388 = vector.shape_cast %swap3A_387 : vector<1x1x16xf32> to vector<16xf32>
        %swap3A_389 = vector.shape_cast %mul3A_382 : vector<16xf32> to vector<1x1x16xf32>
        tpu.vector_store %arg10[%swap3A_384, %swap3A_385, %swap3A_386], %swap3A_389 {strides = array<i32>} : memref<4x128x32xf32, #tpu.memory_space<vmem>>, vector<1x1x16xf32>,
        %get3A_390 = arith.constant 1 : i32
        %get3A_391 = arith.index_cast %get3A_390 : i32 to index
        %get3A_392 = arith.index_cast %add3A_372 : i32 to index
        %get3A_393 = arith.constant 16 : index
        %get3A_394 = tpu.vector_load %arg10[%get3A_391, %get3A_392, %get3A_393] {strides = array<i32>} : memref<4x128x32xf32, #tpu.memory_space<vmem>>, vector<1x1x16xf32>,
        %get3A_395 = vector.shape_cast %get3A_394 : vector<1x1x16xf32> to vector<16xf32>
        %mul3A_396 = arith.mulf %get3A_395, %broadcast_in_dim3A_375 : vector<16xf32>
        %swap3A_397 = arith.constant 1 : i32
        %swap3A_398 = arith.index_cast %swap3A_397 : i32 to index
        %swap3A_399 = arith.index_cast %add3A_372 : i32 to index
        %swap3A_400 = arith.constant 16 : index
        %swap3A_401 = tpu.vector_load %arg10[%swap3A_398, %swap3A_399, %swap3A_400] {strides = array<i32>} : memref<4x128x32xf32, #tpu.memory_space<vmem>>, vector<1x1x16xf32>,
        %swap3A_402 = vector.shape_cast %swap3A_401 : vector<1x1x16xf32> to vector<16xf32>
        %swap3A_403 = vector.shape_cast %mul3A_396 : vector<16xf32> to vector<1x1x16xf32>
        tpu.vector_store %arg10[%swap3A_398, %swap3A_399, %swap3A_400], %swap3A_403 {strides = array<i32>} : memref<4x128x32xf32, #tpu.memory_space<vmem>>, vector<1x1x16xf32>,
        %mul3A_404 = arith.constant 16 : i32
        %mul3A_405 = arith.muli %scan3A_191, %mul3A_404 : i32
        %add3A_406 = arith.constant 6 : i32
        %add3A_407 = arith.addi %mul3A_405, %add3A_406 : i32
        %slice3A_408 = vector.extract_strided_slice %get3A_197 {offsets = [6], sizes = [1], strides = [1]} : vector<16xf32> to vector<1xf32>
        %squeeze3A_409 = vector.extract %slice3A_408[0] : f32 from vector<1xf32>
        %broadcast_in_dim3A_410 = vector.broadcast %squeeze3A_409 : f32 to vector<16xf32>
        %get3A_411 = arith.constant 1 : i32
        %get3A_412 = arith.index_cast %get3A_411 : i32 to index
        %get3A_413 = arith.index_cast %add3A_407 : i32 to index
        %get3A_414 = arith.constant 0 : index
        %get3A_415 = tpu.vector_load %arg10[%get3A_412, %get3A_413, %get3A_414] {strides = array<i32>} : memref<4x128x32xf32, #tpu.memory_space<vmem>>, vector<1x1x16xf32>,
        %get3A_416 = vector.shape_cast %get3A_415 : vector<1x1x16xf32> to vector<16xf32>
        %mul3A_417 = arith.mulf %get3A_416, %broadcast_in_dim3A_410 : vector<16xf32>
        %swap3A_418 = arith.constant 1 : i32
        %swap3A_419 = arith.index_cast %swap3A_418 : i32 to index
        %swap3A_420 = arith.index_cast %add3A_407 : i32 to index
        %swap3A_421 = arith.constant 0 : index
        %swap3A_422 = tpu.vector_load %arg10[%swap3A_419, %swap3A_420, %swap3A_421] {strides = array<i32>} : memref<4x128x32xf32, #tpu.memory_space<vmem>>, vector<1x1x16xf32>,
        %swap3A_423 = vector.shape_cast %swap3A_422 : vector<1x1x16xf32> to vector<16xf32>
        %swap3A_424 = vector.shape_cast %mul3A_417 : vector<16xf32> to vector<1x1x16xf32>
        tpu.vector_store %arg10[%swap3A_419, %swap3A_420, %swap3A_421], %swap3A_424 {strides = array<i32>} : memref<4x128x32xf32, #tpu.memory_space<vmem>>, vector<1x1x16xf32>,
        %get3A_425 = arith.constant 1 : i32
        %get3A_426 = arith.index_cast %get3A_425 : i32 to index
        %get3A_427 = arith.index_cast %add3A_407 : i32 to index
        %get3A_428 = arith.constant 16 : index
        %get3A_429 = tpu.vector_load %arg10[%get3A_426, %get3A_427, %get3A_428] {strides = array<i32>} : memref<4x128x32xf32, #tpu.memory_space<vmem>>, vector<1x1x16xf32>,
        %get3A_430 = vector.shape_cast %get3A_429 : vector<1x1x16xf32> to vector<16xf32>
        %mul3A_431 = arith.mulf %get3A_430, %broadcast_in_dim3A_410 : vector<16xf32>
        %swap3A_432 = arith.constant 1 : i32
        %swap3A_433 = arith.index_cast %swap3A_432 : i32 to index
        %swap3A_434 = arith.index_cast %add3A_407 : i32 to index
        %swap3A_435 = arith.constant 16 : index
        %swap3A_436 = tpu.vector_load %arg10[%swap3A_433, %swap3A_434, %swap3A_435] {strides = array<i32>} : memref<4x128x32xf32, #tpu.memory_space<vmem>>, vector<1x1x16xf32>,
        %swap3A_437 = vector.shape_cast %swap3A_436 : vector<1x1x16xf32> to vector<16xf32>
        %swap3A_438 = vector.shape_cast %mul3A_431 : vector<16xf32> to vector<1x1x16xf32>
        tpu.vector_store %arg10[%swap3A_433, %swap3A_434, %swap3A_435], %swap3A_438 {strides = array<i32>} : memref<4x128x32xf32, #tpu.memory_space<vmem>>, vector<1x1x16xf32>,
        %mul3A_439 = arith.constant 16 : i32
        %mul3A_440 = arith.muli %scan3A_191, %mul3A_439 : i32
        %add3A_441 = arith.constant 7 : i32
        %add3A_442 = arith.addi %mul3A_440, %add3A_441 : i32
        %slice3A_443 = vector.extract_strided_slice %get3A_197 {offsets = [7], sizes = [1], strides = [1]} : vector<16xf32> to vector<1xf32>
        %squeeze3A_444 = vector.extract %slice3A_443[0] : f32 from vector<1xf32>
        %broadcast_in_dim3A_445 = vector.broadcast %squeeze3A_444 : f32 to vector<16xf32>
        %get3A_446 = arith.constant 1 : i32
        %get3A_447 = arith.index_cast %get3A_446 : i32 to index
        %get3A_448 = arith.index_cast %add3A_442 : i32 to index
        %get3A_449 = arith.constant 0 : index
        %get3A_450 = tpu.vector_load %arg10[%get3A_447, %get3A_448, %get3A_449] {strides = array<i32>} : memref<4x128x32xf32, #tpu.memory_space<vmem>>, vector<1x1x16xf32>,
        %get3A_451 = vector.shape_cast %get3A_450 : vector<1x1x16xf32> to vector<16xf32>
        %mul3A_452 = arith.mulf %get3A_451, %broadcast_in_dim3A_445 : vector<16xf32>
        %swap3A_453 = arith.constant 1 : i32
        %swap3A_454 = arith.index_cast %swap3A_453 : i32 to index
        %swap3A_455 = arith.index_cast %add3A_442 : i32 to index
        %swap3A_456 = arith.constant 0 : index
        %swap3A_457 = tpu.vector_load %arg10[%swap3A_454, %swap3A_455, %swap3A_456] {strides = array<i32>} : memref<4x128x32xf32, #tpu.memory_space<vmem>>, vector<1x1x16xf32>,
        %swap3A_458 = vector.shape_cast %swap3A_457 : vector<1x1x16xf32> to vector<16xf32>
        %swap3A_459 = vector.shape_cast %mul3A_452 : vector<16xf32> to vector<1x1x16xf32>
        tpu.vector_store %arg10[%swap3A_454, %swap3A_455, %swap3A_456], %swap3A_459 {strides = array<i32>} : memref<4x128x32xf32, #tpu.memory_space<vmem>>, vector<1x1x16xf32>,
        %get3A_460 = arith.constant 1 : i32
        %get3A_461 = arith.index_cast %get3A_460 : i32 to index
        %get3A_462 = arith.index_cast %add3A_442 : i32 to index
        %get3A_463 = arith.constant 16 : index
        %get3A_464 = tpu.vector_load %arg10[%get3A_461, %get3A_462, %get3A_463] {strides = array<i32>} : memref<4x128x32xf32, #tpu.memory_space<vmem>>, vector<1x1x16xf32>,
        %get3A_465 = vector.shape_cast %get3A_464 : vector<1x1x16xf32> to vector<16xf32>
        %mul3A_466 = arith.mulf %get3A_465, %broadcast_in_dim3A_445 : vector<16xf32>
        %swap3A_467 = arith.constant 1 : i32
        %swap3A_468 = arith.index_cast %swap3A_467 : i32 to index
        %swap3A_469 = arith.index_cast %add3A_442 : i32 to index
        %swap3A_470 = arith.constant 16 : index
        %swap3A_471 = tpu.vector_load %arg10[%swap3A_468, %swap3A_469, %swap3A_470] {strides = array<i32>} : memref<4x128x32xf32, #tpu.memory_space<vmem>>, vector<1x1x16xf32>,
        %swap3A_472 = vector.shape_cast %swap3A_471 : vector<1x1x16xf32> to vector<16xf32>
        %swap3A_473 = vector.shape_cast %mul3A_466 : vector<16xf32> to vector<1x1x16xf32>
        tpu.vector_store %arg10[%swap3A_468, %swap3A_469, %swap3A_470], %swap3A_473 {strides = array<i32>} : memref<4x128x32xf32, #tpu.memory_space<vmem>>, vector<1x1x16xf32>,
        %mul3A_474 = arith.constant 16 : i32
        %mul3A_475 = arith.muli %scan3A_191, %mul3A_474 : i32
        %add3A_476 = arith.constant 8 : i32
        %add3A_477 = arith.addi %mul3A_475, %add3A_476 : i32
        %slice3A_478 = vector.extract_strided_slice %get3A_197 {offsets = [8], sizes = [1], strides = [1]} : vector<16xf32> to vector<1xf32>
        %squeeze3A_479 = vector.extract %slice3A_478[0] : f32 from vector<1xf32>
        %broadcast_in_dim3A_480 = vector.broadcast %squeeze3A_479 : f32 to vector<16xf32>
        %get3A_481 = arith.constant 1 : i32
        %get3A_482 = arith.index_cast %get3A_481 : i32 to index
        %get3A_483 = arith.index_cast %add3A_477 : i32 to index
        %get3A_484 = arith.constant 0 : index
        %get3A_485 = tpu.vector_load %arg10[%get3A_482, %get3A_483, %get3A_484] {strides = array<i32>} : memref<4x128x32xf32, #tpu.memory_space<vmem>>, vector<1x1x16xf32>,
        %get3A_486 = vector.shape_cast %get3A_485 : vector<1x1x16xf32> to vector<16xf32>
        %mul3A_487 = arith.mulf %get3A_486, %broadcast_in_dim3A_480 : vector<16xf32>
        %swap3A_488 = arith.constant 1 : i32
        %swap3A_489 = arith.index_cast %swap3A_488 : i32 to index
        %swap3A_490 = arith.index_cast %add3A_477 : i32 to index
        %swap3A_491 = arith.constant 0 : index
        %swap3A_492 = tpu.vector_load %arg10[%swap3A_489, %swap3A_490, %swap3A_491] {strides = array<i32>} : memref<4x128x32xf32, #tpu.memory_space<vmem>>, vector<1x1x16xf32>,
        %swap3A_493 = vector.shape_cast %swap3A_492 : vector<1x1x16xf32> to vector<16xf32>
        %swap3A_494 = vector.shape_cast %mul3A_487 : vector<16xf32> to vector<1x1x16xf32>
        tpu.vector_store %arg10[%swap3A_489, %swap3A_490, %swap3A_491], %swap3A_494 {strides = array<i32>} : memref<4x128x32xf32, #tpu.memory_space<vmem>>, vector<1x1x16xf32>,
        %get3A_495 = arith.constant 1 : i32
        %get3A_496 = arith.index_cast %get3A_495 : i32 to index
        %get3A_497 = arith.index_cast %add3A_477 : i32 to index
        %get3A_498 = arith.constant 16 : index
        %get3A_499 = tpu.vector_load %arg10[%get3A_496, %get3A_497, %get3A_498] {strides = array<i32>} : memref<4x128x32xf32, #tpu.memory_space<vmem>>, vector<1x1x16xf32>,
        %get3A_500 = vector.shape_cast %get3A_499 : vector<1x1x16xf32> to vector<16xf32>
        %mul3A_501 = arith.mulf %get3A_500, %broadcast_in_dim3A_480 : vector<16xf32>
        %swap3A_502 = arith.constant 1 : i32
        %swap3A_503 = arith.index_cast %swap3A_502 : i32 to index
        %swap3A_504 = arith.index_cast %add3A_477 : i32 to index
        %swap3A_505 = arith.constant 16 : index
        %swap3A_506 = tpu.vector_load %arg10[%swap3A_503, %swap3A_504, %swap3A_505] {strides = array<i32>} : memref<4x128x32xf32, #tpu.memory_space<vmem>>, vector<1x1x16xf32>,
        %swap3A_507 = vector.shape_cast %swap3A_506 : vector<1x1x16xf32> to vector<16xf32>
        %swap3A_508 = vector.shape_cast %mul3A_501 : vector<16xf32> to vector<1x1x16xf32>
        tpu.vector_store %arg10[%swap3A_503, %swap3A_504, %swap3A_505], %swap3A_508 {strides = array<i32>} : memref<4x128x32xf32, #tpu.memory_space<vmem>>, vector<1x1x16xf32>,
        %mul3A_509 = arith.constant 16 : i32
        %mul3A_510 = arith.muli %scan3A_191, %mul3A_509 : i32
        %add3A_511 = arith.constant 9 : i32
        %add3A_512 = arith.addi %mul3A_510, %add3A_511 : i32
        %slice3A_513 = vector.extract_strided_slice %get3A_197 {offsets = [9], sizes = [1], strides = [1]} : vector<16xf32> to vector<1xf32>
        %squeeze3A_514 = vector.extract %slice3A_513[0] : f32 from vector<1xf32>
        %broadcast_in_dim3A_515 = vector.broadcast %squeeze3A_514 : f32 to vector<16xf32>
        %get3A_516 = arith.constant 1 : i32
        %get3A_517 = arith.index_cast %get3A_516 : i32 to index
        %get3A_518 = arith.index_cast %add3A_512 : i32 to index
        %get3A_519 = arith.constant 0 : index
        %get3A_520 = tpu.vector_load %arg10[%get3A_517, %get3A_518, %get3A_519] {strides = array<i32>} : memref<4x128x32xf32, #tpu.memory_space<vmem>>, vector<1x1x16xf32>,
        %get3A_521 = vector.shape_cast %get3A_520 : vector<1x1x16xf32> to vector<16xf32>
        %mul3A_522 = arith.mulf %get3A_521, %broadcast_in_dim3A_515 : vector<16xf32>
        %swap3A_523 = arith.constant 1 : i32
        %swap3A_524 = arith.index_cast %swap3A_523 : i32 to index
        %swap3A_525 = arith.index_cast %add3A_512 : i32 to index
        %swap3A_526 = arith.constant 0 : index
        %swap3A_527 = tpu.vector_load %arg10[%swap3A_524, %swap3A_525, %swap3A_526] {strides = array<i32>} : memref<4x128x32xf32, #tpu.memory_space<vmem>>, vector<1x1x16xf32>,
        %swap3A_528 = vector.shape_cast %swap3A_527 : vector<1x1x16xf32> to vector<16xf32>
        %swap3A_529 = vector.shape_cast %mul3A_522 : vector<16xf32> to vector<1x1x16xf32>
        tpu.vector_store %arg10[%swap3A_524, %swap3A_525, %swap3A_526], %swap3A_529 {strides = array<i32>} : memref<4x128x32xf32, #tpu.memory_space<vmem>>, vector<1x1x16xf32>,
        %get3A_530 = arith.constant 1 : i32
        %get3A_531 = arith.index_cast %get3A_530 : i32 to index
        %get3A_532 = arith.index_cast %add3A_512 : i32 to index
        %get3A_533 = arith.constant 16 : index
        %get3A_534 = tpu.vector_load %arg10[%get3A_531, %get3A_532, %get3A_533] {strides = array<i32>} : memref<4x128x32xf32, #tpu.memory_space<vmem>>, vector<1x1x16xf32>,
        %get3A_535 = vector.shape_cast %get3A_534 : vector<1x1x16xf32> to vector<16xf32>
        %mul3A_536 = arith.mulf %get3A_535, %broadcast_in_dim3A_515 : vector<16xf32>
        %swap3A_537 = arith.constant 1 : i32
        %swap3A_538 = arith.index_cast %swap3A_537 : i32 to index
        %swap3A_539 = arith.index_cast %add3A_512 : i32 to index
        %swap3A_540 = arith.constant 16 : index
        %swap3A_541 = tpu.vector_load %arg10[%swap3A_538, %swap3A_539, %swap3A_540] {strides = array<i32>} : memref<4x128x32xf32, #tpu.memory_space<vmem>>, vector<1x1x16xf32>,
        %swap3A_542 = vector.shape_cast %swap3A_541 : vector<1x1x16xf32> to vector<16xf32>
        %swap3A_543 = vector.shape_cast %mul3A_536 : vector<16xf32> to vector<1x1x16xf32>
        tpu.vector_store %arg10[%swap3A_538, %swap3A_539, %swap3A_540], %swap3A_543 {strides = array<i32>} : memref<4x128x32xf32, #tpu.memory_space<vmem>>, vector<1x1x16xf32>,
        %mul3A_544 = arith.constant 16 : i32
        %mul3A_545 = arith.muli %scan3A_191, %mul3A_544 : i32
        %add3A_546 = arith.constant 10 : i32
        %add3A_547 = arith.addi %mul3A_545, %add3A_546 : i32
        %slice3A_548 = vector.extract_strided_slice %get3A_197 {offsets = [10], sizes = [1], strides = [1]} : vector<16xf32> to vector<1xf32>
        %squeeze3A_549 = vector.extract %slice3A_548[0] : f32 from vector<1xf32>
        %broadcast_in_dim3A_550 = vector.broadcast %squeeze3A_549 : f32 to vector<16xf32>
        %get3A_551 = arith.constant 1 : i32
        %get3A_552 = arith.index_cast %get3A_551 : i32 to index
        %get3A_553 = arith.index_cast %add3A_547 : i32 to index
        %get3A_554 = arith.constant 0 : index
        %get3A_555 = tpu.vector_load %arg10[%get3A_552, %get3A_553, %get3A_554] {strides = array<i32>} : memref<4x128x32xf32, #tpu.memory_space<vmem>>, vector<1x1x16xf32>,
        %get3A_556 = vector.shape_cast %get3A_555 : vector<1x1x16xf32> to vector<16xf32>
        %mul3A_557 = arith.mulf %get3A_556, %broadcast_in_dim3A_550 : vector<16xf32>
        %swap3A_558 = arith.constant 1 : i32
        %swap3A_559 = arith.index_cast %swap3A_558 : i32 to index
        %swap3A_560 = arith.index_cast %add3A_547 : i32 to index
        %swap3A_561 = arith.constant 0 : index
        %swap3A_562 = tpu.vector_load %arg10[%swap3A_559, %swap3A_560, %swap3A_561] {strides = array<i32>} : memref<4x128x32xf32, #tpu.memory_space<vmem>>, vector<1x1x16xf32>,
        %swap3A_563 = vector.shape_cast %swap3A_562 : vector<1x1x16xf32> to vector<16xf32>
        %swap3A_564 = vector.shape_cast %mul3A_557 : vector<16xf32> to vector<1x1x16xf32>
        tpu.vector_store %arg10[%swap3A_559, %swap3A_560, %swap3A_561], %swap3A_564 {strides = array<i32>} : memref<4x128x32xf32, #tpu.memory_space<vmem>>, vector<1x1x16xf32>,
        %get3A_565 = arith.constant 1 : i32
        %get3A_566 = arith.index_cast %get3A_565 : i32 to index
        %get3A_567 = arith.index_cast %add3A_547 : i32 to index
        %get3A_568 = arith.constant 16 : index
        %get3A_569 = tpu.vector_load %arg10[%get3A_566, %get3A_567, %get3A_568] {strides = array<i32>} : memref<4x128x32xf32, #tpu.memory_space<vmem>>, vector<1x1x16xf32>,
        %get3A_570 = vector.shape_cast %get3A_569 : vector<1x1x16xf32> to vector<16xf32>
        %mul3A_571 = arith.mulf %get3A_570, %broadcast_in_dim3A_550 : vector<16xf32>
        %swap3A_572 = arith.constant 1 : i32
        %swap3A_573 = arith.index_cast %swap3A_572 : i32 to index
        %swap3A_574 = arith.index_cast %add3A_547 : i32 to index
        %swap3A_575 = arith.constant 16 : index
        %swap3A_576 = tpu.vector_load %arg10[%swap3A_573, %swap3A_574, %swap3A_575] {strides = array<i32>} : memref<4x128x32xf32, #tpu.memory_space<vmem>>, vector<1x1x16xf32>,
        %swap3A_577 = vector.shape_cast %swap3A_576 : vector<1x1x16xf32> to vector<16xf32>
        %swap3A_578 = vector.shape_cast %mul3A_571 : vector<16xf32> to vector<1x1x16xf32>
        tpu.vector_store %arg10[%swap3A_573, %swap3A_574, %swap3A_575], %swap3A_578 {strides = array<i32>} : memref<4x128x32xf32, #tpu.memory_space<vmem>>, vector<1x1x16xf32>,
        %mul3A_579 = arith.constant 16 : i32
        %mul3A_580 = arith.muli %scan3A_191, %mul3A_579 : i32
        %add3A_581 = arith.constant 11 : i32
        %add3A_582 = arith.addi %mul3A_580, %add3A_581 : i32
        %slice3A_583 = vector.extract_strided_slice %get3A_197 {offsets = [11], sizes = [1], strides = [1]} : vector<16xf32> to vector<1xf32>
        %squeeze3A_584 = vector.extract %slice3A_583[0] : f32 from vector<1xf32>
        %broadcast_in_dim3A_585 = vector.broadcast %squeeze3A_584 : f32 to vector<16xf32>
        %get3A_586 = arith.constant 1 : i32
        %get3A_587 = arith.index_cast %get3A_586 : i32 to index
        %get3A_588 = arith.index_cast %add3A_582 : i32 to index
        %get3A_589 = arith.constant 0 : index
        %get3A_590 = tpu.vector_load %arg10[%get3A_587, %get3A_588, %get3A_589] {strides = array<i32>} : memref<4x128x32xf32, #tpu.memory_space<vmem>>, vector<1x1x16xf32>,
        %get3A_591 = vector.shape_cast %get3A_590 : vector<1x1x16xf32> to vector<16xf32>
        %mul3A_592 = arith.mulf %get3A_591, %broadcast_in_dim3A_585 : vector<16xf32>
        %swap3A_593 = arith.constant 1 : i32
        %swap3A_594 = arith.index_cast %swap3A_593 : i32 to index
        %swap3A_595 = arith.index_cast %add3A_582 : i32 to index
        %swap3A_596 = arith.constant 0 : index
        %swap3A_597 = tpu.vector_load %arg10[%swap3A_594, %swap3A_595, %swap3A_596] {strides = array<i32>} : memref<4x128x32xf32, #tpu.memory_space<vmem>>, vector<1x1x16xf32>,
        %swap3A_598 = vector.shape_cast %swap3A_597 : vector<1x1x16xf32> to vector<16xf32>
        %swap3A_599 = vector.shape_cast %mul3A_592 : vector<16xf32> to vector<1x1x16xf32>
        tpu.vector_store %arg10[%swap3A_594, %swap3A_595, %swap3A_596], %swap3A_599 {strides = array<i32>} : memref<4x128x32xf32, #tpu.memory_space<vmem>>, vector<1x1x16xf32>,
        %get3A_600 = arith.constant 1 : i32
        %get3A_601 = arith.index_cast %get3A_600 : i32 to index
        %get3A_602 = arith.index_cast %add3A_582 : i32 to index
        %get3A_603 = arith.constant 16 : index
        %get3A_604 = tpu.vector_load %arg10[%get3A_601, %get3A_602, %get3A_603] {strides = array<i32>} : memref<4x128x32xf32, #tpu.memory_space<vmem>>, vector<1x1x16xf32>,
        %get3A_605 = vector.shape_cast %get3A_604 : vector<1x1x16xf32> to vector<16xf32>
        %mul3A_606 = arith.mulf %get3A_605, %broadcast_in_dim3A_585 : vector<16xf32>
        %swap3A_607 = arith.constant 1 : i32
        %swap3A_608 = arith.index_cast %swap3A_607 : i32 to index
        %swap3A_609 = arith.index_cast %add3A_582 : i32 to index
        %swap3A_610 = arith.constant 16 : index
        %swap3A_611 = tpu.vector_load %arg10[%swap3A_608, %swap3A_609, %swap3A_610] {strides = array<i32>} : memref<4x128x32xf32, #tpu.memory_space<vmem>>, vector<1x1x16xf32>,
        %swap3A_612 = vector.shape_cast %swap3A_611 : vector<1x1x16xf32> to vector<16xf32>
        %swap3A_613 = vector.shape_cast %mul3A_606 : vector<16xf32> to vector<1x1x16xf32>
        tpu.vector_store %arg10[%swap3A_608, %swap3A_609, %swap3A_610], %swap3A_613 {strides = array<i32>} : memref<4x128x32xf32, #tpu.memory_space<vmem>>, vector<1x1x16xf32>,
        %mul3A_614 = arith.constant 16 : i32
        %mul3A_615 = arith.muli %scan3A_191, %mul3A_614 : i32
        %add3A_616 = arith.constant 12 : i32
        %add3A_617 = arith.addi %mul3A_615, %add3A_616 : i32
        %slice3A_618 = vector.extract_strided_slice %get3A_197 {offsets = [12], sizes = [1], strides = [1]} : vector<16xf32> to vector<1xf32>
        %squeeze3A_619 = vector.extract %slice3A_618[0] : f32 from vector<1xf32>
        %broadcast_in_dim3A_620 = vector.broadcast %squeeze3A_619 : f32 to vector<16xf32>
        %get3A_621 = arith.constant 1 : i32
        %get3A_622 = arith.index_cast %get3A_621 : i32 to index
        %get3A_623 = arith.index_cast %add3A_617 : i32 to index
        %get3A_624 = arith.constant 0 : index
        %get3A_625 = tpu.vector_load %arg10[%get3A_622, %get3A_623, %get3A_624] {strides = array<i32>} : memref<4x128x32xf32, #tpu.memory_space<vmem>>, vector<1x1x16xf32>,
        %get3A_626 = vector.shape_cast %get3A_625 : vector<1x1x16xf32> to vector<16xf32>
        %mul3A_627 = arith.mulf %get3A_626, %broadcast_in_dim3A_620 : vector<16xf32>
        %swap3A_628 = arith.constant 1 : i32
        %swap3A_629 = arith.index_cast %swap3A_628 : i32 to index
        %swap3A_630 = arith.index_cast %add3A_617 : i32 to index
        %swap3A_631 = arith.constant 0 : index
        %swap3A_632 = tpu.vector_load %arg10[%swap3A_629, %swap3A_630, %swap3A_631] {strides = array<i32>} : memref<4x128x32xf32, #tpu.memory_space<vmem>>, vector<1x1x16xf32>,
        %swap3A_633 = vector.shape_cast %swap3A_632 : vector<1x1x16xf32> to vector<16xf32>
        %swap3A_634 = vector.shape_cast %mul3A_627 : vector<16xf32> to vector<1x1x16xf32>
        tpu.vector_store %arg10[%swap3A_629, %swap3A_630, %swap3A_631], %swap3A_634 {strides = array<i32>} : memref<4x128x32xf32, #tpu.memory_space<vmem>>, vector<1x1x16xf32>,
        %get3A_635 = arith.constant 1 : i32
        %get3A_636 = arith.index_cast %get3A_635 : i32 to index
        %get3A_637 = arith.index_cast %add3A_617 : i32 to index
        %get3A_638 = arith.constant 16 : index
        %get3A_639 = tpu.vector_load %arg10[%get3A_636, %get3A_637, %get3A_638] {strides = array<i32>} : memref<4x128x32xf32, #tpu.memory_space<vmem>>, vector<1x1x16xf32>,
        %get3A_640 = vector.shape_cast %get3A_639 : vector<1x1x16xf32> to vector<16xf32>
        %mul3A_641 = arith.mulf %get3A_640, %broadcast_in_dim3A_620 : vector<16xf32>
        %swap3A_642 = arith.constant 1 : i32
        %swap3A_643 = arith.index_cast %swap3A_642 : i32 to index
        %swap3A_644 = arith.index_cast %add3A_617 : i32 to index
        %swap3A_645 = arith.constant 16 : index
        %swap3A_646 = tpu.vector_load %arg10[%swap3A_643, %swap3A_644, %swap3A_645] {strides = array<i32>} : memref<4x128x32xf32, #tpu.memory_space<vmem>>, vector<1x1x16xf32>,
        %swap3A_647 = vector.shape_cast %swap3A_646 : vector<1x1x16xf32> to vector<16xf32>
        %swap3A_648 = vector.shape_cast %mul3A_641 : vector<16xf32> to vector<1x1x16xf32>
        tpu.vector_store %arg10[%swap3A_643, %swap3A_644, %swap3A_645], %swap3A_648 {strides = array<i32>} : memref<4x128x32xf32, #tpu.memory_space<vmem>>, vector<1x1x16xf32>,
        %mul3A_649 = arith.constant 16 : i32
        %mul3A_650 = arith.muli %scan3A_191, %mul3A_649 : i32
        %add3A_651 = arith.constant 13 : i32
        %add3A_652 = arith.addi %mul3A_650, %add3A_651 : i32
        %slice3A_653 = vector.extract_strided_slice %get3A_197 {offsets = [13], sizes = [1], strides = [1]} : vector<16xf32> to vector<1xf32>
        %squeeze3A_654 = vector.extract %slice3A_653[0] : f32 from vector<1xf32>
        %broadcast_in_dim3A_655 = vector.broadcast %squeeze3A_654 : f32 to vector<16xf32>
        %get3A_656 = arith.constant 1 : i32
        %get3A_657 = arith.index_cast %get3A_656 : i32 to index
        %get3A_658 = arith.index_cast %add3A_652 : i32 to index
        %get3A_659 = arith.constant 0 : index
        %get3A_660 = tpu.vector_load %arg10[%get3A_657, %get3A_658, %get3A_659] {strides = array<i32>} : memref<4x128x32xf32, #tpu.memory_space<vmem>>, vector<1x1x16xf32>,
        %get3A_661 = vector.shape_cast %get3A_660 : vector<1x1x16xf32> to vector<16xf32>
        %mul3A_662 = arith.mulf %get3A_661, %broadcast_in_dim3A_655 : vector<16xf32>
        %swap3A_663 = arith.constant 1 : i32
        %swap3A_664 = arith.index_cast %swap3A_663 : i32 to index
        %swap3A_665 = arith.index_cast %add3A_652 : i32 to index
        %swap3A_666 = arith.constant 0 : index
        %swap3A_667 = tpu.vector_load %arg10[%swap3A_664, %swap3A_665, %swap3A_666] {strides = array<i32>} : memref<4x128x32xf32, #tpu.memory_space<vmem>>, vector<1x1x16xf32>,
        %swap3A_668 = vector.shape_cast %swap3A_667 : vector<1x1x16xf32> to vector<16xf32>
        %swap3A_669 = vector.shape_cast %mul3A_662 : vector<16xf32> to vector<1x1x16xf32>
        tpu.vector_store %arg10[%swap3A_664, %swap3A_665, %swap3A_666], %swap3A_669 {strides = array<i32>} : memref<4x128x32xf32, #tpu.memory_space<vmem>>, vector<1x1x16xf32>,
        %get3A_670 = arith.constant 1 : i32
        %get3A_671 = arith.index_cast %get3A_670 : i32 to index
        %get3A_672 = arith.index_cast %add3A_652 : i32 to index
        %get3A_673 = arith.constant 16 : index
        %get3A_674 = tpu.vector_load %arg10[%get3A_671, %get3A_672, %get3A_673] {strides = array<i32>} : memref<4x128x32xf32, #tpu.memory_space<vmem>>, vector<1x1x16xf32>,
        %get3A_675 = vector.shape_cast %get3A_674 : vector<1x1x16xf32> to vector<16xf32>
        %mul3A_676 = arith.mulf %get3A_675, %broadcast_in_dim3A_655 : vector<16xf32>
        %swap3A_677 = arith.constant 1 : i32
        %swap3A_678 = arith.index_cast %swap3A_677 : i32 to index
        %swap3A_679 = arith.index_cast %add3A_652 : i32 to index
        %swap3A_680 = arith.constant 16 : index
        %swap3A_681 = tpu.vector_load %arg10[%swap3A_678, %swap3A_679, %swap3A_680] {strides = array<i32>} : memref<4x128x32xf32, #tpu.memory_space<vmem>>, vector<1x1x16xf32>,
        %swap3A_682 = vector.shape_cast %swap3A_681 : vector<1x1x16xf32> to vector<16xf32>
        %swap3A_683 = vector.shape_cast %mul3A_676 : vector<16xf32> to vector<1x1x16xf32>
        tpu.vector_store %arg10[%swap3A_678, %swap3A_679, %swap3A_680], %swap3A_683 {strides = array<i32>} : memref<4x128x32xf32, #tpu.memory_space<vmem>>, vector<1x1x16xf32>,
        %mul3A_684 = arith.constant 16 : i32
        %mul3A_685 = arith.muli %scan3A_191, %mul3A_684 : i32
        %add3A_686 = arith.constant 14 : i32
        %add3A_687 = arith.addi %mul3A_685, %add3A_686 : i32
        %slice3A_688 = vector.extract_strided_slice %get3A_197 {offsets = [14], sizes = [1], strides = [1]} : vector<16xf32> to vector<1xf32>
        %squeeze3A_689 = vector.extract %slice3A_688[0] : f32 from vector<1xf32>
        %broadcast_in_dim3A_690 = vector.broadcast %squeeze3A_689 : f32 to vector<16xf32>
        %get3A_691 = arith.constant 1 : i32
        %get3A_692 = arith.index_cast %get3A_691 : i32 to index
        %get3A_693 = arith.index_cast %add3A_687 : i32 to index
        %get3A_694 = arith.constant 0 : index
        %get3A_695 = tpu.vector_load %arg10[%get3A_692, %get3A_693, %get3A_694] {strides = array<i32>} : memref<4x128x32xf32, #tpu.memory_space<vmem>>, vector<1x1x16xf32>,
        %get3A_696 = vector.shape_cast %get3A_695 : vector<1x1x16xf32> to vector<16xf32>
        %mul3A_697 = arith.mulf %get3A_696, %broadcast_in_dim3A_690 : vector<16xf32>
        %swap3A_698 = arith.constant 1 : i32
        %swap3A_699 = arith.index_cast %swap3A_698 : i32 to index
        %swap3A_700 = arith.index_cast %add3A_687 : i32 to index
        %swap3A_701 = arith.constant 0 : index
        %swap3A_702 = tpu.vector_load %arg10[%swap3A_699, %swap3A_700, %swap3A_701] {strides = array<i32>} : memref<4x128x32xf32, #tpu.memory_space<vmem>>, vector<1x1x16xf32>,
        %swap3A_703 = vector.shape_cast %swap3A_702 : vector<1x1x16xf32> to vector<16xf32>
        %swap3A_704 = vector.shape_cast %mul3A_697 : vector<16xf32> to vector<1x1x16xf32>
        tpu.vector_store %arg10[%swap3A_699, %swap3A_700, %swap3A_701], %swap3A_704 {strides = array<i32>} : memref<4x128x32xf32, #tpu.memory_space<vmem>>, vector<1x1x16xf32>,
        %get3A_705 = arith.constant 1 : i32
        %get3A_706 = arith.index_cast %get3A_705 : i32 to index
        %get3A_707 = arith.index_cast %add3A_687 : i32 to index
        %get3A_708 = arith.constant 16 : index
        %get3A_709 = tpu.vector_load %arg10[%get3A_706, %get3A_707, %get3A_708] {strides = array<i32>} : memref<4x128x32xf32, #tpu.memory_space<vmem>>, vector<1x1x16xf32>,
        %get3A_710 = vector.shape_cast %get3A_709 : vector<1x1x16xf32> to vector<16xf32>
        %mul3A_711 = arith.mulf %get3A_710, %broadcast_in_dim3A_690 : vector<16xf32>
        %swap3A_712 = arith.constant 1 : i32
        %swap3A_713 = arith.index_cast %swap3A_712 : i32 to index
        %swap3A_714 = arith.index_cast %add3A_687 : i32 to index
        %swap3A_715 = arith.constant 16 : index
        %swap3A_716 = tpu.vector_load %arg10[%swap3A_713, %swap3A_714, %swap3A_715] {strides = array<i32>} : memref<4x128x32xf32, #tpu.memory_space<vmem>>, vector<1x1x16xf32>,
        %swap3A_717 = vector.shape_cast %swap3A_716 : vector<1x1x16xf32> to vector<16xf32>
        %swap3A_718 = vector.shape_cast %mul3A_711 : vector<16xf32> to vector<1x1x16xf32>
        tpu.vector_store %arg10[%swap3A_713, %swap3A_714, %swap3A_715], %swap3A_718 {strides = array<i32>} : memref<4x128x32xf32, #tpu.memory_space<vmem>>, vector<1x1x16xf32>,
        %mul3A_719 = arith.constant 16 : i32
        %mul3A_720 = arith.muli %scan3A_191, %mul3A_719 : i32
        %add3A_721 = arith.constant 15 : i32
        %add3A_722 = arith.addi %mul3A_720, %add3A_721 : i32
        %slice3A_723 = vector.extract_strided_slice %get3A_197 {offsets = [15], sizes = [1], strides = [1]} : vector<16xf32> to vector<1xf32>
        %squeeze3A_724 = vector.extract %slice3A_723[0] : f32 from vector<1xf32>
        %broadcast_in_dim3A_725 = vector.broadcast %squeeze3A_724 : f32 to vector<16xf32>
        %get3A_726 = arith.constant 1 : i32
        %get3A_727 = arith.index_cast %get3A_726 : i32 to index
        %get3A_728 = arith.index_cast %add3A_722 : i32 to index
        %get3A_729 = arith.constant 0 : index
        %get3A_730 = tpu.vector_load %arg10[%get3A_727, %get3A_728, %get3A_729] {strides = array<i32>} : memref<4x128x32xf32, #tpu.memory_space<vmem>>, vector<1x1x16xf32>,
        %get3A_731 = vector.shape_cast %get3A_730 : vector<1x1x16xf32> to vector<16xf32>
        %mul3A_732 = arith.mulf %get3A_731, %broadcast_in_dim3A_725 : vector<16xf32>
        %swap3A_733 = arith.constant 1 : i32
        %swap3A_734 = arith.index_cast %swap3A_733 : i32 to index
        %swap3A_735 = arith.index_cast %add3A_722 : i32 to index
        %swap3A_736 = arith.constant 0 : index
        %swap3A_737 = tpu.vector_load %arg10[%swap3A_734, %swap3A_735, %swap3A_736] {strides = array<i32>} : memref<4x128x32xf32, #tpu.memory_space<vmem>>, vector<1x1x16xf32>,
        %swap3A_738 = vector.shape_cast %swap3A_737 : vector<1x1x16xf32> to vector<16xf32>
        %swap3A_739 = vector.shape_cast %mul3A_732 : vector<16xf32> to vector<1x1x16xf32>
        tpu.vector_store %arg10[%swap3A_734, %swap3A_735, %swap3A_736], %swap3A_739 {strides = array<i32>} : memref<4x128x32xf32, #tpu.memory_space<vmem>>, vector<1x1x16xf32>,
        %get3A_740 = arith.constant 1 : i32
        %get3A_741 = arith.index_cast %get3A_740 : i32 to index
        %get3A_742 = arith.index_cast %add3A_722 : i32 to index
        %get3A_743 = arith.constant 16 : index
        %get3A_744 = tpu.vector_load %arg10[%get3A_741, %get3A_742, %get3A_743] {strides = array<i32>} : memref<4x128x32xf32, #tpu.memory_space<vmem>>, vector<1x1x16xf32>,
        %get3A_745 = vector.shape_cast %get3A_744 : vector<1x1x16xf32> to vector<16xf32>
        %mul3A_746 = arith.mulf %get3A_745, %broadcast_in_dim3A_725 : vector<16xf32>
        %swap3A_747 = arith.constant 1 : i32
        %swap3A_748 = arith.index_cast %swap3A_747 : i32 to index
        %swap3A_749 = arith.index_cast %add3A_722 : i32 to index
        %swap3A_750 = arith.constant 16 : index
        %swap3A_751 = tpu.vector_load %arg10[%swap3A_748, %swap3A_749, %swap3A_750] {strides = array<i32>} : memref<4x128x32xf32, #tpu.memory_space<vmem>>, vector<1x1x16xf32>,
        %swap3A_752 = vector.shape_cast %swap3A_751 : vector<1x1x16xf32> to vector<16xf32>
        %swap3A_753 = vector.shape_cast %mul3A_746 : vector<16xf32> to vector<1x1x16xf32>
        tpu.vector_store %arg10[%swap3A_748, %swap3A_749, %swap3A_750], %swap3A_753 {strides = array<i32>} : memref<4x128x32xf32, #tpu.memory_space<vmem>>, vector<1x1x16xf32>,
        %scan3A_754 = arith.constant 0 : i32
        scf.yield %scan3A_754 : i32
      }
      %scan3A_121 = arith.constant 8 : i32
      %run_scoped3A_122 = arith.constant 1 : i32
      "tpu.region"() ({
        %run_scoped3A_191 = tpu.sem_alloc : memref<!tpu.dma_semaphore, #tpu.memory_space<semaphore_mem>>
        %dma_start3A_192 = arith.constant 0 : i32
        %dma_start3A_193 = arith.constant 0 : i32
        %dma_start3A_194 = tpu.memref_slice %arg10[%run_scoped3A_122, %dma_start3A_192, %dma_start3A_193] : memref<4x128x32xf32, #tpu.memory_space<vmem>> -> memref<1x128x32xf32, #tpu.memory_space<vmem>>
        %dma_start3A_195 = tpu.memref_squeeze %dma_start3A_194 : memref<1x128x32xf32, #tpu.memory_space<vmem>> -> memref<128x32xf32, #tpu.memory_space<vmem>>
        %dma_start3A_196 = arith.constant 0 : i32
        %dma_start3A_197 = tpu.memref_slice %arg8[%add3A_103, %dma_start3A_196] : memref<40x128xi32, #tpu.memory_space<vmem>> -> memref<1x128xi32, #tpu.memory_space<vmem>>
        %dma_start3A_198 = tpu.memref_squeeze %dma_start3A_197 : memref<1x128xi32, #tpu.memory_space<vmem>> -> memref<128xi32, #tpu.memory_space<vmem>>
        %dma_start3A_199 = arith.constant 0 : i32
        %dma_start3A_200 = arith.constant 0 : i32
        %dma_start3A_201 = tpu.memref_slice %arg12[%dma_start3A_199, %dma_start3A_200] : memref<10240x32xf32, #tpu.memory_space<vmem_shared>> -> memref<10240x32xf32, #tpu.memory_space<vmem_shared>>
        tpu.enqueue_indirect_dma source(%dma_start3A_195 : memref<128x32xf32, #tpu.memory_space<vmem>>) target(%dma_start3A_201 : memref<10240x32xf32, #tpu.memory_space<vmem_shared>>) offsets(%dma_start3A_198 : memref<128xi32, #tpu.memory_space<vmem>>) semaphore(%run_scoped3A_191 : memref<!tpu.dma_semaphore, #tpu.memory_space<semaphore_mem>>) {add = true}
        %dma_wait3A_202 = arith.constant 0 : i32
        %dma_wait3A_203 = arith.constant 0 : i32
        %dma_wait3A_204 = tpu.memref_slice %arg10[%run_scoped3A_122, %dma_wait3A_202, %dma_wait3A_203] : memref<4x128x32xf32, #tpu.memory_space<vmem>> -> memref<1x128x32xf32, #tpu.memory_space<vmem>>
        %dma_wait3A_205 = tpu.memref_squeeze %dma_wait3A_204 : memref<1x128x32xf32, #tpu.memory_space<vmem>> -> memref<128x32xf32, #tpu.memory_space<vmem>>
        %dma_wait3A_206 = arith.constant 0 : i32
        %dma_wait3A_207 = tpu.memref_slice %arg8[%add3A_103, %dma_wait3A_206] : memref<40x128xi32, #tpu.memory_space<vmem>> -> memref<1x128xi32, #tpu.memory_space<vmem>>
        %dma_wait3A_208 = tpu.memref_squeeze %dma_wait3A_207 : memref<1x128xi32, #tpu.memory_space<vmem>> -> memref<128xi32, #tpu.memory_space<vmem>>
        %dma_wait3A_209 = arith.constant 0 : i32
        %dma_wait3A_210 = arith.constant 0 : i32
        %dma_wait3A_211 = tpu.memref_slice %arg12[%dma_wait3A_209, %dma_wait3A_210] : memref<10240x32xf32, #tpu.memory_space<vmem_shared>> -> memref<10240x32xf32, #tpu.memory_space<vmem_shared>>
        tpu.wait_indirect_dma semaphore(%run_scoped3A_191 : memref<!tpu.dma_semaphore, #tpu.memory_space<semaphore_mem>>) src(%dma_wait3A_205 : memref<128x32xf32, #tpu.memory_space<vmem>>) dst(%dma_wait3A_211 : memref<10240x32xf32, #tpu.memory_space<vmem_shared>>)
        tpu.yield
      }) : () -> ()
      %add3A_123 = arith.constant 4 : i32
      %add3A_124 = arith.addi %add3A_103, %add3A_123 : i32
      %lt3A_125 = arith.constant 40 : i32
      %lt3A_126 = arith.cmpi slt, %add3A_124, %lt3A_125 : i32
      %convert_element_type3A_127 = arith.extui %lt3A_126 : i1 to i32
      %cond3A_128 = arith.constant 0 : i32
      %cond3A_129 = arith.cmpi ne, %convert_element_type3A_127, %cond3A_128 : i32
      scf.if %cond3A_129 {
        %dma_start3A_191 = arith.constant 1 : i32
        %dma_start3A_192 = arith.constant 0 : i32
        %dma_start3A_193 = arith.constant 0 : i32
        %dma_start3A_194 = tpu.memref_slice %arg10[%dma_start3A_191, %dma_start3A_192, %dma_start3A_193] : memref<4x128x32xf32, #tpu.memory_space<vmem>> -> memref<1x128x32xf32, #tpu.memory_space<vmem>>
        %dma_start3A_195 = tpu.memref_squeeze %dma_start3A_194 : memref<1x128x32xf32, #tpu.memory_space<vmem>> -> memref<128x32xf32, #tpu.memory_space<vmem>>
        %dma_start3A_196 = arith.constant 0 : i32
        %dma_start3A_197 = tpu.memref_slice %arg7[%add3A_124, %dma_start3A_196] : memref<40x128xi32, #tpu.memory_space<vmem>> -> memref<1x128xi32, #tpu.memory_space<vmem>>
        %dma_start3A_198 = tpu.memref_squeeze %dma_start3A_197 : memref<1x128xi32, #tpu.memory_space<vmem>> -> memref<128xi32, #tpu.memory_space<vmem>>
        %dma_start3A_199 = arith.constant 0 : i32
        %dma_start3A_200 = arith.constant 0 : i32
        %dma_start3A_201 = tpu.memref_slice %arg5[%dma_start3A_199, %dma_start3A_200] : memref<10240x32xf32, #tpu.memory_space<hbm>> -> memref<10240x32xf32, #tpu.memory_space<hbm>>
        tpu.enqueue_indirect_dma source(%dma_start3A_201 : memref<10240x32xf32, #tpu.memory_space<hbm>>) target(%dma_start3A_195 : memref<128x32xf32, #tpu.memory_space<vmem>>) offsets(%dma_start3A_198 : memref<128xi32, #tpu.memory_space<vmem>>) semaphore(%arg14 : memref<!tpu.dma_semaphore, #tpu.memory_space<semaphore_mem>>)
      } else {
      }
      %mul3A_130 = arith.constant 4 : i32
      %mul3A_131 = arith.muli %scan3A_73, %mul3A_130 : i32
      %add3A_132 = arith.constant 2 : i32
      %add3A_133 = arith.addi %mul3A_131, %add3A_132 : i32
      %dma_wait3A_134 = arith.constant 2 : i32
      %dma_wait3A_135 = arith.constant 0 : i32
      %dma_wait3A_136 = arith.constant 0 : i32
      %dma_wait3A_137 = tpu.memref_slice %arg10[%dma_wait3A_134, %dma_wait3A_135, %dma_wait3A_136] : memref<4x128x32xf32, #tpu.memory_space<vmem>> -> memref<1x128x32xf32, #tpu.memory_space<vmem>>
      %dma_wait3A_138 = tpu.memref_squeeze %dma_wait3A_137 : memref<1x128x32xf32, #tpu.memory_space<vmem>> -> memref<128x32xf32, #tpu.memory_space<vmem>>
      %dma_wait3A_139 = arith.constant 0 : i32
      %dma_wait3A_140 = tpu.memref_slice %arg7[%add3A_133, %dma_wait3A_139] : memref<40x128xi32, #tpu.memory_space<vmem>> -> memref<1x128xi32, #tpu.memory_space<vmem>>
      %dma_wait3A_141 = tpu.memref_squeeze %dma_wait3A_140 : memref<1x128xi32, #tpu.memory_space<vmem>> -> memref<128xi32, #tpu.memory_space<vmem>>
      %dma_wait3A_142 = arith.constant 0 : i32
      %dma_wait3A_143 = arith.constant 0 : i32
      %dma_wait3A_144 = tpu.memref_slice %arg5[%dma_wait3A_142, %dma_wait3A_143] : memref<10240x32xf32, #tpu.memory_space<hbm>> -> memref<10240x32xf32, #tpu.memory_space<hbm>>
      tpu.wait_indirect_dma semaphore(%arg15 : memref<!tpu.dma_semaphore, #tpu.memory_space<semaphore_mem>>) src(%dma_wait3A_144 : memref<10240x32xf32, #tpu.memory_space<hbm>>) dst(%dma_wait3A_138 : memref<128x32xf32, #tpu.memory_space<vmem>>)
      %scan3A_145 = arith.constant 0 : i32
      %scan3A_146 = arith.constant 0 : i32
      %scan3A_147 = arith.constant 8 : i32
      %scan3A_148 = arith.addi %scan3A_146, %scan3A_147 : i32
      %scan3A_149 = arith.constant 1 : i32
      %scan3A_150 = scf.for %scan3A_191 = %scan3A_146 to %scan3A_148 step %scan3A_149 iter_args(%scan3A_192 = %scan3A_145) -> (i32)  : i32 {
        %mul3A_193 = arith.constant 16 : i32
        %mul3A_194 = arith.muli %scan3A_191, %mul3A_193 : i32
        %get3A = arith.index_cast %add3A_133 : i32 to index
        %get3A_195 = arith.index_cast %mul3A_194 : i32 to index
        %get3A_196 = tpu.vector_load %arg9[%get3A, %get3A_195] {strides = array<i32>} : memref<40x128xf32, #tpu.memory_space<vmem>>, vector<1x16xf32>,
        %get3A_197 = vector.shape_cast %get3A_196 : vector<1x16xf32> to vector<16xf32>
        %mul3A_198 = arith.constant 16 : i32
        %mul3A_199 = arith.muli %scan3A_191, %mul3A_198 : i32
        %add3A_200 = arith.constant 0 : i32
        %add3A_201 = arith.addi %mul3A_199, %add3A_200 : i32
        %slice3A = vector.extract_strided_slice %get3A_197 {offsets = [0], sizes = [1], strides = [1]} : vector<16xf32> to vector<1xf32>
        %squeeze3A = vector.extract %slice3A[0] : f32 from vector<1xf32>
        %broadcast_in_dim3A = vector.broadcast %squeeze3A : f32 to vector<16xf32>
        %get3A_202 = arith.constant 2 : i32
        %get3A_203 = arith.index_cast %get3A_202 : i32 to index
        %get3A_204 = arith.index_cast %add3A_201 : i32 to index
        %get3A_205 = arith.constant 0 : index
        %get3A_206 = tpu.vector_load %arg10[%get3A_203, %get3A_204, %get3A_205] {strides = array<i32>} : memref<4x128x32xf32, #tpu.memory_space<vmem>>, vector<1x1x16xf32>,
        %get3A_207 = vector.shape_cast %get3A_206 : vector<1x1x16xf32> to vector<16xf32>
        %mul3A_208 = arith.mulf %get3A_207, %broadcast_in_dim3A : vector<16xf32>
        %swap3A = arith.constant 2 : i32
        %swap3A_209 = arith.index_cast %swap3A : i32 to index
        %swap3A_210 = arith.index_cast %add3A_201 : i32 to index
        %swap3A_211 = arith.constant 0 : index
        %swap3A_212 = tpu.vector_load %arg10[%swap3A_209, %swap3A_210, %swap3A_211] {strides = array<i32>} : memref<4x128x32xf32, #tpu.memory_space<vmem>>, vector<1x1x16xf32>,
        %swap3A_213 = vector.shape_cast %swap3A_212 : vector<1x1x16xf32> to vector<16xf32>
        %swap3A_214 = vector.shape_cast %mul3A_208 : vector<16xf32> to vector<1x1x16xf32>
        tpu.vector_store %arg10[%swap3A_209, %swap3A_210, %swap3A_211], %swap3A_214 {strides = array<i32>} : memref<4x128x32xf32, #tpu.memory_space<vmem>>, vector<1x1x16xf32>,
        %get3A_215 = arith.constant 2 : i32
        %get3A_216 = arith.index_cast %get3A_215 : i32 to index
        %get3A_217 = arith.index_cast %add3A_201 : i32 to index
        %get3A_218 = arith.constant 16 : index
        %get3A_219 = tpu.vector_load %arg10[%get3A_216, %get3A_217, %get3A_218] {strides = array<i32>} : memref<4x128x32xf32, #tpu.memory_space<vmem>>, vector<1x1x16xf32>,
        %get3A_220 = vector.shape_cast %get3A_219 : vector<1x1x16xf32> to vector<16xf32>
        %mul3A_221 = arith.mulf %get3A_220, %broadcast_in_dim3A : vector<16xf32>
        %swap3A_222 = arith.constant 2 : i32
        %swap3A_223 = arith.index_cast %swap3A_222 : i32 to index
        %swap3A_224 = arith.index_cast %add3A_201 : i32 to index
        %swap3A_225 = arith.constant 16 : index
        %swap3A_226 = tpu.vector_load %arg10[%swap3A_223, %swap3A_224, %swap3A_225] {strides = array<i32>} : memref<4x128x32xf32, #tpu.memory_space<vmem>>, vector<1x1x16xf32>,
        %swap3A_227 = vector.shape_cast %swap3A_226 : vector<1x1x16xf32> to vector<16xf32>
        %swap3A_228 = vector.shape_cast %mul3A_221 : vector<16xf32> to vector<1x1x16xf32>
        tpu.vector_store %arg10[%swap3A_223, %swap3A_224, %swap3A_225], %swap3A_228 {strides = array<i32>} : memref<4x128x32xf32, #tpu.memory_space<vmem>>, vector<1x1x16xf32>,
        %mul3A_229 = arith.constant 16 : i32
        %mul3A_230 = arith.muli %scan3A_191, %mul3A_229 : i32
        %add3A_231 = arith.constant 1 : i32
        %add3A_232 = arith.addi %mul3A_230, %add3A_231 : i32
        %slice3A_233 = vector.extract_strided_slice %get3A_197 {offsets = [1], sizes = [1], strides = [1]} : vector<16xf32> to vector<1xf32>
        %squeeze3A_234 = vector.extract %slice3A_233[0] : f32 from vector<1xf32>
        %broadcast_in_dim3A_235 = vector.broadcast %squeeze3A_234 : f32 to vector<16xf32>
        %get3A_236 = arith.constant 2 : i32
        %get3A_237 = arith.index_cast %get3A_236 : i32 to index
        %get3A_238 = arith.index_cast %add3A_232 : i32 to index
        %get3A_239 = arith.constant 0 : index
        %get3A_240 = tpu.vector_load %arg10[%get3A_237, %get3A_238, %get3A_239] {strides = array<i32>} : memref<4x128x32xf32, #tpu.memory_space<vmem>>, vector<1x1x16xf32>,
        %get3A_241 = vector.shape_cast %get3A_240 : vector<1x1x16xf32> to vector<16xf32>
        %mul3A_242 = arith.mulf %get3A_241, %broadcast_in_dim3A_235 : vector<16xf32>
        %swap3A_243 = arith.constant 2 : i32
        %swap3A_244 = arith.index_cast %swap3A_243 : i32 to index
        %swap3A_245 = arith.index_cast %add3A_232 : i32 to index
        %swap3A_246 = arith.constant 0 : index
        %swap3A_247 = tpu.vector_load %arg10[%swap3A_244, %swap3A_245, %swap3A_246] {strides = array<i32>} : memref<4x128x32xf32, #tpu.memory_space<vmem>>, vector<1x1x16xf32>,
        %swap3A_248 = vector.shape_cast %swap3A_247 : vector<1x1x16xf32> to vector<16xf32>
        %swap3A_249 = vector.shape_cast %mul3A_242 : vector<16xf32> to vector<1x1x16xf32>
        tpu.vector_store %arg10[%swap3A_244, %swap3A_245, %swap3A_246], %swap3A_249 {strides = array<i32>} : memref<4x128x32xf32, #tpu.memory_space<vmem>>, vector<1x1x16xf32>,
        %get3A_250 = arith.constant 2 : i32
        %get3A_251 = arith.index_cast %get3A_250 : i32 to index
        %get3A_252 = arith.index_cast %add3A_232 : i32 to index
        %get3A_253 = arith.constant 16 : index
        %get3A_254 = tpu.vector_load %arg10[%get3A_251, %get3A_252, %get3A_253] {strides = array<i32>} : memref<4x128x32xf32, #tpu.memory_space<vmem>>, vector<1x1x16xf32>,
        %get3A_255 = vector.shape_cast %get3A_254 : vector<1x1x16xf32> to vector<16xf32>
        %mul3A_256 = arith.mulf %get3A_255, %broadcast_in_dim3A_235 : vector<16xf32>
        %swap3A_257 = arith.constant 2 : i32
        %swap3A_258 = arith.index_cast %swap3A_257 : i32 to index
        %swap3A_259 = arith.index_cast %add3A_232 : i32 to index
        %swap3A_260 = arith.constant 16 : index
        %swap3A_261 = tpu.vector_load %arg10[%swap3A_258, %swap3A_259, %swap3A_260] {strides = array<i32>} : memref<4x128x32xf32, #tpu.memory_space<vmem>>, vector<1x1x16xf32>,
        %swap3A_262 = vector.shape_cast %swap3A_261 : vector<1x1x16xf32> to vector<16xf32>
        %swap3A_263 = vector.shape_cast %mul3A_256 : vector<16xf32> to vector<1x1x16xf32>
        tpu.vector_store %arg10[%swap3A_258, %swap3A_259, %swap3A_260], %swap3A_263 {strides = array<i32>} : memref<4x128x32xf32, #tpu.memory_space<vmem>>, vector<1x1x16xf32>,
        %mul3A_264 = arith.constant 16 : i32
        %mul3A_265 = arith.muli %scan3A_191, %mul3A_264 : i32
        %add3A_266 = arith.constant 2 : i32
        %add3A_267 = arith.addi %mul3A_265, %add3A_266 : i32
        %slice3A_268 = vector.extract_strided_slice %get3A_197 {offsets = [2], sizes = [1], strides = [1]} : vector<16xf32> to vector<1xf32>
        %squeeze3A_269 = vector.extract %slice3A_268[0] : f32 from vector<1xf32>
        %broadcast_in_dim3A_270 = vector.broadcast %squeeze3A_269 : f32 to vector<16xf32>
        %get3A_271 = arith.constant 2 : i32
        %get3A_272 = arith.index_cast %get3A_271 : i32 to index
        %get3A_273 = arith.index_cast %add3A_267 : i32 to index
        %get3A_274 = arith.constant 0 : index
        %get3A_275 = tpu.vector_load %arg10[%get3A_272, %get3A_273, %get3A_274] {strides = array<i32>} : memref<4x128x32xf32, #tpu.memory_space<vmem>>, vector<1x1x16xf32>,
        %get3A_276 = vector.shape_cast %get3A_275 : vector<1x1x16xf32> to vector<16xf32>
        %mul3A_277 = arith.mulf %get3A_276, %broadcast_in_dim3A_270 : vector<16xf32>
        %swap3A_278 = arith.constant 2 : i32
        %swap3A_279 = arith.index_cast %swap3A_278 : i32 to index
        %swap3A_280 = arith.index_cast %add3A_267 : i32 to index
        %swap3A_281 = arith.constant 0 : index
        %swap3A_282 = tpu.vector_load %arg10[%swap3A_279, %swap3A_280, %swap3A_281] {strides = array<i32>} : memref<4x128x32xf32, #tpu.memory_space<vmem>>, vector<1x1x16xf32>,
        %swap3A_283 = vector.shape_cast %swap3A_282 : vector<1x1x16xf32> to vector<16xf32>
        %swap3A_284 = vector.shape_cast %mul3A_277 : vector<16xf32> to vector<1x1x16xf32>
        tpu.vector_store %arg10[%swap3A_279, %swap3A_280, %swap3A_281], %swap3A_284 {strides = array<i32>} : memref<4x128x32xf32, #tpu.memory_space<vmem>>, vector<1x1x16xf32>,
        %get3A_285 = arith.constant 2 : i32
        %get3A_286 = arith.index_cast %get3A_285 : i32 to index
        %get3A_287 = arith.index_cast %add3A_267 : i32 to index
        %get3A_288 = arith.constant 16 : index
        %get3A_289 = tpu.vector_load %arg10[%get3A_286, %get3A_287, %get3A_288] {strides = array<i32>} : memref<4x128x32xf32, #tpu.memory_space<vmem>>, vector<1x1x16xf32>,
        %get3A_290 = vector.shape_cast %get3A_289 : vector<1x1x16xf32> to vector<16xf32>
        %mul3A_291 = arith.mulf %get3A_290, %broadcast_in_dim3A_270 : vector<16xf32>
        %swap3A_292 = arith.constant 2 : i32
        %swap3A_293 = arith.index_cast %swap3A_292 : i32 to index
        %swap3A_294 = arith.index_cast %add3A_267 : i32 to index
        %swap3A_295 = arith.constant 16 : index
        %swap3A_296 = tpu.vector_load %arg10[%swap3A_293, %swap3A_294, %swap3A_295] {strides = array<i32>} : memref<4x128x32xf32, #tpu.memory_space<vmem>>, vector<1x1x16xf32>,
        %swap3A_297 = vector.shape_cast %swap3A_296 : vector<1x1x16xf32> to vector<16xf32>
        %swap3A_298 = vector.shape_cast %mul3A_291 : vector<16xf32> to vector<1x1x16xf32>
        tpu.vector_store %arg10[%swap3A_293, %swap3A_294, %swap3A_295], %swap3A_298 {strides = array<i32>} : memref<4x128x32xf32, #tpu.memory_space<vmem>>, vector<1x1x16xf32>,
        %mul3A_299 = arith.constant 16 : i32
        %mul3A_300 = arith.muli %scan3A_191, %mul3A_299 : i32
        %add3A_301 = arith.constant 3 : i32
        %add3A_302 = arith.addi %mul3A_300, %add3A_301 : i32
        %slice3A_303 = vector.extract_strided_slice %get3A_197 {offsets = [3], sizes = [1], strides = [1]} : vector<16xf32> to vector<1xf32>
        %squeeze3A_304 = vector.extract %slice3A_303[0] : f32 from vector<1xf32>
        %broadcast_in_dim3A_305 = vector.broadcast %squeeze3A_304 : f32 to vector<16xf32>
        %get3A_306 = arith.constant 2 : i32
        %get3A_307 = arith.index_cast %get3A_306 : i32 to index
        %get3A_308 = arith.index_cast %add3A_302 : i32 to index
        %get3A_309 = arith.constant 0 : index
        %get3A_310 = tpu.vector_load %arg10[%get3A_307, %get3A_308, %get3A_309] {strides = array<i32>} : memref<4x128x32xf32, #tpu.memory_space<vmem>>, vector<1x1x16xf32>,
        %get3A_311 = vector.shape_cast %get3A_310 : vector<1x1x16xf32> to vector<16xf32>
        %mul3A_312 = arith.mulf %get3A_311, %broadcast_in_dim3A_305 : vector<16xf32>
        %swap3A_313 = arith.constant 2 : i32
        %swap3A_314 = arith.index_cast %swap3A_313 : i32 to index
        %swap3A_315 = arith.index_cast %add3A_302 : i32 to index
        %swap3A_316 = arith.constant 0 : index
        %swap3A_317 = tpu.vector_load %arg10[%swap3A_314, %swap3A_315, %swap3A_316] {strides = array<i32>} : memref<4x128x32xf32, #tpu.memory_space<vmem>>, vector<1x1x16xf32>,
        %swap3A_318 = vector.shape_cast %swap3A_317 : vector<1x1x16xf32> to vector<16xf32>
        %swap3A_319 = vector.shape_cast %mul3A_312 : vector<16xf32> to vector<1x1x16xf32>
        tpu.vector_store %arg10[%swap3A_314, %swap3A_315, %swap3A_316], %swap3A_319 {strides = array<i32>} : memref<4x128x32xf32, #tpu.memory_space<vmem>>, vector<1x1x16xf32>,
        %get3A_320 = arith.constant 2 : i32
        %get3A_321 = arith.index_cast %get3A_320 : i32 to index
        %get3A_322 = arith.index_cast %add3A_302 : i32 to index
        %get3A_323 = arith.constant 16 : index
        %get3A_324 = tpu.vector_load %arg10[%get3A_321, %get3A_322, %get3A_323] {strides = array<i32>} : memref<4x128x32xf32, #tpu.memory_space<vmem>>, vector<1x1x16xf32>,
        %get3A_325 = vector.shape_cast %get3A_324 : vector<1x1x16xf32> to vector<16xf32>
        %mul3A_326 = arith.mulf %get3A_325, %broadcast_in_dim3A_305 : vector<16xf32>
        %swap3A_327 = arith.constant 2 : i32
        %swap3A_328 = arith.index_cast %swap3A_327 : i32 to index
        %swap3A_329 = arith.index_cast %add3A_302 : i32 to index
        %swap3A_330 = arith.constant 16 : index
        %swap3A_331 = tpu.vector_load %arg10[%swap3A_328, %swap3A_329, %swap3A_330] {strides = array<i32>} : memref<4x128x32xf32, #tpu.memory_space<vmem>>, vector<1x1x16xf32>,
        %swap3A_332 = vector.shape_cast %swap3A_331 : vector<1x1x16xf32> to vector<16xf32>
        %swap3A_333 = vector.shape_cast %mul3A_326 : vector<16xf32> to vector<1x1x16xf32>
        tpu.vector_store %arg10[%swap3A_328, %swap3A_329, %swap3A_330], %swap3A_333 {strides = array<i32>} : memref<4x128x32xf32, #tpu.memory_space<vmem>>, vector<1x1x16xf32>,
        %mul3A_334 = arith.constant 16 : i32
        %mul3A_335 = arith.muli %scan3A_191, %mul3A_334 : i32
        %add3A_336 = arith.constant 4 : i32
        %add3A_337 = arith.addi %mul3A_335, %add3A_336 : i32
        %slice3A_338 = vector.extract_strided_slice %get3A_197 {offsets = [4], sizes = [1], strides = [1]} : vector<16xf32> to vector<1xf32>
        %squeeze3A_339 = vector.extract %slice3A_338[0] : f32 from vector<1xf32>
        %broadcast_in_dim3A_340 = vector.broadcast %squeeze3A_339 : f32 to vector<16xf32>
        %get3A_341 = arith.constant 2 : i32
        %get3A_342 = arith.index_cast %get3A_341 : i32 to index
        %get3A_343 = arith.index_cast %add3A_337 : i32 to index
        %get3A_344 = arith.constant 0 : index
        %get3A_345 = tpu.vector_load %arg10[%get3A_342, %get3A_343, %get3A_344] {strides = array<i32>} : memref<4x128x32xf32, #tpu.memory_space<vmem>>, vector<1x1x16xf32>,
        %get3A_346 = vector.shape_cast %get3A_345 : vector<1x1x16xf32> to vector<16xf32>
        %mul3A_347 = arith.mulf %get3A_346, %broadcast_in_dim3A_340 : vector<16xf32>
        %swap3A_348 = arith.constant 2 : i32
        %swap3A_349 = arith.index_cast %swap3A_348 : i32 to index
        %swap3A_350 = arith.index_cast %add3A_337 : i32 to index
        %swap3A_351 = arith.constant 0 : index
        %swap3A_352 = tpu.vector_load %arg10[%swap3A_349, %swap3A_350, %swap3A_351] {strides = array<i32>} : memref<4x128x32xf32, #tpu.memory_space<vmem>>, vector<1x1x16xf32>,
        %swap3A_353 = vector.shape_cast %swap3A_352 : vector<1x1x16xf32> to vector<16xf32>
        %swap3A_354 = vector.shape_cast %mul3A_347 : vector<16xf32> to vector<1x1x16xf32>
        tpu.vector_store %arg10[%swap3A_349, %swap3A_350, %swap3A_351], %swap3A_354 {strides = array<i32>} : memref<4x128x32xf32, #tpu.memory_space<vmem>>, vector<1x1x16xf32>,
        %get3A_355 = arith.constant 2 : i32
        %get3A_356 = arith.index_cast %get3A_355 : i32 to index
        %get3A_357 = arith.index_cast %add3A_337 : i32 to index
        %get3A_358 = arith.constant 16 : index
        %get3A_359 = tpu.vector_load %arg10[%get3A_356, %get3A_357, %get3A_358] {strides = array<i32>} : memref<4x128x32xf32, #tpu.memory_space<vmem>>, vector<1x1x16xf32>,
        %get3A_360 = vector.shape_cast %get3A_359 : vector<1x1x16xf32> to vector<16xf32>
        %mul3A_361 = arith.mulf %get3A_360, %broadcast_in_dim3A_340 : vector<16xf32>
        %swap3A_362 = arith.constant 2 : i32
        %swap3A_363 = arith.index_cast %swap3A_362 : i32 to index
        %swap3A_364 = arith.index_cast %add3A_337 : i32 to index
        %swap3A_365 = arith.constant 16 : index
        %swap3A_366 = tpu.vector_load %arg10[%swap3A_363, %swap3A_364, %swap3A_365] {strides = array<i32>} : memref<4x128x32xf32, #tpu.memory_space<vmem>>, vector<1x1x16xf32>,
        %swap3A_367 = vector.shape_cast %swap3A_366 : vector<1x1x16xf32> to vector<16xf32>
        %swap3A_368 = vector.shape_cast %mul3A_361 : vector<16xf32> to vector<1x1x16xf32>
        tpu.vector_store %arg10[%swap3A_363, %swap3A_364, %swap3A_365], %swap3A_368 {strides = array<i32>} : memref<4x128x32xf32, #tpu.memory_space<vmem>>, vector<1x1x16xf32>,
        %mul3A_369 = arith.constant 16 : i32
        %mul3A_370 = arith.muli %scan3A_191, %mul3A_369 : i32
        %add3A_371 = arith.constant 5 : i32
        %add3A_372 = arith.addi %mul3A_370, %add3A_371 : i32
        %slice3A_373 = vector.extract_strided_slice %get3A_197 {offsets = [5], sizes = [1], strides = [1]} : vector<16xf32> to vector<1xf32>
        %squeeze3A_374 = vector.extract %slice3A_373[0] : f32 from vector<1xf32>
        %broadcast_in_dim3A_375 = vector.broadcast %squeeze3A_374 : f32 to vector<16xf32>
        %get3A_376 = arith.constant 2 : i32
        %get3A_377 = arith.index_cast %get3A_376 : i32 to index
        %get3A_378 = arith.index_cast %add3A_372 : i32 to index
        %get3A_379 = arith.constant 0 : index
        %get3A_380 = tpu.vector_load %arg10[%get3A_377, %get3A_378, %get3A_379] {strides = array<i32>} : memref<4x128x32xf32, #tpu.memory_space<vmem>>, vector<1x1x16xf32>,
        %get3A_381 = vector.shape_cast %get3A_380 : vector<1x1x16xf32> to vector<16xf32>
        %mul3A_382 = arith.mulf %get3A_381, %broadcast_in_dim3A_375 : vector<16xf32>
        %swap3A_383 = arith.constant 2 : i32
        %swap3A_384 = arith.index_cast %swap3A_383 : i32 to index
        %swap3A_385 = arith.index_cast %add3A_372 : i32 to index
        %swap3A_386 = arith.constant 0 : index
        %swap3A_387 = tpu.vector_load %arg10[%swap3A_384, %swap3A_385, %swap3A_386] {strides = array<i32>} : memref<4x128x32xf32, #tpu.memory_space<vmem>>, vector<1x1x16xf32>,
        %swap3A_388 = vector.shape_cast %swap3A_387 : vector<1x1x16xf32> to vector<16xf32>
        %swap3A_389 = vector.shape_cast %mul3A_382 : vector<16xf32> to vector<1x1x16xf32>
        tpu.vector_store %arg10[%swap3A_384, %swap3A_385, %swap3A_386], %swap3A_389 {strides = array<i32>} : memref<4x128x32xf32, #tpu.memory_space<vmem>>, vector<1x1x16xf32>,
        %get3A_390 = arith.constant 2 : i32
        %get3A_391 = arith.index_cast %get3A_390 : i32 to index
        %get3A_392 = arith.index_cast %add3A_372 : i32 to index
        %get3A_393 = arith.constant 16 : index
        %get3A_394 = tpu.vector_load %arg10[%get3A_391, %get3A_392, %get3A_393] {strides = array<i32>} : memref<4x128x32xf32, #tpu.memory_space<vmem>>, vector<1x1x16xf32>,
        %get3A_395 = vector.shape_cast %get3A_394 : vector<1x1x16xf32> to vector<16xf32>
        %mul3A_396 = arith.mulf %get3A_395, %broadcast_in_dim3A_375 : vector<16xf32>
        %swap3A_397 = arith.constant 2 : i32
        %swap3A_398 = arith.index_cast %swap3A_397 : i32 to index
        %swap3A_399 = arith.index_cast %add3A_372 : i32 to index
        %swap3A_400 = arith.constant 16 : index
        %swap3A_401 = tpu.vector_load %arg10[%swap3A_398, %swap3A_399, %swap3A_400] {strides = array<i32>} : memref<4x128x32xf32, #tpu.memory_space<vmem>>, vector<1x1x16xf32>,
        %swap3A_402 = vector.shape_cast %swap3A_401 : vector<1x1x16xf32> to vector<16xf32>
        %swap3A_403 = vector.shape_cast %mul3A_396 : vector<16xf32> to vector<1x1x16xf32>
        tpu.vector_store %arg10[%swap3A_398, %swap3A_399, %swap3A_400], %swap3A_403 {strides = array<i32>} : memref<4x128x32xf32, #tpu.memory_space<vmem>>, vector<1x1x16xf32>,
        %mul3A_404 = arith.constant 16 : i32
        %mul3A_405 = arith.muli %scan3A_191, %mul3A_404 : i32
        %add3A_406 = arith.constant 6 : i32
        %add3A_407 = arith.addi %mul3A_405, %add3A_406 : i32
        %slice3A_408 = vector.extract_strided_slice %get3A_197 {offsets = [6], sizes = [1], strides = [1]} : vector<16xf32> to vector<1xf32>
        %squeeze3A_409 = vector.extract %slice3A_408[0] : f32 from vector<1xf32>
        %broadcast_in_dim3A_410 = vector.broadcast %squeeze3A_409 : f32 to vector<16xf32>
        %get3A_411 = arith.constant 2 : i32
        %get3A_412 = arith.index_cast %get3A_411 : i32 to index
        %get3A_413 = arith.index_cast %add3A_407 : i32 to index
        %get3A_414 = arith.constant 0 : index
        %get3A_415 = tpu.vector_load %arg10[%get3A_412, %get3A_413, %get3A_414] {strides = array<i32>} : memref<4x128x32xf32, #tpu.memory_space<vmem>>, vector<1x1x16xf32>,
        %get3A_416 = vector.shape_cast %get3A_415 : vector<1x1x16xf32> to vector<16xf32>
        %mul3A_417 = arith.mulf %get3A_416, %broadcast_in_dim3A_410 : vector<16xf32>
        %swap3A_418 = arith.constant 2 : i32
        %swap3A_419 = arith.index_cast %swap3A_418 : i32 to index
        %swap3A_420 = arith.index_cast %add3A_407 : i32 to index
        %swap3A_421 = arith.constant 0 : index
        %swap3A_422 = tpu.vector_load %arg10[%swap3A_419, %swap3A_420, %swap3A_421] {strides = array<i32>} : memref<4x128x32xf32, #tpu.memory_space<vmem>>, vector<1x1x16xf32>,
        %swap3A_423 = vector.shape_cast %swap3A_422 : vector<1x1x16xf32> to vector<16xf32>
        %swap3A_424 = vector.shape_cast %mul3A_417 : vector<16xf32> to vector<1x1x16xf32>
        tpu.vector_store %arg10[%swap3A_419, %swap3A_420, %swap3A_421], %swap3A_424 {strides = array<i32>} : memref<4x128x32xf32, #tpu.memory_space<vmem>>, vector<1x1x16xf32>,
        %get3A_425 = arith.constant 2 : i32
        %get3A_426 = arith.index_cast %get3A_425 : i32 to index
        %get3A_427 = arith.index_cast %add3A_407 : i32 to index
        %get3A_428 = arith.constant 16 : index
        %get3A_429 = tpu.vector_load %arg10[%get3A_426, %get3A_427, %get3A_428] {strides = array<i32>} : memref<4x128x32xf32, #tpu.memory_space<vmem>>, vector<1x1x16xf32>,
        %get3A_430 = vector.shape_cast %get3A_429 : vector<1x1x16xf32> to vector<16xf32>
        %mul3A_431 = arith.mulf %get3A_430, %broadcast_in_dim3A_410 : vector<16xf32>
        %swap3A_432 = arith.constant 2 : i32
        %swap3A_433 = arith.index_cast %swap3A_432 : i32 to index
        %swap3A_434 = arith.index_cast %add3A_407 : i32 to index
        %swap3A_435 = arith.constant 16 : index
        %swap3A_436 = tpu.vector_load %arg10[%swap3A_433, %swap3A_434, %swap3A_435] {strides = array<i32>} : memref<4x128x32xf32, #tpu.memory_space<vmem>>, vector<1x1x16xf32>,
        %swap3A_437 = vector.shape_cast %swap3A_436 : vector<1x1x16xf32> to vector<16xf32>
        %swap3A_438 = vector.shape_cast %mul3A_431 : vector<16xf32> to vector<1x1x16xf32>
        tpu.vector_store %arg10[%swap3A_433, %swap3A_434, %swap3A_435], %swap3A_438 {strides = array<i32>} : memref<4x128x32xf32, #tpu.memory_space<vmem>>, vector<1x1x16xf32>,
        %mul3A_439 = arith.constant 16 : i32
        %mul3A_440 = arith.muli %scan3A_191, %mul3A_439 : i32
        %add3A_441 = arith.constant 7 : i32
        %add3A_442 = arith.addi %mul3A_440, %add3A_441 : i32
        %slice3A_443 = vector.extract_strided_slice %get3A_197 {offsets = [7], sizes = [1], strides = [1]} : vector<16xf32> to vector<1xf32>
        %squeeze3A_444 = vector.extract %slice3A_443[0] : f32 from vector<1xf32>
        %broadcast_in_dim3A_445 = vector.broadcast %squeeze3A_444 : f32 to vector<16xf32>
        %get3A_446 = arith.constant 2 : i32
        %get3A_447 = arith.index_cast %get3A_446 : i32 to index
        %get3A_448 = arith.index_cast %add3A_442 : i32 to index
        %get3A_449 = arith.constant 0 : index
        %get3A_450 = tpu.vector_load %arg10[%get3A_447, %get3A_448, %get3A_449] {strides = array<i32>} : memref<4x128x32xf32, #tpu.memory_space<vmem>>, vector<1x1x16xf32>,
        %get3A_451 = vector.shape_cast %get3A_450 : vector<1x1x16xf32> to vector<16xf32>
        %mul3A_452 = arith.mulf %get3A_451, %broadcast_in_dim3A_445 : vector<16xf32>
        %swap3A_453 = arith.constant 2 : i32
        %swap3A_454 = arith.index_cast %swap3A_453 : i32 to index
        %swap3A_455 = arith.index_cast %add3A_442 : i32 to index
        %swap3A_456 = arith.constant 0 : index
        %swap3A_457 = tpu.vector_load %arg10[%swap3A_454, %swap3A_455, %swap3A_456] {strides = array<i32>} : memref<4x128x32xf32, #tpu.memory_space<vmem>>, vector<1x1x16xf32>,
        %swap3A_458 = vector.shape_cast %swap3A_457 : vector<1x1x16xf32> to vector<16xf32>
        %swap3A_459 = vector.shape_cast %mul3A_452 : vector<16xf32> to vector<1x1x16xf32>
        tpu.vector_store %arg10[%swap3A_454, %swap3A_455, %swap3A_456], %swap3A_459 {strides = array<i32>} : memref<4x128x32xf32, #tpu.memory_space<vmem>>, vector<1x1x16xf32>,
        %get3A_460 = arith.constant 2 : i32
        %get3A_461 = arith.index_cast %get3A_460 : i32 to index
        %get3A_462 = arith.index_cast %add3A_442 : i32 to index
        %get3A_463 = arith.constant 16 : index
        %get3A_464 = tpu.vector_load %arg10[%get3A_461, %get3A_462, %get3A_463] {strides = array<i32>} : memref<4x128x32xf32, #tpu.memory_space<vmem>>, vector<1x1x16xf32>,
        %get3A_465 = vector.shape_cast %get3A_464 : vector<1x1x16xf32> to vector<16xf32>
        %mul3A_466 = arith.mulf %get3A_465, %broadcast_in_dim3A_445 : vector<16xf32>
        %swap3A_467 = arith.constant 2 : i32
        %swap3A_468 = arith.index_cast %swap3A_467 : i32 to index
        %swap3A_469 = arith.index_cast %add3A_442 : i32 to index
        %swap3A_470 = arith.constant 16 : index
        %swap3A_471 = tpu.vector_load %arg10[%swap3A_468, %swap3A_469, %swap3A_470] {strides = array<i32>} : memref<4x128x32xf32, #tpu.memory_space<vmem>>, vector<1x1x16xf32>,
        %swap3A_472 = vector.shape_cast %swap3A_471 : vector<1x1x16xf32> to vector<16xf32>
        %swap3A_473 = vector.shape_cast %mul3A_466 : vector<16xf32> to vector<1x1x16xf32>
        tpu.vector_store %arg10[%swap3A_468, %swap3A_469, %swap3A_470], %swap3A_473 {strides = array<i32>} : memref<4x128x32xf32, #tpu.memory_space<vmem>>, vector<1x1x16xf32>,
        %mul3A_474 = arith.constant 16 : i32
        %mul3A_475 = arith.muli %scan3A_191, %mul3A_474 : i32
        %add3A_476 = arith.constant 8 : i32
        %add3A_477 = arith.addi %mul3A_475, %add3A_476 : i32
        %slice3A_478 = vector.extract_strided_slice %get3A_197 {offsets = [8], sizes = [1], strides = [1]} : vector<16xf32> to vector<1xf32>
        %squeeze3A_479 = vector.extract %slice3A_478[0] : f32 from vector<1xf32>
        %broadcast_in_dim3A_480 = vector.broadcast %squeeze3A_479 : f32 to vector<16xf32>
        %get3A_481 = arith.constant 2 : i32
        %get3A_482 = arith.index_cast %get3A_481 : i32 to index
        %get3A_483 = arith.index_cast %add3A_477 : i32 to index
        %get3A_484 = arith.constant 0 : index
        %get3A_485 = tpu.vector_load %arg10[%get3A_482, %get3A_483, %get3A_484] {strides = array<i32>} : memref<4x128x32xf32, #tpu.memory_space<vmem>>, vector<1x1x16xf32>,
        %get3A_486 = vector.shape_cast %get3A_485 : vector<1x1x16xf32> to vector<16xf32>
        %mul3A_487 = arith.mulf %get3A_486, %broadcast_in_dim3A_480 : vector<16xf32>
        %swap3A_488 = arith.constant 2 : i32
        %swap3A_489 = arith.index_cast %swap3A_488 : i32 to index
        %swap3A_490 = arith.index_cast %add3A_477 : i32 to index
        %swap3A_491 = arith.constant 0 : index
        %swap3A_492 = tpu.vector_load %arg10[%swap3A_489, %swap3A_490, %swap3A_491] {strides = array<i32>} : memref<4x128x32xf32, #tpu.memory_space<vmem>>, vector<1x1x16xf32>,
        %swap3A_493 = vector.shape_cast %swap3A_492 : vector<1x1x16xf32> to vector<16xf32>
        %swap3A_494 = vector.shape_cast %mul3A_487 : vector<16xf32> to vector<1x1x16xf32>
        tpu.vector_store %arg10[%swap3A_489, %swap3A_490, %swap3A_491], %swap3A_494 {strides = array<i32>} : memref<4x128x32xf32, #tpu.memory_space<vmem>>, vector<1x1x16xf32>,
        %get3A_495 = arith.constant 2 : i32
        %get3A_496 = arith.index_cast %get3A_495 : i32 to index
        %get3A_497 = arith.index_cast %add3A_477 : i32 to index
        %get3A_498 = arith.constant 16 : index
        %get3A_499 = tpu.vector_load %arg10[%get3A_496, %get3A_497, %get3A_498] {strides = array<i32>} : memref<4x128x32xf32, #tpu.memory_space<vmem>>, vector<1x1x16xf32>,
        %get3A_500 = vector.shape_cast %get3A_499 : vector<1x1x16xf32> to vector<16xf32>
        %mul3A_501 = arith.mulf %get3A_500, %broadcast_in_dim3A_480 : vector<16xf32>
        %swap3A_502 = arith.constant 2 : i32
        %swap3A_503 = arith.index_cast %swap3A_502 : i32 to index
        %swap3A_504 = arith.index_cast %add3A_477 : i32 to index
        %swap3A_505 = arith.constant 16 : index
        %swap3A_506 = tpu.vector_load %arg10[%swap3A_503, %swap3A_504, %swap3A_505] {strides = array<i32>} : memref<4x128x32xf32, #tpu.memory_space<vmem>>, vector<1x1x16xf32>,
        %swap3A_507 = vector.shape_cast %swap3A_506 : vector<1x1x16xf32> to vector<16xf32>
        %swap3A_508 = vector.shape_cast %mul3A_501 : vector<16xf32> to vector<1x1x16xf32>
        tpu.vector_store %arg10[%swap3A_503, %swap3A_504, %swap3A_505], %swap3A_508 {strides = array<i32>} : memref<4x128x32xf32, #tpu.memory_space<vmem>>, vector<1x1x16xf32>,
        %mul3A_509 = arith.constant 16 : i32
        %mul3A_510 = arith.muli %scan3A_191, %mul3A_509 : i32
        %add3A_511 = arith.constant 9 : i32
        %add3A_512 = arith.addi %mul3A_510, %add3A_511 : i32
        %slice3A_513 = vector.extract_strided_slice %get3A_197 {offsets = [9], sizes = [1], strides = [1]} : vector<16xf32> to vector<1xf32>
        %squeeze3A_514 = vector.extract %slice3A_513[0] : f32 from vector<1xf32>
        %broadcast_in_dim3A_515 = vector.broadcast %squeeze3A_514 : f32 to vector<16xf32>
        %get3A_516 = arith.constant 2 : i32
        %get3A_517 = arith.index_cast %get3A_516 : i32 to index
        %get3A_518 = arith.index_cast %add3A_512 : i32 to index
        %get3A_519 = arith.constant 0 : index
        %get3A_520 = tpu.vector_load %arg10[%get3A_517, %get3A_518, %get3A_519] {strides = array<i32>} : memref<4x128x32xf32, #tpu.memory_space<vmem>>, vector<1x1x16xf32>,
        %get3A_521 = vector.shape_cast %get3A_520 : vector<1x1x16xf32> to vector<16xf32>
        %mul3A_522 = arith.mulf %get3A_521, %broadcast_in_dim3A_515 : vector<16xf32>
        %swap3A_523 = arith.constant 2 : i32
        %swap3A_524 = arith.index_cast %swap3A_523 : i32 to index
        %swap3A_525 = arith.index_cast %add3A_512 : i32 to index
        %swap3A_526 = arith.constant 0 : index
        %swap3A_527 = tpu.vector_load %arg10[%swap3A_524, %swap3A_525, %swap3A_526] {strides = array<i32>} : memref<4x128x32xf32, #tpu.memory_space<vmem>>, vector<1x1x16xf32>,
        %swap3A_528 = vector.shape_cast %swap3A_527 : vector<1x1x16xf32> to vector<16xf32>
        %swap3A_529 = vector.shape_cast %mul3A_522 : vector<16xf32> to vector<1x1x16xf32>
        tpu.vector_store %arg10[%swap3A_524, %swap3A_525, %swap3A_526], %swap3A_529 {strides = array<i32>} : memref<4x128x32xf32, #tpu.memory_space<vmem>>, vector<1x1x16xf32>,
        %get3A_530 = arith.constant 2 : i32
        %get3A_531 = arith.index_cast %get3A_530 : i32 to index
        %get3A_532 = arith.index_cast %add3A_512 : i32 to index
        %get3A_533 = arith.constant 16 : index
        %get3A_534 = tpu.vector_load %arg10[%get3A_531, %get3A_532, %get3A_533] {strides = array<i32>} : memref<4x128x32xf32, #tpu.memory_space<vmem>>, vector<1x1x16xf32>,
        %get3A_535 = vector.shape_cast %get3A_534 : vector<1x1x16xf32> to vector<16xf32>
        %mul3A_536 = arith.mulf %get3A_535, %broadcast_in_dim3A_515 : vector<16xf32>
        %swap3A_537 = arith.constant 2 : i32
        %swap3A_538 = arith.index_cast %swap3A_537 : i32 to index
        %swap3A_539 = arith.index_cast %add3A_512 : i32 to index
        %swap3A_540 = arith.constant 16 : index
        %swap3A_541 = tpu.vector_load %arg10[%swap3A_538, %swap3A_539, %swap3A_540] {strides = array<i32>} : memref<4x128x32xf32, #tpu.memory_space<vmem>>, vector<1x1x16xf32>,
        %swap3A_542 = vector.shape_cast %swap3A_541 : vector<1x1x16xf32> to vector<16xf32>
        %swap3A_543 = vector.shape_cast %mul3A_536 : vector<16xf32> to vector<1x1x16xf32>
        tpu.vector_store %arg10[%swap3A_538, %swap3A_539, %swap3A_540], %swap3A_543 {strides = array<i32>} : memref<4x128x32xf32, #tpu.memory_space<vmem>>, vector<1x1x16xf32>,
        %mul3A_544 = arith.constant 16 : i32
        %mul3A_545 = arith.muli %scan3A_191, %mul3A_544 : i32
        %add3A_546 = arith.constant 10 : i32
        %add3A_547 = arith.addi %mul3A_545, %add3A_546 : i32
        %slice3A_548 = vector.extract_strided_slice %get3A_197 {offsets = [10], sizes = [1], strides = [1]} : vector<16xf32> to vector<1xf32>
        %squeeze3A_549 = vector.extract %slice3A_548[0] : f32 from vector<1xf32>
        %broadcast_in_dim3A_550 = vector.broadcast %squeeze3A_549 : f32 to vector<16xf32>
        %get3A_551 = arith.constant 2 : i32
        %get3A_552 = arith.index_cast %get3A_551 : i32 to index
        %get3A_553 = arith.index_cast %add3A_547 : i32 to index
        %get3A_554 = arith.constant 0 : index
        %get3A_555 = tpu.vector_load %arg10[%get3A_552, %get3A_553, %get3A_554] {strides = array<i32>} : memref<4x128x32xf32, #tpu.memory_space<vmem>>, vector<1x1x16xf32>,
        %get3A_556 = vector.shape_cast %get3A_555 : vector<1x1x16xf32> to vector<16xf32>
        %mul3A_557 = arith.mulf %get3A_556, %broadcast_in_dim3A_550 : vector<16xf32>
        %swap3A_558 = arith.constant 2 : i32
        %swap3A_559 = arith.index_cast %swap3A_558 : i32 to index
        %swap3A_560 = arith.index_cast %add3A_547 : i32 to index
        %swap3A_561 = arith.constant 0 : index
        %swap3A_562 = tpu.vector_load %arg10[%swap3A_559, %swap3A_560, %swap3A_561] {strides = array<i32>} : memref<4x128x32xf32, #tpu.memory_space<vmem>>, vector<1x1x16xf32>,
        %swap3A_563 = vector.shape_cast %swap3A_562 : vector<1x1x16xf32> to vector<16xf32>
        %swap3A_564 = vector.shape_cast %mul3A_557 : vector<16xf32> to vector<1x1x16xf32>
        tpu.vector_store %arg10[%swap3A_559, %swap3A_560, %swap3A_561], %swap3A_564 {strides = array<i32>} : memref<4x128x32xf32, #tpu.memory_space<vmem>>, vector<1x1x16xf32>,
        %get3A_565 = arith.constant 2 : i32
        %get3A_566 = arith.index_cast %get3A_565 : i32 to index
        %get3A_567 = arith.index_cast %add3A_547 : i32 to index
        %get3A_568 = arith.constant 16 : index
        %get3A_569 = tpu.vector_load %arg10[%get3A_566, %get3A_567, %get3A_568] {strides = array<i32>} : memref<4x128x32xf32, #tpu.memory_space<vmem>>, vector<1x1x16xf32>,
        %get3A_570 = vector.shape_cast %get3A_569 : vector<1x1x16xf32> to vector<16xf32>
        %mul3A_571 = arith.mulf %get3A_570, %broadcast_in_dim3A_550 : vector<16xf32>
        %swap3A_572 = arith.constant 2 : i32
        %swap3A_573 = arith.index_cast %swap3A_572 : i32 to index
        %swap3A_574 = arith.index_cast %add3A_547 : i32 to index
        %swap3A_575 = arith.constant 16 : index
        %swap3A_576 = tpu.vector_load %arg10[%swap3A_573, %swap3A_574, %swap3A_575] {strides = array<i32>} : memref<4x128x32xf32, #tpu.memory_space<vmem>>, vector<1x1x16xf32>,
        %swap3A_577 = vector.shape_cast %swap3A_576 : vector<1x1x16xf32> to vector<16xf32>
        %swap3A_578 = vector.shape_cast %mul3A_571 : vector<16xf32> to vector<1x1x16xf32>
        tpu.vector_store %arg10[%swap3A_573, %swap3A_574, %swap3A_575], %swap3A_578 {strides = array<i32>} : memref<4x128x32xf32, #tpu.memory_space<vmem>>, vector<1x1x16xf32>,
        %mul3A_579 = arith.constant 16 : i32
        %mul3A_580 = arith.muli %scan3A_191, %mul3A_579 : i32
        %add3A_581 = arith.constant 11 : i32
        %add3A_582 = arith.addi %mul3A_580, %add3A_581 : i32
        %slice3A_583 = vector.extract_strided_slice %get3A_197 {offsets = [11], sizes = [1], strides = [1]} : vector<16xf32> to vector<1xf32>
        %squeeze3A_584 = vector.extract %slice3A_583[0] : f32 from vector<1xf32>
        %broadcast_in_dim3A_585 = vector.broadcast %squeeze3A_584 : f32 to vector<16xf32>
        %get3A_586 = arith.constant 2 : i32
        %get3A_587 = arith.index_cast %get3A_586 : i32 to index
        %get3A_588 = arith.index_cast %add3A_582 : i32 to index
        %get3A_589 = arith.constant 0 : index
        %get3A_590 = tpu.vector_load %arg10[%get3A_587, %get3A_588, %get3A_589] {strides = array<i32>} : memref<4x128x32xf32, #tpu.memory_space<vmem>>, vector<1x1x16xf32>,
        %get3A_591 = vector.shape_cast %get3A_590 : vector<1x1x16xf32> to vector<16xf32>
        %mul3A_592 = arith.mulf %get3A_591, %broadcast_in_dim3A_585 : vector<16xf32>
        %swap3A_593 = arith.constant 2 : i32
        %swap3A_594 = arith.index_cast %swap3A_593 : i32 to index
        %swap3A_595 = arith.index_cast %add3A_582 : i32 to index
        %swap3A_596 = arith.constant 0 : index
        %swap3A_597 = tpu.vector_load %arg10[%swap3A_594, %swap3A_595, %swap3A_596] {strides = array<i32>} : memref<4x128x32xf32, #tpu.memory_space<vmem>>, vector<1x1x16xf32>,
        %swap3A_598 = vector.shape_cast %swap3A_597 : vector<1x1x16xf32> to vector<16xf32>
        %swap3A_599 = vector.shape_cast %mul3A_592 : vector<16xf32> to vector<1x1x16xf32>
        tpu.vector_store %arg10[%swap3A_594, %swap3A_595, %swap3A_596], %swap3A_599 {strides = array<i32>} : memref<4x128x32xf32, #tpu.memory_space<vmem>>, vector<1x1x16xf32>,
        %get3A_600 = arith.constant 2 : i32
        %get3A_601 = arith.index_cast %get3A_600 : i32 to index
        %get3A_602 = arith.index_cast %add3A_582 : i32 to index
        %get3A_603 = arith.constant 16 : index
        %get3A_604 = tpu.vector_load %arg10[%get3A_601, %get3A_602, %get3A_603] {strides = array<i32>} : memref<4x128x32xf32, #tpu.memory_space<vmem>>, vector<1x1x16xf32>,
        %get3A_605 = vector.shape_cast %get3A_604 : vector<1x1x16xf32> to vector<16xf32>
        %mul3A_606 = arith.mulf %get3A_605, %broadcast_in_dim3A_585 : vector<16xf32>
        %swap3A_607 = arith.constant 2 : i32
        %swap3A_608 = arith.index_cast %swap3A_607 : i32 to index
        %swap3A_609 = arith.index_cast %add3A_582 : i32 to index
        %swap3A_610 = arith.constant 16 : index
        %swap3A_611 = tpu.vector_load %arg10[%swap3A_608, %swap3A_609, %swap3A_610] {strides = array<i32>} : memref<4x128x32xf32, #tpu.memory_space<vmem>>, vector<1x1x16xf32>,
        %swap3A_612 = vector.shape_cast %swap3A_611 : vector<1x1x16xf32> to vector<16xf32>
        %swap3A_613 = vector.shape_cast %mul3A_606 : vector<16xf32> to vector<1x1x16xf32>
        tpu.vector_store %arg10[%swap3A_608, %swap3A_609, %swap3A_610], %swap3A_613 {strides = array<i32>} : memref<4x128x32xf32, #tpu.memory_space<vmem>>, vector<1x1x16xf32>,
        %mul3A_614 = arith.constant 16 : i32
        %mul3A_615 = arith.muli %scan3A_191, %mul3A_614 : i32
        %add3A_616 = arith.constant 12 : i32
        %add3A_617 = arith.addi %mul3A_615, %add3A_616 : i32
        %slice3A_618 = vector.extract_strided_slice %get3A_197 {offsets = [12], sizes = [1], strides = [1]} : vector<16xf32> to vector<1xf32>
        %squeeze3A_619 = vector.extract %slice3A_618[0] : f32 from vector<1xf32>
        %broadcast_in_dim3A_620 = vector.broadcast %squeeze3A_619 : f32 to vector<16xf32>
        %get3A_621 = arith.constant 2 : i32
        %get3A_622 = arith.index_cast %get3A_621 : i32 to index
        %get3A_623 = arith.index_cast %add3A_617 : i32 to index
        %get3A_624 = arith.constant 0 : index
        %get3A_625 = tpu.vector_load %arg10[%get3A_622, %get3A_623, %get3A_624] {strides = array<i32>} : memref<4x128x32xf32, #tpu.memory_space<vmem>>, vector<1x1x16xf32>,
        %get3A_626 = vector.shape_cast %get3A_625 : vector<1x1x16xf32> to vector<16xf32>
        %mul3A_627 = arith.mulf %get3A_626, %broadcast_in_dim3A_620 : vector<16xf32>
        %swap3A_628 = arith.constant 2 : i32
        %swap3A_629 = arith.index_cast %swap3A_628 : i32 to index
        %swap3A_630 = arith.index_cast %add3A_617 : i32 to index
        %swap3A_631 = arith.constant 0 : index
        %swap3A_632 = tpu.vector_load %arg10[%swap3A_629, %swap3A_630, %swap3A_631] {strides = array<i32>} : memref<4x128x32xf32, #tpu.memory_space<vmem>>, vector<1x1x16xf32>,
        %swap3A_633 = vector.shape_cast %swap3A_632 : vector<1x1x16xf32> to vector<16xf32>
        %swap3A_634 = vector.shape_cast %mul3A_627 : vector<16xf32> to vector<1x1x16xf32>
        tpu.vector_store %arg10[%swap3A_629, %swap3A_630, %swap3A_631], %swap3A_634 {strides = array<i32>} : memref<4x128x32xf32, #tpu.memory_space<vmem>>, vector<1x1x16xf32>,
        %get3A_635 = arith.constant 2 : i32
        %get3A_636 = arith.index_cast %get3A_635 : i32 to index
        %get3A_637 = arith.index_cast %add3A_617 : i32 to index
        %get3A_638 = arith.constant 16 : index
        %get3A_639 = tpu.vector_load %arg10[%get3A_636, %get3A_637, %get3A_638] {strides = array<i32>} : memref<4x128x32xf32, #tpu.memory_space<vmem>>, vector<1x1x16xf32>,
        %get3A_640 = vector.shape_cast %get3A_639 : vector<1x1x16xf32> to vector<16xf32>
        %mul3A_641 = arith.mulf %get3A_640, %broadcast_in_dim3A_620 : vector<16xf32>
        %swap3A_642 = arith.constant 2 : i32
        %swap3A_643 = arith.index_cast %swap3A_642 : i32 to index
        %swap3A_644 = arith.index_cast %add3A_617 : i32 to index
        %swap3A_645 = arith.constant 16 : index
        %swap3A_646 = tpu.vector_load %arg10[%swap3A_643, %swap3A_644, %swap3A_645] {strides = array<i32>} : memref<4x128x32xf32, #tpu.memory_space<vmem>>, vector<1x1x16xf32>,
        %swap3A_647 = vector.shape_cast %swap3A_646 : vector<1x1x16xf32> to vector<16xf32>
        %swap3A_648 = vector.shape_cast %mul3A_641 : vector<16xf32> to vector<1x1x16xf32>
        tpu.vector_store %arg10[%swap3A_643, %swap3A_644, %swap3A_645], %swap3A_648 {strides = array<i32>} : memref<4x128x32xf32, #tpu.memory_space<vmem>>, vector<1x1x16xf32>,
        %mul3A_649 = arith.constant 16 : i32
        %mul3A_650 = arith.muli %scan3A_191, %mul3A_649 : i32
        %add3A_651 = arith.constant 13 : i32
        %add3A_652 = arith.addi %mul3A_650, %add3A_651 : i32
        %slice3A_653 = vector.extract_strided_slice %get3A_197 {offsets = [13], sizes = [1], strides = [1]} : vector<16xf32> to vector<1xf32>
        %squeeze3A_654 = vector.extract %slice3A_653[0] : f32 from vector<1xf32>
        %broadcast_in_dim3A_655 = vector.broadcast %squeeze3A_654 : f32 to vector<16xf32>
        %get3A_656 = arith.constant 2 : i32
        %get3A_657 = arith.index_cast %get3A_656 : i32 to index
        %get3A_658 = arith.index_cast %add3A_652 : i32 to index
        %get3A_659 = arith.constant 0 : index
        %get3A_660 = tpu.vector_load %arg10[%get3A_657, %get3A_658, %get3A_659] {strides = array<i32>} : memref<4x128x32xf32, #tpu.memory_space<vmem>>, vector<1x1x16xf32>,
        %get3A_661 = vector.shape_cast %get3A_660 : vector<1x1x16xf32> to vector<16xf32>
        %mul3A_662 = arith.mulf %get3A_661, %broadcast_in_dim3A_655 : vector<16xf32>
        %swap3A_663 = arith.constant 2 : i32
        %swap3A_664 = arith.index_cast %swap3A_663 : i32 to index
        %swap3A_665 = arith.index_cast %add3A_652 : i32 to index
        %swap3A_666 = arith.constant 0 : index
        %swap3A_667 = tpu.vector_load %arg10[%swap3A_664, %swap3A_665, %swap3A_666] {strides = array<i32>} : memref<4x128x32xf32, #tpu.memory_space<vmem>>, vector<1x1x16xf32>,
        %swap3A_668 = vector.shape_cast %swap3A_667 : vector<1x1x16xf32> to vector<16xf32>
        %swap3A_669 = vector.shape_cast %mul3A_662 : vector<16xf32> to vector<1x1x16xf32>
        tpu.vector_store %arg10[%swap3A_664, %swap3A_665, %swap3A_666], %swap3A_669 {strides = array<i32>} : memref<4x128x32xf32, #tpu.memory_space<vmem>>, vector<1x1x16xf32>,
        %get3A_670 = arith.constant 2 : i32
        %get3A_671 = arith.index_cast %get3A_670 : i32 to index
        %get3A_672 = arith.index_cast %add3A_652 : i32 to index
        %get3A_673 = arith.constant 16 : index
        %get3A_674 = tpu.vector_load %arg10[%get3A_671, %get3A_672, %get3A_673] {strides = array<i32>} : memref<4x128x32xf32, #tpu.memory_space<vmem>>, vector<1x1x16xf32>,
        %get3A_675 = vector.shape_cast %get3A_674 : vector<1x1x16xf32> to vector<16xf32>
        %mul3A_676 = arith.mulf %get3A_675, %broadcast_in_dim3A_655 : vector<16xf32>
        %swap3A_677 = arith.constant 2 : i32
        %swap3A_678 = arith.index_cast %swap3A_677 : i32 to index
        %swap3A_679 = arith.index_cast %add3A_652 : i32 to index
        %swap3A_680 = arith.constant 16 : index
        %swap3A_681 = tpu.vector_load %arg10[%swap3A_678, %swap3A_679, %swap3A_680] {strides = array<i32>} : memref<4x128x32xf32, #tpu.memory_space<vmem>>, vector<1x1x16xf32>,
        %swap3A_682 = vector.shape_cast %swap3A_681 : vector<1x1x16xf32> to vector<16xf32>
        %swap3A_683 = vector.shape_cast %mul3A_676 : vector<16xf32> to vector<1x1x16xf32>
        tpu.vector_store %arg10[%swap3A_678, %swap3A_679, %swap3A_680], %swap3A_683 {strides = array<i32>} : memref<4x128x32xf32, #tpu.memory_space<vmem>>, vector<1x1x16xf32>,
        %mul3A_684 = arith.constant 16 : i32
        %mul3A_685 = arith.muli %scan3A_191, %mul3A_684 : i32
        %add3A_686 = arith.constant 14 : i32
        %add3A_687 = arith.addi %mul3A_685, %add3A_686 : i32
        %slice3A_688 = vector.extract_strided_slice %get3A_197 {offsets = [14], sizes = [1], strides = [1]} : vector<16xf32> to vector<1xf32>
        %squeeze3A_689 = vector.extract %slice3A_688[0] : f32 from vector<1xf32>
        %broadcast_in_dim3A_690 = vector.broadcast %squeeze3A_689 : f32 to vector<16xf32>
        %get3A_691 = arith.constant 2 : i32
        %get3A_692 = arith.index_cast %get3A_691 : i32 to index
        %get3A_693 = arith.index_cast %add3A_687 : i32 to index
        %get3A_694 = arith.constant 0 : index
        %get3A_695 = tpu.vector_load %arg10[%get3A_692, %get3A_693, %get3A_694] {strides = array<i32>} : memref<4x128x32xf32, #tpu.memory_space<vmem>>, vector<1x1x16xf32>,
        %get3A_696 = vector.shape_cast %get3A_695 : vector<1x1x16xf32> to vector<16xf32>
        %mul3A_697 = arith.mulf %get3A_696, %broadcast_in_dim3A_690 : vector<16xf32>
        %swap3A_698 = arith.constant 2 : i32
        %swap3A_699 = arith.index_cast %swap3A_698 : i32 to index
        %swap3A_700 = arith.index_cast %add3A_687 : i32 to index
        %swap3A_701 = arith.constant 0 : index
        %swap3A_702 = tpu.vector_load %arg10[%swap3A_699, %swap3A_700, %swap3A_701] {strides = array<i32>} : memref<4x128x32xf32, #tpu.memory_space<vmem>>, vector<1x1x16xf32>,
        %swap3A_703 = vector.shape_cast %swap3A_702 : vector<1x1x16xf32> to vector<16xf32>
        %swap3A_704 = vector.shape_cast %mul3A_697 : vector<16xf32> to vector<1x1x16xf32>
        tpu.vector_store %arg10[%swap3A_699, %swap3A_700, %swap3A_701], %swap3A_704 {strides = array<i32>} : memref<4x128x32xf32, #tpu.memory_space<vmem>>, vector<1x1x16xf32>,
        %get3A_705 = arith.constant 2 : i32
        %get3A_706 = arith.index_cast %get3A_705 : i32 to index
        %get3A_707 = arith.index_cast %add3A_687 : i32 to index
        %get3A_708 = arith.constant 16 : index
        %get3A_709 = tpu.vector_load %arg10[%get3A_706, %get3A_707, %get3A_708] {strides = array<i32>} : memref<4x128x32xf32, #tpu.memory_space<vmem>>, vector<1x1x16xf32>,
        %get3A_710 = vector.shape_cast %get3A_709 : vector<1x1x16xf32> to vector<16xf32>
        %mul3A_711 = arith.mulf %get3A_710, %broadcast_in_dim3A_690 : vector<16xf32>
        %swap3A_712 = arith.constant 2 : i32
        %swap3A_713 = arith.index_cast %swap3A_712 : i32 to index
        %swap3A_714 = arith.index_cast %add3A_687 : i32 to index
        %swap3A_715 = arith.constant 16 : index
        %swap3A_716 = tpu.vector_load %arg10[%swap3A_713, %swap3A_714, %swap3A_715] {strides = array<i32>} : memref<4x128x32xf32, #tpu.memory_space<vmem>>, vector<1x1x16xf32>,
        %swap3A_717 = vector.shape_cast %swap3A_716 : vector<1x1x16xf32> to vector<16xf32>
        %swap3A_718 = vector.shape_cast %mul3A_711 : vector<16xf32> to vector<1x1x16xf32>
        tpu.vector_store %arg10[%swap3A_713, %swap3A_714, %swap3A_715], %swap3A_718 {strides = array<i32>} : memref<4x128x32xf32, #tpu.memory_space<vmem>>, vector<1x1x16xf32>,
        %mul3A_719 = arith.constant 16 : i32
        %mul3A_720 = arith.muli %scan3A_191, %mul3A_719 : i32
        %add3A_721 = arith.constant 15 : i32
        %add3A_722 = arith.addi %mul3A_720, %add3A_721 : i32
        %slice3A_723 = vector.extract_strided_slice %get3A_197 {offsets = [15], sizes = [1], strides = [1]} : vector<16xf32> to vector<1xf32>
        %squeeze3A_724 = vector.extract %slice3A_723[0] : f32 from vector<1xf32>
        %broadcast_in_dim3A_725 = vector.broadcast %squeeze3A_724 : f32 to vector<16xf32>
        %get3A_726 = arith.constant 2 : i32
        %get3A_727 = arith.index_cast %get3A_726 : i32 to index
        %get3A_728 = arith.index_cast %add3A_722 : i32 to index
        %get3A_729 = arith.constant 0 : index
        %get3A_730 = tpu.vector_load %arg10[%get3A_727, %get3A_728, %get3A_729] {strides = array<i32>} : memref<4x128x32xf32, #tpu.memory_space<vmem>>, vector<1x1x16xf32>,
        %get3A_731 = vector.shape_cast %get3A_730 : vector<1x1x16xf32> to vector<16xf32>
        %mul3A_732 = arith.mulf %get3A_731, %broadcast_in_dim3A_725 : vector<16xf32>
        %swap3A_733 = arith.constant 2 : i32
        %swap3A_734 = arith.index_cast %swap3A_733 : i32 to index
        %swap3A_735 = arith.index_cast %add3A_722 : i32 to index
        %swap3A_736 = arith.constant 0 : index
        %swap3A_737 = tpu.vector_load %arg10[%swap3A_734, %swap3A_735, %swap3A_736] {strides = array<i32>} : memref<4x128x32xf32, #tpu.memory_space<vmem>>, vector<1x1x16xf32>,
        %swap3A_738 = vector.shape_cast %swap3A_737 : vector<1x1x16xf32> to vector<16xf32>
        %swap3A_739 = vector.shape_cast %mul3A_732 : vector<16xf32> to vector<1x1x16xf32>
        tpu.vector_store %arg10[%swap3A_734, %swap3A_735, %swap3A_736], %swap3A_739 {strides = array<i32>} : memref<4x128x32xf32, #tpu.memory_space<vmem>>, vector<1x1x16xf32>,
        %get3A_740 = arith.constant 2 : i32
        %get3A_741 = arith.index_cast %get3A_740 : i32 to index
        %get3A_742 = arith.index_cast %add3A_722 : i32 to index
        %get3A_743 = arith.constant 16 : index
        %get3A_744 = tpu.vector_load %arg10[%get3A_741, %get3A_742, %get3A_743] {strides = array<i32>} : memref<4x128x32xf32, #tpu.memory_space<vmem>>, vector<1x1x16xf32>,
        %get3A_745 = vector.shape_cast %get3A_744 : vector<1x1x16xf32> to vector<16xf32>
        %mul3A_746 = arith.mulf %get3A_745, %broadcast_in_dim3A_725 : vector<16xf32>
        %swap3A_747 = arith.constant 2 : i32
        %swap3A_748 = arith.index_cast %swap3A_747 : i32 to index
        %swap3A_749 = arith.index_cast %add3A_722 : i32 to index
        %swap3A_750 = arith.constant 16 : index
        %swap3A_751 = tpu.vector_load %arg10[%swap3A_748, %swap3A_749, %swap3A_750] {strides = array<i32>} : memref<4x128x32xf32, #tpu.memory_space<vmem>>, vector<1x1x16xf32>,
        %swap3A_752 = vector.shape_cast %swap3A_751 : vector<1x1x16xf32> to vector<16xf32>
        %swap3A_753 = vector.shape_cast %mul3A_746 : vector<16xf32> to vector<1x1x16xf32>
        tpu.vector_store %arg10[%swap3A_748, %swap3A_749, %swap3A_750], %swap3A_753 {strides = array<i32>} : memref<4x128x32xf32, #tpu.memory_space<vmem>>, vector<1x1x16xf32>,
        %scan3A_754 = arith.constant 0 : i32
        scf.yield %scan3A_754 : i32
      }
      %scan3A_151 = arith.constant 8 : i32
      %run_scoped3A_152 = arith.constant 2 : i32
      "tpu.region"() ({
        %run_scoped3A_191 = tpu.sem_alloc : memref<!tpu.dma_semaphore, #tpu.memory_space<semaphore_mem>>
        %dma_start3A_192 = arith.constant 0 : i32
        %dma_start3A_193 = arith.constant 0 : i32
        %dma_start3A_194 = tpu.memref_slice %arg10[%run_scoped3A_152, %dma_start3A_192, %dma_start3A_193] : memref<4x128x32xf32, #tpu.memory_space<vmem>> -> memref<1x128x32xf32, #tpu.memory_space<vmem>>
        %dma_start3A_195 = tpu.memref_squeeze %dma_start3A_194 : memref<1x128x32xf32, #tpu.memory_space<vmem>> -> memref<128x32xf32, #tpu.memory_space<vmem>>
        %dma_start3A_196 = arith.constant 0 : i32
        %dma_start3A_197 = tpu.memref_slice %arg8[%add3A_133, %dma_start3A_196] : memref<40x128xi32, #tpu.memory_space<vmem>> -> memref<1x128xi32, #tpu.memory_space<vmem>>
        %dma_start3A_198 = tpu.memref_squeeze %dma_start3A_197 : memref<1x128xi32, #tpu.memory_space<vmem>> -> memref<128xi32, #tpu.memory_space<vmem>>
        %dma_start3A_199 = arith.constant 0 : i32
        %dma_start3A_200 = arith.constant 0 : i32
        %dma_start3A_201 = tpu.memref_slice %arg12[%dma_start3A_199, %dma_start3A_200] : memref<10240x32xf32, #tpu.memory_space<vmem_shared>> -> memref<10240x32xf32, #tpu.memory_space<vmem_shared>>
        tpu.enqueue_indirect_dma source(%dma_start3A_195 : memref<128x32xf32, #tpu.memory_space<vmem>>) target(%dma_start3A_201 : memref<10240x32xf32, #tpu.memory_space<vmem_shared>>) offsets(%dma_start3A_198 : memref<128xi32, #tpu.memory_space<vmem>>) semaphore(%run_scoped3A_191 : memref<!tpu.dma_semaphore, #tpu.memory_space<semaphore_mem>>) {add = true}
        %dma_wait3A_202 = arith.constant 0 : i32
        %dma_wait3A_203 = arith.constant 0 : i32
        %dma_wait3A_204 = tpu.memref_slice %arg10[%run_scoped3A_152, %dma_wait3A_202, %dma_wait3A_203] : memref<4x128x32xf32, #tpu.memory_space<vmem>> -> memref<1x128x32xf32, #tpu.memory_space<vmem>>
        %dma_wait3A_205 = tpu.memref_squeeze %dma_wait3A_204 : memref<1x128x32xf32, #tpu.memory_space<vmem>> -> memref<128x32xf32, #tpu.memory_space<vmem>>
        %dma_wait3A_206 = arith.constant 0 : i32
        %dma_wait3A_207 = tpu.memref_slice %arg8[%add3A_133, %dma_wait3A_206] : memref<40x128xi32, #tpu.memory_space<vmem>> -> memref<1x128xi32, #tpu.memory_space<vmem>>
        %dma_wait3A_208 = tpu.memref_squeeze %dma_wait3A_207 : memref<1x128xi32, #tpu.memory_space<vmem>> -> memref<128xi32, #tpu.memory_space<vmem>>
        %dma_wait3A_209 = arith.constant 0 : i32
        %dma_wait3A_210 = arith.constant 0 : i32
        %dma_wait3A_211 = tpu.memref_slice %arg12[%dma_wait3A_209, %dma_wait3A_210] : memref<10240x32xf32, #tpu.memory_space<vmem_shared>> -> memref<10240x32xf32, #tpu.memory_space<vmem_shared>>
        tpu.wait_indirect_dma semaphore(%run_scoped3A_191 : memref<!tpu.dma_semaphore, #tpu.memory_space<semaphore_mem>>) src(%dma_wait3A_205 : memref<128x32xf32, #tpu.memory_space<vmem>>) dst(%dma_wait3A_211 : memref<10240x32xf32, #tpu.memory_space<vmem_shared>>)
        tpu.yield
      }) : () -> ()
      %add3A_153 = arith.constant 4 : i32
      %add3A_154 = arith.addi %add3A_133, %add3A_153 : i32
      %lt3A_155 = arith.constant 40 : i32
      %lt3A_156 = arith.cmpi slt, %add3A_154, %lt3A_155 : i32
      %convert_element_type3A_157 = arith.extui %lt3A_156 : i1 to i32
      %cond3A_158 = arith.constant 0 : i32
      %cond3A_159 = arith.cmpi ne, %convert_element_type3A_157, %cond3A_158 : i32
      scf.if %cond3A_159 {
        %dma_start3A_191 = arith.constant 2 : i32
        %dma_start3A_192 = arith.constant 0 : i32
        %dma_start3A_193 = arith.constant 0 : i32
        %dma_start3A_194 = tpu.memref_slice %arg10[%dma_start3A_191, %dma_start3A_192, %dma_start3A_193] : memref<4x128x32xf32, #tpu.memory_space<vmem>> -> memref<1x128x32xf32, #tpu.memory_space<vmem>>
        %dma_start3A_195 = tpu.memref_squeeze %dma_start3A_194 : memref<1x128x32xf32, #tpu.memory_space<vmem>> -> memref<128x32xf32, #tpu.memory_space<vmem>>
        %dma_start3A_196 = arith.constant 0 : i32
        %dma_start3A_197 = tpu.memref_slice %arg7[%add3A_154, %dma_start3A_196] : memref<40x128xi32, #tpu.memory_space<vmem>> -> memref<1x128xi32, #tpu.memory_space<vmem>>
        %dma_start3A_198 = tpu.memref_squeeze %dma_start3A_197 : memref<1x128xi32, #tpu.memory_space<vmem>> -> memref<128xi32, #tpu.memory_space<vmem>>
        %dma_start3A_199 = arith.constant 0 : i32
        %dma_start3A_200 = arith.constant 0 : i32
        %dma_start3A_201 = tpu.memref_slice %arg5[%dma_start3A_199, %dma_start3A_200] : memref<10240x32xf32, #tpu.memory_space<hbm>> -> memref<10240x32xf32, #tpu.memory_space<hbm>>
        tpu.enqueue_indirect_dma source(%dma_start3A_201 : memref<10240x32xf32, #tpu.memory_space<hbm>>) target(%dma_start3A_195 : memref<128x32xf32, #tpu.memory_space<vmem>>) offsets(%dma_start3A_198 : memref<128xi32, #tpu.memory_space<vmem>>) semaphore(%arg15 : memref<!tpu.dma_semaphore, #tpu.memory_space<semaphore_mem>>)
      } else {
      }
      %mul3A_160 = arith.constant 4 : i32
      %mul3A_161 = arith.muli %scan3A_73, %mul3A_160 : i32
      %add3A_162 = arith.constant 3 : i32
      %add3A_163 = arith.addi %mul3A_161, %add3A_162 : i32
      %dma_wait3A_164 = arith.constant 3 : i32
      %dma_wait3A_165 = arith.constant 0 : i32
      %dma_wait3A_166 = arith.constant 0 : i32
      %dma_wait3A_167 = tpu.memref_slice %arg10[%dma_wait3A_164, %dma_wait3A_165, %dma_wait3A_166] : memref<4x128x32xf32, #tpu.memory_space<vmem>> -> memref<1x128x32xf32, #tpu.memory_space<vmem>>
      %dma_wait3A_168 = tpu.memref_squeeze %dma_wait3A_167 : memref<1x128x32xf32, #tpu.memory_space<vmem>> -> memref<128x32xf32, #tpu.memory_space<vmem>>
      %dma_wait3A_169 = arith.constant 0 : i32
      %dma_wait3A_170 = tpu.memref_slice %arg7[%add3A_163, %dma_wait3A_169] : memref<40x128xi32, #tpu.memory_space<vmem>> -> memref<1x128xi32, #tpu.memory_space<vmem>>
      %dma_wait3A_171 = tpu.memref_squeeze %dma_wait3A_170 : memref<1x128xi32, #tpu.memory_space<vmem>> -> memref<128xi32, #tpu.memory_space<vmem>>
      %dma_wait3A_172 = arith.constant 0 : i32
      %dma_wait3A_173 = arith.constant 0 : i32
      %dma_wait3A_174 = tpu.memref_slice %arg5[%dma_wait3A_172, %dma_wait3A_173] : memref<10240x32xf32, #tpu.memory_space<hbm>> -> memref<10240x32xf32, #tpu.memory_space<hbm>>
      tpu.wait_indirect_dma semaphore(%arg16 : memref<!tpu.dma_semaphore, #tpu.memory_space<semaphore_mem>>) src(%dma_wait3A_174 : memref<10240x32xf32, #tpu.memory_space<hbm>>) dst(%dma_wait3A_168 : memref<128x32xf32, #tpu.memory_space<vmem>>)
      %scan3A_175 = arith.constant 0 : i32
      %scan3A_176 = arith.constant 0 : i32
      %scan3A_177 = arith.constant 8 : i32
      %scan3A_178 = arith.addi %scan3A_176, %scan3A_177 : i32
      %scan3A_179 = arith.constant 1 : i32
      %scan3A_180 = scf.for %scan3A_191 = %scan3A_176 to %scan3A_178 step %scan3A_179 iter_args(%scan3A_192 = %scan3A_175) -> (i32)  : i32 {
        %mul3A_193 = arith.constant 16 : i32
        %mul3A_194 = arith.muli %scan3A_191, %mul3A_193 : i32
        %get3A = arith.index_cast %add3A_163 : i32 to index
        %get3A_195 = arith.index_cast %mul3A_194 : i32 to index
        %get3A_196 = tpu.vector_load %arg9[%get3A, %get3A_195] {strides = array<i32>} : memref<40x128xf32, #tpu.memory_space<vmem>>, vector<1x16xf32>,
        %get3A_197 = vector.shape_cast %get3A_196 : vector<1x16xf32> to vector<16xf32>
        %mul3A_198 = arith.constant 16 : i32
        %mul3A_199 = arith.muli %scan3A_191, %mul3A_198 : i32
        %add3A_200 = arith.constant 0 : i32
        %add3A_201 = arith.addi %mul3A_199, %add3A_200 : i32
        %slice3A = vector.extract_strided_slice %get3A_197 {offsets = [0], sizes = [1], strides = [1]} : vector<16xf32> to vector<1xf32>
        %squeeze3A = vector.extract %slice3A[0] : f32 from vector<1xf32>
        %broadcast_in_dim3A = vector.broadcast %squeeze3A : f32 to vector<16xf32>
        %get3A_202 = arith.constant 3 : i32
        %get3A_203 = arith.index_cast %get3A_202 : i32 to index
        %get3A_204 = arith.index_cast %add3A_201 : i32 to index
        %get3A_205 = arith.constant 0 : index
        %get3A_206 = tpu.vector_load %arg10[%get3A_203, %get3A_204, %get3A_205] {strides = array<i32>} : memref<4x128x32xf32, #tpu.memory_space<vmem>>, vector<1x1x16xf32>,
        %get3A_207 = vector.shape_cast %get3A_206 : vector<1x1x16xf32> to vector<16xf32>
        %mul3A_208 = arith.mulf %get3A_207, %broadcast_in_dim3A : vector<16xf32>
        %swap3A = arith.constant 3 : i32
        %swap3A_209 = arith.index_cast %swap3A : i32 to index
        %swap3A_210 = arith.index_cast %add3A_201 : i32 to index
        %swap3A_211 = arith.constant 0 : index
        %swap3A_212 = tpu.vector_load %arg10[%swap3A_209, %swap3A_210, %swap3A_211] {strides = array<i32>} : memref<4x128x32xf32, #tpu.memory_space<vmem>>, vector<1x1x16xf32>,
        %swap3A_213 = vector.shape_cast %swap3A_212 : vector<1x1x16xf32> to vector<16xf32>
        %swap3A_214 = vector.shape_cast %mul3A_208 : vector<16xf32> to vector<1x1x16xf32>
        tpu.vector_store %arg10[%swap3A_209, %swap3A_210, %swap3A_211], %swap3A_214 {strides = array<i32>} : memref<4x128x32xf32, #tpu.memory_space<vmem>>, vector<1x1x16xf32>,
        %get3A_215 = arith.constant 3 : i32
        %get3A_216 = arith.index_cast %get3A_215 : i32 to index
        %get3A_217 = arith.index_cast %add3A_201 : i32 to index
        %get3A_218 = arith.constant 16 : index
        %get3A_219 = tpu.vector_load %arg10[%get3A_216, %get3A_217, %get3A_218] {strides = array<i32>} : memref<4x128x32xf32, #tpu.memory_space<vmem>>, vector<1x1x16xf32>,
        %get3A_220 = vector.shape_cast %get3A_219 : vector<1x1x16xf32> to vector<16xf32>
        %mul3A_221 = arith.mulf %get3A_220, %broadcast_in_dim3A : vector<16xf32>
        %swap3A_222 = arith.constant 3 : i32
        %swap3A_223 = arith.index_cast %swap3A_222 : i32 to index
        %swap3A_224 = arith.index_cast %add3A_201 : i32 to index
        %swap3A_225 = arith.constant 16 : index
        %swap3A_226 = tpu.vector_load %arg10[%swap3A_223, %swap3A_224, %swap3A_225] {strides = array<i32>} : memref<4x128x32xf32, #tpu.memory_space<vmem>>, vector<1x1x16xf32>,
        %swap3A_227 = vector.shape_cast %swap3A_226 : vector<1x1x16xf32> to vector<16xf32>
        %swap3A_228 = vector.shape_cast %mul3A_221 : vector<16xf32> to vector<1x1x16xf32>
        tpu.vector_store %arg10[%swap3A_223, %swap3A_224, %swap3A_225], %swap3A_228 {strides = array<i32>} : memref<4x128x32xf32, #tpu.memory_space<vmem>>, vector<1x1x16xf32>,
        %mul3A_229 = arith.constant 16 : i32
        %mul3A_230 = arith.muli %scan3A_191, %mul3A_229 : i32
        %add3A_231 = arith.constant 1 : i32
        %add3A_232 = arith.addi %mul3A_230, %add3A_231 : i32
        %slice3A_233 = vector.extract_strided_slice %get3A_197 {offsets = [1], sizes = [1], strides = [1]} : vector<16xf32> to vector<1xf32>
        %squeeze3A_234 = vector.extract %slice3A_233[0] : f32 from vector<1xf32>
        %broadcast_in_dim3A_235 = vector.broadcast %squeeze3A_234 : f32 to vector<16xf32>
        %get3A_236 = arith.constant 3 : i32
        %get3A_237 = arith.index_cast %get3A_236 : i32 to index
        %get3A_238 = arith.index_cast %add3A_232 : i32 to index
        %get3A_239 = arith.constant 0 : index
        %get3A_240 = tpu.vector_load %arg10[%get3A_237, %get3A_238, %get3A_239] {strides = array<i32>} : memref<4x128x32xf32, #tpu.memory_space<vmem>>, vector<1x1x16xf32>,
        %get3A_241 = vector.shape_cast %get3A_240 : vector<1x1x16xf32> to vector<16xf32>
        %mul3A_242 = arith.mulf %get3A_241, %broadcast_in_dim3A_235 : vector<16xf32>
        %swap3A_243 = arith.constant 3 : i32
        %swap3A_244 = arith.index_cast %swap3A_243 : i32 to index
        %swap3A_245 = arith.index_cast %add3A_232 : i32 to index
        %swap3A_246 = arith.constant 0 : index
        %swap3A_247 = tpu.vector_load %arg10[%swap3A_244, %swap3A_245, %swap3A_246] {strides = array<i32>} : memref<4x128x32xf32, #tpu.memory_space<vmem>>, vector<1x1x16xf32>,
        %swap3A_248 = vector.shape_cast %swap3A_247 : vector<1x1x16xf32> to vector<16xf32>
        %swap3A_249 = vector.shape_cast %mul3A_242 : vector<16xf32> to vector<1x1x16xf32>
        tpu.vector_store %arg10[%swap3A_244, %swap3A_245, %swap3A_246], %swap3A_249 {strides = array<i32>} : memref<4x128x32xf32, #tpu.memory_space<vmem>>, vector<1x1x16xf32>,
        %get3A_250 = arith.constant 3 : i32
        %get3A_251 = arith.index_cast %get3A_250 : i32 to index
        %get3A_252 = arith.index_cast %add3A_232 : i32 to index
        %get3A_253 = arith.constant 16 : index
        %get3A_254 = tpu.vector_load %arg10[%get3A_251, %get3A_252, %get3A_253] {strides = array<i32>} : memref<4x128x32xf32, #tpu.memory_space<vmem>>, vector<1x1x16xf32>,
        %get3A_255 = vector.shape_cast %get3A_254 : vector<1x1x16xf32> to vector<16xf32>
        %mul3A_256 = arith.mulf %get3A_255, %broadcast_in_dim3A_235 : vector<16xf32>
        %swap3A_257 = arith.constant 3 : i32
        %swap3A_258 = arith.index_cast %swap3A_257 : i32 to index
        %swap3A_259 = arith.index_cast %add3A_232 : i32 to index
        %swap3A_260 = arith.constant 16 : index
        %swap3A_261 = tpu.vector_load %arg10[%swap3A_258, %swap3A_259, %swap3A_260] {strides = array<i32>} : memref<4x128x32xf32, #tpu.memory_space<vmem>>, vector<1x1x16xf32>,
        %swap3A_262 = vector.shape_cast %swap3A_261 : vector<1x1x16xf32> to vector<16xf32>
        %swap3A_263 = vector.shape_cast %mul3A_256 : vector<16xf32> to vector<1x1x16xf32>
        tpu.vector_store %arg10[%swap3A_258, %swap3A_259, %swap3A_260], %swap3A_263 {strides = array<i32>} : memref<4x128x32xf32, #tpu.memory_space<vmem>>, vector<1x1x16xf32>,
        %mul3A_264 = arith.constant 16 : i32
        %mul3A_265 = arith.muli %scan3A_191, %mul3A_264 : i32
        %add3A_266 = arith.constant 2 : i32
        %add3A_267 = arith.addi %mul3A_265, %add3A_266 : i32
        %slice3A_268 = vector.extract_strided_slice %get3A_197 {offsets = [2], sizes = [1], strides = [1]} : vector<16xf32> to vector<1xf32>
        %squeeze3A_269 = vector.extract %slice3A_268[0] : f32 from vector<1xf32>
        %broadcast_in_dim3A_270 = vector.broadcast %squeeze3A_269 : f32 to vector<16xf32>
        %get3A_271 = arith.constant 3 : i32
        %get3A_272 = arith.index_cast %get3A_271 : i32 to index
        %get3A_273 = arith.index_cast %add3A_267 : i32 to index
        %get3A_274 = arith.constant 0 : index
        %get3A_275 = tpu.vector_load %arg10[%get3A_272, %get3A_273, %get3A_274] {strides = array<i32>} : memref<4x128x32xf32, #tpu.memory_space<vmem>>, vector<1x1x16xf32>,
        %get3A_276 = vector.shape_cast %get3A_275 : vector<1x1x16xf32> to vector<16xf32>
        %mul3A_277 = arith.mulf %get3A_276, %broadcast_in_dim3A_270 : vector<16xf32>
        %swap3A_278 = arith.constant 3 : i32
        %swap3A_279 = arith.index_cast %swap3A_278 : i32 to index
        %swap3A_280 = arith.index_cast %add3A_267 : i32 to index
        %swap3A_281 = arith.constant 0 : index
        %swap3A_282 = tpu.vector_load %arg10[%swap3A_279, %swap3A_280, %swap3A_281] {strides = array<i32>} : memref<4x128x32xf32, #tpu.memory_space<vmem>>, vector<1x1x16xf32>,
        %swap3A_283 = vector.shape_cast %swap3A_282 : vector<1x1x16xf32> to vector<16xf32>
        %swap3A_284 = vector.shape_cast %mul3A_277 : vector<16xf32> to vector<1x1x16xf32>
        tpu.vector_store %arg10[%swap3A_279, %swap3A_280, %swap3A_281], %swap3A_284 {strides = array<i32>} : memref<4x128x32xf32, #tpu.memory_space<vmem>>, vector<1x1x16xf32>,
        %get3A_285 = arith.constant 3 : i32
        %get3A_286 = arith.index_cast %get3A_285 : i32 to index
        %get3A_287 = arith.index_cast %add3A_267 : i32 to index
        %get3A_288 = arith.constant 16 : index
        %get3A_289 = tpu.vector_load %arg10[%get3A_286, %get3A_287, %get3A_288] {strides = array<i32>} : memref<4x128x32xf32, #tpu.memory_space<vmem>>, vector<1x1x16xf32>,
        %get3A_290 = vector.shape_cast %get3A_289 : vector<1x1x16xf32> to vector<16xf32>
        %mul3A_291 = arith.mulf %get3A_290, %broadcast_in_dim3A_270 : vector<16xf32>
        %swap3A_292 = arith.constant 3 : i32
        %swap3A_293 = arith.index_cast %swap3A_292 : i32 to index
        %swap3A_294 = arith.index_cast %add3A_267 : i32 to index
        %swap3A_295 = arith.constant 16 : index
        %swap3A_296 = tpu.vector_load %arg10[%swap3A_293, %swap3A_294, %swap3A_295] {strides = array<i32>} : memref<4x128x32xf32, #tpu.memory_space<vmem>>, vector<1x1x16xf32>,
        %swap3A_297 = vector.shape_cast %swap3A_296 : vector<1x1x16xf32> to vector<16xf32>
        %swap3A_298 = vector.shape_cast %mul3A_291 : vector<16xf32> to vector<1x1x16xf32>
        tpu.vector_store %arg10[%swap3A_293, %swap3A_294, %swap3A_295], %swap3A_298 {strides = array<i32>} : memref<4x128x32xf32, #tpu.memory_space<vmem>>, vector<1x1x16xf32>,
        %mul3A_299 = arith.constant 16 : i32
        %mul3A_300 = arith.muli %scan3A_191, %mul3A_299 : i32
        %add3A_301 = arith.constant 3 : i32
        %add3A_302 = arith.addi %mul3A_300, %add3A_301 : i32
        %slice3A_303 = vector.extract_strided_slice %get3A_197 {offsets = [3], sizes = [1], strides = [1]} : vector<16xf32> to vector<1xf32>
        %squeeze3A_304 = vector.extract %slice3A_303[0] : f32 from vector<1xf32>
        %broadcast_in_dim3A_305 = vector.broadcast %squeeze3A_304 : f32 to vector<16xf32>
        %get3A_306 = arith.constant 3 : i32
        %get3A_307 = arith.index_cast %get3A_306 : i32 to index
        %get3A_308 = arith.index_cast %add3A_302 : i32 to index
        %get3A_309 = arith.constant 0 : index
        %get3A_310 = tpu.vector_load %arg10[%get3A_307, %get3A_308, %get3A_309] {strides = array<i32>} : memref<4x128x32xf32, #tpu.memory_space<vmem>>, vector<1x1x16xf32>,
        %get3A_311 = vector.shape_cast %get3A_310 : vector<1x1x16xf32> to vector<16xf32>
        %mul3A_312 = arith.mulf %get3A_311, %broadcast_in_dim3A_305 : vector<16xf32>
        %swap3A_313 = arith.constant 3 : i32
        %swap3A_314 = arith.index_cast %swap3A_313 : i32 to index
        %swap3A_315 = arith.index_cast %add3A_302 : i32 to index
        %swap3A_316 = arith.constant 0 : index
        %swap3A_317 = tpu.vector_load %arg10[%swap3A_314, %swap3A_315, %swap3A_316] {strides = array<i32>} : memref<4x128x32xf32, #tpu.memory_space<vmem>>, vector<1x1x16xf32>,
        %swap3A_318 = vector.shape_cast %swap3A_317 : vector<1x1x16xf32> to vector<16xf32>
        %swap3A_319 = vector.shape_cast %mul3A_312 : vector<16xf32> to vector<1x1x16xf32>
        tpu.vector_store %arg10[%swap3A_314, %swap3A_315, %swap3A_316], %swap3A_319 {strides = array<i32>} : memref<4x128x32xf32, #tpu.memory_space<vmem>>, vector<1x1x16xf32>,
        %get3A_320 = arith.constant 3 : i32
        %get3A_321 = arith.index_cast %get3A_320 : i32 to index
        %get3A_322 = arith.index_cast %add3A_302 : i32 to index
        %get3A_323 = arith.constant 16 : index
        %get3A_324 = tpu.vector_load %arg10[%get3A_321, %get3A_322, %get3A_323] {strides = array<i32>} : memref<4x128x32xf32, #tpu.memory_space<vmem>>, vector<1x1x16xf32>,
        %get3A_325 = vector.shape_cast %get3A_324 : vector<1x1x16xf32> to vector<16xf32>
        %mul3A_326 = arith.mulf %get3A_325, %broadcast_in_dim3A_305 : vector<16xf32>
        %swap3A_327 = arith.constant 3 : i32
        %swap3A_328 = arith.index_cast %swap3A_327 : i32 to index
        %swap3A_329 = arith.index_cast %add3A_302 : i32 to index
        %swap3A_330 = arith.constant 16 : index
        %swap3A_331 = tpu.vector_load %arg10[%swap3A_328, %swap3A_329, %swap3A_330] {strides = array<i32>} : memref<4x128x32xf32, #tpu.memory_space<vmem>>, vector<1x1x16xf32>,
        %swap3A_332 = vector.shape_cast %swap3A_331 : vector<1x1x16xf32> to vector<16xf32>
        %swap3A_333 = vector.shape_cast %mul3A_326 : vector<16xf32> to vector<1x1x16xf32>
        tpu.vector_store %arg10[%swap3A_328, %swap3A_329, %swap3A_330], %swap3A_333 {strides = array<i32>} : memref<4x128x32xf32, #tpu.memory_space<vmem>>, vector<1x1x16xf32>,
        %mul3A_334 = arith.constant 16 : i32
        %mul3A_335 = arith.muli %scan3A_191, %mul3A_334 : i32
        %add3A_336 = arith.constant 4 : i32
        %add3A_337 = arith.addi %mul3A_335, %add3A_336 : i32
        %slice3A_338 = vector.extract_strided_slice %get3A_197 {offsets = [4], sizes = [1], strides = [1]} : vector<16xf32> to vector<1xf32>
        %squeeze3A_339 = vector.extract %slice3A_338[0] : f32 from vector<1xf32>
        %broadcast_in_dim3A_340 = vector.broadcast %squeeze3A_339 : f32 to vector<16xf32>
        %get3A_341 = arith.constant 3 : i32
        %get3A_342 = arith.index_cast %get3A_341 : i32 to index
        %get3A_343 = arith.index_cast %add3A_337 : i32 to index
        %get3A_344 = arith.constant 0 : index
        %get3A_345 = tpu.vector_load %arg10[%get3A_342, %get3A_343, %get3A_344] {strides = array<i32>} : memref<4x128x32xf32, #tpu.memory_space<vmem>>, vector<1x1x16xf32>,
        %get3A_346 = vector.shape_cast %get3A_345 : vector<1x1x16xf32> to vector<16xf32>
        %mul3A_347 = arith.mulf %get3A_346, %broadcast_in_dim3A_340 : vector<16xf32>
        %swap3A_348 = arith.constant 3 : i32
        %swap3A_349 = arith.index_cast %swap3A_348 : i32 to index
        %swap3A_350 = arith.index_cast %add3A_337 : i32 to index
        %swap3A_351 = arith.constant 0 : index
        %swap3A_352 = tpu.vector_load %arg10[%swap3A_349, %swap3A_350, %swap3A_351] {strides = array<i32>} : memref<4x128x32xf32, #tpu.memory_space<vmem>>, vector<1x1x16xf32>,
        %swap3A_353 = vector.shape_cast %swap3A_352 : vector<1x1x16xf32> to vector<16xf32>
        %swap3A_354 = vector.shape_cast %mul3A_347 : vector<16xf32> to vector<1x1x16xf32>
        tpu.vector_store %arg10[%swap3A_349, %swap3A_350, %swap3A_351], %swap3A_354 {strides = array<i32>} : memref<4x128x32xf32, #tpu.memory_space<vmem>>, vector<1x1x16xf32>,
        %get3A_355 = arith.constant 3 : i32
        %get3A_356 = arith.index_cast %get3A_355 : i32 to index
        %get3A_357 = arith.index_cast %add3A_337 : i32 to index
        %get3A_358 = arith.constant 16 : index
        %get3A_359 = tpu.vector_load %arg10[%get3A_356, %get3A_357, %get3A_358] {strides = array<i32>} : memref<4x128x32xf32, #tpu.memory_space<vmem>>, vector<1x1x16xf32>,
        %get3A_360 = vector.shape_cast %get3A_359 : vector<1x1x16xf32> to vector<16xf32>
        %mul3A_361 = arith.mulf %get3A_360, %broadcast_in_dim3A_340 : vector<16xf32>
        %swap3A_362 = arith.constant 3 : i32
        %swap3A_363 = arith.index_cast %swap3A_362 : i32 to index
        %swap3A_364 = arith.index_cast %add3A_337 : i32 to index
        %swap3A_365 = arith.constant 16 : index
        %swap3A_366 = tpu.vector_load %arg10[%swap3A_363, %swap3A_364, %swap3A_365] {strides = array<i32>} : memref<4x128x32xf32, #tpu.memory_space<vmem>>, vector<1x1x16xf32>,
        %swap3A_367 = vector.shape_cast %swap3A_366 : vector<1x1x16xf32> to vector<16xf32>
        %swap3A_368 = vector.shape_cast %mul3A_361 : vector<16xf32> to vector<1x1x16xf32>
        tpu.vector_store %arg10[%swap3A_363, %swap3A_364, %swap3A_365], %swap3A_368 {strides = array<i32>} : memref<4x128x32xf32, #tpu.memory_space<vmem>>, vector<1x1x16xf32>,
        %mul3A_369 = arith.constant 16 : i32
        %mul3A_370 = arith.muli %scan3A_191, %mul3A_369 : i32
        %add3A_371 = arith.constant 5 : i32
        %add3A_372 = arith.addi %mul3A_370, %add3A_371 : i32
        %slice3A_373 = vector.extract_strided_slice %get3A_197 {offsets = [5], sizes = [1], strides = [1]} : vector<16xf32> to vector<1xf32>
        %squeeze3A_374 = vector.extract %slice3A_373[0] : f32 from vector<1xf32>
        %broadcast_in_dim3A_375 = vector.broadcast %squeeze3A_374 : f32 to vector<16xf32>
        %get3A_376 = arith.constant 3 : i32
        %get3A_377 = arith.index_cast %get3A_376 : i32 to index
        %get3A_378 = arith.index_cast %add3A_372 : i32 to index
        %get3A_379 = arith.constant 0 : index
        %get3A_380 = tpu.vector_load %arg10[%get3A_377, %get3A_378, %get3A_379] {strides = array<i32>} : memref<4x128x32xf32, #tpu.memory_space<vmem>>, vector<1x1x16xf32>,
        %get3A_381 = vector.shape_cast %get3A_380 : vector<1x1x16xf32> to vector<16xf32>
        %mul3A_382 = arith.mulf %get3A_381, %broadcast_in_dim3A_375 : vector<16xf32>
        %swap3A_383 = arith.constant 3 : i32
        %swap3A_384 = arith.index_cast %swap3A_383 : i32 to index
        %swap3A_385 = arith.index_cast %add3A_372 : i32 to index
        %swap3A_386 = arith.constant 0 : index
        %swap3A_387 = tpu.vector_load %arg10[%swap3A_384, %swap3A_385, %swap3A_386] {strides = array<i32>} : memref<4x128x32xf32, #tpu.memory_space<vmem>>, vector<1x1x16xf32>,
        %swap3A_388 = vector.shape_cast %swap3A_387 : vector<1x1x16xf32> to vector<16xf32>
        %swap3A_389 = vector.shape_cast %mul3A_382 : vector<16xf32> to vector<1x1x16xf32>
        tpu.vector_store %arg10[%swap3A_384, %swap3A_385, %swap3A_386], %swap3A_389 {strides = array<i32>} : memref<4x128x32xf32, #tpu.memory_space<vmem>>, vector<1x1x16xf32>,
        %get3A_390 = arith.constant 3 : i32
        %get3A_391 = arith.index_cast %get3A_390 : i32 to index
        %get3A_392 = arith.index_cast %add3A_372 : i32 to index
        %get3A_393 = arith.constant 16 : index
        %get3A_394 = tpu.vector_load %arg10[%get3A_391, %get3A_392, %get3A_393] {strides = array<i32>} : memref<4x128x32xf32, #tpu.memory_space<vmem>>, vector<1x1x16xf32>,
        %get3A_395 = vector.shape_cast %get3A_394 : vector<1x1x16xf32> to vector<16xf32>
        %mul3A_396 = arith.mulf %get3A_395, %broadcast_in_dim3A_375 : vector<16xf32>
        %swap3A_397 = arith.constant 3 : i32
        %swap3A_398 = arith.index_cast %swap3A_397 : i32 to index
        %swap3A_399 = arith.index_cast %add3A_372 : i32 to index
        %swap3A_400 = arith.constant 16 : index
        %swap3A_401 = tpu.vector_load %arg10[%swap3A_398, %swap3A_399, %swap3A_400] {strides = array<i32>} : memref<4x128x32xf32, #tpu.memory_space<vmem>>, vector<1x1x16xf32>,
        %swap3A_402 = vector.shape_cast %swap3A_401 : vector<1x1x16xf32> to vector<16xf32>
        %swap3A_403 = vector.shape_cast %mul3A_396 : vector<16xf32> to vector<1x1x16xf32>
        tpu.vector_store %arg10[%swap3A_398, %swap3A_399, %swap3A_400], %swap3A_403 {strides = array<i32>} : memref<4x128x32xf32, #tpu.memory_space<vmem>>, vector<1x1x16xf32>,
        %mul3A_404 = arith.constant 16 : i32
        %mul3A_405 = arith.muli %scan3A_191, %mul3A_404 : i32
        %add3A_406 = arith.constant 6 : i32
        %add3A_407 = arith.addi %mul3A_405, %add3A_406 : i32
        %slice3A_408 = vector.extract_strided_slice %get3A_197 {offsets = [6], sizes = [1], strides = [1]} : vector<16xf32> to vector<1xf32>
        %squeeze3A_409 = vector.extract %slice3A_408[0] : f32 from vector<1xf32>
        %broadcast_in_dim3A_410 = vector.broadcast %squeeze3A_409 : f32 to vector<16xf32>
        %get3A_411 = arith.constant 3 : i32
        %get3A_412 = arith.index_cast %get3A_411 : i32 to index
        %get3A_413 = arith.index_cast %add3A_407 : i32 to index
        %get3A_414 = arith.constant 0 : index
        %get3A_415 = tpu.vector_load %arg10[%get3A_412, %get3A_413, %get3A_414] {strides = array<i32>} : memref<4x128x32xf32, #tpu.memory_space<vmem>>, vector<1x1x16xf32>,
        %get3A_416 = vector.shape_cast %get3A_415 : vector<1x1x16xf32> to vector<16xf32>
        %mul3A_417 = arith.mulf %get3A_416, %broadcast_in_dim3A_410 : vector<16xf32>
        %swap3A_418 = arith.constant 3 : i32
        %swap3A_419 = arith.index_cast %swap3A_418 : i32 to index
        %swap3A_420 = arith.index_cast %add3A_407 : i32 to index
        %swap3A_421 = arith.constant 0 : index
        %swap3A_422 = tpu.vector_load %arg10[%swap3A_419, %swap3A_420, %swap3A_421] {strides = array<i32>} : memref<4x128x32xf32, #tpu.memory_space<vmem>>, vector<1x1x16xf32>,
        %swap3A_423 = vector.shape_cast %swap3A_422 : vector<1x1x16xf32> to vector<16xf32>
        %swap3A_424 = vector.shape_cast %mul3A_417 : vector<16xf32> to vector<1x1x16xf32>
        tpu.vector_store %arg10[%swap3A_419, %swap3A_420, %swap3A_421], %swap3A_424 {strides = array<i32>} : memref<4x128x32xf32, #tpu.memory_space<vmem>>, vector<1x1x16xf32>,
        %get3A_425 = arith.constant 3 : i32
        %get3A_426 = arith.index_cast %get3A_425 : i32 to index
        %get3A_427 = arith.index_cast %add3A_407 : i32 to index
        %get3A_428 = arith.constant 16 : index
        %get3A_429 = tpu.vector_load %arg10[%get3A_426, %get3A_427, %get3A_428] {strides = array<i32>} : memref<4x128x32xf32, #tpu.memory_space<vmem>>, vector<1x1x16xf32>,
        %get3A_430 = vector.shape_cast %get3A_429 : vector<1x1x16xf32> to vector<16xf32>
        %mul3A_431 = arith.mulf %get3A_430, %broadcast_in_dim3A_410 : vector<16xf32>
        %swap3A_432 = arith.constant 3 : i32
        %swap3A_433 = arith.index_cast %swap3A_432 : i32 to index
        %swap3A_434 = arith.index_cast %add3A_407 : i32 to index
        %swap3A_435 = arith.constant 16 : index
        %swap3A_436 = tpu.vector_load %arg10[%swap3A_433, %swap3A_434, %swap3A_435] {strides = array<i32>} : memref<4x128x32xf32, #tpu.memory_space<vmem>>, vector<1x1x16xf32>,
        %swap3A_437 = vector.shape_cast %swap3A_436 : vector<1x1x16xf32> to vector<16xf32>
        %swap3A_438 = vector.shape_cast %mul3A_431 : vector<16xf32> to vector<1x1x16xf32>
        tpu.vector_store %arg10[%swap3A_433, %swap3A_434, %swap3A_435], %swap3A_438 {strides = array<i32>} : memref<4x128x32xf32, #tpu.memory_space<vmem>>, vector<1x1x16xf32>,
        %mul3A_439 = arith.constant 16 : i32
        %mul3A_440 = arith.muli %scan3A_191, %mul3A_439 : i32
        %add3A_441 = arith.constant 7 : i32
        %add3A_442 = arith.addi %mul3A_440, %add3A_441 : i32
        %slice3A_443 = vector.extract_strided_slice %get3A_197 {offsets = [7], sizes = [1], strides = [1]} : vector<16xf32> to vector<1xf32>
        %squeeze3A_444 = vector.extract %slice3A_443[0] : f32 from vector<1xf32>
        %broadcast_in_dim3A_445 = vector.broadcast %squeeze3A_444 : f32 to vector<16xf32>
        %get3A_446 = arith.constant 3 : i32
        %get3A_447 = arith.index_cast %get3A_446 : i32 to index
        %get3A_448 = arith.index_cast %add3A_442 : i32 to index
        %get3A_449 = arith.constant 0 : index
        %get3A_450 = tpu.vector_load %arg10[%get3A_447, %get3A_448, %get3A_449] {strides = array<i32>} : memref<4x128x32xf32, #tpu.memory_space<vmem>>, vector<1x1x16xf32>,
        %get3A_451 = vector.shape_cast %get3A_450 : vector<1x1x16xf32> to vector<16xf32>
        %mul3A_452 = arith.mulf %get3A_451, %broadcast_in_dim3A_445 : vector<16xf32>
        %swap3A_453 = arith.constant 3 : i32
        %swap3A_454 = arith.index_cast %swap3A_453 : i32 to index
        %swap3A_455 = arith.index_cast %add3A_442 : i32 to index
        %swap3A_456 = arith.constant 0 : index
        %swap3A_457 = tpu.vector_load %arg10[%swap3A_454, %swap3A_455, %swap3A_456] {strides = array<i32>} : memref<4x128x32xf32, #tpu.memory_space<vmem>>, vector<1x1x16xf32>,
        %swap3A_458 = vector.shape_cast %swap3A_457 : vector<1x1x16xf32> to vector<16xf32>
        %swap3A_459 = vector.shape_cast %mul3A_452 : vector<16xf32> to vector<1x1x16xf32>
        tpu.vector_store %arg10[%swap3A_454, %swap3A_455, %swap3A_456], %swap3A_459 {strides = array<i32>} : memref<4x128x32xf32, #tpu.memory_space<vmem>>, vector<1x1x16xf32>,
        %get3A_460 = arith.constant 3 : i32
        %get3A_461 = arith.index_cast %get3A_460 : i32 to index
        %get3A_462 = arith.index_cast %add3A_442 : i32 to index
        %get3A_463 = arith.constant 16 : index
        %get3A_464 = tpu.vector_load %arg10[%get3A_461, %get3A_462, %get3A_463] {strides = array<i32>} : memref<4x128x32xf32, #tpu.memory_space<vmem>>, vector<1x1x16xf32>,
        %get3A_465 = vector.shape_cast %get3A_464 : vector<1x1x16xf32> to vector<16xf32>
        %mul3A_466 = arith.mulf %get3A_465, %broadcast_in_dim3A_445 : vector<16xf32>
        %swap3A_467 = arith.constant 3 : i32
        %swap3A_468 = arith.index_cast %swap3A_467 : i32 to index
        %swap3A_469 = arith.index_cast %add3A_442 : i32 to index
        %swap3A_470 = arith.constant 16 : index
        %swap3A_471 = tpu.vector_load %arg10[%swap3A_468, %swap3A_469, %swap3A_470] {strides = array<i32>} : memref<4x128x32xf32, #tpu.memory_space<vmem>>, vector<1x1x16xf32>,
        %swap3A_472 = vector.shape_cast %swap3A_471 : vector<1x1x16xf32> to vector<16xf32>
        %swap3A_473 = vector.shape_cast %mul3A_466 : vector<16xf32> to vector<1x1x16xf32>
        tpu.vector_store %arg10[%swap3A_468, %swap3A_469, %swap3A_470], %swap3A_473 {strides = array<i32>} : memref<4x128x32xf32, #tpu.memory_space<vmem>>, vector<1x1x16xf32>,
        %mul3A_474 = arith.constant 16 : i32
        %mul3A_475 = arith.muli %scan3A_191, %mul3A_474 : i32
        %add3A_476 = arith.constant 8 : i32
        %add3A_477 = arith.addi %mul3A_475, %add3A_476 : i32
        %slice3A_478 = vector.extract_strided_slice %get3A_197 {offsets = [8], sizes = [1], strides = [1]} : vector<16xf32> to vector<1xf32>
        %squeeze3A_479 = vector.extract %slice3A_478[0] : f32 from vector<1xf32>
        %broadcast_in_dim3A_480 = vector.broadcast %squeeze3A_479 : f32 to vector<16xf32>
        %get3A_481 = arith.constant 3 : i32
        %get3A_482 = arith.index_cast %get3A_481 : i32 to index
        %get3A_483 = arith.index_cast %add3A_477 : i32 to index
        %get3A_484 = arith.constant 0 : index
        %get3A_485 = tpu.vector_load %arg10[%get3A_482, %get3A_483, %get3A_484] {strides = array<i32>} : memref<4x128x32xf32, #tpu.memory_space<vmem>>, vector<1x1x16xf32>,
        %get3A_486 = vector.shape_cast %get3A_485 : vector<1x1x16xf32> to vector<16xf32>
        %mul3A_487 = arith.mulf %get3A_486, %broadcast_in_dim3A_480 : vector<16xf32>
        %swap3A_488 = arith.constant 3 : i32
        %swap3A_489 = arith.index_cast %swap3A_488 : i32 to index
        %swap3A_490 = arith.index_cast %add3A_477 : i32 to index
        %swap3A_491 = arith.constant 0 : index
        %swap3A_492 = tpu.vector_load %arg10[%swap3A_489, %swap3A_490, %swap3A_491] {strides = array<i32>} : memref<4x128x32xf32, #tpu.memory_space<vmem>>, vector<1x1x16xf32>,
        %swap3A_493 = vector.shape_cast %swap3A_492 : vector<1x1x16xf32> to vector<16xf32>
        %swap3A_494 = vector.shape_cast %mul3A_487 : vector<16xf32> to vector<1x1x16xf32>
        tpu.vector_store %arg10[%swap3A_489, %swap3A_490, %swap3A_491], %swap3A_494 {strides = array<i32>} : memref<4x128x32xf32, #tpu.memory_space<vmem>>, vector<1x1x16xf32>,
        %get3A_495 = arith.constant 3 : i32
        %get3A_496 = arith.index_cast %get3A_495 : i32 to index
        %get3A_497 = arith.index_cast %add3A_477 : i32 to index
        %get3A_498 = arith.constant 16 : index
        %get3A_499 = tpu.vector_load %arg10[%get3A_496, %get3A_497, %get3A_498] {strides = array<i32>} : memref<4x128x32xf32, #tpu.memory_space<vmem>>, vector<1x1x16xf32>,
        %get3A_500 = vector.shape_cast %get3A_499 : vector<1x1x16xf32> to vector<16xf32>
        %mul3A_501 = arith.mulf %get3A_500, %broadcast_in_dim3A_480 : vector<16xf32>
        %swap3A_502 = arith.constant 3 : i32
        %swap3A_503 = arith.index_cast %swap3A_502 : i32 to index
        %swap3A_504 = arith.index_cast %add3A_477 : i32 to index
        %swap3A_505 = arith.constant 16 : index
        %swap3A_506 = tpu.vector_load %arg10[%swap3A_503, %swap3A_504, %swap3A_505] {strides = array<i32>} : memref<4x128x32xf32, #tpu.memory_space<vmem>>, vector<1x1x16xf32>,
        %swap3A_507 = vector.shape_cast %swap3A_506 : vector<1x1x16xf32> to vector<16xf32>
        %swap3A_508 = vector.shape_cast %mul3A_501 : vector<16xf32> to vector<1x1x16xf32>
        tpu.vector_store %arg10[%swap3A_503, %swap3A_504, %swap3A_505], %swap3A_508 {strides = array<i32>} : memref<4x128x32xf32, #tpu.memory_space<vmem>>, vector<1x1x16xf32>,
        %mul3A_509 = arith.constant 16 : i32
        %mul3A_510 = arith.muli %scan3A_191, %mul3A_509 : i32
        %add3A_511 = arith.constant 9 : i32
        %add3A_512 = arith.addi %mul3A_510, %add3A_511 : i32
        %slice3A_513 = vector.extract_strided_slice %get3A_197 {offsets = [9], sizes = [1], strides = [1]} : vector<16xf32> to vector<1xf32>
        %squeeze3A_514 = vector.extract %slice3A_513[0] : f32 from vector<1xf32>
        %broadcast_in_dim3A_515 = vector.broadcast %squeeze3A_514 : f32 to vector<16xf32>
        %get3A_516 = arith.constant 3 : i32
        %get3A_517 = arith.index_cast %get3A_516 : i32 to index
        %get3A_518 = arith.index_cast %add3A_512 : i32 to index
        %get3A_519 = arith.constant 0 : index
        %get3A_520 = tpu.vector_load %arg10[%get3A_517, %get3A_518, %get3A_519] {strides = array<i32>} : memref<4x128x32xf32, #tpu.memory_space<vmem>>, vector<1x1x16xf32>,
        %get3A_521 = vector.shape_cast %get3A_520 : vector<1x1x16xf32> to vector<16xf32>
        %mul3A_522 = arith.mulf %get3A_521, %broadcast_in_dim3A_515 : vector<16xf32>
        %swap3A_523 = arith.constant 3 : i32
        %swap3A_524 = arith.index_cast %swap3A_523 : i32 to index
        %swap3A_525 = arith.index_cast %add3A_512 : i32 to index
        %swap3A_526 = arith.constant 0 : index
        %swap3A_527 = tpu.vector_load %arg10[%swap3A_524, %swap3A_525, %swap3A_526] {strides = array<i32>} : memref<4x128x32xf32, #tpu.memory_space<vmem>>, vector<1x1x16xf32>,
        %swap3A_528 = vector.shape_cast %swap3A_527 : vector<1x1x16xf32> to vector<16xf32>
        %swap3A_529 = vector.shape_cast %mul3A_522 : vector<16xf32> to vector<1x1x16xf32>
        tpu.vector_store %arg10[%swap3A_524, %swap3A_525, %swap3A_526], %swap3A_529 {strides = array<i32>} : memref<4x128x32xf32, #tpu.memory_space<vmem>>, vector<1x1x16xf32>,
        %get3A_530 = arith.constant 3 : i32
        %get3A_531 = arith.index_cast %get3A_530 : i32 to index
        %get3A_532 = arith.index_cast %add3A_512 : i32 to index
        %get3A_533 = arith.constant 16 : index
        %get3A_534 = tpu.vector_load %arg10[%get3A_531, %get3A_532, %get3A_533] {strides = array<i32>} : memref<4x128x32xf32, #tpu.memory_space<vmem>>, vector<1x1x16xf32>,
        %get3A_535 = vector.shape_cast %get3A_534 : vector<1x1x16xf32> to vector<16xf32>
        %mul3A_536 = arith.mulf %get3A_535, %broadcast_in_dim3A_515 : vector<16xf32>
        %swap3A_537 = arith.constant 3 : i32
        %swap3A_538 = arith.index_cast %swap3A_537 : i32 to index
        %swap3A_539 = arith.index_cast %add3A_512 : i32 to index
        %swap3A_540 = arith.constant 16 : index
        %swap3A_541 = tpu.vector_load %arg10[%swap3A_538, %swap3A_539, %swap3A_540] {strides = array<i32>} : memref<4x128x32xf32, #tpu.memory_space<vmem>>, vector<1x1x16xf32>,
        %swap3A_542 = vector.shape_cast %swap3A_541 : vector<1x1x16xf32> to vector<16xf32>
        %swap3A_543 = vector.shape_cast %mul3A_536 : vector<16xf32> to vector<1x1x16xf32>
        tpu.vector_store %arg10[%swap3A_538, %swap3A_539, %swap3A_540], %swap3A_543 {strides = array<i32>} : memref<4x128x32xf32, #tpu.memory_space<vmem>>, vector<1x1x16xf32>,
        %mul3A_544 = arith.constant 16 : i32
        %mul3A_545 = arith.muli %scan3A_191, %mul3A_544 : i32
        %add3A_546 = arith.constant 10 : i32
        %add3A_547 = arith.addi %mul3A_545, %add3A_546 : i32
        %slice3A_548 = vector.extract_strided_slice %get3A_197 {offsets = [10], sizes = [1], strides = [1]} : vector<16xf32> to vector<1xf32>
        %squeeze3A_549 = vector.extract %slice3A_548[0] : f32 from vector<1xf32>
        %broadcast_in_dim3A_550 = vector.broadcast %squeeze3A_549 : f32 to vector<16xf32>
        %get3A_551 = arith.constant 3 : i32
        %get3A_552 = arith.index_cast %get3A_551 : i32 to index
        %get3A_553 = arith.index_cast %add3A_547 : i32 to index
        %get3A_554 = arith.constant 0 : index
        %get3A_555 = tpu.vector_load %arg10[%get3A_552, %get3A_553, %get3A_554] {strides = array<i32>} : memref<4x128x32xf32, #tpu.memory_space<vmem>>, vector<1x1x16xf32>,
        %get3A_556 = vector.shape_cast %get3A_555 : vector<1x1x16xf32> to vector<16xf32>
        %mul3A_557 = arith.mulf %get3A_556, %broadcast_in_dim3A_550 : vector<16xf32>
        %swap3A_558 = arith.constant 3 : i32
        %swap3A_559 = arith.index_cast %swap3A_558 : i32 to index
        %swap3A_560 = arith.index_cast %add3A_547 : i32 to index
        %swap3A_561 = arith.constant 0 : index
        %swap3A_562 = tpu.vector_load %arg10[%swap3A_559, %swap3A_560, %swap3A_561] {strides = array<i32>} : memref<4x128x32xf32, #tpu.memory_space<vmem>>, vector<1x1x16xf32>,
        %swap3A_563 = vector.shape_cast %swap3A_562 : vector<1x1x16xf32> to vector<16xf32>
        %swap3A_564 = vector.shape_cast %mul3A_557 : vector<16xf32> to vector<1x1x16xf32>
        tpu.vector_store %arg10[%swap3A_559, %swap3A_560, %swap3A_561], %swap3A_564 {strides = array<i32>} : memref<4x128x32xf32, #tpu.memory_space<vmem>>, vector<1x1x16xf32>,
        %get3A_565 = arith.constant 3 : i32
        %get3A_566 = arith.index_cast %get3A_565 : i32 to index
        %get3A_567 = arith.index_cast %add3A_547 : i32 to index
        %get3A_568 = arith.constant 16 : index
        %get3A_569 = tpu.vector_load %arg10[%get3A_566, %get3A_567, %get3A_568] {strides = array<i32>} : memref<4x128x32xf32, #tpu.memory_space<vmem>>, vector<1x1x16xf32>,
        %get3A_570 = vector.shape_cast %get3A_569 : vector<1x1x16xf32> to vector<16xf32>
        %mul3A_571 = arith.mulf %get3A_570, %broadcast_in_dim3A_550 : vector<16xf32>
        %swap3A_572 = arith.constant 3 : i32
        %swap3A_573 = arith.index_cast %swap3A_572 : i32 to index
        %swap3A_574 = arith.index_cast %add3A_547 : i32 to index
        %swap3A_575 = arith.constant 16 : index
        %swap3A_576 = tpu.vector_load %arg10[%swap3A_573, %swap3A_574, %swap3A_575] {strides = array<i32>} : memref<4x128x32xf32, #tpu.memory_space<vmem>>, vector<1x1x16xf32>,
        %swap3A_577 = vector.shape_cast %swap3A_576 : vector<1x1x16xf32> to vector<16xf32>
        %swap3A_578 = vector.shape_cast %mul3A_571 : vector<16xf32> to vector<1x1x16xf32>
        tpu.vector_store %arg10[%swap3A_573, %swap3A_574, %swap3A_575], %swap3A_578 {strides = array<i32>} : memref<4x128x32xf32, #tpu.memory_space<vmem>>, vector<1x1x16xf32>,
        %mul3A_579 = arith.constant 16 : i32
        %mul3A_580 = arith.muli %scan3A_191, %mul3A_579 : i32
        %add3A_581 = arith.constant 11 : i32
        %add3A_582 = arith.addi %mul3A_580, %add3A_581 : i32
        %slice3A_583 = vector.extract_strided_slice %get3A_197 {offsets = [11], sizes = [1], strides = [1]} : vector<16xf32> to vector<1xf32>
        %squeeze3A_584 = vector.extract %slice3A_583[0] : f32 from vector<1xf32>
        %broadcast_in_dim3A_585 = vector.broadcast %squeeze3A_584 : f32 to vector<16xf32>
        %get3A_586 = arith.constant 3 : i32
        %get3A_587 = arith.index_cast %get3A_586 : i32 to index
        %get3A_588 = arith.index_cast %add3A_582 : i32 to index
        %get3A_589 = arith.constant 0 : index
        %get3A_590 = tpu.vector_load %arg10[%get3A_587, %get3A_588, %get3A_589] {strides = array<i32>} : memref<4x128x32xf32, #tpu.memory_space<vmem>>, vector<1x1x16xf32>,
        %get3A_591 = vector.shape_cast %get3A_590 : vector<1x1x16xf32> to vector<16xf32>
        %mul3A_592 = arith.mulf %get3A_591, %broadcast_in_dim3A_585 : vector<16xf32>
        %swap3A_593 = arith.constant 3 : i32
        %swap3A_594 = arith.index_cast %swap3A_593 : i32 to index
        %swap3A_595 = arith.index_cast %add3A_582 : i32 to index
        %swap3A_596 = arith.constant 0 : index
        %swap3A_597 = tpu.vector_load %arg10[%swap3A_594, %swap3A_595, %swap3A_596] {strides = array<i32>} : memref<4x128x32xf32, #tpu.memory_space<vmem>>, vector<1x1x16xf32>,
        %swap3A_598 = vector.shape_cast %swap3A_597 : vector<1x1x16xf32> to vector<16xf32>
        %swap3A_599 = vector.shape_cast %mul3A_592 : vector<16xf32> to vector<1x1x16xf32>
        tpu.vector_store %arg10[%swap3A_594, %swap3A_595, %swap3A_596], %swap3A_599 {strides = array<i32>} : memref<4x128x32xf32, #tpu.memory_space<vmem>>, vector<1x1x16xf32>,
        %get3A_600 = arith.constant 3 : i32
        %get3A_601 = arith.index_cast %get3A_600 : i32 to index
        %get3A_602 = arith.index_cast %add3A_582 : i32 to index
        %get3A_603 = arith.constant 16 : index
        %get3A_604 = tpu.vector_load %arg10[%get3A_601, %get3A_602, %get3A_603] {strides = array<i32>} : memref<4x128x32xf32, #tpu.memory_space<vmem>>, vector<1x1x16xf32>,
        %get3A_605 = vector.shape_cast %get3A_604 : vector<1x1x16xf32> to vector<16xf32>
        %mul3A_606 = arith.mulf %get3A_605, %broadcast_in_dim3A_585 : vector<16xf32>
        %swap3A_607 = arith.constant 3 : i32
        %swap3A_608 = arith.index_cast %swap3A_607 : i32 to index
        %swap3A_609 = arith.index_cast %add3A_582 : i32 to index
        %swap3A_610 = arith.constant 16 : index
        %swap3A_611 = tpu.vector_load %arg10[%swap3A_608, %swap3A_609, %swap3A_610] {strides = array<i32>} : memref<4x128x32xf32, #tpu.memory_space<vmem>>, vector<1x1x16xf32>,
        %swap3A_612 = vector.shape_cast %swap3A_611 : vector<1x1x16xf32> to vector<16xf32>
        %swap3A_613 = vector.shape_cast %mul3A_606 : vector<16xf32> to vector<1x1x16xf32>
        tpu.vector_store %arg10[%swap3A_608, %swap3A_609, %swap3A_610], %swap3A_613 {strides = array<i32>} : memref<4x128x32xf32, #tpu.memory_space<vmem>>, vector<1x1x16xf32>,
        %mul3A_614 = arith.constant 16 : i32
        %mul3A_615 = arith.muli %scan3A_191, %mul3A_614 : i32
        %add3A_616 = arith.constant 12 : i32
        %add3A_617 = arith.addi %mul3A_615, %add3A_616 : i32
        %slice3A_618 = vector.extract_strided_slice %get3A_197 {offsets = [12], sizes = [1], strides = [1]} : vector<16xf32> to vector<1xf32>
        %squeeze3A_619 = vector.extract %slice3A_618[0] : f32 from vector<1xf32>
        %broadcast_in_dim3A_620 = vector.broadcast %squeeze3A_619 : f32 to vector<16xf32>
        %get3A_621 = arith.constant 3 : i32
        %get3A_622 = arith.index_cast %get3A_621 : i32 to index
        %get3A_623 = arith.index_cast %add3A_617 : i32 to index
        %get3A_624 = arith.constant 0 : index
        %get3A_625 = tpu.vector_load %arg10[%get3A_622, %get3A_623, %get3A_624] {strides = array<i32>} : memref<4x128x32xf32, #tpu.memory_space<vmem>>, vector<1x1x16xf32>,
        %get3A_626 = vector.shape_cast %get3A_625 : vector<1x1x16xf32> to vector<16xf32>
        %mul3A_627 = arith.mulf %get3A_626, %broadcast_in_dim3A_620 : vector<16xf32>
        %swap3A_628 = arith.constant 3 : i32
        %swap3A_629 = arith.index_cast %swap3A_628 : i32 to index
        %swap3A_630 = arith.index_cast %add3A_617 : i32 to index
        %swap3A_631 = arith.constant 0 : index
        %swap3A_632 = tpu.vector_load %arg10[%swap3A_629, %swap3A_630, %swap3A_631] {strides = array<i32>} : memref<4x128x32xf32, #tpu.memory_space<vmem>>, vector<1x1x16xf32>,
        %swap3A_633 = vector.shape_cast %swap3A_632 : vector<1x1x16xf32> to vector<16xf32>
        %swap3A_634 = vector.shape_cast %mul3A_627 : vector<16xf32> to vector<1x1x16xf32>
        tpu.vector_store %arg10[%swap3A_629, %swap3A_630, %swap3A_631], %swap3A_634 {strides = array<i32>} : memref<4x128x32xf32, #tpu.memory_space<vmem>>, vector<1x1x16xf32>,
        %get3A_635 = arith.constant 3 : i32
        %get3A_636 = arith.index_cast %get3A_635 : i32 to index
        %get3A_637 = arith.index_cast %add3A_617 : i32 to index
        %get3A_638 = arith.constant 16 : index
        %get3A_639 = tpu.vector_load %arg10[%get3A_636, %get3A_637, %get3A_638] {strides = array<i32>} : memref<4x128x32xf32, #tpu.memory_space<vmem>>, vector<1x1x16xf32>,
        %get3A_640 = vector.shape_cast %get3A_639 : vector<1x1x16xf32> to vector<16xf32>
        %mul3A_641 = arith.mulf %get3A_640, %broadcast_in_dim3A_620 : vector<16xf32>
        %swap3A_642 = arith.constant 3 : i32
        %swap3A_643 = arith.index_cast %swap3A_642 : i32 to index
        %swap3A_644 = arith.index_cast %add3A_617 : i32 to index
        %swap3A_645 = arith.constant 16 : index
        %swap3A_646 = tpu.vector_load %arg10[%swap3A_643, %swap3A_644, %swap3A_645] {strides = array<i32>} : memref<4x128x32xf32, #tpu.memory_space<vmem>>, vector<1x1x16xf32>,
        %swap3A_647 = vector.shape_cast %swap3A_646 : vector<1x1x16xf32> to vector<16xf32>
        %swap3A_648 = vector.shape_cast %mul3A_641 : vector<16xf32> to vector<1x1x16xf32>
        tpu.vector_store %arg10[%swap3A_643, %swap3A_644, %swap3A_645], %swap3A_648 {strides = array<i32>} : memref<4x128x32xf32, #tpu.memory_space<vmem>>, vector<1x1x16xf32>,
        %mul3A_649 = arith.constant 16 : i32
        %mul3A_650 = arith.muli %scan3A_191, %mul3A_649 : i32
        %add3A_651 = arith.constant 13 : i32
        %add3A_652 = arith.addi %mul3A_650, %add3A_651 : i32
        %slice3A_653 = vector.extract_strided_slice %get3A_197 {offsets = [13], sizes = [1], strides = [1]} : vector<16xf32> to vector<1xf32>
        %squeeze3A_654 = vector.extract %slice3A_653[0] : f32 from vector<1xf32>
        %broadcast_in_dim3A_655 = vector.broadcast %squeeze3A_654 : f32 to vector<16xf32>
        %get3A_656 = arith.constant 3 : i32
        %get3A_657 = arith.index_cast %get3A_656 : i32 to index
        %get3A_658 = arith.index_cast %add3A_652 : i32 to index
        %get3A_659 = arith.constant 0 : index
        %get3A_660 = tpu.vector_load %arg10[%get3A_657, %get3A_658, %get3A_659] {strides = array<i32>} : memref<4x128x32xf32, #tpu.memory_space<vmem>>, vector<1x1x16xf32>,
        %get3A_661 = vector.shape_cast %get3A_660 : vector<1x1x16xf32> to vector<16xf32>
        %mul3A_662 = arith.mulf %get3A_661, %broadcast_in_dim3A_655 : vector<16xf32>
        %swap3A_663 = arith.constant 3 : i32
        %swap3A_664 = arith.index_cast %swap3A_663 : i32 to index
        %swap3A_665 = arith.index_cast %add3A_652 : i32 to index
        %swap3A_666 = arith.constant 0 : index
        %swap3A_667 = tpu.vector_load %arg10[%swap3A_664, %swap3A_665, %swap3A_666] {strides = array<i32>} : memref<4x128x32xf32, #tpu.memory_space<vmem>>, vector<1x1x16xf32>,
        %swap3A_668 = vector.shape_cast %swap3A_667 : vector<1x1x16xf32> to vector<16xf32>
        %swap3A_669 = vector.shape_cast %mul3A_662 : vector<16xf32> to vector<1x1x16xf32>
        tpu.vector_store %arg10[%swap3A_664, %swap3A_665, %swap3A_666], %swap3A_669 {strides = array<i32>} : memref<4x128x32xf32, #tpu.memory_space<vmem>>, vector<1x1x16xf32>,
        %get3A_670 = arith.constant 3 : i32
        %get3A_671 = arith.index_cast %get3A_670 : i32 to index
        %get3A_672 = arith.index_cast %add3A_652 : i32 to index
        %get3A_673 = arith.constant 16 : index
        %get3A_674 = tpu.vector_load %arg10[%get3A_671, %get3A_672, %get3A_673] {strides = array<i32>} : memref<4x128x32xf32, #tpu.memory_space<vmem>>, vector<1x1x16xf32>,
        %get3A_675 = vector.shape_cast %get3A_674 : vector<1x1x16xf32> to vector<16xf32>
        %mul3A_676 = arith.mulf %get3A_675, %broadcast_in_dim3A_655 : vector<16xf32>
        %swap3A_677 = arith.constant 3 : i32
        %swap3A_678 = arith.index_cast %swap3A_677 : i32 to index
        %swap3A_679 = arith.index_cast %add3A_652 : i32 to index
        %swap3A_680 = arith.constant 16 : index
        %swap3A_681 = tpu.vector_load %arg10[%swap3A_678, %swap3A_679, %swap3A_680] {strides = array<i32>} : memref<4x128x32xf32, #tpu.memory_space<vmem>>, vector<1x1x16xf32>,
        %swap3A_682 = vector.shape_cast %swap3A_681 : vector<1x1x16xf32> to vector<16xf32>
        %swap3A_683 = vector.shape_cast %mul3A_676 : vector<16xf32> to vector<1x1x16xf32>
        tpu.vector_store %arg10[%swap3A_678, %swap3A_679, %swap3A_680], %swap3A_683 {strides = array<i32>} : memref<4x128x32xf32, #tpu.memory_space<vmem>>, vector<1x1x16xf32>,
        %mul3A_684 = arith.constant 16 : i32
        %mul3A_685 = arith.muli %scan3A_191, %mul3A_684 : i32
        %add3A_686 = arith.constant 14 : i32
        %add3A_687 = arith.addi %mul3A_685, %add3A_686 : i32
        %slice3A_688 = vector.extract_strided_slice %get3A_197 {offsets = [14], sizes = [1], strides = [1]} : vector<16xf32> to vector<1xf32>
        %squeeze3A_689 = vector.extract %slice3A_688[0] : f32 from vector<1xf32>
        %broadcast_in_dim3A_690 = vector.broadcast %squeeze3A_689 : f32 to vector<16xf32>
        %get3A_691 = arith.constant 3 : i32
        %get3A_692 = arith.index_cast %get3A_691 : i32 to index
        %get3A_693 = arith.index_cast %add3A_687 : i32 to index
        %get3A_694 = arith.constant 0 : index
        %get3A_695 = tpu.vector_load %arg10[%get3A_692, %get3A_693, %get3A_694] {strides = array<i32>} : memref<4x128x32xf32, #tpu.memory_space<vmem>>, vector<1x1x16xf32>,
        %get3A_696 = vector.shape_cast %get3A_695 : vector<1x1x16xf32> to vector<16xf32>
        %mul3A_697 = arith.mulf %get3A_696, %broadcast_in_dim3A_690 : vector<16xf32>
        %swap3A_698 = arith.constant 3 : i32
        %swap3A_699 = arith.index_cast %swap3A_698 : i32 to index
        %swap3A_700 = arith.index_cast %add3A_687 : i32 to index
        %swap3A_701 = arith.constant 0 : index
        %swap3A_702 = tpu.vector_load %arg10[%swap3A_699, %swap3A_700, %swap3A_701] {strides = array<i32>} : memref<4x128x32xf32, #tpu.memory_space<vmem>>, vector<1x1x16xf32>,
        %swap3A_703 = vector.shape_cast %swap3A_702 : vector<1x1x16xf32> to vector<16xf32>
        %swap3A_704 = vector.shape_cast %mul3A_697 : vector<16xf32> to vector<1x1x16xf32>
        tpu.vector_store %arg10[%swap3A_699, %swap3A_700, %swap3A_701], %swap3A_704 {strides = array<i32>} : memref<4x128x32xf32, #tpu.memory_space<vmem>>, vector<1x1x16xf32>,
        %get3A_705 = arith.constant 3 : i32
        %get3A_706 = arith.index_cast %get3A_705 : i32 to index
        %get3A_707 = arith.index_cast %add3A_687 : i32 to index
        %get3A_708 = arith.constant 16 : index
        %get3A_709 = tpu.vector_load %arg10[%get3A_706, %get3A_707, %get3A_708] {strides = array<i32>} : memref<4x128x32xf32, #tpu.memory_space<vmem>>, vector<1x1x16xf32>,
        %get3A_710 = vector.shape_cast %get3A_709 : vector<1x1x16xf32> to vector<16xf32>
        %mul3A_711 = arith.mulf %get3A_710, %broadcast_in_dim3A_690 : vector<16xf32>
        %swap3A_712 = arith.constant 3 : i32
        %swap3A_713 = arith.index_cast %swap3A_712 : i32 to index
        %swap3A_714 = arith.index_cast %add3A_687 : i32 to index
        %swap3A_715 = arith.constant 16 : index
        %swap3A_716 = tpu.vector_load %arg10[%swap3A_713, %swap3A_714, %swap3A_715] {strides = array<i32>} : memref<4x128x32xf32, #tpu.memory_space<vmem>>, vector<1x1x16xf32>,
        %swap3A_717 = vector.shape_cast %swap3A_716 : vector<1x1x16xf32> to vector<16xf32>
        %swap3A_718 = vector.shape_cast %mul3A_711 : vector<16xf32> to vector<1x1x16xf32>
        tpu.vector_store %arg10[%swap3A_713, %swap3A_714, %swap3A_715], %swap3A_718 {strides = array<i32>} : memref<4x128x32xf32, #tpu.memory_space<vmem>>, vector<1x1x16xf32>,
        %mul3A_719 = arith.constant 16 : i32
        %mul3A_720 = arith.muli %scan3A_191, %mul3A_719 : i32
        %add3A_721 = arith.constant 15 : i32
        %add3A_722 = arith.addi %mul3A_720, %add3A_721 : i32
        %slice3A_723 = vector.extract_strided_slice %get3A_197 {offsets = [15], sizes = [1], strides = [1]} : vector<16xf32> to vector<1xf32>
        %squeeze3A_724 = vector.extract %slice3A_723[0] : f32 from vector<1xf32>
        %broadcast_in_dim3A_725 = vector.broadcast %squeeze3A_724 : f32 to vector<16xf32>
        %get3A_726 = arith.constant 3 : i32
        %get3A_727 = arith.index_cast %get3A_726 : i32 to index
        %get3A_728 = arith.index_cast %add3A_722 : i32 to index
        %get3A_729 = arith.constant 0 : index
        %get3A_730 = tpu.vector_load %arg10[%get3A_727, %get3A_728, %get3A_729] {strides = array<i32>} : memref<4x128x32xf32, #tpu.memory_space<vmem>>, vector<1x1x16xf32>,
        %get3A_731 = vector.shape_cast %get3A_730 : vector<1x1x16xf32> to vector<16xf32>
        %mul3A_732 = arith.mulf %get3A_731, %broadcast_in_dim3A_725 : vector<16xf32>
        %swap3A_733 = arith.constant 3 : i32
        %swap3A_734 = arith.index_cast %swap3A_733 : i32 to index
        %swap3A_735 = arith.index_cast %add3A_722 : i32 to index
        %swap3A_736 = arith.constant 0 : index
        %swap3A_737 = tpu.vector_load %arg10[%swap3A_734, %swap3A_735, %swap3A_736] {strides = array<i32>} : memref<4x128x32xf32, #tpu.memory_space<vmem>>, vector<1x1x16xf32>,
        %swap3A_738 = vector.shape_cast %swap3A_737 : vector<1x1x16xf32> to vector<16xf32>
        %swap3A_739 = vector.shape_cast %mul3A_732 : vector<16xf32> to vector<1x1x16xf32>
        tpu.vector_store %arg10[%swap3A_734, %swap3A_735, %swap3A_736], %swap3A_739 {strides = array<i32>} : memref<4x128x32xf32, #tpu.memory_space<vmem>>, vector<1x1x16xf32>,
        %get3A_740 = arith.constant 3 : i32
        %get3A_741 = arith.index_cast %get3A_740 : i32 to index
        %get3A_742 = arith.index_cast %add3A_722 : i32 to index
        %get3A_743 = arith.constant 16 : index
        %get3A_744 = tpu.vector_load %arg10[%get3A_741, %get3A_742, %get3A_743] {strides = array<i32>} : memref<4x128x32xf32, #tpu.memory_space<vmem>>, vector<1x1x16xf32>,
        %get3A_745 = vector.shape_cast %get3A_744 : vector<1x1x16xf32> to vector<16xf32>
        %mul3A_746 = arith.mulf %get3A_745, %broadcast_in_dim3A_725 : vector<16xf32>
        %swap3A_747 = arith.constant 3 : i32
        %swap3A_748 = arith.index_cast %swap3A_747 : i32 to index
        %swap3A_749 = arith.index_cast %add3A_722 : i32 to index
        %swap3A_750 = arith.constant 16 : index
        %swap3A_751 = tpu.vector_load %arg10[%swap3A_748, %swap3A_749, %swap3A_750] {strides = array<i32>} : memref<4x128x32xf32, #tpu.memory_space<vmem>>, vector<1x1x16xf32>,
        %swap3A_752 = vector.shape_cast %swap3A_751 : vector<1x1x16xf32> to vector<16xf32>
        %swap3A_753 = vector.shape_cast %mul3A_746 : vector<16xf32> to vector<1x1x16xf32>
        tpu.vector_store %arg10[%swap3A_748, %swap3A_749, %swap3A_750], %swap3A_753 {strides = array<i32>} : memref<4x128x32xf32, #tpu.memory_space<vmem>>, vector<1x1x16xf32>,
        %scan3A_754 = arith.constant 0 : i32
        scf.yield %scan3A_754 : i32
      }
      %scan3A_181 = arith.constant 8 : i32
      %run_scoped3A_182 = arith.constant 3 : i32
      "tpu.region"() ({
        %run_scoped3A_191 = tpu.sem_alloc : memref<!tpu.dma_semaphore, #tpu.memory_space<semaphore_mem>>
        %dma_start3A_192 = arith.constant 0 : i32
        %dma_start3A_193 = arith.constant 0 : i32
        %dma_start3A_194 = tpu.memref_slice %arg10[%run_scoped3A_182, %dma_start3A_192, %dma_start3A_193] : memref<4x128x32xf32, #tpu.memory_space<vmem>> -> memref<1x128x32xf32, #tpu.memory_space<vmem>>
        %dma_start3A_195 = tpu.memref_squeeze %dma_start3A_194 : memref<1x128x32xf32, #tpu.memory_space<vmem>> -> memref<128x32xf32, #tpu.memory_space<vmem>>
        %dma_start3A_196 = arith.constant 0 : i32
        %dma_start3A_197 = tpu.memref_slice %arg8[%add3A_163, %dma_start3A_196] : memref<40x128xi32, #tpu.memory_space<vmem>> -> memref<1x128xi32, #tpu.memory_space<vmem>>
        %dma_start3A_198 = tpu.memref_squeeze %dma_start3A_197 : memref<1x128xi32, #tpu.memory_space<vmem>> -> memref<128xi32, #tpu.memory_space<vmem>>
        %dma_start3A_199 = arith.constant 0 : i32
        %dma_start3A_200 = arith.constant 0 : i32
        %dma_start3A_201 = tpu.memref_slice %arg12[%dma_start3A_199, %dma_start3A_200] : memref<10240x32xf32, #tpu.memory_space<vmem_shared>> -> memref<10240x32xf32, #tpu.memory_space<vmem_shared>>
        tpu.enqueue_indirect_dma source(%dma_start3A_195 : memref<128x32xf32, #tpu.memory_space<vmem>>) target(%dma_start3A_201 : memref<10240x32xf32, #tpu.memory_space<vmem_shared>>) offsets(%dma_start3A_198 : memref<128xi32, #tpu.memory_space<vmem>>) semaphore(%run_scoped3A_191 : memref<!tpu.dma_semaphore, #tpu.memory_space<semaphore_mem>>) {add = true}
        %dma_wait3A_202 = arith.constant 0 : i32
        %dma_wait3A_203 = arith.constant 0 : i32
        %dma_wait3A_204 = tpu.memref_slice %arg10[%run_scoped3A_182, %dma_wait3A_202, %dma_wait3A_203] : memref<4x128x32xf32, #tpu.memory_space<vmem>> -> memref<1x128x32xf32, #tpu.memory_space<vmem>>
        %dma_wait3A_205 = tpu.memref_squeeze %dma_wait3A_204 : memref<1x128x32xf32, #tpu.memory_space<vmem>> -> memref<128x32xf32, #tpu.memory_space<vmem>>
        %dma_wait3A_206 = arith.constant 0 : i32
        %dma_wait3A_207 = tpu.memref_slice %arg8[%add3A_163, %dma_wait3A_206] : memref<40x128xi32, #tpu.memory_space<vmem>> -> memref<1x128xi32, #tpu.memory_space<vmem>>
        %dma_wait3A_208 = tpu.memref_squeeze %dma_wait3A_207 : memref<1x128xi32, #tpu.memory_space<vmem>> -> memref<128xi32, #tpu.memory_space<vmem>>
        %dma_wait3A_209 = arith.constant 0 : i32
        %dma_wait3A_210 = arith.constant 0 : i32
        %dma_wait3A_211 = tpu.memref_slice %arg12[%dma_wait3A_209, %dma_wait3A_210] : memref<10240x32xf32, #tpu.memory_space<vmem_shared>> -> memref<10240x32xf32, #tpu.memory_space<vmem_shared>>
        tpu.wait_indirect_dma semaphore(%run_scoped3A_191 : memref<!tpu.dma_semaphore, #tpu.memory_space<semaphore_mem>>) src(%dma_wait3A_205 : memref<128x32xf32, #tpu.memory_space<vmem>>) dst(%dma_wait3A_211 : memref<10240x32xf32, #tpu.memory_space<vmem_shared>>)
        tpu.yield
      }) : () -> ()
      %add3A_183 = arith.constant 4 : i32
      %add3A_184 = arith.addi %add3A_163, %add3A_183 : i32
      %lt3A_185 = arith.constant 40 : i32
      %lt3A_186 = arith.cmpi slt, %add3A_184, %lt3A_185 : i32
      %convert_element_type3A_187 = arith.extui %lt3A_186 : i1 to i32
      %cond3A_188 = arith.constant 0 : i32
      %cond3A_189 = arith.cmpi ne, %convert_element_type3A_187, %cond3A_188 : i32
      scf.if %cond3A_189 {
        %dma_start3A_191 = arith.constant 3 : i32
        %dma_start3A_192 = arith.constant 0 : i32
        %dma_start3A_193 = arith.constant 0 : i32
        %dma_start3A_194 = tpu.memref_slice %arg10[%dma_start3A_191, %dma_start3A_192, %dma_start3A_193] : memref<4x128x32xf32, #tpu.memory_space<vmem>> -> memref<1x128x32xf32, #tpu.memory_space<vmem>>
        %dma_start3A_195 = tpu.memref_squeeze %dma_start3A_194 : memref<1x128x32xf32, #tpu.memory_space<vmem>> -> memref<128x32xf32, #tpu.memory_space<vmem>>
        %dma_start3A_196 = arith.constant 0 : i32
        %dma_start3A_197 = tpu.memref_slice %arg7[%add3A_184, %dma_start3A_196] : memref<40x128xi32, #tpu.memory_space<vmem>> -> memref<1x128xi32, #tpu.memory_space<vmem>>
        %dma_start3A_198 = tpu.memref_squeeze %dma_start3A_197 : memref<1x128xi32, #tpu.memory_space<vmem>> -> memref<128xi32, #tpu.memory_space<vmem>>
        %dma_start3A_199 = arith.constant 0 : i32
        %dma_start3A_200 = arith.constant 0 : i32
        %dma_start3A_201 = tpu.memref_slice %arg5[%dma_start3A_199, %dma_start3A_200] : memref<10240x32xf32, #tpu.memory_space<hbm>> -> memref<10240x32xf32, #tpu.memory_space<hbm>>
        tpu.enqueue_indirect_dma source(%dma_start3A_201 : memref<10240x32xf32, #tpu.memory_space<hbm>>) target(%dma_start3A_195 : memref<128x32xf32, #tpu.memory_space<vmem>>) offsets(%dma_start3A_198 : memref<128xi32, #tpu.memory_space<vmem>>) semaphore(%arg16 : memref<!tpu.dma_semaphore, #tpu.memory_space<semaphore_mem>>)
      } else {
      }
      %scan3A_190 = arith.constant 0 : i32
      scf.yield %scan3A_190 : i32
    }
    %scan3A_67 = arith.constant 10 : i32
    %barrier3A_68 = arith.constant 0 : index
    tpu.barrier barrier_id(%barrier3A_68)
    %mul3A_69 = arith.constant 640 : i32
    %mul3A_70 = arith.muli %arg1, %mul3A_69 : i32
    %mul3A_71 = arith.constant 640 : i32
    %mul3A_72 = arith.muli %arg1, %mul3A_71 : i32
    "tpu.region"() ({
      %run_scoped3A = tpu.sem_alloc : memref<!tpu.dma_semaphore, #tpu.memory_space<semaphore_mem>>
      %dma_start3A_73 = arith.constant 0 : i32
      %dma_start3A_74 = tpu.memref_slice %arg6[%arg0, %mul3A_72, %dma_start3A_73] : memref<2x10240x32xf32, #tpu.memory_space<hbm>> -> memref<1x640x32xf32, #tpu.memory_space<hbm>>
      %dma_start3A_75 = tpu.memref_squeeze %dma_start3A_74 : memref<1x640x32xf32, #tpu.memory_space<hbm>> -> memref<640x32xf32, #tpu.memory_space<hbm>>
      %dma_start3A_76 = arith.constant 0 : i32
      %dma_start3A_77 = tpu.memref_slice %arg12[%mul3A_70, %dma_start3A_76] : memref<10240x32xf32, #tpu.memory_space<vmem_shared>> -> memref<640x32xf32, #tpu.memory_space<vmem_shared>>
      tpu.enqueue_dma source(%dma_start3A_77 : memref<640x32xf32, #tpu.memory_space<vmem_shared>>) target(%dma_start3A_75 : memref<640x32xf32, #tpu.memory_space<hbm>>) target_semaphore(%run_scoped3A : memref<!tpu.dma_semaphore, #tpu.memory_space<semaphore_mem>>)
      %dma_wait3A = arith.constant 0 : i32
      %dma_wait3A_78 = tpu.memref_slice %arg6[%arg0, %mul3A_72, %dma_wait3A] : memref<2x10240x32xf32, #tpu.memory_space<hbm>> -> memref<1x640x32xf32, #tpu.memory_space<hbm>>
      %dma_wait3A_79 = tpu.memref_squeeze %dma_wait3A_78 : memref<1x640x32xf32, #tpu.memory_space<hbm>> -> memref<640x32xf32, #tpu.memory_space<hbm>>
      %dma_wait3A_80 = arith.constant 0 : i32
      %dma_wait3A_81 = tpu.memref_slice %arg12[%mul3A_70, %dma_wait3A_80] : memref<10240x32xf32, #tpu.memory_space<vmem_shared>> -> memref<640x32xf32, #tpu.memory_space<vmem_shared>>
      tpu.wait_dma2 semaphore(%run_scoped3A : memref<!tpu.dma_semaphore, #tpu.memory_space<semaphore_mem>>) src(%dma_wait3A_81 : memref<640x32xf32, #tpu.memory_space<vmem_shared>>) dst(%dma_wait3A_79 : memref<640x32xf32, #tpu.memory_space<hbm>>)
      tpu.yield
    }) : () -> ()
    return
  }
}

module attributes {stable_mosaic.version = 14 : i64} {
  func.func @_prep_body(%arg0: memref<2x1250x128xi32, #tpu.memory_space<vmem>>, %arg1: memref<1250x128xf32, #tpu.memory_space<vmem>>, %arg2: memref<10000x24xf32, #tpu.memory_space<vmem>>, %arg3: memref<1280x128xi32, #tpu.memory_space<vmem>>, %arg4: memref<1280x128xi32, #tpu.memory_space<vmem>>, %arg5: memref<1280x128xf32, #tpu.memory_space<vmem>>, %arg6: memref<10240x32xf32, #tpu.memory_space<vmem>>) attributes {dimension_semantics = [], scalar_prefetch = 0 : i64, scratch_operands = 0 : i64, tpu.core_type = #tpu.core_type<tc>} {
    %get3A = arith.constant 0 : index
    %get3A_0 = arith.constant 0 : index
    %get3A_1 = arith.constant 0 : index
    %get3A_2 = vector.load %arg0[%get3A, %get3A_0, %get3A_1] : memref<2x1250x128xi32, #tpu.memory_space<vmem>>, vector<1x1250x128xi32>
    %get3A_3 = vector.shape_cast %get3A_2 : vector<1x1250x128xi32> to vector<1250x128xi32>
    %swap3A = arith.constant 0 : index
    %swap3A_4 = arith.constant 0 : index
    %swap3A_5 = vector.load %arg3[%swap3A, %swap3A_4] : memref<1280x128xi32, #tpu.memory_space<vmem>>, vector<1250x128xi32>
    tpu.vector_store %arg3[%swap3A, %swap3A_4], %get3A_3 {strides = array<i32>} : memref<1280x128xi32, #tpu.memory_space<vmem>>, vector<1250x128xi32>,
    %get3A_6 = arith.constant 1 : index
    %get3A_7 = arith.constant 0 : index
    %get3A_8 = arith.constant 0 : index
    %get3A_9 = vector.load %arg0[%get3A_6, %get3A_7, %get3A_8] : memref<2x1250x128xi32, #tpu.memory_space<vmem>>, vector<1x1250x128xi32>
    %get3A_10 = vector.shape_cast %get3A_9 : vector<1x1250x128xi32> to vector<1250x128xi32>
    %swap3A_11 = arith.constant 0 : index
    %swap3A_12 = arith.constant 0 : index
    %swap3A_13 = vector.load %arg4[%swap3A_11, %swap3A_12] : memref<1280x128xi32, #tpu.memory_space<vmem>>, vector<1250x128xi32>
    tpu.vector_store %arg4[%swap3A_11, %swap3A_12], %get3A_10 {strides = array<i32>} : memref<1280x128xi32, #tpu.memory_space<vmem>>, vector<1250x128xi32>,
    %get3A_14 = arith.constant 0 : index
    %get3A_15 = arith.constant 0 : index
    %get3A_16 = vector.load %arg1[%get3A_14, %get3A_15] : memref<1250x128xf32, #tpu.memory_space<vmem>>, vector<1250x128xf32>
    %swap3A_17 = arith.constant 0 : index
    %swap3A_18 = arith.constant 0 : index
    %swap3A_19 = vector.load %arg5[%swap3A_17, %swap3A_18] : memref<1280x128xf32, #tpu.memory_space<vmem>>, vector<1250x128xf32>
    tpu.vector_store %arg5[%swap3A_17, %swap3A_18], %get3A_16 {strides = array<i32>} : memref<1280x128xf32, #tpu.memory_space<vmem>>, vector<1250x128xf32>,
    %iota3A = tpu.iota {dimensions = array<i32: 0>} : vector<30x128xi32>
    %mul3A = arith.constant 128 : i32
    %mul3A_20 = vector.broadcast %mul3A : i32 to vector<30x128xi32>
    %mul3A_21 = arith.muli %iota3A, %mul3A_20 : vector<30x128xi32>
    %iota3A_22 = tpu.iota {dimensions = array<i32: 1>} : vector<30x128xi32>
    %add3A = arith.addi %mul3A_21, %iota3A_22 : vector<30x128xi32>
    %mul3A_23 = arith.constant 7 : i32
    %mul3A_24 = vector.broadcast %mul3A_23 : i32 to vector<30x128xi32>
    %mul3A_25 = arith.muli %add3A, %mul3A_24 : vector<30x128xi32>
    %jit3A = arith.constant 10240 : i32
    %eq3A = arith.constant 0 : i32
    %eq3A_26 = arith.cmpi eq, %jit3A, %eq3A : i32
    %jit3A_27 = arith.constant 1 : i32
    %select_n3A = arith.select %eq3A_26, %jit3A_27, %jit3A : i32
    %rem3A = vector.broadcast %select_n3A : i32 to vector<30x128xi32>
    %rem3A_28 = arith.remsi %mul3A_25, %rem3A : vector<30x128xi32>
    %ne3A = arith.constant 0 : i32
    %ne3A_29 = vector.broadcast %ne3A : i32 to vector<30x128xi32>
    %ne3A_30 = arith.cmpi ne, %rem3A_28, %ne3A_29 : vector<30x128xi32>
    %lt3A = arith.constant 0 : i32
    %lt3A_31 = vector.broadcast %lt3A : i32 to vector<30x128xi32>
    %lt3A_32 = arith.cmpi slt, %rem3A_28, %lt3A_31 : vector<30x128xi32>
    %lt3A_33 = arith.constant 0 : i32
    %lt3A_34 = arith.cmpi slt, %select_n3A, %lt3A_33 : i32
    %ne3A_35 = vector.broadcast %lt3A_34 : i1 to vector<30x128xi1>
    %ne3A_36 = vector.broadcast %ne3A_35 : vector<30x128xi1> to vector<30x128xi1>
    %ne3A_37 = arith.xori %lt3A_32, %ne3A_36 : vector<30x128xi1>
    %and3A = arith.andi %ne3A_37, %ne3A_30 : vector<30x128xi1>
    %add3A_38 = vector.broadcast %select_n3A : i32 to vector<30x128xi32>
    %add3A_39 = arith.addi %rem3A_28, %add3A_38 : vector<30x128xi32>
    %select_n3A_40 = arith.select %and3A, %add3A_39, %rem3A_28 : vector<30x128xi1>, vector<30x128xi32>
    %swap3A_41 = arith.constant 1250 : index
    %swap3A_42 = arith.constant 0 : index
    %swap3A_43 = vector.load %arg3[%swap3A_41, %swap3A_42] : memref<1280x128xi32, #tpu.memory_space<vmem>>, vector<30x128xi32>
    tpu.vector_store %arg3[%swap3A_41, %swap3A_42], %select_n3A_40 {strides = array<i32>} : memref<1280x128xi32, #tpu.memory_space<vmem>>, vector<30x128xi32>,
    %swap3A_44 = arith.constant 1250 : index
    %swap3A_45 = arith.constant 0 : index
    %swap3A_46 = vector.load %arg4[%swap3A_44, %swap3A_45] : memref<1280x128xi32, #tpu.memory_space<vmem>>, vector<30x128xi32>
    tpu.vector_store %arg4[%swap3A_44, %swap3A_45], %select_n3A_40 {strides = array<i32>} : memref<1280x128xi32, #tpu.memory_space<vmem>>, vector<30x128xi32>,
    %broadcast_in_dim3A = arith.constant 0.000000e+00 : f32
    %broadcast_in_dim3A_47 = vector.broadcast %broadcast_in_dim3A : f32 to vector<30x128xf32>
    %swap3A_48 = arith.constant 1250 : index
    %swap3A_49 = arith.constant 0 : index
    %swap3A_50 = vector.load %arg5[%swap3A_48, %swap3A_49] : memref<1280x128xf32, #tpu.memory_space<vmem>>, vector<30x128xf32>
    tpu.vector_store %arg5[%swap3A_48, %swap3A_49], %broadcast_in_dim3A_47 {strides = array<i32>} : memref<1280x128xf32, #tpu.memory_space<vmem>>, vector<30x128xf32>,
    %broadcast_in_dim3A_51 = arith.constant 0.000000e+00 : f32
    %broadcast_in_dim3A_52 = vector.broadcast %broadcast_in_dim3A_51 : f32 to vector<10240x32xf32>
    %swap3A_53 = arith.constant 0 : index
    %swap3A_54 = arith.constant 0 : index
    %swap3A_55 = vector.load %arg6[%swap3A_53, %swap3A_54] : memref<10240x32xf32, #tpu.memory_space<vmem>>, vector<10240x32xf32>
    tpu.vector_store %arg6[%swap3A_53, %swap3A_54], %broadcast_in_dim3A_52 {strides = array<i32>} : memref<10240x32xf32, #tpu.memory_space<vmem>>, vector<10240x32xf32>,
    %get3A_56 = arith.constant 0 : index
    %get3A_57 = arith.constant 0 : index
    %get3A_58 = vector.load %arg2[%get3A_56, %get3A_57] : memref<10000x24xf32, #tpu.memory_space<vmem>>, vector<10000x24xf32>
    %swap3A_59 = arith.constant 0 : index
    %swap3A_60 = arith.constant 0 : index
    %swap3A_61 = vector.load %arg6[%swap3A_59, %swap3A_60] : memref<10240x32xf32, #tpu.memory_space<vmem>>, vector<10000x24xf32>
    tpu.vector_store %arg6[%swap3A_59, %swap3A_60], %get3A_58 {strides = array<i32>} : memref<10240x32xf32, #tpu.memory_space<vmem>>, vector<10000x24xf32>,
    return
  }
}

module attributes {stable_mosaic.version = 14 : i64} {
  func.func @_k2_body(%arg0: memref<10240x1xf32, #tpu.memory_space<vmem>>, %arg1: memref<10240x32xf32, #tpu.memory_space<vmem>>, %arg2: memref<10240x32xf32, #tpu.memory_space<vmem>>, %arg3: memref<10240x32xf32, #tpu.memory_space<vmem>>) attributes {dimension_semantics = [], scalar_prefetch = 0 : i64, scratch_operands = 0 : i64, tpu.core_type = #tpu.core_type<tc>} {
    %get3A = arith.constant 0 : index
    %get3A_0 = arith.constant 0 : index
    %get3A_1 = vector.load %arg0[%get3A, %get3A_0] : memref<10240x1xf32, #tpu.memory_space<vmem>>, vector<10240x1xf32>
    %add3A = arith.constant 1.000000e+00 : f32
    %add3A_2 = vector.broadcast %add3A : f32 to vector<10240x1xf32>
    %add3A_3 = arith.addf %get3A_1, %add3A_2 : vector<10240x1xf32>
    %rsqrt3A = math.rsqrt %add3A_3 : vector<10240x1xf32>
    %broadcast_in_dim3A = vector.shape_cast %rsqrt3A : vector<10240x1xf32> to vector<10240x1xf32>
    %broadcast_in_dim3A_4 = vector.broadcast %broadcast_in_dim3A : vector<10240x1xf32> to vector<10240x32xf32>
    %swap3A = arith.constant 0 : index
    %swap3A_5 = arith.constant 0 : index
    %swap3A_6 = vector.load %arg3[%swap3A, %swap3A_5] : memref<10240x32xf32, #tpu.memory_space<vmem>>, vector<10240x32xf32>
    tpu.vector_store %arg3[%swap3A, %swap3A_5], %broadcast_in_dim3A_4 {strides = array<i32>} : memref<10240x32xf32, #tpu.memory_space<vmem>>, vector<10240x32xf32>,
    %get3A_7 = arith.constant 0 : index
    %get3A_8 = arith.constant 0 : index
    %get3A_9 = vector.load %arg1[%get3A_7, %get3A_8] : memref<10240x32xf32, #tpu.memory_space<vmem>>, vector<10240x32xf32>
    %mul3A = arith.mulf %broadcast_in_dim3A_4, %get3A_9 : vector<10240x32xf32>
    %swap3A_10 = arith.constant 0 : index
    %swap3A_11 = arith.constant 0 : index
    %swap3A_12 = vector.load %arg2[%swap3A_10, %swap3A_11] : memref<10240x32xf32, #tpu.memory_space<vmem>>, vector<10240x32xf32>
    tpu.vector_store %arg2[%swap3A_10, %swap3A_11], %mul3A {strides = array<i32>} : memref<10240x32xf32, #tpu.memory_space<vmem>>, vector<10240x32xf32>,
    return
  }
}

module attributes {stable_mosaic.version = 14 : i64} {
  func.func @_gru_body(%arg0: i32, %arg1: memref<2x2048x32xf32, #tpu.memory_space<vmem>>, %arg2: memref<2048x32xf32, #tpu.memory_space<vmem>>, %arg3: memref<2048x32xf32, #tpu.memory_space<vmem>>, %arg4: memref<1x12xf32, #tpu.memory_space<vmem>>, %arg5: memref<64x2xf32, #tpu.memory_space<vmem>>, %arg6: memref<1x64xf32, #tpu.memory_space<vmem>>, %arg7: memref<64x128xf32, #tpu.memory_space<vmem>>, %arg8: memref<1x64xf32, #tpu.memory_space<vmem>>, %arg9: memref<64x2xf32, #tpu.memory_space<vmem>>, %arg10: memref<1x64xf32, #tpu.memory_space<vmem>>, %arg11: memref<64x128xf32, #tpu.memory_space<vmem>>, %arg12: memref<1x64xf32, #tpu.memory_space<vmem>>, %arg13: memref<64x2xf32, #tpu.memory_space<vmem>>, %arg14: memref<1x64xf32, #tpu.memory_space<vmem>>, %arg15: memref<64x128xf32, #tpu.memory_space<vmem>>, %arg16: memref<1x64xf32, #tpu.memory_space<vmem>>, %arg17: memref<64x2048xf32, #tpu.memory_space<vmem>>) attributes {dimension_semantics = [#tpu.dimension_semantics<arbitrary>], iteration_bounds = array<i64: 5>, scalar_prefetch = 0 : i64, scratch_operands = 0 : i64, tpu.core_type = #tpu.core_type<tc>, window_params = [{transform_indices = @transform_0, window_bounds = array<i64: 2, 2048, 32>}, {transform_indices = @transform_1, window_bounds = array<i64: 2048, 32>}, {transform_indices = @transform_2, window_bounds = array<i64: 2048, 32>}, {pipeline_mode = #tpu.pipeline_mode<synchronous>, transform_indices = @transform_3, window_bounds = array<i64: 1, 12>}, {pipeline_mode = #tpu.pipeline_mode<synchronous>, transform_indices = @transform_4, window_bounds = array<i64: 64, 2>}, {pipeline_mode = #tpu.pipeline_mode<synchronous>, transform_indices = @transform_5, window_bounds = array<i64: 1, 64>}, {pipeline_mode = #tpu.pipeline_mode<synchronous>, transform_indices = @transform_6, window_bounds = array<i64: 64, 128>}, {pipeline_mode = #tpu.pipeline_mode<synchronous>, transform_indices = @transform_7, window_bounds = array<i64: 1, 64>}, {pipeline_mode = #tpu.pipeline_mode<synchronous>, transform_indices = @transform_8, window_bounds = array<i64: 64, 2>}, {pipeline_mode = #tpu.pipeline_mode<synchronous>, transform_indices = @transform_9, window_bounds = array<i64: 1, 64>}, {pipeline_mode = #tpu.pipeline_mode<synchronous>, transform_indices = @transform_10, window_bounds = array<i64: 64, 128>}, {pipeline_mode = #tpu.pipeline_mode<synchronous>, transform_indices = @transform_11, window_bounds = array<i64: 1, 64>}, {pipeline_mode = #tpu.pipeline_mode<synchronous>, transform_indices = @transform_12, window_bounds = array<i64: 64, 2>}, {pipeline_mode = #tpu.pipeline_mode<synchronous>, transform_indices = @transform_13, window_bounds = array<i64: 1, 64>}, {pipeline_mode = #tpu.pipeline_mode<synchronous>, transform_indices = @transform_14, window_bounds = array<i64: 64, 128>}, {pipeline_mode = #tpu.pipeline_mode<synchronous>, transform_indices = @transform_15, window_bounds = array<i64: 1, 64>}, {transform_indices = @transform_16, window_bounds = array<i64: 64, 2048>}]} {
    %get3A = arith.constant 0 : index
    %get3A_0 = arith.constant 0 : index
    %get3A_1 = vector.load %arg3[%get3A, %get3A_0] : memref<2048x32xf32, #tpu.memory_space<vmem>>, vector<2048x32xf32>
    %get3A_2 = arith.constant 0 : index
    %get3A_3 = arith.constant 0 : index
    %get3A_4 = arith.constant 0 : index
    %get3A_5 = vector.load %arg1[%get3A_2, %get3A_3, %get3A_4] : memref<2x2048x32xf32, #tpu.memory_space<vmem>>, vector<1x2048x32xf32>
    %get3A_6 = vector.shape_cast %get3A_5 : vector<1x2048x32xf32> to vector<2048x32xf32>
    %get3A_7 = arith.constant 1 : index
    %get3A_8 = arith.constant 0 : index
    %get3A_9 = arith.constant 0 : index
    %get3A_10 = vector.load %arg1[%get3A_7, %get3A_8, %get3A_9] : memref<2x2048x32xf32, #tpu.memory_space<vmem>>, vector<1x2048x32xf32>
    %get3A_11 = vector.shape_cast %get3A_10 : vector<1x2048x32xf32> to vector<2048x32xf32>
    %add3A = arith.addf %get3A_6, %get3A_11 : vector<2048x32xf32>
    %get3A_12 = arith.constant 0 : index
    %get3A_13 = arith.constant 0 : index
    %get3A_14 = vector.load %arg2[%get3A_12, %get3A_13] : memref<2048x32xf32, #tpu.memory_space<vmem>>, vector<2048x32xf32>
    %add3A_15 = arith.addf %add3A, %get3A_14 : vector<2048x32xf32>
    %mul3A = arith.mulf %get3A_1, %add3A_15 : vector<2048x32xf32>
    %get3A_16 = arith.constant 0 : index
    %get3A_17 = arith.constant 0 : index
    %get3A_18 = vector.load %arg4[%get3A_16, %get3A_17] : memref<1x12xf32, #tpu.memory_space<vmem>>, vector<1x12xf32>
    %reduce_max3A = arith.constant dense<0xFF800000> : vector<1xf32>
    %reduce_max3A_19 = vector.multi_reduction <maximumf>, %get3A_18, %reduce_max3A [1] : vector<1x12xf32> to vector<1xf32>
    %broadcast_in_dim3A = vector.shape_cast %reduce_max3A_19 : vector<1xf32> to vector<1x1xf32>
    %sub3A = vector.broadcast %broadcast_in_dim3A : vector<1x1xf32> to vector<1x12xf32>
    %sub3A_20 = arith.subf %get3A_18, %sub3A : vector<1x12xf32>
    %exp3A = math.exp %sub3A_20 : vector<1x12xf32>
    %reduce_sum3A = arith.constant dense<0.000000e+00> : vector<1xf32>
    %reduce_sum3A_21 = vector.multi_reduction <add>, %exp3A, %reduce_sum3A [1] : vector<1x12xf32> to vector<1xf32>
    %broadcast_in_dim3A_22 = vector.shape_cast %reduce_sum3A_21 : vector<1xf32> to vector<1x1xf32>
    %div3A = vector.broadcast %broadcast_in_dim3A_22 : vector<1x1xf32> to vector<1x12xf32>
    %div3A_23 = arith.divf %exp3A, %div3A : vector<1x12xf32>
    %get3A_24 = arith.constant 0 : index
    %get3A_25 = arith.constant 0 : index
    %get3A_26 = vector.load %arg7[%get3A_24, %get3A_25] : memref<64x128xf32, #tpu.memory_space<vmem>>, vector<64x64xf32>
    %get3A_27 = arith.constant 0 : index
    %get3A_28 = arith.constant 64 : index
    %get3A_29 = vector.load %arg7[%get3A_27, %get3A_28] : memref<64x128xf32, #tpu.memory_space<vmem>>, vector<64x64xf32>
    %get3A_30 = arith.constant 0 : index
    %get3A_31 = arith.constant 0 : index
    %get3A_32 = vector.load %arg5[%get3A_30, %get3A_31] : memref<64x2xf32, #tpu.memory_space<vmem>>, vector<64x2xf32>
    %dot_general3A = arith.constant dense<0.000000e+00> : vector<64x2xf32>
    %dot_general3A_33 = tpu.matmul %get3A_26, %get3A_32, %dot_general3A {dimension_numbers = #tpu.dot_dimension_numbers<[1], [0], [0], [1], [0, 0, 1, 1], [], []>, transpose_lhs_hint = false} : vector<64x64xf32>, vector<64x2xf32>, vector<64x2xf32> -> vector<64x2xf32>
    %get3A_34 = arith.constant 0 : index
    %get3A_35 = arith.constant 0 : index
    %get3A_36 = vector.load %arg6[%get3A_34, %get3A_35] : memref<1x64xf32, #tpu.memory_space<vmem>>, vector<1x64xf32>
    %dot_general3A_37 = arith.constant dense<0.000000e+00> : vector<1x64xf32>
    %dot_general3A_38 = tpu.matmul %get3A_36, %get3A_26, %dot_general3A_37 {dimension_numbers = #tpu.dot_dimension_numbers<[1], [1], [0], [0], [0, 0, 1, 0], [], []>, transpose_lhs_hint = false} : vector<1x64xf32>, vector<64x64xf32>, vector<1x64xf32> -> vector<1x64xf32>
    %get3A_39 = arith.constant 0 : index
    %get3A_40 = arith.constant 0 : index
    %get3A_41 = vector.load %arg8[%get3A_39, %get3A_40] : memref<1x64xf32, #tpu.memory_space<vmem>>, vector<1x64xf32>
    %add3A_42 = arith.addf %dot_general3A_38, %get3A_41 : vector<1x64xf32>
    %get3A_43 = arith.constant 0 : index
    %get3A_44 = arith.constant 0 : index
    %get3A_45 = vector.load %arg11[%get3A_43, %get3A_44] : memref<64x128xf32, #tpu.memory_space<vmem>>, vector<64x64xf32>
    %get3A_46 = arith.constant 0 : index
    %get3A_47 = arith.constant 64 : index
    %get3A_48 = vector.load %arg11[%get3A_46, %get3A_47] : memref<64x128xf32, #tpu.memory_space<vmem>>, vector<64x64xf32>
    %get3A_49 = arith.constant 0 : index
    %get3A_50 = arith.constant 0 : index
    %get3A_51 = vector.load %arg9[%get3A_49, %get3A_50] : memref<64x2xf32, #tpu.memory_space<vmem>>, vector<64x2xf32>
    %dot_general3A_52 = arith.constant dense<0.000000e+00> : vector<64x2xf32>
    %dot_general3A_53 = tpu.matmul %get3A_45, %get3A_51, %dot_general3A_52 {dimension_numbers = #tpu.dot_dimension_numbers<[1], [0], [0], [1], [0, 0, 1, 1], [], []>, transpose_lhs_hint = false} : vector<64x64xf32>, vector<64x2xf32>, vector<64x2xf32> -> vector<64x2xf32>
    %get3A_54 = arith.constant 0 : index
    %get3A_55 = arith.constant 0 : index
    %get3A_56 = vector.load %arg10[%get3A_54, %get3A_55] : memref<1x64xf32, #tpu.memory_space<vmem>>, vector<1x64xf32>
    %dot_general3A_57 = arith.constant dense<0.000000e+00> : vector<1x64xf32>
    %dot_general3A_58 = tpu.matmul %get3A_56, %get3A_45, %dot_general3A_57 {dimension_numbers = #tpu.dot_dimension_numbers<[1], [1], [0], [0], [0, 0, 1, 0], [], []>, transpose_lhs_hint = false} : vector<1x64xf32>, vector<64x64xf32>, vector<1x64xf32> -> vector<1x64xf32>
    %get3A_59 = arith.constant 0 : index
    %get3A_60 = arith.constant 0 : index
    %get3A_61 = vector.load %arg12[%get3A_59, %get3A_60] : memref<1x64xf32, #tpu.memory_space<vmem>>, vector<1x64xf32>
    %add3A_62 = arith.addf %dot_general3A_58, %get3A_61 : vector<1x64xf32>
    %get3A_63 = arith.constant 0 : index
    %get3A_64 = arith.constant 0 : index
    %get3A_65 = vector.load %arg15[%get3A_63, %get3A_64] : memref<64x128xf32, #tpu.memory_space<vmem>>, vector<64x64xf32>
    %get3A_66 = arith.constant 0 : index
    %get3A_67 = arith.constant 64 : index
    %get3A_68 = vector.load %arg15[%get3A_66, %get3A_67] : memref<64x128xf32, #tpu.memory_space<vmem>>, vector<64x64xf32>
    %get3A_69 = arith.constant 0 : index
    %get3A_70 = arith.constant 0 : index
    %get3A_71 = vector.load %arg13[%get3A_69, %get3A_70] : memref<64x2xf32, #tpu.memory_space<vmem>>, vector<64x2xf32>
    %dot_general3A_72 = arith.constant dense<0.000000e+00> : vector<64x2xf32>
    %dot_general3A_73 = tpu.matmul %get3A_65, %get3A_71, %dot_general3A_72 {dimension_numbers = #tpu.dot_dimension_numbers<[1], [0], [0], [1], [0, 0, 1, 1], [], []>, transpose_lhs_hint = false} : vector<64x64xf32>, vector<64x2xf32>, vector<64x2xf32> -> vector<64x2xf32>
    %get3A_74 = arith.constant 0 : index
    %get3A_75 = arith.constant 0 : index
    %get3A_76 = vector.load %arg14[%get3A_74, %get3A_75] : memref<1x64xf32, #tpu.memory_space<vmem>>, vector<1x64xf32>
    %dot_general3A_77 = arith.constant dense<0.000000e+00> : vector<1x64xf32>
    %dot_general3A_78 = tpu.matmul %get3A_76, %get3A_65, %dot_general3A_77 {dimension_numbers = #tpu.dot_dimension_numbers<[1], [1], [0], [0], [0, 0, 1, 0], [], []>, transpose_lhs_hint = false} : vector<1x64xf32>, vector<64x64xf32>, vector<1x64xf32> -> vector<1x64xf32>
    %get3A_79 = arith.constant 0 : index
    %get3A_80 = arith.constant 0 : index
    %get3A_81 = vector.load %arg16[%get3A_79, %get3A_80] : memref<1x64xf32, #tpu.memory_space<vmem>>, vector<1x64xf32>
    %add3A_82 = arith.addf %dot_general3A_78, %get3A_81 : vector<1x64xf32>
    %slice3A = vector.extract_strided_slice %mul3A {offsets = [0, 0], sizes = [2048, 24], strides = [1, 1]} : vector<2048x32xf32> to vector<2048x24xf32>
    %broadcast_in_dim3A_83 = arith.constant 0.000000e+00 : f32
    %broadcast_in_dim3A_84 = vector.broadcast %broadcast_in_dim3A_83 : f32 to vector<2048x64xf32>
    %broadcast_in_dim3A_85 = arith.constant 0.000000e+00 : f32
    %broadcast_in_dim3A_86 = vector.broadcast %broadcast_in_dim3A_85 : f32 to vector<2048x64xf32>
    %slice3A_87 = vector.extract_strided_slice %dot_general3A_33 {offsets = [0, 0], sizes = [64, 1], strides = [1, 1]} : vector<64x2xf32> to vector<64x1xf32>
    %jit3A = arith.constant 0 : i32
    %convert_element_type3A = arith.sitofp %jit3A : i32 to f32
    %pad3A = vector.broadcast %convert_element_type3A : f32 to vector<64x23xf32>
    %pad3A_88 = tpu.concatenate %slice3A_87, %pad3A in 1 : vector<64x1xf32>, vector<64x23xf32> -> vector<64x24xf32>
    %slice3A_89 = vector.extract_strided_slice %dot_general3A_33 {offsets = [0, 1], sizes = [64, 1], strides = [1, 1]} : vector<64x2xf32> to vector<64x1xf32>
    %jit3A_90 = arith.constant 0 : i32
    %convert_element_type3A_91 = arith.sitofp %jit3A_90 : i32 to f32
    %pad3A_92 = vector.broadcast %convert_element_type3A_91 : f32 to vector<64x12xf32>
    %pad3A_93 = tpu.concatenate %pad3A_92, %slice3A_89 in 1 : vector<64x12xf32>, vector<64x1xf32> -> vector<64x13xf32>
    %pad3A_94 = vector.broadcast %convert_element_type3A_91 : f32 to vector<64x11xf32>
    %pad3A_95 = tpu.concatenate %pad3A_93, %pad3A_94 in 1 : vector<64x13xf32>, vector<64x11xf32> -> vector<64x24xf32>
    %add3A_96 = arith.addf %pad3A_88, %pad3A_95 : vector<64x24xf32>
    %dot_general3A_97 = arith.constant dense<0.000000e+00> : vector<2048x64xf32>
    %dot_general3A_98 = tpu.matmul %slice3A, %add3A_96, %dot_general3A_97 {dimension_numbers = #tpu.dot_dimension_numbers<[1], [1], [0], [0], [0, 0, 1, 0], [], []>, transpose_lhs_hint = false} : vector<2048x24xf32>, vector<64x24xf32>, vector<2048x64xf32> -> vector<2048x64xf32>
    %dot_general3A_99 = arith.constant dense<0.000000e+00> : vector<2048x64xf32>
    %dot_general3A_100 = tpu.matmul %broadcast_in_dim3A_84, %get3A_29, %dot_general3A_99 {dimension_numbers = #tpu.dot_dimension_numbers<[1], [1], [0], [0], [0, 0, 1, 0], [], []>, transpose_lhs_hint = false} : vector<2048x64xf32>, vector<64x64xf32>, vector<2048x64xf32> -> vector<2048x64xf32>
    %add3A_101 = arith.addf %dot_general3A_98, %dot_general3A_100 : vector<2048x64xf32>
    %add3A_102 = vector.broadcast %add3A_42 : vector<1x64xf32> to vector<2048x64xf32>
    %add3A_103 = arith.addf %add3A_101, %add3A_102 : vector<2048x64xf32>
    %mul3A_104 = arith.constant 5.000000e-01 : f32
    %mul3A_105 = vector.broadcast %mul3A_104 : f32 to vector<2048x64xf32>
    %mul3A_106 = arith.mulf %mul3A_105, %add3A_103 : vector<2048x64xf32>
    %tanh3A = math.tanh %mul3A_106 : vector<2048x64xf32>
    %add3A_107 = arith.constant 1.000000e+00 : f32
    %add3A_108 = vector.broadcast %add3A_107 : f32 to vector<2048x64xf32>
    %add3A_109 = arith.addf %tanh3A, %add3A_108 : vector<2048x64xf32>
    %mul3A_110 = arith.constant 5.000000e-01 : f32
    %mul3A_111 = vector.broadcast %mul3A_110 : f32 to vector<2048x64xf32>
    %mul3A_112 = arith.mulf %mul3A_111, %add3A_109 : vector<2048x64xf32>
    %slice3A_113 = vector.extract_strided_slice %dot_general3A_53 {offsets = [0, 0], sizes = [64, 1], strides = [1, 1]} : vector<64x2xf32> to vector<64x1xf32>
    %jit3A_114 = arith.constant 0 : i32
    %convert_element_type3A_115 = arith.sitofp %jit3A_114 : i32 to f32
    %pad3A_116 = vector.broadcast %convert_element_type3A_115 : f32 to vector<64x23xf32>
    %pad3A_117 = tpu.concatenate %slice3A_113, %pad3A_116 in 1 : vector<64x1xf32>, vector<64x23xf32> -> vector<64x24xf32>
    %slice3A_118 = vector.extract_strided_slice %dot_general3A_53 {offsets = [0, 1], sizes = [64, 1], strides = [1, 1]} : vector<64x2xf32> to vector<64x1xf32>
    %jit3A_119 = arith.constant 0 : i32
    %convert_element_type3A_120 = arith.sitofp %jit3A_119 : i32 to f32
    %pad3A_121 = vector.broadcast %convert_element_type3A_120 : f32 to vector<64x12xf32>
    %pad3A_122 = tpu.concatenate %pad3A_121, %slice3A_118 in 1 : vector<64x12xf32>, vector<64x1xf32> -> vector<64x13xf32>
    %pad3A_123 = vector.broadcast %convert_element_type3A_120 : f32 to vector<64x11xf32>
    %pad3A_124 = tpu.concatenate %pad3A_122, %pad3A_123 in 1 : vector<64x13xf32>, vector<64x11xf32> -> vector<64x24xf32>
    %add3A_125 = arith.addf %pad3A_117, %pad3A_124 : vector<64x24xf32>
    %dot_general3A_126 = arith.constant dense<0.000000e+00> : vector<2048x64xf32>
    %dot_general3A_127 = tpu.matmul %slice3A, %add3A_125, %dot_general3A_126 {dimension_numbers = #tpu.dot_dimension_numbers<[1], [1], [0], [0], [0, 0, 1, 0], [], []>, transpose_lhs_hint = false} : vector<2048x24xf32>, vector<64x24xf32>, vector<2048x64xf32> -> vector<2048x64xf32>
    %dot_general3A_128 = arith.constant dense<0.000000e+00> : vector<2048x64xf32>
    %dot_general3A_129 = tpu.matmul %broadcast_in_dim3A_84, %get3A_48, %dot_general3A_128 {dimension_numbers = #tpu.dot_dimension_numbers<[1], [1], [0], [0], [0, 0, 1, 0], [], []>, transpose_lhs_hint = false} : vector<2048x64xf32>, vector<64x64xf32>, vector<2048x64xf32> -> vector<2048x64xf32>
    %add3A_130 = arith.addf %dot_general3A_127, %dot_general3A_129 : vector<2048x64xf32>
    %add3A_131 = vector.broadcast %add3A_62 : vector<1x64xf32> to vector<2048x64xf32>
    %add3A_132 = arith.addf %add3A_130, %add3A_131 : vector<2048x64xf32>
    %mul3A_133 = arith.constant 5.000000e-01 : f32
    %mul3A_134 = vector.broadcast %mul3A_133 : f32 to vector<2048x64xf32>
    %mul3A_135 = arith.mulf %mul3A_134, %add3A_132 : vector<2048x64xf32>
    %tanh3A_136 = math.tanh %mul3A_135 : vector<2048x64xf32>
    %add3A_137 = arith.constant 1.000000e+00 : f32
    %add3A_138 = vector.broadcast %add3A_137 : f32 to vector<2048x64xf32>
    %add3A_139 = arith.addf %tanh3A_136, %add3A_138 : vector<2048x64xf32>
    %mul3A_140 = arith.constant 5.000000e-01 : f32
    %mul3A_141 = vector.broadcast %mul3A_140 : f32 to vector<2048x64xf32>
    %mul3A_142 = arith.mulf %mul3A_141, %add3A_139 : vector<2048x64xf32>
    %slice3A_143 = vector.extract_strided_slice %dot_general3A_73 {offsets = [0, 0], sizes = [64, 1], strides = [1, 1]} : vector<64x2xf32> to vector<64x1xf32>
    %jit3A_144 = arith.constant 0 : i32
    %convert_element_type3A_145 = arith.sitofp %jit3A_144 : i32 to f32
    %pad3A_146 = vector.broadcast %convert_element_type3A_145 : f32 to vector<64x23xf32>
    %pad3A_147 = tpu.concatenate %slice3A_143, %pad3A_146 in 1 : vector<64x1xf32>, vector<64x23xf32> -> vector<64x24xf32>
    %slice3A_148 = vector.extract_strided_slice %dot_general3A_73 {offsets = [0, 1], sizes = [64, 1], strides = [1, 1]} : vector<64x2xf32> to vector<64x1xf32>
    %jit3A_149 = arith.constant 0 : i32
    %convert_element_type3A_150 = arith.sitofp %jit3A_149 : i32 to f32
    %pad3A_151 = vector.broadcast %convert_element_type3A_150 : f32 to vector<64x12xf32>
    %pad3A_152 = tpu.concatenate %pad3A_151, %slice3A_148 in 1 : vector<64x12xf32>, vector<64x1xf32> -> vector<64x13xf32>
    %pad3A_153 = vector.broadcast %convert_element_type3A_150 : f32 to vector<64x11xf32>
    %pad3A_154 = tpu.concatenate %pad3A_152, %pad3A_153 in 1 : vector<64x13xf32>, vector<64x11xf32> -> vector<64x24xf32>
    %add3A_155 = arith.addf %pad3A_147, %pad3A_154 : vector<64x24xf32>
    %dot_general3A_156 = arith.constant dense<0.000000e+00> : vector<2048x64xf32>
    %dot_general3A_157 = tpu.matmul %slice3A, %add3A_155, %dot_general3A_156 {dimension_numbers = #tpu.dot_dimension_numbers<[1], [1], [0], [0], [0, 0, 1, 0], [], []>, transpose_lhs_hint = false} : vector<2048x24xf32>, vector<64x24xf32>, vector<2048x64xf32> -> vector<2048x64xf32>
    %mul3A_158 = arith.mulf %broadcast_in_dim3A_84, %mul3A_142 : vector<2048x64xf32>
    %dot_general3A_159 = arith.constant dense<0.000000e+00> : vector<2048x64xf32>
    %dot_general3A_160 = tpu.matmul %mul3A_158, %get3A_68, %dot_general3A_159 {dimension_numbers = #tpu.dot_dimension_numbers<[1], [1], [0], [0], [0, 0, 1, 0], [], []>, transpose_lhs_hint = false} : vector<2048x64xf32>, vector<64x64xf32>, vector<2048x64xf32> -> vector<2048x64xf32>
    %add3A_161 = arith.addf %dot_general3A_157, %dot_general3A_160 : vector<2048x64xf32>
    %add3A_162 = vector.broadcast %add3A_82 : vector<1x64xf32> to vector<2048x64xf32>
    %add3A_163 = arith.addf %add3A_161, %add3A_162 : vector<2048x64xf32>
    %tanh3A_164 = math.tanh %add3A_163 : vector<2048x64xf32>
    %mul3A_165 = arith.mulf %mul3A_112, %broadcast_in_dim3A_84 : vector<2048x64xf32>
    %sub3A_166 = arith.constant 1.000000e+00 : f32
    %sub3A_167 = vector.broadcast %sub3A_166 : f32 to vector<2048x64xf32>
    %sub3A_168 = arith.subf %sub3A_167, %mul3A_112 : vector<2048x64xf32>
    %mul3A_169 = arith.mulf %sub3A_168, %tanh3A_164 : vector<2048x64xf32>
    %add3A_170 = arith.addf %mul3A_165, %mul3A_169 : vector<2048x64xf32>
    %slice3A_171 = vector.extract_strided_slice %div3A_23 {offsets = [0, 0], sizes = [1, 1], strides = [1, 1]} : vector<1x12xf32> to vector<1x1xf32>
    %squeeze3A = vector.extract %slice3A_171[0, 0] : f32 from vector<1x1xf32>
    %mul3A_172 = vector.broadcast %squeeze3A : f32 to vector<2048x64xf32>
    %mul3A_173 = arith.mulf %mul3A_172, %add3A_170 : vector<2048x64xf32>
    %add3A_174 = arith.addf %broadcast_in_dim3A_86, %mul3A_173 : vector<2048x64xf32>
    %slice3A_175 = vector.extract_strided_slice %dot_general3A_33 {offsets = [0, 0], sizes = [64, 1], strides = [1, 1]} : vector<64x2xf32> to vector<64x1xf32>
    %jit3A_176 = arith.constant 0 : i32
    %convert_element_type3A_177 = arith.sitofp %jit3A_176 : i32 to f32
    %pad3A_178 = vector.broadcast %convert_element_type3A_177 : f32 to vector<64x1xf32>
    %pad3A_179 = tpu.concatenate %pad3A_178, %slice3A_175 in 1 : vector<64x1xf32>, vector<64x1xf32> -> vector<64x2xf32>
    %pad3A_180 = vector.broadcast %convert_element_type3A_177 : f32 to vector<64x22xf32>
    %pad3A_181 = tpu.concatenate %pad3A_179, %pad3A_180 in 1 : vector<64x2xf32>, vector<64x22xf32> -> vector<64x24xf32>
    %slice3A_182 = vector.extract_strided_slice %dot_general3A_33 {offsets = [0, 1], sizes = [64, 1], strides = [1, 1]} : vector<64x2xf32> to vector<64x1xf32>
    %jit3A_183 = arith.constant 0 : i32
    %convert_element_type3A_184 = arith.sitofp %jit3A_183 : i32 to f32
    %pad3A_185 = vector.broadcast %convert_element_type3A_184 : f32 to vector<64x13xf32>
    %pad3A_186 = tpu.concatenate %pad3A_185, %slice3A_182 in 1 : vector<64x13xf32>, vector<64x1xf32> -> vector<64x14xf32>
    %pad3A_187 = vector.broadcast %convert_element_type3A_184 : f32 to vector<64x10xf32>
    %pad3A_188 = tpu.concatenate %pad3A_186, %pad3A_187 in 1 : vector<64x14xf32>, vector<64x10xf32> -> vector<64x24xf32>
    %add3A_189 = arith.addf %pad3A_181, %pad3A_188 : vector<64x24xf32>
    %dot_general3A_190 = arith.constant dense<0.000000e+00> : vector<2048x64xf32>
    %dot_general3A_191 = tpu.matmul %slice3A, %add3A_189, %dot_general3A_190 {dimension_numbers = #tpu.dot_dimension_numbers<[1], [1], [0], [0], [0, 0, 1, 0], [], []>, transpose_lhs_hint = false} : vector<2048x24xf32>, vector<64x24xf32>, vector<2048x64xf32> -> vector<2048x64xf32>
    %dot_general3A_192 = arith.constant dense<0.000000e+00> : vector<2048x64xf32>
    %dot_general3A_193 = tpu.matmul %add3A_170, %get3A_29, %dot_general3A_192 {dimension_numbers = #tpu.dot_dimension_numbers<[1], [1], [0], [0], [0, 0, 1, 0], [], []>, transpose_lhs_hint = false} : vector<2048x64xf32>, vector<64x64xf32>, vector<2048x64xf32> -> vector<2048x64xf32>
    %add3A_194 = arith.addf %dot_general3A_191, %dot_general3A_193 : vector<2048x64xf32>
    %add3A_195 = vector.broadcast %add3A_42 : vector<1x64xf32> to vector<2048x64xf32>
    %add3A_196 = arith.addf %add3A_194, %add3A_195 : vector<2048x64xf32>
    %mul3A_197 = arith.constant 5.000000e-01 : f32
    %mul3A_198 = vector.broadcast %mul3A_197 : f32 to vector<2048x64xf32>
    %mul3A_199 = arith.mulf %mul3A_198, %add3A_196 : vector<2048x64xf32>
    %tanh3A_200 = math.tanh %mul3A_199 : vector<2048x64xf32>
    %add3A_201 = arith.constant 1.000000e+00 : f32
    %add3A_202 = vector.broadcast %add3A_201 : f32 to vector<2048x64xf32>
    %add3A_203 = arith.addf %tanh3A_200, %add3A_202 : vector<2048x64xf32>
    %mul3A_204 = arith.constant 5.000000e-01 : f32
    %mul3A_205 = vector.broadcast %mul3A_204 : f32 to vector<2048x64xf32>
    %mul3A_206 = arith.mulf %mul3A_205, %add3A_203 : vector<2048x64xf32>
    %slice3A_207 = vector.extract_strided_slice %dot_general3A_53 {offsets = [0, 0], sizes = [64, 1], strides = [1, 1]} : vector<64x2xf32> to vector<64x1xf32>
    %jit3A_208 = arith.constant 0 : i32
    %convert_element_type3A_209 = arith.sitofp %jit3A_208 : i32 to f32
    %pad3A_210 = vector.broadcast %convert_element_type3A_209 : f32 to vector<64x1xf32>
    %pad3A_211 = tpu.concatenate %pad3A_210, %slice3A_207 in 1 : vector<64x1xf32>, vector<64x1xf32> -> vector<64x2xf32>
    %pad3A_212 = vector.broadcast %convert_element_type3A_209 : f32 to vector<64x22xf32>
    %pad3A_213 = tpu.concatenate %pad3A_211, %pad3A_212 in 1 : vector<64x2xf32>, vector<64x22xf32> -> vector<64x24xf32>
    %slice3A_214 = vector.extract_strided_slice %dot_general3A_53 {offsets = [0, 1], sizes = [64, 1], strides = [1, 1]} : vector<64x2xf32> to vector<64x1xf32>
    %jit3A_215 = arith.constant 0 : i32
    %convert_element_type3A_216 = arith.sitofp %jit3A_215 : i32 to f32
    %pad3A_217 = vector.broadcast %convert_element_type3A_216 : f32 to vector<64x13xf32>
    %pad3A_218 = tpu.concatenate %pad3A_217, %slice3A_214 in 1 : vector<64x13xf32>, vector<64x1xf32> -> vector<64x14xf32>
    %pad3A_219 = vector.broadcast %convert_element_type3A_216 : f32 to vector<64x10xf32>
    %pad3A_220 = tpu.concatenate %pad3A_218, %pad3A_219 in 1 : vector<64x14xf32>, vector<64x10xf32> -> vector<64x24xf32>
    %add3A_221 = arith.addf %pad3A_213, %pad3A_220 : vector<64x24xf32>
    %dot_general3A_222 = arith.constant dense<0.000000e+00> : vector<2048x64xf32>
    %dot_general3A_223 = tpu.matmul %slice3A, %add3A_221, %dot_general3A_222 {dimension_numbers = #tpu.dot_dimension_numbers<[1], [1], [0], [0], [0, 0, 1, 0], [], []>, transpose_lhs_hint = false} : vector<2048x24xf32>, vector<64x24xf32>, vector<2048x64xf32> -> vector<2048x64xf32>
    %dot_general3A_224 = arith.constant dense<0.000000e+00> : vector<2048x64xf32>
    %dot_general3A_225 = tpu.matmul %add3A_170, %get3A_48, %dot_general3A_224 {dimension_numbers = #tpu.dot_dimension_numbers<[1], [1], [0], [0], [0, 0, 1, 0], [], []>, transpose_lhs_hint = false} : vector<2048x64xf32>, vector<64x64xf32>, vector<2048x64xf32> -> vector<2048x64xf32>
    %add3A_226 = arith.addf %dot_general3A_223, %dot_general3A_225 : vector<2048x64xf32>
    %add3A_227 = vector.broadcast %add3A_62 : vector<1x64xf32> to vector<2048x64xf32>
    %add3A_228 = arith.addf %add3A_226, %add3A_227 : vector<2048x64xf32>
    %mul3A_229 = arith.constant 5.000000e-01 : f32
    %mul3A_230 = vector.broadcast %mul3A_229 : f32 to vector<2048x64xf32>
    %mul3A_231 = arith.mulf %mul3A_230, %add3A_228 : vector<2048x64xf32>
    %tanh3A_232 = math.tanh %mul3A_231 : vector<2048x64xf32>
    %add3A_233 = arith.constant 1.000000e+00 : f32
    %add3A_234 = vector.broadcast %add3A_233 : f32 to vector<2048x64xf32>
    %add3A_235 = arith.addf %tanh3A_232, %add3A_234 : vector<2048x64xf32>
    %mul3A_236 = arith.constant 5.000000e-01 : f32
    %mul3A_237 = vector.broadcast %mul3A_236 : f32 to vector<2048x64xf32>
    %mul3A_238 = arith.mulf %mul3A_237, %add3A_235 : vector<2048x64xf32>
    %slice3A_239 = vector.extract_strided_slice %dot_general3A_73 {offsets = [0, 0], sizes = [64, 1], strides = [1, 1]} : vector<64x2xf32> to vector<64x1xf32>
    %jit3A_240 = arith.constant 0 : i32
    %convert_element_type3A_241 = arith.sitofp %jit3A_240 : i32 to f32
    %pad3A_242 = vector.broadcast %convert_element_type3A_241 : f32 to vector<64x1xf32>
    %pad3A_243 = tpu.concatenate %pad3A_242, %slice3A_239 in 1 : vector<64x1xf32>, vector<64x1xf32> -> vector<64x2xf32>
    %pad3A_244 = vector.broadcast %convert_element_type3A_241 : f32 to vector<64x22xf32>
    %pad3A_245 = tpu.concatenate %pad3A_243, %pad3A_244 in 1 : vector<64x2xf32>, vector<64x22xf32> -> vector<64x24xf32>
    %slice3A_246 = vector.extract_strided_slice %dot_general3A_73 {offsets = [0, 1], sizes = [64, 1], strides = [1, 1]} : vector<64x2xf32> to vector<64x1xf32>
    %jit3A_247 = arith.constant 0 : i32
    %convert_element_type3A_248 = arith.sitofp %jit3A_247 : i32 to f32
    %pad3A_249 = vector.broadcast %convert_element_type3A_248 : f32 to vector<64x13xf32>
    %pad3A_250 = tpu.concatenate %pad3A_249, %slice3A_246 in 1 : vector<64x13xf32>, vector<64x1xf32> -> vector<64x14xf32>
    %pad3A_251 = vector.broadcast %convert_element_type3A_248 : f32 to vector<64x10xf32>
    %pad3A_252 = tpu.concatenate %pad3A_250, %pad3A_251 in 1 : vector<64x14xf32>, vector<64x10xf32> -> vector<64x24xf32>
    %add3A_253 = arith.addf %pad3A_245, %pad3A_252 : vector<64x24xf32>
    %dot_general3A_254 = arith.constant dense<0.000000e+00> : vector<2048x64xf32>
    %dot_general3A_255 = tpu.matmul %slice3A, %add3A_253, %dot_general3A_254 {dimension_numbers = #tpu.dot_dimension_numbers<[1], [1], [0], [0], [0, 0, 1, 0], [], []>, transpose_lhs_hint = false} : vector<2048x24xf32>, vector<64x24xf32>, vector<2048x64xf32> -> vector<2048x64xf32>
    %mul3A_256 = arith.mulf %add3A_170, %mul3A_238 : vector<2048x64xf32>
    %dot_general3A_257 = arith.constant dense<0.000000e+00> : vector<2048x64xf32>
    %dot_general3A_258 = tpu.matmul %mul3A_256, %get3A_68, %dot_general3A_257 {dimension_numbers = #tpu.dot_dimension_numbers<[1], [1], [0], [0], [0, 0, 1, 0], [], []>, transpose_lhs_hint = false} : vector<2048x64xf32>, vector<64x64xf32>, vector<2048x64xf32> -> vector<2048x64xf32>
    %add3A_259 = arith.addf %dot_general3A_255, %dot_general3A_258 : vector<2048x64xf32>
    %add3A_260 = vector.broadcast %add3A_82 : vector<1x64xf32> to vector<2048x64xf32>
    %add3A_261 = arith.addf %add3A_259, %add3A_260 : vector<2048x64xf32>
    %tanh3A_262 = math.tanh %add3A_261 : vector<2048x64xf32>
    %mul3A_263 = arith.mulf %mul3A_206, %add3A_170 : vector<2048x64xf32>
    %sub3A_264 = arith.constant 1.000000e+00 : f32
    %sub3A_265 = vector.broadcast %sub3A_264 : f32 to vector<2048x64xf32>
    %sub3A_266 = arith.subf %sub3A_265, %mul3A_206 : vector<2048x64xf32>
    %mul3A_267 = arith.mulf %sub3A_266, %tanh3A_262 : vector<2048x64xf32>
    %add3A_268 = arith.addf %mul3A_263, %mul3A_267 : vector<2048x64xf32>
    %slice3A_269 = vector.extract_strided_slice %div3A_23 {offsets = [0, 1], sizes = [1, 1], strides = [1, 1]} : vector<1x12xf32> to vector<1x1xf32>
    %squeeze3A_270 = vector.extract %slice3A_269[0, 0] : f32 from vector<1x1xf32>
    %mul3A_271 = vector.broadcast %squeeze3A_270 : f32 to vector<2048x64xf32>
    %mul3A_272 = arith.mulf %mul3A_271, %add3A_268 : vector<2048x64xf32>
    %add3A_273 = arith.addf %add3A_174, %mul3A_272 : vector<2048x64xf32>
    %slice3A_274 = vector.extract_strided_slice %dot_general3A_33 {offsets = [0, 0], sizes = [64, 1], strides = [1, 1]} : vector<64x2xf32> to vector<64x1xf32>
    %jit3A_275 = arith.constant 0 : i32
    %convert_element_type3A_276 = arith.sitofp %jit3A_275 : i32 to f32
    %pad3A_277 = vector.broadcast %convert_element_type3A_276 : f32 to vector<64x2xf32>
    %pad3A_278 = tpu.concatenate %pad3A_277, %slice3A_274 in 1 : vector<64x2xf32>, vector<64x1xf32> -> vector<64x3xf32>
    %pad3A_279 = vector.broadcast %convert_element_type3A_276 : f32 to vector<64x21xf32>
    %pad3A_280 = tpu.concatenate %pad3A_278, %pad3A_279 in 1 : vector<64x3xf32>, vector<64x21xf32> -> vector<64x24xf32>
    %slice3A_281 = vector.extract_strided_slice %dot_general3A_33 {offsets = [0, 1], sizes = [64, 1], strides = [1, 1]} : vector<64x2xf32> to vector<64x1xf32>
    %jit3A_282 = arith.constant 0 : i32
    %convert_element_type3A_283 = arith.sitofp %jit3A_282 : i32 to f32
    %pad3A_284 = vector.broadcast %convert_element_type3A_283 : f32 to vector<64x14xf32>
    %pad3A_285 = tpu.concatenate %pad3A_284, %slice3A_281 in 1 : vector<64x14xf32>, vector<64x1xf32> -> vector<64x15xf32>
    %pad3A_286 = vector.broadcast %convert_element_type3A_283 : f32 to vector<64x9xf32>
    %pad3A_287 = tpu.concatenate %pad3A_285, %pad3A_286 in 1 : vector<64x15xf32>, vector<64x9xf32> -> vector<64x24xf32>
    %add3A_288 = arith.addf %pad3A_280, %pad3A_287 : vector<64x24xf32>
    %dot_general3A_289 = arith.constant dense<0.000000e+00> : vector<2048x64xf32>
    %dot_general3A_290 = tpu.matmul %slice3A, %add3A_288, %dot_general3A_289 {dimension_numbers = #tpu.dot_dimension_numbers<[1], [1], [0], [0], [0, 0, 1, 0], [], []>, transpose_lhs_hint = false} : vector<2048x24xf32>, vector<64x24xf32>, vector<2048x64xf32> -> vector<2048x64xf32>
    %dot_general3A_291 = arith.constant dense<0.000000e+00> : vector<2048x64xf32>
    %dot_general3A_292 = tpu.matmul %add3A_268, %get3A_29, %dot_general3A_291 {dimension_numbers = #tpu.dot_dimension_numbers<[1], [1], [0], [0], [0, 0, 1, 0], [], []>, transpose_lhs_hint = false} : vector<2048x64xf32>, vector<64x64xf32>, vector<2048x64xf32> -> vector<2048x64xf32>
    %add3A_293 = arith.addf %dot_general3A_290, %dot_general3A_292 : vector<2048x64xf32>
    %add3A_294 = vector.broadcast %add3A_42 : vector<1x64xf32> to vector<2048x64xf32>
    %add3A_295 = arith.addf %add3A_293, %add3A_294 : vector<2048x64xf32>
    %mul3A_296 = arith.constant 5.000000e-01 : f32
    %mul3A_297 = vector.broadcast %mul3A_296 : f32 to vector<2048x64xf32>
    %mul3A_298 = arith.mulf %mul3A_297, %add3A_295 : vector<2048x64xf32>
    %tanh3A_299 = math.tanh %mul3A_298 : vector<2048x64xf32>
    %add3A_300 = arith.constant 1.000000e+00 : f32
    %add3A_301 = vector.broadcast %add3A_300 : f32 to vector<2048x64xf32>
    %add3A_302 = arith.addf %tanh3A_299, %add3A_301 : vector<2048x64xf32>
    %mul3A_303 = arith.constant 5.000000e-01 : f32
    %mul3A_304 = vector.broadcast %mul3A_303 : f32 to vector<2048x64xf32>
    %mul3A_305 = arith.mulf %mul3A_304, %add3A_302 : vector<2048x64xf32>
    %slice3A_306 = vector.extract_strided_slice %dot_general3A_53 {offsets = [0, 0], sizes = [64, 1], strides = [1, 1]} : vector<64x2xf32> to vector<64x1xf32>
    %jit3A_307 = arith.constant 0 : i32
    %convert_element_type3A_308 = arith.sitofp %jit3A_307 : i32 to f32
    %pad3A_309 = vector.broadcast %convert_element_type3A_308 : f32 to vector<64x2xf32>
    %pad3A_310 = tpu.concatenate %pad3A_309, %slice3A_306 in 1 : vector<64x2xf32>, vector<64x1xf32> -> vector<64x3xf32>
    %pad3A_311 = vector.broadcast %convert_element_type3A_308 : f32 to vector<64x21xf32>
    %pad3A_312 = tpu.concatenate %pad3A_310, %pad3A_311 in 1 : vector<64x3xf32>, vector<64x21xf32> -> vector<64x24xf32>
    %slice3A_313 = vector.extract_strided_slice %dot_general3A_53 {offsets = [0, 1], sizes = [64, 1], strides = [1, 1]} : vector<64x2xf32> to vector<64x1xf32>
    %jit3A_314 = arith.constant 0 : i32
    %convert_element_type3A_315 = arith.sitofp %jit3A_314 : i32 to f32
    %pad3A_316 = vector.broadcast %convert_element_type3A_315 : f32 to vector<64x14xf32>
    %pad3A_317 = tpu.concatenate %pad3A_316, %slice3A_313 in 1 : vector<64x14xf32>, vector<64x1xf32> -> vector<64x15xf32>
    %pad3A_318 = vector.broadcast %convert_element_type3A_315 : f32 to vector<64x9xf32>
    %pad3A_319 = tpu.concatenate %pad3A_317, %pad3A_318 in 1 : vector<64x15xf32>, vector<64x9xf32> -> vector<64x24xf32>
    %add3A_320 = arith.addf %pad3A_312, %pad3A_319 : vector<64x24xf32>
    %dot_general3A_321 = arith.constant dense<0.000000e+00> : vector<2048x64xf32>
    %dot_general3A_322 = tpu.matmul %slice3A, %add3A_320, %dot_general3A_321 {dimension_numbers = #tpu.dot_dimension_numbers<[1], [1], [0], [0], [0, 0, 1, 0], [], []>, transpose_lhs_hint = false} : vector<2048x24xf32>, vector<64x24xf32>, vector<2048x64xf32> -> vector<2048x64xf32>
    %dot_general3A_323 = arith.constant dense<0.000000e+00> : vector<2048x64xf32>
    %dot_general3A_324 = tpu.matmul %add3A_268, %get3A_48, %dot_general3A_323 {dimension_numbers = #tpu.dot_dimension_numbers<[1], [1], [0], [0], [0, 0, 1, 0], [], []>, transpose_lhs_hint = false} : vector<2048x64xf32>, vector<64x64xf32>, vector<2048x64xf32> -> vector<2048x64xf32>
    %add3A_325 = arith.addf %dot_general3A_322, %dot_general3A_324 : vector<2048x64xf32>
    %add3A_326 = vector.broadcast %add3A_62 : vector<1x64xf32> to vector<2048x64xf32>
    %add3A_327 = arith.addf %add3A_325, %add3A_326 : vector<2048x64xf32>
    %mul3A_328 = arith.constant 5.000000e-01 : f32
    %mul3A_329 = vector.broadcast %mul3A_328 : f32 to vector<2048x64xf32>
    %mul3A_330 = arith.mulf %mul3A_329, %add3A_327 : vector<2048x64xf32>
    %tanh3A_331 = math.tanh %mul3A_330 : vector<2048x64xf32>
    %add3A_332 = arith.constant 1.000000e+00 : f32
    %add3A_333 = vector.broadcast %add3A_332 : f32 to vector<2048x64xf32>
    %add3A_334 = arith.addf %tanh3A_331, %add3A_333 : vector<2048x64xf32>
    %mul3A_335 = arith.constant 5.000000e-01 : f32
    %mul3A_336 = vector.broadcast %mul3A_335 : f32 to vector<2048x64xf32>
    %mul3A_337 = arith.mulf %mul3A_336, %add3A_334 : vector<2048x64xf32>
    %slice3A_338 = vector.extract_strided_slice %dot_general3A_73 {offsets = [0, 0], sizes = [64, 1], strides = [1, 1]} : vector<64x2xf32> to vector<64x1xf32>
    %jit3A_339 = arith.constant 0 : i32
    %convert_element_type3A_340 = arith.sitofp %jit3A_339 : i32 to f32
    %pad3A_341 = vector.broadcast %convert_element_type3A_340 : f32 to vector<64x2xf32>
    %pad3A_342 = tpu.concatenate %pad3A_341, %slice3A_338 in 1 : vector<64x2xf32>, vector<64x1xf32> -> vector<64x3xf32>
    %pad3A_343 = vector.broadcast %convert_element_type3A_340 : f32 to vector<64x21xf32>
    %pad3A_344 = tpu.concatenate %pad3A_342, %pad3A_343 in 1 : vector<64x3xf32>, vector<64x21xf32> -> vector<64x24xf32>
    %slice3A_345 = vector.extract_strided_slice %dot_general3A_73 {offsets = [0, 1], sizes = [64, 1], strides = [1, 1]} : vector<64x2xf32> to vector<64x1xf32>
    %jit3A_346 = arith.constant 0 : i32
    %convert_element_type3A_347 = arith.sitofp %jit3A_346 : i32 to f32
    %pad3A_348 = vector.broadcast %convert_element_type3A_347 : f32 to vector<64x14xf32>
    %pad3A_349 = tpu.concatenate %pad3A_348, %slice3A_345 in 1 : vector<64x14xf32>, vector<64x1xf32> -> vector<64x15xf32>
    %pad3A_350 = vector.broadcast %convert_element_type3A_347 : f32 to vector<64x9xf32>
    %pad3A_351 = tpu.concatenate %pad3A_349, %pad3A_350 in 1 : vector<64x15xf32>, vector<64x9xf32> -> vector<64x24xf32>
    %add3A_352 = arith.addf %pad3A_344, %pad3A_351 : vector<64x24xf32>
    %dot_general3A_353 = arith.constant dense<0.000000e+00> : vector<2048x64xf32>
    %dot_general3A_354 = tpu.matmul %slice3A, %add3A_352, %dot_general3A_353 {dimension_numbers = #tpu.dot_dimension_numbers<[1], [1], [0], [0], [0, 0, 1, 0], [], []>, transpose_lhs_hint = false} : vector<2048x24xf32>, vector<64x24xf32>, vector<2048x64xf32> -> vector<2048x64xf32>
    %mul3A_355 = arith.mulf %add3A_268, %mul3A_337 : vector<2048x64xf32>
    %dot_general3A_356 = arith.constant dense<0.000000e+00> : vector<2048x64xf32>
    %dot_general3A_357 = tpu.matmul %mul3A_355, %get3A_68, %dot_general3A_356 {dimension_numbers = #tpu.dot_dimension_numbers<[1], [1], [0], [0], [0, 0, 1, 0], [], []>, transpose_lhs_hint = false} : vector<2048x64xf32>, vector<64x64xf32>, vector<2048x64xf32> -> vector<2048x64xf32>
    %add3A_358 = arith.addf %dot_general3A_354, %dot_general3A_357 : vector<2048x64xf32>
    %add3A_359 = vector.broadcast %add3A_82 : vector<1x64xf32> to vector<2048x64xf32>
    %add3A_360 = arith.addf %add3A_358, %add3A_359 : vector<2048x64xf32>
    %tanh3A_361 = math.tanh %add3A_360 : vector<2048x64xf32>
    %mul3A_362 = arith.mulf %mul3A_305, %add3A_268 : vector<2048x64xf32>
    %sub3A_363 = arith.constant 1.000000e+00 : f32
    %sub3A_364 = vector.broadcast %sub3A_363 : f32 to vector<2048x64xf32>
    %sub3A_365 = arith.subf %sub3A_364, %mul3A_305 : vector<2048x64xf32>
    %mul3A_366 = arith.mulf %sub3A_365, %tanh3A_361 : vector<2048x64xf32>
    %add3A_367 = arith.addf %mul3A_362, %mul3A_366 : vector<2048x64xf32>
    %slice3A_368 = vector.extract_strided_slice %div3A_23 {offsets = [0, 2], sizes = [1, 1], strides = [1, 1]} : vector<1x12xf32> to vector<1x1xf32>
    %squeeze3A_369 = vector.extract %slice3A_368[0, 0] : f32 from vector<1x1xf32>
    %mul3A_370 = vector.broadcast %squeeze3A_369 : f32 to vector<2048x64xf32>
    %mul3A_371 = arith.mulf %mul3A_370, %add3A_367 : vector<2048x64xf32>
    %add3A_372 = arith.addf %add3A_273, %mul3A_371 : vector<2048x64xf32>
    %slice3A_373 = vector.extract_strided_slice %dot_general3A_33 {offsets = [0, 0], sizes = [64, 1], strides = [1, 1]} : vector<64x2xf32> to vector<64x1xf32>
    %jit3A_374 = arith.constant 0 : i32
    %convert_element_type3A_375 = arith.sitofp %jit3A_374 : i32 to f32
    %pad3A_376 = vector.broadcast %convert_element_type3A_375 : f32 to vector<64x3xf32>
    %pad3A_377 = tpu.concatenate %pad3A_376, %slice3A_373 in 1 : vector<64x3xf32>, vector<64x1xf32> -> vector<64x4xf32>
    %pad3A_378 = vector.broadcast %convert_element_type3A_375 : f32 to vector<64x20xf32>
    %pad3A_379 = tpu.concatenate %pad3A_377, %pad3A_378 in 1 : vector<64x4xf32>, vector<64x20xf32> -> vector<64x24xf32>
    %slice3A_380 = vector.extract_strided_slice %dot_general3A_33 {offsets = [0, 1], sizes = [64, 1], strides = [1, 1]} : vector<64x2xf32> to vector<64x1xf32>
    %jit3A_381 = arith.constant 0 : i32
    %convert_element_type3A_382 = arith.sitofp %jit3A_381 : i32 to f32
    %pad3A_383 = vector.broadcast %convert_element_type3A_382 : f32 to vector<64x15xf32>
    %pad3A_384 = tpu.concatenate %pad3A_383, %slice3A_380 in 1 : vector<64x15xf32>, vector<64x1xf32> -> vector<64x16xf32>
    %pad3A_385 = vector.broadcast %convert_element_type3A_382 : f32 to vector<64x8xf32>
    %pad3A_386 = tpu.concatenate %pad3A_384, %pad3A_385 in 1 : vector<64x16xf32>, vector<64x8xf32> -> vector<64x24xf32>
    %add3A_387 = arith.addf %pad3A_379, %pad3A_386 : vector<64x24xf32>
    %dot_general3A_388 = arith.constant dense<0.000000e+00> : vector<2048x64xf32>
    %dot_general3A_389 = tpu.matmul %slice3A, %add3A_387, %dot_general3A_388 {dimension_numbers = #tpu.dot_dimension_numbers<[1], [1], [0], [0], [0, 0, 1, 0], [], []>, transpose_lhs_hint = false} : vector<2048x24xf32>, vector<64x24xf32>, vector<2048x64xf32> -> vector<2048x64xf32>
    %dot_general3A_390 = arith.constant dense<0.000000e+00> : vector<2048x64xf32>
    %dot_general3A_391 = tpu.matmul %add3A_367, %get3A_29, %dot_general3A_390 {dimension_numbers = #tpu.dot_dimension_numbers<[1], [1], [0], [0], [0, 0, 1, 0], [], []>, transpose_lhs_hint = false} : vector<2048x64xf32>, vector<64x64xf32>, vector<2048x64xf32> -> vector<2048x64xf32>
    %add3A_392 = arith.addf %dot_general3A_389, %dot_general3A_391 : vector<2048x64xf32>
    %add3A_393 = vector.broadcast %add3A_42 : vector<1x64xf32> to vector<2048x64xf32>
    %add3A_394 = arith.addf %add3A_392, %add3A_393 : vector<2048x64xf32>
    %mul3A_395 = arith.constant 5.000000e-01 : f32
    %mul3A_396 = vector.broadcast %mul3A_395 : f32 to vector<2048x64xf32>
    %mul3A_397 = arith.mulf %mul3A_396, %add3A_394 : vector<2048x64xf32>
    %tanh3A_398 = math.tanh %mul3A_397 : vector<2048x64xf32>
    %add3A_399 = arith.constant 1.000000e+00 : f32
    %add3A_400 = vector.broadcast %add3A_399 : f32 to vector<2048x64xf32>
    %add3A_401 = arith.addf %tanh3A_398, %add3A_400 : vector<2048x64xf32>
    %mul3A_402 = arith.constant 5.000000e-01 : f32
    %mul3A_403 = vector.broadcast %mul3A_402 : f32 to vector<2048x64xf32>
    %mul3A_404 = arith.mulf %mul3A_403, %add3A_401 : vector<2048x64xf32>
    %slice3A_405 = vector.extract_strided_slice %dot_general3A_53 {offsets = [0, 0], sizes = [64, 1], strides = [1, 1]} : vector<64x2xf32> to vector<64x1xf32>
    %jit3A_406 = arith.constant 0 : i32
    %convert_element_type3A_407 = arith.sitofp %jit3A_406 : i32 to f32
    %pad3A_408 = vector.broadcast %convert_element_type3A_407 : f32 to vector<64x3xf32>
    %pad3A_409 = tpu.concatenate %pad3A_408, %slice3A_405 in 1 : vector<64x3xf32>, vector<64x1xf32> -> vector<64x4xf32>
    %pad3A_410 = vector.broadcast %convert_element_type3A_407 : f32 to vector<64x20xf32>
    %pad3A_411 = tpu.concatenate %pad3A_409, %pad3A_410 in 1 : vector<64x4xf32>, vector<64x20xf32> -> vector<64x24xf32>
    %slice3A_412 = vector.extract_strided_slice %dot_general3A_53 {offsets = [0, 1], sizes = [64, 1], strides = [1, 1]} : vector<64x2xf32> to vector<64x1xf32>
    %jit3A_413 = arith.constant 0 : i32
    %convert_element_type3A_414 = arith.sitofp %jit3A_413 : i32 to f32
    %pad3A_415 = vector.broadcast %convert_element_type3A_414 : f32 to vector<64x15xf32>
    %pad3A_416 = tpu.concatenate %pad3A_415, %slice3A_412 in 1 : vector<64x15xf32>, vector<64x1xf32> -> vector<64x16xf32>
    %pad3A_417 = vector.broadcast %convert_element_type3A_414 : f32 to vector<64x8xf32>
    %pad3A_418 = tpu.concatenate %pad3A_416, %pad3A_417 in 1 : vector<64x16xf32>, vector<64x8xf32> -> vector<64x24xf32>
    %add3A_419 = arith.addf %pad3A_411, %pad3A_418 : vector<64x24xf32>
    %dot_general3A_420 = arith.constant dense<0.000000e+00> : vector<2048x64xf32>
    %dot_general3A_421 = tpu.matmul %slice3A, %add3A_419, %dot_general3A_420 {dimension_numbers = #tpu.dot_dimension_numbers<[1], [1], [0], [0], [0, 0, 1, 0], [], []>, transpose_lhs_hint = false} : vector<2048x24xf32>, vector<64x24xf32>, vector<2048x64xf32> -> vector<2048x64xf32>
    %dot_general3A_422 = arith.constant dense<0.000000e+00> : vector<2048x64xf32>
    %dot_general3A_423 = tpu.matmul %add3A_367, %get3A_48, %dot_general3A_422 {dimension_numbers = #tpu.dot_dimension_numbers<[1], [1], [0], [0], [0, 0, 1, 0], [], []>, transpose_lhs_hint = false} : vector<2048x64xf32>, vector<64x64xf32>, vector<2048x64xf32> -> vector<2048x64xf32>
    %add3A_424 = arith.addf %dot_general3A_421, %dot_general3A_423 : vector<2048x64xf32>
    %add3A_425 = vector.broadcast %add3A_62 : vector<1x64xf32> to vector<2048x64xf32>
    %add3A_426 = arith.addf %add3A_424, %add3A_425 : vector<2048x64xf32>
    %mul3A_427 = arith.constant 5.000000e-01 : f32
    %mul3A_428 = vector.broadcast %mul3A_427 : f32 to vector<2048x64xf32>
    %mul3A_429 = arith.mulf %mul3A_428, %add3A_426 : vector<2048x64xf32>
    %tanh3A_430 = math.tanh %mul3A_429 : vector<2048x64xf32>
    %add3A_431 = arith.constant 1.000000e+00 : f32
    %add3A_432 = vector.broadcast %add3A_431 : f32 to vector<2048x64xf32>
    %add3A_433 = arith.addf %tanh3A_430, %add3A_432 : vector<2048x64xf32>
    %mul3A_434 = arith.constant 5.000000e-01 : f32
    %mul3A_435 = vector.broadcast %mul3A_434 : f32 to vector<2048x64xf32>
    %mul3A_436 = arith.mulf %mul3A_435, %add3A_433 : vector<2048x64xf32>
    %slice3A_437 = vector.extract_strided_slice %dot_general3A_73 {offsets = [0, 0], sizes = [64, 1], strides = [1, 1]} : vector<64x2xf32> to vector<64x1xf32>
    %jit3A_438 = arith.constant 0 : i32
    %convert_element_type3A_439 = arith.sitofp %jit3A_438 : i32 to f32
    %pad3A_440 = vector.broadcast %convert_element_type3A_439 : f32 to vector<64x3xf32>
    %pad3A_441 = tpu.concatenate %pad3A_440, %slice3A_437 in 1 : vector<64x3xf32>, vector<64x1xf32> -> vector<64x4xf32>
    %pad3A_442 = vector.broadcast %convert_element_type3A_439 : f32 to vector<64x20xf32>
    %pad3A_443 = tpu.concatenate %pad3A_441, %pad3A_442 in 1 : vector<64x4xf32>, vector<64x20xf32> -> vector<64x24xf32>
    %slice3A_444 = vector.extract_strided_slice %dot_general3A_73 {offsets = [0, 1], sizes = [64, 1], strides = [1, 1]} : vector<64x2xf32> to vector<64x1xf32>
    %jit3A_445 = arith.constant 0 : i32
    %convert_element_type3A_446 = arith.sitofp %jit3A_445 : i32 to f32
    %pad3A_447 = vector.broadcast %convert_element_type3A_446 : f32 to vector<64x15xf32>
    %pad3A_448 = tpu.concatenate %pad3A_447, %slice3A_444 in 1 : vector<64x15xf32>, vector<64x1xf32> -> vector<64x16xf32>
    %pad3A_449 = vector.broadcast %convert_element_type3A_446 : f32 to vector<64x8xf32>
    %pad3A_450 = tpu.concatenate %pad3A_448, %pad3A_449 in 1 : vector<64x16xf32>, vector<64x8xf32> -> vector<64x24xf32>
    %add3A_451 = arith.addf %pad3A_443, %pad3A_450 : vector<64x24xf32>
    %dot_general3A_452 = arith.constant dense<0.000000e+00> : vector<2048x64xf32>
    %dot_general3A_453 = tpu.matmul %slice3A, %add3A_451, %dot_general3A_452 {dimension_numbers = #tpu.dot_dimension_numbers<[1], [1], [0], [0], [0, 0, 1, 0], [], []>, transpose_lhs_hint = false} : vector<2048x24xf32>, vector<64x24xf32>, vector<2048x64xf32> -> vector<2048x64xf32>
    %mul3A_454 = arith.mulf %add3A_367, %mul3A_436 : vector<2048x64xf32>
    %dot_general3A_455 = arith.constant dense<0.000000e+00> : vector<2048x64xf32>
    %dot_general3A_456 = tpu.matmul %mul3A_454, %get3A_68, %dot_general3A_455 {dimension_numbers = #tpu.dot_dimension_numbers<[1], [1], [0], [0], [0, 0, 1, 0], [], []>, transpose_lhs_hint = false} : vector<2048x64xf32>, vector<64x64xf32>, vector<2048x64xf32> -> vector<2048x64xf32>
    %add3A_457 = arith.addf %dot_general3A_453, %dot_general3A_456 : vector<2048x64xf32>
    %add3A_458 = vector.broadcast %add3A_82 : vector<1x64xf32> to vector<2048x64xf32>
    %add3A_459 = arith.addf %add3A_457, %add3A_458 : vector<2048x64xf32>
    %tanh3A_460 = math.tanh %add3A_459 : vector<2048x64xf32>
    %mul3A_461 = arith.mulf %mul3A_404, %add3A_367 : vector<2048x64xf32>
    %sub3A_462 = arith.constant 1.000000e+00 : f32
    %sub3A_463 = vector.broadcast %sub3A_462 : f32 to vector<2048x64xf32>
    %sub3A_464 = arith.subf %sub3A_463, %mul3A_404 : vector<2048x64xf32>
    %mul3A_465 = arith.mulf %sub3A_464, %tanh3A_460 : vector<2048x64xf32>
    %add3A_466 = arith.addf %mul3A_461, %mul3A_465 : vector<2048x64xf32>
    %slice3A_467 = vector.extract_strided_slice %div3A_23 {offsets = [0, 3], sizes = [1, 1], strides = [1, 1]} : vector<1x12xf32> to vector<1x1xf32>
    %squeeze3A_468 = vector.extract %slice3A_467[0, 0] : f32 from vector<1x1xf32>
    %mul3A_469 = vector.broadcast %squeeze3A_468 : f32 to vector<2048x64xf32>
    %mul3A_470 = arith.mulf %mul3A_469, %add3A_466 : vector<2048x64xf32>
    %add3A_471 = arith.addf %add3A_372, %mul3A_470 : vector<2048x64xf32>
    %slice3A_472 = vector.extract_strided_slice %dot_general3A_33 {offsets = [0, 0], sizes = [64, 1], strides = [1, 1]} : vector<64x2xf32> to vector<64x1xf32>
    %jit3A_473 = arith.constant 0 : i32
    %convert_element_type3A_474 = arith.sitofp %jit3A_473 : i32 to f32
    %pad3A_475 = vector.broadcast %convert_element_type3A_474 : f32 to vector<64x4xf32>
    %pad3A_476 = tpu.concatenate %pad3A_475, %slice3A_472 in 1 : vector<64x4xf32>, vector<64x1xf32> -> vector<64x5xf32>
    %pad3A_477 = vector.broadcast %convert_element_type3A_474 : f32 to vector<64x19xf32>
    %pad3A_478 = tpu.concatenate %pad3A_476, %pad3A_477 in 1 : vector<64x5xf32>, vector<64x19xf32> -> vector<64x24xf32>
    %slice3A_479 = vector.extract_strided_slice %dot_general3A_33 {offsets = [0, 1], sizes = [64, 1], strides = [1, 1]} : vector<64x2xf32> to vector<64x1xf32>
    %jit3A_480 = arith.constant 0 : i32
    %convert_element_type3A_481 = arith.sitofp %jit3A_480 : i32 to f32
    %pad3A_482 = vector.broadcast %convert_element_type3A_481 : f32 to vector<64x16xf32>
    %pad3A_483 = tpu.concatenate %pad3A_482, %slice3A_479 in 1 : vector<64x16xf32>, vector<64x1xf32> -> vector<64x17xf32>
    %pad3A_484 = vector.broadcast %convert_element_type3A_481 : f32 to vector<64x7xf32>
    %pad3A_485 = tpu.concatenate %pad3A_483, %pad3A_484 in 1 : vector<64x17xf32>, vector<64x7xf32> -> vector<64x24xf32>
    %add3A_486 = arith.addf %pad3A_478, %pad3A_485 : vector<64x24xf32>
    %dot_general3A_487 = arith.constant dense<0.000000e+00> : vector<2048x64xf32>
    %dot_general3A_488 = tpu.matmul %slice3A, %add3A_486, %dot_general3A_487 {dimension_numbers = #tpu.dot_dimension_numbers<[1], [1], [0], [0], [0, 0, 1, 0], [], []>, transpose_lhs_hint = false} : vector<2048x24xf32>, vector<64x24xf32>, vector<2048x64xf32> -> vector<2048x64xf32>
    %dot_general3A_489 = arith.constant dense<0.000000e+00> : vector<2048x64xf32>
    %dot_general3A_490 = tpu.matmul %add3A_466, %get3A_29, %dot_general3A_489 {dimension_numbers = #tpu.dot_dimension_numbers<[1], [1], [0], [0], [0, 0, 1, 0], [], []>, transpose_lhs_hint = false} : vector<2048x64xf32>, vector<64x64xf32>, vector<2048x64xf32> -> vector<2048x64xf32>
    %add3A_491 = arith.addf %dot_general3A_488, %dot_general3A_490 : vector<2048x64xf32>
    %add3A_492 = vector.broadcast %add3A_42 : vector<1x64xf32> to vector<2048x64xf32>
    %add3A_493 = arith.addf %add3A_491, %add3A_492 : vector<2048x64xf32>
    %mul3A_494 = arith.constant 5.000000e-01 : f32
    %mul3A_495 = vector.broadcast %mul3A_494 : f32 to vector<2048x64xf32>
    %mul3A_496 = arith.mulf %mul3A_495, %add3A_493 : vector<2048x64xf32>
    %tanh3A_497 = math.tanh %mul3A_496 : vector<2048x64xf32>
    %add3A_498 = arith.constant 1.000000e+00 : f32
    %add3A_499 = vector.broadcast %add3A_498 : f32 to vector<2048x64xf32>
    %add3A_500 = arith.addf %tanh3A_497, %add3A_499 : vector<2048x64xf32>
    %mul3A_501 = arith.constant 5.000000e-01 : f32
    %mul3A_502 = vector.broadcast %mul3A_501 : f32 to vector<2048x64xf32>
    %mul3A_503 = arith.mulf %mul3A_502, %add3A_500 : vector<2048x64xf32>
    %slice3A_504 = vector.extract_strided_slice %dot_general3A_53 {offsets = [0, 0], sizes = [64, 1], strides = [1, 1]} : vector<64x2xf32> to vector<64x1xf32>
    %jit3A_505 = arith.constant 0 : i32
    %convert_element_type3A_506 = arith.sitofp %jit3A_505 : i32 to f32
    %pad3A_507 = vector.broadcast %convert_element_type3A_506 : f32 to vector<64x4xf32>
    %pad3A_508 = tpu.concatenate %pad3A_507, %slice3A_504 in 1 : vector<64x4xf32>, vector<64x1xf32> -> vector<64x5xf32>
    %pad3A_509 = vector.broadcast %convert_element_type3A_506 : f32 to vector<64x19xf32>
    %pad3A_510 = tpu.concatenate %pad3A_508, %pad3A_509 in 1 : vector<64x5xf32>, vector<64x19xf32> -> vector<64x24xf32>
    %slice3A_511 = vector.extract_strided_slice %dot_general3A_53 {offsets = [0, 1], sizes = [64, 1], strides = [1, 1]} : vector<64x2xf32> to vector<64x1xf32>
    %jit3A_512 = arith.constant 0 : i32
    %convert_element_type3A_513 = arith.sitofp %jit3A_512 : i32 to f32
    %pad3A_514 = vector.broadcast %convert_element_type3A_513 : f32 to vector<64x16xf32>
    %pad3A_515 = tpu.concatenate %pad3A_514, %slice3A_511 in 1 : vector<64x16xf32>, vector<64x1xf32> -> vector<64x17xf32>
    %pad3A_516 = vector.broadcast %convert_element_type3A_513 : f32 to vector<64x7xf32>
    %pad3A_517 = tpu.concatenate %pad3A_515, %pad3A_516 in 1 : vector<64x17xf32>, vector<64x7xf32> -> vector<64x24xf32>
    %add3A_518 = arith.addf %pad3A_510, %pad3A_517 : vector<64x24xf32>
    %dot_general3A_519 = arith.constant dense<0.000000e+00> : vector<2048x64xf32>
    %dot_general3A_520 = tpu.matmul %slice3A, %add3A_518, %dot_general3A_519 {dimension_numbers = #tpu.dot_dimension_numbers<[1], [1], [0], [0], [0, 0, 1, 0], [], []>, transpose_lhs_hint = false} : vector<2048x24xf32>, vector<64x24xf32>, vector<2048x64xf32> -> vector<2048x64xf32>
    %dot_general3A_521 = arith.constant dense<0.000000e+00> : vector<2048x64xf32>
    %dot_general3A_522 = tpu.matmul %add3A_466, %get3A_48, %dot_general3A_521 {dimension_numbers = #tpu.dot_dimension_numbers<[1], [1], [0], [0], [0, 0, 1, 0], [], []>, transpose_lhs_hint = false} : vector<2048x64xf32>, vector<64x64xf32>, vector<2048x64xf32> -> vector<2048x64xf32>
    %add3A_523 = arith.addf %dot_general3A_520, %dot_general3A_522 : vector<2048x64xf32>
    %add3A_524 = vector.broadcast %add3A_62 : vector<1x64xf32> to vector<2048x64xf32>
    %add3A_525 = arith.addf %add3A_523, %add3A_524 : vector<2048x64xf32>
    %mul3A_526 = arith.constant 5.000000e-01 : f32
    %mul3A_527 = vector.broadcast %mul3A_526 : f32 to vector<2048x64xf32>
    %mul3A_528 = arith.mulf %mul3A_527, %add3A_525 : vector<2048x64xf32>
    %tanh3A_529 = math.tanh %mul3A_528 : vector<2048x64xf32>
    %add3A_530 = arith.constant 1.000000e+00 : f32
    %add3A_531 = vector.broadcast %add3A_530 : f32 to vector<2048x64xf32>
    %add3A_532 = arith.addf %tanh3A_529, %add3A_531 : vector<2048x64xf32>
    %mul3A_533 = arith.constant 5.000000e-01 : f32
    %mul3A_534 = vector.broadcast %mul3A_533 : f32 to vector<2048x64xf32>
    %mul3A_535 = arith.mulf %mul3A_534, %add3A_532 : vector<2048x64xf32>
    %slice3A_536 = vector.extract_strided_slice %dot_general3A_73 {offsets = [0, 0], sizes = [64, 1], strides = [1, 1]} : vector<64x2xf32> to vector<64x1xf32>
    %jit3A_537 = arith.constant 0 : i32
    %convert_element_type3A_538 = arith.sitofp %jit3A_537 : i32 to f32
    %pad3A_539 = vector.broadcast %convert_element_type3A_538 : f32 to vector<64x4xf32>
    %pad3A_540 = tpu.concatenate %pad3A_539, %slice3A_536 in 1 : vector<64x4xf32>, vector<64x1xf32> -> vector<64x5xf32>
    %pad3A_541 = vector.broadcast %convert_element_type3A_538 : f32 to vector<64x19xf32>
    %pad3A_542 = tpu.concatenate %pad3A_540, %pad3A_541 in 1 : vector<64x5xf32>, vector<64x19xf32> -> vector<64x24xf32>
    %slice3A_543 = vector.extract_strided_slice %dot_general3A_73 {offsets = [0, 1], sizes = [64, 1], strides = [1, 1]} : vector<64x2xf32> to vector<64x1xf32>
    %jit3A_544 = arith.constant 0 : i32
    %convert_element_type3A_545 = arith.sitofp %jit3A_544 : i32 to f32
    %pad3A_546 = vector.broadcast %convert_element_type3A_545 : f32 to vector<64x16xf32>
    %pad3A_547 = tpu.concatenate %pad3A_546, %slice3A_543 in 1 : vector<64x16xf32>, vector<64x1xf32> -> vector<64x17xf32>
    %pad3A_548 = vector.broadcast %convert_element_type3A_545 : f32 to vector<64x7xf32>
    %pad3A_549 = tpu.concatenate %pad3A_547, %pad3A_548 in 1 : vector<64x17xf32>, vector<64x7xf32> -> vector<64x24xf32>
    %add3A_550 = arith.addf %pad3A_542, %pad3A_549 : vector<64x24xf32>
    %dot_general3A_551 = arith.constant dense<0.000000e+00> : vector<2048x64xf32>
    %dot_general3A_552 = tpu.matmul %slice3A, %add3A_550, %dot_general3A_551 {dimension_numbers = #tpu.dot_dimension_numbers<[1], [1], [0], [0], [0, 0, 1, 0], [], []>, transpose_lhs_hint = false} : vector<2048x24xf32>, vector<64x24xf32>, vector<2048x64xf32> -> vector<2048x64xf32>
    %mul3A_553 = arith.mulf %add3A_466, %mul3A_535 : vector<2048x64xf32>
    %dot_general3A_554 = arith.constant dense<0.000000e+00> : vector<2048x64xf32>
    %dot_general3A_555 = tpu.matmul %mul3A_553, %get3A_68, %dot_general3A_554 {dimension_numbers = #tpu.dot_dimension_numbers<[1], [1], [0], [0], [0, 0, 1, 0], [], []>, transpose_lhs_hint = false} : vector<2048x64xf32>, vector<64x64xf32>, vector<2048x64xf32> -> vector<2048x64xf32>
    %add3A_556 = arith.addf %dot_general3A_552, %dot_general3A_555 : vector<2048x64xf32>
    %add3A_557 = vector.broadcast %add3A_82 : vector<1x64xf32> to vector<2048x64xf32>
    %add3A_558 = arith.addf %add3A_556, %add3A_557 : vector<2048x64xf32>
    %tanh3A_559 = math.tanh %add3A_558 : vector<2048x64xf32>
    %mul3A_560 = arith.mulf %mul3A_503, %add3A_466 : vector<2048x64xf32>
    %sub3A_561 = arith.constant 1.000000e+00 : f32
    %sub3A_562 = vector.broadcast %sub3A_561 : f32 to vector<2048x64xf32>
    %sub3A_563 = arith.subf %sub3A_562, %mul3A_503 : vector<2048x64xf32>
    %mul3A_564 = arith.mulf %sub3A_563, %tanh3A_559 : vector<2048x64xf32>
    %add3A_565 = arith.addf %mul3A_560, %mul3A_564 : vector<2048x64xf32>
    %slice3A_566 = vector.extract_strided_slice %div3A_23 {offsets = [0, 4], sizes = [1, 1], strides = [1, 1]} : vector<1x12xf32> to vector<1x1xf32>
    %squeeze3A_567 = vector.extract %slice3A_566[0, 0] : f32 from vector<1x1xf32>
    %mul3A_568 = vector.broadcast %squeeze3A_567 : f32 to vector<2048x64xf32>
    %mul3A_569 = arith.mulf %mul3A_568, %add3A_565 : vector<2048x64xf32>
    %add3A_570 = arith.addf %add3A_471, %mul3A_569 : vector<2048x64xf32>
    %slice3A_571 = vector.extract_strided_slice %dot_general3A_33 {offsets = [0, 0], sizes = [64, 1], strides = [1, 1]} : vector<64x2xf32> to vector<64x1xf32>
    %jit3A_572 = arith.constant 0 : i32
    %convert_element_type3A_573 = arith.sitofp %jit3A_572 : i32 to f32
    %pad3A_574 = vector.broadcast %convert_element_type3A_573 : f32 to vector<64x5xf32>
    %pad3A_575 = tpu.concatenate %pad3A_574, %slice3A_571 in 1 : vector<64x5xf32>, vector<64x1xf32> -> vector<64x6xf32>
    %pad3A_576 = vector.broadcast %convert_element_type3A_573 : f32 to vector<64x18xf32>
    %pad3A_577 = tpu.concatenate %pad3A_575, %pad3A_576 in 1 : vector<64x6xf32>, vector<64x18xf32> -> vector<64x24xf32>
    %slice3A_578 = vector.extract_strided_slice %dot_general3A_33 {offsets = [0, 1], sizes = [64, 1], strides = [1, 1]} : vector<64x2xf32> to vector<64x1xf32>
    %jit3A_579 = arith.constant 0 : i32
    %convert_element_type3A_580 = arith.sitofp %jit3A_579 : i32 to f32
    %pad3A_581 = vector.broadcast %convert_element_type3A_580 : f32 to vector<64x17xf32>
    %pad3A_582 = tpu.concatenate %pad3A_581, %slice3A_578 in 1 : vector<64x17xf32>, vector<64x1xf32> -> vector<64x18xf32>
    %pad3A_583 = vector.broadcast %convert_element_type3A_580 : f32 to vector<64x6xf32>
    %pad3A_584 = tpu.concatenate %pad3A_582, %pad3A_583 in 1 : vector<64x18xf32>, vector<64x6xf32> -> vector<64x24xf32>
    %add3A_585 = arith.addf %pad3A_577, %pad3A_584 : vector<64x24xf32>
    %dot_general3A_586 = arith.constant dense<0.000000e+00> : vector<2048x64xf32>
    %dot_general3A_587 = tpu.matmul %slice3A, %add3A_585, %dot_general3A_586 {dimension_numbers = #tpu.dot_dimension_numbers<[1], [1], [0], [0], [0, 0, 1, 0], [], []>, transpose_lhs_hint = false} : vector<2048x24xf32>, vector<64x24xf32>, vector<2048x64xf32> -> vector<2048x64xf32>
    %dot_general3A_588 = arith.constant dense<0.000000e+00> : vector<2048x64xf32>
    %dot_general3A_589 = tpu.matmul %add3A_565, %get3A_29, %dot_general3A_588 {dimension_numbers = #tpu.dot_dimension_numbers<[1], [1], [0], [0], [0, 0, 1, 0], [], []>, transpose_lhs_hint = false} : vector<2048x64xf32>, vector<64x64xf32>, vector<2048x64xf32> -> vector<2048x64xf32>
    %add3A_590 = arith.addf %dot_general3A_587, %dot_general3A_589 : vector<2048x64xf32>
    %add3A_591 = vector.broadcast %add3A_42 : vector<1x64xf32> to vector<2048x64xf32>
    %add3A_592 = arith.addf %add3A_590, %add3A_591 : vector<2048x64xf32>
    %mul3A_593 = arith.constant 5.000000e-01 : f32
    %mul3A_594 = vector.broadcast %mul3A_593 : f32 to vector<2048x64xf32>
    %mul3A_595 = arith.mulf %mul3A_594, %add3A_592 : vector<2048x64xf32>
    %tanh3A_596 = math.tanh %mul3A_595 : vector<2048x64xf32>
    %add3A_597 = arith.constant 1.000000e+00 : f32
    %add3A_598 = vector.broadcast %add3A_597 : f32 to vector<2048x64xf32>
    %add3A_599 = arith.addf %tanh3A_596, %add3A_598 : vector<2048x64xf32>
    %mul3A_600 = arith.constant 5.000000e-01 : f32
    %mul3A_601 = vector.broadcast %mul3A_600 : f32 to vector<2048x64xf32>
    %mul3A_602 = arith.mulf %mul3A_601, %add3A_599 : vector<2048x64xf32>
    %slice3A_603 = vector.extract_strided_slice %dot_general3A_53 {offsets = [0, 0], sizes = [64, 1], strides = [1, 1]} : vector<64x2xf32> to vector<64x1xf32>
    %jit3A_604 = arith.constant 0 : i32
    %convert_element_type3A_605 = arith.sitofp %jit3A_604 : i32 to f32
    %pad3A_606 = vector.broadcast %convert_element_type3A_605 : f32 to vector<64x5xf32>
    %pad3A_607 = tpu.concatenate %pad3A_606, %slice3A_603 in 1 : vector<64x5xf32>, vector<64x1xf32> -> vector<64x6xf32>
    %pad3A_608 = vector.broadcast %convert_element_type3A_605 : f32 to vector<64x18xf32>
    %pad3A_609 = tpu.concatenate %pad3A_607, %pad3A_608 in 1 : vector<64x6xf32>, vector<64x18xf32> -> vector<64x24xf32>
    %slice3A_610 = vector.extract_strided_slice %dot_general3A_53 {offsets = [0, 1], sizes = [64, 1], strides = [1, 1]} : vector<64x2xf32> to vector<64x1xf32>
    %jit3A_611 = arith.constant 0 : i32
    %convert_element_type3A_612 = arith.sitofp %jit3A_611 : i32 to f32
    %pad3A_613 = vector.broadcast %convert_element_type3A_612 : f32 to vector<64x17xf32>
    %pad3A_614 = tpu.concatenate %pad3A_613, %slice3A_610 in 1 : vector<64x17xf32>, vector<64x1xf32> -> vector<64x18xf32>
    %pad3A_615 = vector.broadcast %convert_element_type3A_612 : f32 to vector<64x6xf32>
    %pad3A_616 = tpu.concatenate %pad3A_614, %pad3A_615 in 1 : vector<64x18xf32>, vector<64x6xf32> -> vector<64x24xf32>
    %add3A_617 = arith.addf %pad3A_609, %pad3A_616 : vector<64x24xf32>
    %dot_general3A_618 = arith.constant dense<0.000000e+00> : vector<2048x64xf32>
    %dot_general3A_619 = tpu.matmul %slice3A, %add3A_617, %dot_general3A_618 {dimension_numbers = #tpu.dot_dimension_numbers<[1], [1], [0], [0], [0, 0, 1, 0], [], []>, transpose_lhs_hint = false} : vector<2048x24xf32>, vector<64x24xf32>, vector<2048x64xf32> -> vector<2048x64xf32>
    %dot_general3A_620 = arith.constant dense<0.000000e+00> : vector<2048x64xf32>
    %dot_general3A_621 = tpu.matmul %add3A_565, %get3A_48, %dot_general3A_620 {dimension_numbers = #tpu.dot_dimension_numbers<[1], [1], [0], [0], [0, 0, 1, 0], [], []>, transpose_lhs_hint = false} : vector<2048x64xf32>, vector<64x64xf32>, vector<2048x64xf32> -> vector<2048x64xf32>
    %add3A_622 = arith.addf %dot_general3A_619, %dot_general3A_621 : vector<2048x64xf32>
    %add3A_623 = vector.broadcast %add3A_62 : vector<1x64xf32> to vector<2048x64xf32>
    %add3A_624 = arith.addf %add3A_622, %add3A_623 : vector<2048x64xf32>
    %mul3A_625 = arith.constant 5.000000e-01 : f32
    %mul3A_626 = vector.broadcast %mul3A_625 : f32 to vector<2048x64xf32>
    %mul3A_627 = arith.mulf %mul3A_626, %add3A_624 : vector<2048x64xf32>
    %tanh3A_628 = math.tanh %mul3A_627 : vector<2048x64xf32>
    %add3A_629 = arith.constant 1.000000e+00 : f32
    %add3A_630 = vector.broadcast %add3A_629 : f32 to vector<2048x64xf32>
    %add3A_631 = arith.addf %tanh3A_628, %add3A_630 : vector<2048x64xf32>
    %mul3A_632 = arith.constant 5.000000e-01 : f32
    %mul3A_633 = vector.broadcast %mul3A_632 : f32 to vector<2048x64xf32>
    %mul3A_634 = arith.mulf %mul3A_633, %add3A_631 : vector<2048x64xf32>
    %slice3A_635 = vector.extract_strided_slice %dot_general3A_73 {offsets = [0, 0], sizes = [64, 1], strides = [1, 1]} : vector<64x2xf32> to vector<64x1xf32>
    %jit3A_636 = arith.constant 0 : i32
    %convert_element_type3A_637 = arith.sitofp %jit3A_636 : i32 to f32
    %pad3A_638 = vector.broadcast %convert_element_type3A_637 : f32 to vector<64x5xf32>
    %pad3A_639 = tpu.concatenate %pad3A_638, %slice3A_635 in 1 : vector<64x5xf32>, vector<64x1xf32> -> vector<64x6xf32>
    %pad3A_640 = vector.broadcast %convert_element_type3A_637 : f32 to vector<64x18xf32>
    %pad3A_641 = tpu.concatenate %pad3A_639, %pad3A_640 in 1 : vector<64x6xf32>, vector<64x18xf32> -> vector<64x24xf32>
    %slice3A_642 = vector.extract_strided_slice %dot_general3A_73 {offsets = [0, 1], sizes = [64, 1], strides = [1, 1]} : vector<64x2xf32> to vector<64x1xf32>
    %jit3A_643 = arith.constant 0 : i32
    %convert_element_type3A_644 = arith.sitofp %jit3A_643 : i32 to f32
    %pad3A_645 = vector.broadcast %convert_element_type3A_644 : f32 to vector<64x17xf32>
    %pad3A_646 = tpu.concatenate %pad3A_645, %slice3A_642 in 1 : vector<64x17xf32>, vector<64x1xf32> -> vector<64x18xf32>
    %pad3A_647 = vector.broadcast %convert_element_type3A_644 : f32 to vector<64x6xf32>
    %pad3A_648 = tpu.concatenate %pad3A_646, %pad3A_647 in 1 : vector<64x18xf32>, vector<64x6xf32> -> vector<64x24xf32>
    %add3A_649 = arith.addf %pad3A_641, %pad3A_648 : vector<64x24xf32>
    %dot_general3A_650 = arith.constant dense<0.000000e+00> : vector<2048x64xf32>
    %dot_general3A_651 = tpu.matmul %slice3A, %add3A_649, %dot_general3A_650 {dimension_numbers = #tpu.dot_dimension_numbers<[1], [1], [0], [0], [0, 0, 1, 0], [], []>, transpose_lhs_hint = false} : vector<2048x24xf32>, vector<64x24xf32>, vector<2048x64xf32> -> vector<2048x64xf32>
    %mul3A_652 = arith.mulf %add3A_565, %mul3A_634 : vector<2048x64xf32>
    %dot_general3A_653 = arith.constant dense<0.000000e+00> : vector<2048x64xf32>
    %dot_general3A_654 = tpu.matmul %mul3A_652, %get3A_68, %dot_general3A_653 {dimension_numbers = #tpu.dot_dimension_numbers<[1], [1], [0], [0], [0, 0, 1, 0], [], []>, transpose_lhs_hint = false} : vector<2048x64xf32>, vector<64x64xf32>, vector<2048x64xf32> -> vector<2048x64xf32>
    %add3A_655 = arith.addf %dot_general3A_651, %dot_general3A_654 : vector<2048x64xf32>
    %add3A_656 = vector.broadcast %add3A_82 : vector<1x64xf32> to vector<2048x64xf32>
    %add3A_657 = arith.addf %add3A_655, %add3A_656 : vector<2048x64xf32>
    %tanh3A_658 = math.tanh %add3A_657 : vector<2048x64xf32>
    %mul3A_659 = arith.mulf %mul3A_602, %add3A_565 : vector<2048x64xf32>
    %sub3A_660 = arith.constant 1.000000e+00 : f32
    %sub3A_661 = vector.broadcast %sub3A_660 : f32 to vector<2048x64xf32>
    %sub3A_662 = arith.subf %sub3A_661, %mul3A_602 : vector<2048x64xf32>
    %mul3A_663 = arith.mulf %sub3A_662, %tanh3A_658 : vector<2048x64xf32>
    %add3A_664 = arith.addf %mul3A_659, %mul3A_663 : vector<2048x64xf32>
    %slice3A_665 = vector.extract_strided_slice %div3A_23 {offsets = [0, 5], sizes = [1, 1], strides = [1, 1]} : vector<1x12xf32> to vector<1x1xf32>
    %squeeze3A_666 = vector.extract %slice3A_665[0, 0] : f32 from vector<1x1xf32>
    %mul3A_667 = vector.broadcast %squeeze3A_666 : f32 to vector<2048x64xf32>
    %mul3A_668 = arith.mulf %mul3A_667, %add3A_664 : vector<2048x64xf32>
    %add3A_669 = arith.addf %add3A_570, %mul3A_668 : vector<2048x64xf32>
    %slice3A_670 = vector.extract_strided_slice %dot_general3A_33 {offsets = [0, 0], sizes = [64, 1], strides = [1, 1]} : vector<64x2xf32> to vector<64x1xf32>
    %jit3A_671 = arith.constant 0 : i32
    %convert_element_type3A_672 = arith.sitofp %jit3A_671 : i32 to f32
    %pad3A_673 = vector.broadcast %convert_element_type3A_672 : f32 to vector<64x6xf32>
    %pad3A_674 = tpu.concatenate %pad3A_673, %slice3A_670 in 1 : vector<64x6xf32>, vector<64x1xf32> -> vector<64x7xf32>
    %pad3A_675 = vector.broadcast %convert_element_type3A_672 : f32 to vector<64x17xf32>
    %pad3A_676 = tpu.concatenate %pad3A_674, %pad3A_675 in 1 : vector<64x7xf32>, vector<64x17xf32> -> vector<64x24xf32>
    %slice3A_677 = vector.extract_strided_slice %dot_general3A_33 {offsets = [0, 1], sizes = [64, 1], strides = [1, 1]} : vector<64x2xf32> to vector<64x1xf32>
    %jit3A_678 = arith.constant 0 : i32
    %convert_element_type3A_679 = arith.sitofp %jit3A_678 : i32 to f32
    %pad3A_680 = vector.broadcast %convert_element_type3A_679 : f32 to vector<64x18xf32>
    %pad3A_681 = tpu.concatenate %pad3A_680, %slice3A_677 in 1 : vector<64x18xf32>, vector<64x1xf32> -> vector<64x19xf32>
    %pad3A_682 = vector.broadcast %convert_element_type3A_679 : f32 to vector<64x5xf32>
    %pad3A_683 = tpu.concatenate %pad3A_681, %pad3A_682 in 1 : vector<64x19xf32>, vector<64x5xf32> -> vector<64x24xf32>
    %add3A_684 = arith.addf %pad3A_676, %pad3A_683 : vector<64x24xf32>
    %dot_general3A_685 = arith.constant dense<0.000000e+00> : vector<2048x64xf32>
    %dot_general3A_686 = tpu.matmul %slice3A, %add3A_684, %dot_general3A_685 {dimension_numbers = #tpu.dot_dimension_numbers<[1], [1], [0], [0], [0, 0, 1, 0], [], []>, transpose_lhs_hint = false} : vector<2048x24xf32>, vector<64x24xf32>, vector<2048x64xf32> -> vector<2048x64xf32>
    %dot_general3A_687 = arith.constant dense<0.000000e+00> : vector<2048x64xf32>
    %dot_general3A_688 = tpu.matmul %add3A_664, %get3A_29, %dot_general3A_687 {dimension_numbers = #tpu.dot_dimension_numbers<[1], [1], [0], [0], [0, 0, 1, 0], [], []>, transpose_lhs_hint = false} : vector<2048x64xf32>, vector<64x64xf32>, vector<2048x64xf32> -> vector<2048x64xf32>
    %add3A_689 = arith.addf %dot_general3A_686, %dot_general3A_688 : vector<2048x64xf32>
    %add3A_690 = vector.broadcast %add3A_42 : vector<1x64xf32> to vector<2048x64xf32>
    %add3A_691 = arith.addf %add3A_689, %add3A_690 : vector<2048x64xf32>
    %mul3A_692 = arith.constant 5.000000e-01 : f32
    %mul3A_693 = vector.broadcast %mul3A_692 : f32 to vector<2048x64xf32>
    %mul3A_694 = arith.mulf %mul3A_693, %add3A_691 : vector<2048x64xf32>
    %tanh3A_695 = math.tanh %mul3A_694 : vector<2048x64xf32>
    %add3A_696 = arith.constant 1.000000e+00 : f32
    %add3A_697 = vector.broadcast %add3A_696 : f32 to vector<2048x64xf32>
    %add3A_698 = arith.addf %tanh3A_695, %add3A_697 : vector<2048x64xf32>
    %mul3A_699 = arith.constant 5.000000e-01 : f32
    %mul3A_700 = vector.broadcast %mul3A_699 : f32 to vector<2048x64xf32>
    %mul3A_701 = arith.mulf %mul3A_700, %add3A_698 : vector<2048x64xf32>
    %slice3A_702 = vector.extract_strided_slice %dot_general3A_53 {offsets = [0, 0], sizes = [64, 1], strides = [1, 1]} : vector<64x2xf32> to vector<64x1xf32>
    %jit3A_703 = arith.constant 0 : i32
    %convert_element_type3A_704 = arith.sitofp %jit3A_703 : i32 to f32
    %pad3A_705 = vector.broadcast %convert_element_type3A_704 : f32 to vector<64x6xf32>
    %pad3A_706 = tpu.concatenate %pad3A_705, %slice3A_702 in 1 : vector<64x6xf32>, vector<64x1xf32> -> vector<64x7xf32>
    %pad3A_707 = vector.broadcast %convert_element_type3A_704 : f32 to vector<64x17xf32>
    %pad3A_708 = tpu.concatenate %pad3A_706, %pad3A_707 in 1 : vector<64x7xf32>, vector<64x17xf32> -> vector<64x24xf32>
    %slice3A_709 = vector.extract_strided_slice %dot_general3A_53 {offsets = [0, 1], sizes = [64, 1], strides = [1, 1]} : vector<64x2xf32> to vector<64x1xf32>
    %jit3A_710 = arith.constant 0 : i32
    %convert_element_type3A_711 = arith.sitofp %jit3A_710 : i32 to f32
    %pad3A_712 = vector.broadcast %convert_element_type3A_711 : f32 to vector<64x18xf32>
    %pad3A_713 = tpu.concatenate %pad3A_712, %slice3A_709 in 1 : vector<64x18xf32>, vector<64x1xf32> -> vector<64x19xf32>
    %pad3A_714 = vector.broadcast %convert_element_type3A_711 : f32 to vector<64x5xf32>
    %pad3A_715 = tpu.concatenate %pad3A_713, %pad3A_714 in 1 : vector<64x19xf32>, vector<64x5xf32> -> vector<64x24xf32>
    %add3A_716 = arith.addf %pad3A_708, %pad3A_715 : vector<64x24xf32>
    %dot_general3A_717 = arith.constant dense<0.000000e+00> : vector<2048x64xf32>
    %dot_general3A_718 = tpu.matmul %slice3A, %add3A_716, %dot_general3A_717 {dimension_numbers = #tpu.dot_dimension_numbers<[1], [1], [0], [0], [0, 0, 1, 0], [], []>, transpose_lhs_hint = false} : vector<2048x24xf32>, vector<64x24xf32>, vector<2048x64xf32> -> vector<2048x64xf32>
    %dot_general3A_719 = arith.constant dense<0.000000e+00> : vector<2048x64xf32>
    %dot_general3A_720 = tpu.matmul %add3A_664, %get3A_48, %dot_general3A_719 {dimension_numbers = #tpu.dot_dimension_numbers<[1], [1], [0], [0], [0, 0, 1, 0], [], []>, transpose_lhs_hint = false} : vector<2048x64xf32>, vector<64x64xf32>, vector<2048x64xf32> -> vector<2048x64xf32>
    %add3A_721 = arith.addf %dot_general3A_718, %dot_general3A_720 : vector<2048x64xf32>
    %add3A_722 = vector.broadcast %add3A_62 : vector<1x64xf32> to vector<2048x64xf32>
    %add3A_723 = arith.addf %add3A_721, %add3A_722 : vector<2048x64xf32>
    %mul3A_724 = arith.constant 5.000000e-01 : f32
    %mul3A_725 = vector.broadcast %mul3A_724 : f32 to vector<2048x64xf32>
    %mul3A_726 = arith.mulf %mul3A_725, %add3A_723 : vector<2048x64xf32>
    %tanh3A_727 = math.tanh %mul3A_726 : vector<2048x64xf32>
    %add3A_728 = arith.constant 1.000000e+00 : f32
    %add3A_729 = vector.broadcast %add3A_728 : f32 to vector<2048x64xf32>
    %add3A_730 = arith.addf %tanh3A_727, %add3A_729 : vector<2048x64xf32>
    %mul3A_731 = arith.constant 5.000000e-01 : f32
    %mul3A_732 = vector.broadcast %mul3A_731 : f32 to vector<2048x64xf32>
    %mul3A_733 = arith.mulf %mul3A_732, %add3A_730 : vector<2048x64xf32>
    %slice3A_734 = vector.extract_strided_slice %dot_general3A_73 {offsets = [0, 0], sizes = [64, 1], strides = [1, 1]} : vector<64x2xf32> to vector<64x1xf32>
    %jit3A_735 = arith.constant 0 : i32
    %convert_element_type3A_736 = arith.sitofp %jit3A_735 : i32 to f32
    %pad3A_737 = vector.broadcast %convert_element_type3A_736 : f32 to vector<64x6xf32>
    %pad3A_738 = tpu.concatenate %pad3A_737, %slice3A_734 in 1 : vector<64x6xf32>, vector<64x1xf32> -> vector<64x7xf32>
    %pad3A_739 = vector.broadcast %convert_element_type3A_736 : f32 to vector<64x17xf32>
    %pad3A_740 = tpu.concatenate %pad3A_738, %pad3A_739 in 1 : vector<64x7xf32>, vector<64x17xf32> -> vector<64x24xf32>
    %slice3A_741 = vector.extract_strided_slice %dot_general3A_73 {offsets = [0, 1], sizes = [64, 1], strides = [1, 1]} : vector<64x2xf32> to vector<64x1xf32>
    %jit3A_742 = arith.constant 0 : i32
    %convert_element_type3A_743 = arith.sitofp %jit3A_742 : i32 to f32
    %pad3A_744 = vector.broadcast %convert_element_type3A_743 : f32 to vector<64x18xf32>
    %pad3A_745 = tpu.concatenate %pad3A_744, %slice3A_741 in 1 : vector<64x18xf32>, vector<64x1xf32> -> vector<64x19xf32>
    %pad3A_746 = vector.broadcast %convert_element_type3A_743 : f32 to vector<64x5xf32>
    %pad3A_747 = tpu.concatenate %pad3A_745, %pad3A_746 in 1 : vector<64x19xf32>, vector<64x5xf32> -> vector<64x24xf32>
    %add3A_748 = arith.addf %pad3A_740, %pad3A_747 : vector<64x24xf32>
    %dot_general3A_749 = arith.constant dense<0.000000e+00> : vector<2048x64xf32>
    %dot_general3A_750 = tpu.matmul %slice3A, %add3A_748, %dot_general3A_749 {dimension_numbers = #tpu.dot_dimension_numbers<[1], [1], [0], [0], [0, 0, 1, 0], [], []>, transpose_lhs_hint = false} : vector<2048x24xf32>, vector<64x24xf32>, vector<2048x64xf32> -> vector<2048x64xf32>
    %mul3A_751 = arith.mulf %add3A_664, %mul3A_733 : vector<2048x64xf32>
    %dot_general3A_752 = arith.constant dense<0.000000e+00> : vector<2048x64xf32>
    %dot_general3A_753 = tpu.matmul %mul3A_751, %get3A_68, %dot_general3A_752 {dimension_numbers = #tpu.dot_dimension_numbers<[1], [1], [0], [0], [0, 0, 1, 0], [], []>, transpose_lhs_hint = false} : vector<2048x64xf32>, vector<64x64xf32>, vector<2048x64xf32> -> vector<2048x64xf32>
    %add3A_754 = arith.addf %dot_general3A_750, %dot_general3A_753 : vector<2048x64xf32>
    %add3A_755 = vector.broadcast %add3A_82 : vector<1x64xf32> to vector<2048x64xf32>
    %add3A_756 = arith.addf %add3A_754, %add3A_755 : vector<2048x64xf32>
    %tanh3A_757 = math.tanh %add3A_756 : vector<2048x64xf32>
    %mul3A_758 = arith.mulf %mul3A_701, %add3A_664 : vector<2048x64xf32>
    %sub3A_759 = arith.constant 1.000000e+00 : f32
    %sub3A_760 = vector.broadcast %sub3A_759 : f32 to vector<2048x64xf32>
    %sub3A_761 = arith.subf %sub3A_760, %mul3A_701 : vector<2048x64xf32>
    %mul3A_762 = arith.mulf %sub3A_761, %tanh3A_757 : vector<2048x64xf32>
    %add3A_763 = arith.addf %mul3A_758, %mul3A_762 : vector<2048x64xf32>
    %slice3A_764 = vector.extract_strided_slice %div3A_23 {offsets = [0, 6], sizes = [1, 1], strides = [1, 1]} : vector<1x12xf32> to vector<1x1xf32>
    %squeeze3A_765 = vector.extract %slice3A_764[0, 0] : f32 from vector<1x1xf32>
    %mul3A_766 = vector.broadcast %squeeze3A_765 : f32 to vector<2048x64xf32>
    %mul3A_767 = arith.mulf %mul3A_766, %add3A_763 : vector<2048x64xf32>
    %add3A_768 = arith.addf %add3A_669, %mul3A_767 : vector<2048x64xf32>
    %slice3A_769 = vector.extract_strided_slice %dot_general3A_33 {offsets = [0, 0], sizes = [64, 1], strides = [1, 1]} : vector<64x2xf32> to vector<64x1xf32>
    %jit3A_770 = arith.constant 0 : i32
    %convert_element_type3A_771 = arith.sitofp %jit3A_770 : i32 to f32
    %pad3A_772 = vector.broadcast %convert_element_type3A_771 : f32 to vector<64x7xf32>
    %pad3A_773 = tpu.concatenate %pad3A_772, %slice3A_769 in 1 : vector<64x7xf32>, vector<64x1xf32> -> vector<64x8xf32>
    %pad3A_774 = vector.broadcast %convert_element_type3A_771 : f32 to vector<64x16xf32>
    %pad3A_775 = tpu.concatenate %pad3A_773, %pad3A_774 in 1 : vector<64x8xf32>, vector<64x16xf32> -> vector<64x24xf32>
    %slice3A_776 = vector.extract_strided_slice %dot_general3A_33 {offsets = [0, 1], sizes = [64, 1], strides = [1, 1]} : vector<64x2xf32> to vector<64x1xf32>
    %jit3A_777 = arith.constant 0 : i32
    %convert_element_type3A_778 = arith.sitofp %jit3A_777 : i32 to f32
    %pad3A_779 = vector.broadcast %convert_element_type3A_778 : f32 to vector<64x19xf32>
    %pad3A_780 = tpu.concatenate %pad3A_779, %slice3A_776 in 1 : vector<64x19xf32>, vector<64x1xf32> -> vector<64x20xf32>
    %pad3A_781 = vector.broadcast %convert_element_type3A_778 : f32 to vector<64x4xf32>
    %pad3A_782 = tpu.concatenate %pad3A_780, %pad3A_781 in 1 : vector<64x20xf32>, vector<64x4xf32> -> vector<64x24xf32>
    %add3A_783 = arith.addf %pad3A_775, %pad3A_782 : vector<64x24xf32>
    %dot_general3A_784 = arith.constant dense<0.000000e+00> : vector<2048x64xf32>
    %dot_general3A_785 = tpu.matmul %slice3A, %add3A_783, %dot_general3A_784 {dimension_numbers = #tpu.dot_dimension_numbers<[1], [1], [0], [0], [0, 0, 1, 0], [], []>, transpose_lhs_hint = false} : vector<2048x24xf32>, vector<64x24xf32>, vector<2048x64xf32> -> vector<2048x64xf32>
    %dot_general3A_786 = arith.constant dense<0.000000e+00> : vector<2048x64xf32>
    %dot_general3A_787 = tpu.matmul %add3A_763, %get3A_29, %dot_general3A_786 {dimension_numbers = #tpu.dot_dimension_numbers<[1], [1], [0], [0], [0, 0, 1, 0], [], []>, transpose_lhs_hint = false} : vector<2048x64xf32>, vector<64x64xf32>, vector<2048x64xf32> -> vector<2048x64xf32>
    %add3A_788 = arith.addf %dot_general3A_785, %dot_general3A_787 : vector<2048x64xf32>
    %add3A_789 = vector.broadcast %add3A_42 : vector<1x64xf32> to vector<2048x64xf32>
    %add3A_790 = arith.addf %add3A_788, %add3A_789 : vector<2048x64xf32>
    %mul3A_791 = arith.constant 5.000000e-01 : f32
    %mul3A_792 = vector.broadcast %mul3A_791 : f32 to vector<2048x64xf32>
    %mul3A_793 = arith.mulf %mul3A_792, %add3A_790 : vector<2048x64xf32>
    %tanh3A_794 = math.tanh %mul3A_793 : vector<2048x64xf32>
    %add3A_795 = arith.constant 1.000000e+00 : f32
    %add3A_796 = vector.broadcast %add3A_795 : f32 to vector<2048x64xf32>
    %add3A_797 = arith.addf %tanh3A_794, %add3A_796 : vector<2048x64xf32>
    %mul3A_798 = arith.constant 5.000000e-01 : f32
    %mul3A_799 = vector.broadcast %mul3A_798 : f32 to vector<2048x64xf32>
    %mul3A_800 = arith.mulf %mul3A_799, %add3A_797 : vector<2048x64xf32>
    %slice3A_801 = vector.extract_strided_slice %dot_general3A_53 {offsets = [0, 0], sizes = [64, 1], strides = [1, 1]} : vector<64x2xf32> to vector<64x1xf32>
    %jit3A_802 = arith.constant 0 : i32
    %convert_element_type3A_803 = arith.sitofp %jit3A_802 : i32 to f32
    %pad3A_804 = vector.broadcast %convert_element_type3A_803 : f32 to vector<64x7xf32>
    %pad3A_805 = tpu.concatenate %pad3A_804, %slice3A_801 in 1 : vector<64x7xf32>, vector<64x1xf32> -> vector<64x8xf32>
    %pad3A_806 = vector.broadcast %convert_element_type3A_803 : f32 to vector<64x16xf32>
    %pad3A_807 = tpu.concatenate %pad3A_805, %pad3A_806 in 1 : vector<64x8xf32>, vector<64x16xf32> -> vector<64x24xf32>
    %slice3A_808 = vector.extract_strided_slice %dot_general3A_53 {offsets = [0, 1], sizes = [64, 1], strides = [1, 1]} : vector<64x2xf32> to vector<64x1xf32>
    %jit3A_809 = arith.constant 0 : i32
    %convert_element_type3A_810 = arith.sitofp %jit3A_809 : i32 to f32
    %pad3A_811 = vector.broadcast %convert_element_type3A_810 : f32 to vector<64x19xf32>
    %pad3A_812 = tpu.concatenate %pad3A_811, %slice3A_808 in 1 : vector<64x19xf32>, vector<64x1xf32> -> vector<64x20xf32>
    %pad3A_813 = vector.broadcast %convert_element_type3A_810 : f32 to vector<64x4xf32>
    %pad3A_814 = tpu.concatenate %pad3A_812, %pad3A_813 in 1 : vector<64x20xf32>, vector<64x4xf32> -> vector<64x24xf32>
    %add3A_815 = arith.addf %pad3A_807, %pad3A_814 : vector<64x24xf32>
    %dot_general3A_816 = arith.constant dense<0.000000e+00> : vector<2048x64xf32>
    %dot_general3A_817 = tpu.matmul %slice3A, %add3A_815, %dot_general3A_816 {dimension_numbers = #tpu.dot_dimension_numbers<[1], [1], [0], [0], [0, 0, 1, 0], [], []>, transpose_lhs_hint = false} : vector<2048x24xf32>, vector<64x24xf32>, vector<2048x64xf32> -> vector<2048x64xf32>
    %dot_general3A_818 = arith.constant dense<0.000000e+00> : vector<2048x64xf32>
    %dot_general3A_819 = tpu.matmul %add3A_763, %get3A_48, %dot_general3A_818 {dimension_numbers = #tpu.dot_dimension_numbers<[1], [1], [0], [0], [0, 0, 1, 0], [], []>, transpose_lhs_hint = false} : vector<2048x64xf32>, vector<64x64xf32>, vector<2048x64xf32> -> vector<2048x64xf32>
    %add3A_820 = arith.addf %dot_general3A_817, %dot_general3A_819 : vector<2048x64xf32>
    %add3A_821 = vector.broadcast %add3A_62 : vector<1x64xf32> to vector<2048x64xf32>
    %add3A_822 = arith.addf %add3A_820, %add3A_821 : vector<2048x64xf32>
    %mul3A_823 = arith.constant 5.000000e-01 : f32
    %mul3A_824 = vector.broadcast %mul3A_823 : f32 to vector<2048x64xf32>
    %mul3A_825 = arith.mulf %mul3A_824, %add3A_822 : vector<2048x64xf32>
    %tanh3A_826 = math.tanh %mul3A_825 : vector<2048x64xf32>
    %add3A_827 = arith.constant 1.000000e+00 : f32
    %add3A_828 = vector.broadcast %add3A_827 : f32 to vector<2048x64xf32>
    %add3A_829 = arith.addf %tanh3A_826, %add3A_828 : vector<2048x64xf32>
    %mul3A_830 = arith.constant 5.000000e-01 : f32
    %mul3A_831 = vector.broadcast %mul3A_830 : f32 to vector<2048x64xf32>
    %mul3A_832 = arith.mulf %mul3A_831, %add3A_829 : vector<2048x64xf32>
    %slice3A_833 = vector.extract_strided_slice %dot_general3A_73 {offsets = [0, 0], sizes = [64, 1], strides = [1, 1]} : vector<64x2xf32> to vector<64x1xf32>
    %jit3A_834 = arith.constant 0 : i32
    %convert_element_type3A_835 = arith.sitofp %jit3A_834 : i32 to f32
    %pad3A_836 = vector.broadcast %convert_element_type3A_835 : f32 to vector<64x7xf32>
    %pad3A_837 = tpu.concatenate %pad3A_836, %slice3A_833 in 1 : vector<64x7xf32>, vector<64x1xf32> -> vector<64x8xf32>
    %pad3A_838 = vector.broadcast %convert_element_type3A_835 : f32 to vector<64x16xf32>
    %pad3A_839 = tpu.concatenate %pad3A_837, %pad3A_838 in 1 : vector<64x8xf32>, vector<64x16xf32> -> vector<64x24xf32>
    %slice3A_840 = vector.extract_strided_slice %dot_general3A_73 {offsets = [0, 1], sizes = [64, 1], strides = [1, 1]} : vector<64x2xf32> to vector<64x1xf32>
    %jit3A_841 = arith.constant 0 : i32
    %convert_element_type3A_842 = arith.sitofp %jit3A_841 : i32 to f32
    %pad3A_843 = vector.broadcast %convert_element_type3A_842 : f32 to vector<64x19xf32>
    %pad3A_844 = tpu.concatenate %pad3A_843, %slice3A_840 in 1 : vector<64x19xf32>, vector<64x1xf32> -> vector<64x20xf32>
    %pad3A_845 = vector.broadcast %convert_element_type3A_842 : f32 to vector<64x4xf32>
    %pad3A_846 = tpu.concatenate %pad3A_844, %pad3A_845 in 1 : vector<64x20xf32>, vector<64x4xf32> -> vector<64x24xf32>
    %add3A_847 = arith.addf %pad3A_839, %pad3A_846 : vector<64x24xf32>
    %dot_general3A_848 = arith.constant dense<0.000000e+00> : vector<2048x64xf32>
    %dot_general3A_849 = tpu.matmul %slice3A, %add3A_847, %dot_general3A_848 {dimension_numbers = #tpu.dot_dimension_numbers<[1], [1], [0], [0], [0, 0, 1, 0], [], []>, transpose_lhs_hint = false} : vector<2048x24xf32>, vector<64x24xf32>, vector<2048x64xf32> -> vector<2048x64xf32>
    %mul3A_850 = arith.mulf %add3A_763, %mul3A_832 : vector<2048x64xf32>
    %dot_general3A_851 = arith.constant dense<0.000000e+00> : vector<2048x64xf32>
    %dot_general3A_852 = tpu.matmul %mul3A_850, %get3A_68, %dot_general3A_851 {dimension_numbers = #tpu.dot_dimension_numbers<[1], [1], [0], [0], [0, 0, 1, 0], [], []>, transpose_lhs_hint = false} : vector<2048x64xf32>, vector<64x64xf32>, vector<2048x64xf32> -> vector<2048x64xf32>
    %add3A_853 = arith.addf %dot_general3A_849, %dot_general3A_852 : vector<2048x64xf32>
    %add3A_854 = vector.broadcast %add3A_82 : vector<1x64xf32> to vector<2048x64xf32>
    %add3A_855 = arith.addf %add3A_853, %add3A_854 : vector<2048x64xf32>
    %tanh3A_856 = math.tanh %add3A_855 : vector<2048x64xf32>
    %mul3A_857 = arith.mulf %mul3A_800, %add3A_763 : vector<2048x64xf32>
    %sub3A_858 = arith.constant 1.000000e+00 : f32
    %sub3A_859 = vector.broadcast %sub3A_858 : f32 to vector<2048x64xf32>
    %sub3A_860 = arith.subf %sub3A_859, %mul3A_800 : vector<2048x64xf32>
    %mul3A_861 = arith.mulf %sub3A_860, %tanh3A_856 : vector<2048x64xf32>
    %add3A_862 = arith.addf %mul3A_857, %mul3A_861 : vector<2048x64xf32>
    %slice3A_863 = vector.extract_strided_slice %div3A_23 {offsets = [0, 7], sizes = [1, 1], strides = [1, 1]} : vector<1x12xf32> to vector<1x1xf32>
    %squeeze3A_864 = vector.extract %slice3A_863[0, 0] : f32 from vector<1x1xf32>
    %mul3A_865 = vector.broadcast %squeeze3A_864 : f32 to vector<2048x64xf32>
    %mul3A_866 = arith.mulf %mul3A_865, %add3A_862 : vector<2048x64xf32>
    %add3A_867 = arith.addf %add3A_768, %mul3A_866 : vector<2048x64xf32>
    %slice3A_868 = vector.extract_strided_slice %dot_general3A_33 {offsets = [0, 0], sizes = [64, 1], strides = [1, 1]} : vector<64x2xf32> to vector<64x1xf32>
    %jit3A_869 = arith.constant 0 : i32
    %convert_element_type3A_870 = arith.sitofp %jit3A_869 : i32 to f32
    %pad3A_871 = vector.broadcast %convert_element_type3A_870 : f32 to vector<64x8xf32>
    %pad3A_872 = tpu.concatenate %pad3A_871, %slice3A_868 in 1 : vector<64x8xf32>, vector<64x1xf32> -> vector<64x9xf32>
    %pad3A_873 = vector.broadcast %convert_element_type3A_870 : f32 to vector<64x15xf32>
    %pad3A_874 = tpu.concatenate %pad3A_872, %pad3A_873 in 1 : vector<64x9xf32>, vector<64x15xf32> -> vector<64x24xf32>
    %slice3A_875 = vector.extract_strided_slice %dot_general3A_33 {offsets = [0, 1], sizes = [64, 1], strides = [1, 1]} : vector<64x2xf32> to vector<64x1xf32>
    %jit3A_876 = arith.constant 0 : i32
    %convert_element_type3A_877 = arith.sitofp %jit3A_876 : i32 to f32
    %pad3A_878 = vector.broadcast %convert_element_type3A_877 : f32 to vector<64x20xf32>
    %pad3A_879 = tpu.concatenate %pad3A_878, %slice3A_875 in 1 : vector<64x20xf32>, vector<64x1xf32> -> vector<64x21xf32>
    %pad3A_880 = vector.broadcast %convert_element_type3A_877 : f32 to vector<64x3xf32>
    %pad3A_881 = tpu.concatenate %pad3A_879, %pad3A_880 in 1 : vector<64x21xf32>, vector<64x3xf32> -> vector<64x24xf32>
    %add3A_882 = arith.addf %pad3A_874, %pad3A_881 : vector<64x24xf32>
    %dot_general3A_883 = arith.constant dense<0.000000e+00> : vector<2048x64xf32>
    %dot_general3A_884 = tpu.matmul %slice3A, %add3A_882, %dot_general3A_883 {dimension_numbers = #tpu.dot_dimension_numbers<[1], [1], [0], [0], [0, 0, 1, 0], [], []>, transpose_lhs_hint = false} : vector<2048x24xf32>, vector<64x24xf32>, vector<2048x64xf32> -> vector<2048x64xf32>
    %dot_general3A_885 = arith.constant dense<0.000000e+00> : vector<2048x64xf32>
    %dot_general3A_886 = tpu.matmul %add3A_862, %get3A_29, %dot_general3A_885 {dimension_numbers = #tpu.dot_dimension_numbers<[1], [1], [0], [0], [0, 0, 1, 0], [], []>, transpose_lhs_hint = false} : vector<2048x64xf32>, vector<64x64xf32>, vector<2048x64xf32> -> vector<2048x64xf32>
    %add3A_887 = arith.addf %dot_general3A_884, %dot_general3A_886 : vector<2048x64xf32>
    %add3A_888 = vector.broadcast %add3A_42 : vector<1x64xf32> to vector<2048x64xf32>
    %add3A_889 = arith.addf %add3A_887, %add3A_888 : vector<2048x64xf32>
    %mul3A_890 = arith.constant 5.000000e-01 : f32
    %mul3A_891 = vector.broadcast %mul3A_890 : f32 to vector<2048x64xf32>
    %mul3A_892 = arith.mulf %mul3A_891, %add3A_889 : vector<2048x64xf32>
    %tanh3A_893 = math.tanh %mul3A_892 : vector<2048x64xf32>
    %add3A_894 = arith.constant 1.000000e+00 : f32
    %add3A_895 = vector.broadcast %add3A_894 : f32 to vector<2048x64xf32>
    %add3A_896 = arith.addf %tanh3A_893, %add3A_895 : vector<2048x64xf32>
    %mul3A_897 = arith.constant 5.000000e-01 : f32
    %mul3A_898 = vector.broadcast %mul3A_897 : f32 to vector<2048x64xf32>
    %mul3A_899 = arith.mulf %mul3A_898, %add3A_896 : vector<2048x64xf32>
    %slice3A_900 = vector.extract_strided_slice %dot_general3A_53 {offsets = [0, 0], sizes = [64, 1], strides = [1, 1]} : vector<64x2xf32> to vector<64x1xf32>
    %jit3A_901 = arith.constant 0 : i32
    %convert_element_type3A_902 = arith.sitofp %jit3A_901 : i32 to f32
    %pad3A_903 = vector.broadcast %convert_element_type3A_902 : f32 to vector<64x8xf32>
    %pad3A_904 = tpu.concatenate %pad3A_903, %slice3A_900 in 1 : vector<64x8xf32>, vector<64x1xf32> -> vector<64x9xf32>
    %pad3A_905 = vector.broadcast %convert_element_type3A_902 : f32 to vector<64x15xf32>
    %pad3A_906 = tpu.concatenate %pad3A_904, %pad3A_905 in 1 : vector<64x9xf32>, vector<64x15xf32> -> vector<64x24xf32>
    %slice3A_907 = vector.extract_strided_slice %dot_general3A_53 {offsets = [0, 1], sizes = [64, 1], strides = [1, 1]} : vector<64x2xf32> to vector<64x1xf32>
    %jit3A_908 = arith.constant 0 : i32
    %convert_element_type3A_909 = arith.sitofp %jit3A_908 : i32 to f32
    %pad3A_910 = vector.broadcast %convert_element_type3A_909 : f32 to vector<64x20xf32>
    %pad3A_911 = tpu.concatenate %pad3A_910, %slice3A_907 in 1 : vector<64x20xf32>, vector<64x1xf32> -> vector<64x21xf32>
    %pad3A_912 = vector.broadcast %convert_element_type3A_909 : f32 to vector<64x3xf32>
    %pad3A_913 = tpu.concatenate %pad3A_911, %pad3A_912 in 1 : vector<64x21xf32>, vector<64x3xf32> -> vector<64x24xf32>
    %add3A_914 = arith.addf %pad3A_906, %pad3A_913 : vector<64x24xf32>
    %dot_general3A_915 = arith.constant dense<0.000000e+00> : vector<2048x64xf32>
    %dot_general3A_916 = tpu.matmul %slice3A, %add3A_914, %dot_general3A_915 {dimension_numbers = #tpu.dot_dimension_numbers<[1], [1], [0], [0], [0, 0, 1, 0], [], []>, transpose_lhs_hint = false} : vector<2048x24xf32>, vector<64x24xf32>, vector<2048x64xf32> -> vector<2048x64xf32>
    %dot_general3A_917 = arith.constant dense<0.000000e+00> : vector<2048x64xf32>
    %dot_general3A_918 = tpu.matmul %add3A_862, %get3A_48, %dot_general3A_917 {dimension_numbers = #tpu.dot_dimension_numbers<[1], [1], [0], [0], [0, 0, 1, 0], [], []>, transpose_lhs_hint = false} : vector<2048x64xf32>, vector<64x64xf32>, vector<2048x64xf32> -> vector<2048x64xf32>
    %add3A_919 = arith.addf %dot_general3A_916, %dot_general3A_918 : vector<2048x64xf32>
    %add3A_920 = vector.broadcast %add3A_62 : vector<1x64xf32> to vector<2048x64xf32>
    %add3A_921 = arith.addf %add3A_919, %add3A_920 : vector<2048x64xf32>
    %mul3A_922 = arith.constant 5.000000e-01 : f32
    %mul3A_923 = vector.broadcast %mul3A_922 : f32 to vector<2048x64xf32>
    %mul3A_924 = arith.mulf %mul3A_923, %add3A_921 : vector<2048x64xf32>
    %tanh3A_925 = math.tanh %mul3A_924 : vector<2048x64xf32>
    %add3A_926 = arith.constant 1.000000e+00 : f32
    %add3A_927 = vector.broadcast %add3A_926 : f32 to vector<2048x64xf32>
    %add3A_928 = arith.addf %tanh3A_925, %add3A_927 : vector<2048x64xf32>
    %mul3A_929 = arith.constant 5.000000e-01 : f32
    %mul3A_930 = vector.broadcast %mul3A_929 : f32 to vector<2048x64xf32>
    %mul3A_931 = arith.mulf %mul3A_930, %add3A_928 : vector<2048x64xf32>
    %slice3A_932 = vector.extract_strided_slice %dot_general3A_73 {offsets = [0, 0], sizes = [64, 1], strides = [1, 1]} : vector<64x2xf32> to vector<64x1xf32>
    %jit3A_933 = arith.constant 0 : i32
    %convert_element_type3A_934 = arith.sitofp %jit3A_933 : i32 to f32
    %pad3A_935 = vector.broadcast %convert_element_type3A_934 : f32 to vector<64x8xf32>
    %pad3A_936 = tpu.concatenate %pad3A_935, %slice3A_932 in 1 : vector<64x8xf32>, vector<64x1xf32> -> vector<64x9xf32>
    %pad3A_937 = vector.broadcast %convert_element_type3A_934 : f32 to vector<64x15xf32>
    %pad3A_938 = tpu.concatenate %pad3A_936, %pad3A_937 in 1 : vector<64x9xf32>, vector<64x15xf32> -> vector<64x24xf32>
    %slice3A_939 = vector.extract_strided_slice %dot_general3A_73 {offsets = [0, 1], sizes = [64, 1], strides = [1, 1]} : vector<64x2xf32> to vector<64x1xf32>
    %jit3A_940 = arith.constant 0 : i32
    %convert_element_type3A_941 = arith.sitofp %jit3A_940 : i32 to f32
    %pad3A_942 = vector.broadcast %convert_element_type3A_941 : f32 to vector<64x20xf32>
    %pad3A_943 = tpu.concatenate %pad3A_942, %slice3A_939 in 1 : vector<64x20xf32>, vector<64x1xf32> -> vector<64x21xf32>
    %pad3A_944 = vector.broadcast %convert_element_type3A_941 : f32 to vector<64x3xf32>
    %pad3A_945 = tpu.concatenate %pad3A_943, %pad3A_944 in 1 : vector<64x21xf32>, vector<64x3xf32> -> vector<64x24xf32>
    %add3A_946 = arith.addf %pad3A_938, %pad3A_945 : vector<64x24xf32>
    %dot_general3A_947 = arith.constant dense<0.000000e+00> : vector<2048x64xf32>
    %dot_general3A_948 = tpu.matmul %slice3A, %add3A_946, %dot_general3A_947 {dimension_numbers = #tpu.dot_dimension_numbers<[1], [1], [0], [0], [0, 0, 1, 0], [], []>, transpose_lhs_hint = false} : vector<2048x24xf32>, vector<64x24xf32>, vector<2048x64xf32> -> vector<2048x64xf32>
    %mul3A_949 = arith.mulf %add3A_862, %mul3A_931 : vector<2048x64xf32>
    %dot_general3A_950 = arith.constant dense<0.000000e+00> : vector<2048x64xf32>
    %dot_general3A_951 = tpu.matmul %mul3A_949, %get3A_68, %dot_general3A_950 {dimension_numbers = #tpu.dot_dimension_numbers<[1], [1], [0], [0], [0, 0, 1, 0], [], []>, transpose_lhs_hint = false} : vector<2048x64xf32>, vector<64x64xf32>, vector<2048x64xf32> -> vector<2048x64xf32>
    %add3A_952 = arith.addf %dot_general3A_948, %dot_general3A_951 : vector<2048x64xf32>
    %add3A_953 = vector.broadcast %add3A_82 : vector<1x64xf32> to vector<2048x64xf32>
    %add3A_954 = arith.addf %add3A_952, %add3A_953 : vector<2048x64xf32>
    %tanh3A_955 = math.tanh %add3A_954 : vector<2048x64xf32>
    %mul3A_956 = arith.mulf %mul3A_899, %add3A_862 : vector<2048x64xf32>
    %sub3A_957 = arith.constant 1.000000e+00 : f32
    %sub3A_958 = vector.broadcast %sub3A_957 : f32 to vector<2048x64xf32>
    %sub3A_959 = arith.subf %sub3A_958, %mul3A_899 : vector<2048x64xf32>
    %mul3A_960 = arith.mulf %sub3A_959, %tanh3A_955 : vector<2048x64xf32>
    %add3A_961 = arith.addf %mul3A_956, %mul3A_960 : vector<2048x64xf32>
    %slice3A_962 = vector.extract_strided_slice %div3A_23 {offsets = [0, 8], sizes = [1, 1], strides = [1, 1]} : vector<1x12xf32> to vector<1x1xf32>
    %squeeze3A_963 = vector.extract %slice3A_962[0, 0] : f32 from vector<1x1xf32>
    %mul3A_964 = vector.broadcast %squeeze3A_963 : f32 to vector<2048x64xf32>
    %mul3A_965 = arith.mulf %mul3A_964, %add3A_961 : vector<2048x64xf32>
    %add3A_966 = arith.addf %add3A_867, %mul3A_965 : vector<2048x64xf32>
    %slice3A_967 = vector.extract_strided_slice %dot_general3A_33 {offsets = [0, 0], sizes = [64, 1], strides = [1, 1]} : vector<64x2xf32> to vector<64x1xf32>
    %jit3A_968 = arith.constant 0 : i32
    %convert_element_type3A_969 = arith.sitofp %jit3A_968 : i32 to f32
    %pad3A_970 = vector.broadcast %convert_element_type3A_969 : f32 to vector<64x9xf32>
    %pad3A_971 = tpu.concatenate %pad3A_970, %slice3A_967 in 1 : vector<64x9xf32>, vector<64x1xf32> -> vector<64x10xf32>
    %pad3A_972 = vector.broadcast %convert_element_type3A_969 : f32 to vector<64x14xf32>
    %pad3A_973 = tpu.concatenate %pad3A_971, %pad3A_972 in 1 : vector<64x10xf32>, vector<64x14xf32> -> vector<64x24xf32>
    %slice3A_974 = vector.extract_strided_slice %dot_general3A_33 {offsets = [0, 1], sizes = [64, 1], strides = [1, 1]} : vector<64x2xf32> to vector<64x1xf32>
    %jit3A_975 = arith.constant 0 : i32
    %convert_element_type3A_976 = arith.sitofp %jit3A_975 : i32 to f32
    %pad3A_977 = vector.broadcast %convert_element_type3A_976 : f32 to vector<64x21xf32>
    %pad3A_978 = tpu.concatenate %pad3A_977, %slice3A_974 in 1 : vector<64x21xf32>, vector<64x1xf32> -> vector<64x22xf32>
    %pad3A_979 = vector.broadcast %convert_element_type3A_976 : f32 to vector<64x2xf32>
    %pad3A_980 = tpu.concatenate %pad3A_978, %pad3A_979 in 1 : vector<64x22xf32>, vector<64x2xf32> -> vector<64x24xf32>
    %add3A_981 = arith.addf %pad3A_973, %pad3A_980 : vector<64x24xf32>
    %dot_general3A_982 = arith.constant dense<0.000000e+00> : vector<2048x64xf32>
    %dot_general3A_983 = tpu.matmul %slice3A, %add3A_981, %dot_general3A_982 {dimension_numbers = #tpu.dot_dimension_numbers<[1], [1], [0], [0], [0, 0, 1, 0], [], []>, transpose_lhs_hint = false} : vector<2048x24xf32>, vector<64x24xf32>, vector<2048x64xf32> -> vector<2048x64xf32>
    %dot_general3A_984 = arith.constant dense<0.000000e+00> : vector<2048x64xf32>
    %dot_general3A_985 = tpu.matmul %add3A_961, %get3A_29, %dot_general3A_984 {dimension_numbers = #tpu.dot_dimension_numbers<[1], [1], [0], [0], [0, 0, 1, 0], [], []>, transpose_lhs_hint = false} : vector<2048x64xf32>, vector<64x64xf32>, vector<2048x64xf32> -> vector<2048x64xf32>
    %add3A_986 = arith.addf %dot_general3A_983, %dot_general3A_985 : vector<2048x64xf32>
    %add3A_987 = vector.broadcast %add3A_42 : vector<1x64xf32> to vector<2048x64xf32>
    %add3A_988 = arith.addf %add3A_986, %add3A_987 : vector<2048x64xf32>
    %mul3A_989 = arith.constant 5.000000e-01 : f32
    %mul3A_990 = vector.broadcast %mul3A_989 : f32 to vector<2048x64xf32>
    %mul3A_991 = arith.mulf %mul3A_990, %add3A_988 : vector<2048x64xf32>
    %tanh3A_992 = math.tanh %mul3A_991 : vector<2048x64xf32>
    %add3A_993 = arith.constant 1.000000e+00 : f32
    %add3A_994 = vector.broadcast %add3A_993 : f32 to vector<2048x64xf32>
    %add3A_995 = arith.addf %tanh3A_992, %add3A_994 : vector<2048x64xf32>
    %mul3A_996 = arith.constant 5.000000e-01 : f32
    %mul3A_997 = vector.broadcast %mul3A_996 : f32 to vector<2048x64xf32>
    %mul3A_998 = arith.mulf %mul3A_997, %add3A_995 : vector<2048x64xf32>
    %slice3A_999 = vector.extract_strided_slice %dot_general3A_53 {offsets = [0, 0], sizes = [64, 1], strides = [1, 1]} : vector<64x2xf32> to vector<64x1xf32>
    %jit3A_1000 = arith.constant 0 : i32
    %convert_element_type3A_1001 = arith.sitofp %jit3A_1000 : i32 to f32
    %pad3A_1002 = vector.broadcast %convert_element_type3A_1001 : f32 to vector<64x9xf32>
    %pad3A_1003 = tpu.concatenate %pad3A_1002, %slice3A_999 in 1 : vector<64x9xf32>, vector<64x1xf32> -> vector<64x10xf32>
    %pad3A_1004 = vector.broadcast %convert_element_type3A_1001 : f32 to vector<64x14xf32>
    %pad3A_1005 = tpu.concatenate %pad3A_1003, %pad3A_1004 in 1 : vector<64x10xf32>, vector<64x14xf32> -> vector<64x24xf32>
    %slice3A_1006 = vector.extract_strided_slice %dot_general3A_53 {offsets = [0, 1], sizes = [64, 1], strides = [1, 1]} : vector<64x2xf32> to vector<64x1xf32>
    %jit3A_1007 = arith.constant 0 : i32
    %convert_element_type3A_1008 = arith.sitofp %jit3A_1007 : i32 to f32
    %pad3A_1009 = vector.broadcast %convert_element_type3A_1008 : f32 to vector<64x21xf32>
    %pad3A_1010 = tpu.concatenate %pad3A_1009, %slice3A_1006 in 1 : vector<64x21xf32>, vector<64x1xf32> -> vector<64x22xf32>
    %pad3A_1011 = vector.broadcast %convert_element_type3A_1008 : f32 to vector<64x2xf32>
    %pad3A_1012 = tpu.concatenate %pad3A_1010, %pad3A_1011 in 1 : vector<64x22xf32>, vector<64x2xf32> -> vector<64x24xf32>
    %add3A_1013 = arith.addf %pad3A_1005, %pad3A_1012 : vector<64x24xf32>
    %dot_general3A_1014 = arith.constant dense<0.000000e+00> : vector<2048x64xf32>
    %dot_general3A_1015 = tpu.matmul %slice3A, %add3A_1013, %dot_general3A_1014 {dimension_numbers = #tpu.dot_dimension_numbers<[1], [1], [0], [0], [0, 0, 1, 0], [], []>, transpose_lhs_hint = false} : vector<2048x24xf32>, vector<64x24xf32>, vector<2048x64xf32> -> vector<2048x64xf32>
    %dot_general3A_1016 = arith.constant dense<0.000000e+00> : vector<2048x64xf32>
    %dot_general3A_1017 = tpu.matmul %add3A_961, %get3A_48, %dot_general3A_1016 {dimension_numbers = #tpu.dot_dimension_numbers<[1], [1], [0], [0], [0, 0, 1, 0], [], []>, transpose_lhs_hint = false} : vector<2048x64xf32>, vector<64x64xf32>, vector<2048x64xf32> -> vector<2048x64xf32>
    %add3A_1018 = arith.addf %dot_general3A_1015, %dot_general3A_1017 : vector<2048x64xf32>
    %add3A_1019 = vector.broadcast %add3A_62 : vector<1x64xf32> to vector<2048x64xf32>
    %add3A_1020 = arith.addf %add3A_1018, %add3A_1019 : vector<2048x64xf32>
    %mul3A_1021 = arith.constant 5.000000e-01 : f32
    %mul3A_1022 = vector.broadcast %mul3A_1021 : f32 to vector<2048x64xf32>
    %mul3A_1023 = arith.mulf %mul3A_1022, %add3A_1020 : vector<2048x64xf32>
    %tanh3A_1024 = math.tanh %mul3A_1023 : vector<2048x64xf32>
    %add3A_1025 = arith.constant 1.000000e+00 : f32
    %add3A_1026 = vector.broadcast %add3A_1025 : f32 to vector<2048x64xf32>
    %add3A_1027 = arith.addf %tanh3A_1024, %add3A_1026 : vector<2048x64xf32>
    %mul3A_1028 = arith.constant 5.000000e-01 : f32
    %mul3A_1029 = vector.broadcast %mul3A_1028 : f32 to vector<2048x64xf32>
    %mul3A_1030 = arith.mulf %mul3A_1029, %add3A_1027 : vector<2048x64xf32>
    %slice3A_1031 = vector.extract_strided_slice %dot_general3A_73 {offsets = [0, 0], sizes = [64, 1], strides = [1, 1]} : vector<64x2xf32> to vector<64x1xf32>
    %jit3A_1032 = arith.constant 0 : i32
    %convert_element_type3A_1033 = arith.sitofp %jit3A_1032 : i32 to f32
    %pad3A_1034 = vector.broadcast %convert_element_type3A_1033 : f32 to vector<64x9xf32>
    %pad3A_1035 = tpu.concatenate %pad3A_1034, %slice3A_1031 in 1 : vector<64x9xf32>, vector<64x1xf32> -> vector<64x10xf32>
    %pad3A_1036 = vector.broadcast %convert_element_type3A_1033 : f32 to vector<64x14xf32>
    %pad3A_1037 = tpu.concatenate %pad3A_1035, %pad3A_1036 in 1 : vector<64x10xf32>, vector<64x14xf32> -> vector<64x24xf32>
    %slice3A_1038 = vector.extract_strided_slice %dot_general3A_73 {offsets = [0, 1], sizes = [64, 1], strides = [1, 1]} : vector<64x2xf32> to vector<64x1xf32>
    %jit3A_1039 = arith.constant 0 : i32
    %convert_element_type3A_1040 = arith.sitofp %jit3A_1039 : i32 to f32
    %pad3A_1041 = vector.broadcast %convert_element_type3A_1040 : f32 to vector<64x21xf32>
    %pad3A_1042 = tpu.concatenate %pad3A_1041, %slice3A_1038 in 1 : vector<64x21xf32>, vector<64x1xf32> -> vector<64x22xf32>
    %pad3A_1043 = vector.broadcast %convert_element_type3A_1040 : f32 to vector<64x2xf32>
    %pad3A_1044 = tpu.concatenate %pad3A_1042, %pad3A_1043 in 1 : vector<64x22xf32>, vector<64x2xf32> -> vector<64x24xf32>
    %add3A_1045 = arith.addf %pad3A_1037, %pad3A_1044 : vector<64x24xf32>
    %dot_general3A_1046 = arith.constant dense<0.000000e+00> : vector<2048x64xf32>
    %dot_general3A_1047 = tpu.matmul %slice3A, %add3A_1045, %dot_general3A_1046 {dimension_numbers = #tpu.dot_dimension_numbers<[1], [1], [0], [0], [0, 0, 1, 0], [], []>, transpose_lhs_hint = false} : vector<2048x24xf32>, vector<64x24xf32>, vector<2048x64xf32> -> vector<2048x64xf32>
    %mul3A_1048 = arith.mulf %add3A_961, %mul3A_1030 : vector<2048x64xf32>
    %dot_general3A_1049 = arith.constant dense<0.000000e+00> : vector<2048x64xf32>
    %dot_general3A_1050 = tpu.matmul %mul3A_1048, %get3A_68, %dot_general3A_1049 {dimension_numbers = #tpu.dot_dimension_numbers<[1], [1], [0], [0], [0, 0, 1, 0], [], []>, transpose_lhs_hint = false} : vector<2048x64xf32>, vector<64x64xf32>, vector<2048x64xf32> -> vector<2048x64xf32>
    %add3A_1051 = arith.addf %dot_general3A_1047, %dot_general3A_1050 : vector<2048x64xf32>
    %add3A_1052 = vector.broadcast %add3A_82 : vector<1x64xf32> to vector<2048x64xf32>
    %add3A_1053 = arith.addf %add3A_1051, %add3A_1052 : vector<2048x64xf32>
    %tanh3A_1054 = math.tanh %add3A_1053 : vector<2048x64xf32>
    %mul3A_1055 = arith.mulf %mul3A_998, %add3A_961 : vector<2048x64xf32>
    %sub3A_1056 = arith.constant 1.000000e+00 : f32
    %sub3A_1057 = vector.broadcast %sub3A_1056 : f32 to vector<2048x64xf32>
    %sub3A_1058 = arith.subf %sub3A_1057, %mul3A_998 : vector<2048x64xf32>
    %mul3A_1059 = arith.mulf %sub3A_1058, %tanh3A_1054 : vector<2048x64xf32>
    %add3A_1060 = arith.addf %mul3A_1055, %mul3A_1059 : vector<2048x64xf32>
    %slice3A_1061 = vector.extract_strided_slice %div3A_23 {offsets = [0, 9], sizes = [1, 1], strides = [1, 1]} : vector<1x12xf32> to vector<1x1xf32>
    %squeeze3A_1062 = vector.extract %slice3A_1061[0, 0] : f32 from vector<1x1xf32>
    %mul3A_1063 = vector.broadcast %squeeze3A_1062 : f32 to vector<2048x64xf32>
    %mul3A_1064 = arith.mulf %mul3A_1063, %add3A_1060 : vector<2048x64xf32>
    %add3A_1065 = arith.addf %add3A_966, %mul3A_1064 : vector<2048x64xf32>
    %slice3A_1066 = vector.extract_strided_slice %dot_general3A_33 {offsets = [0, 0], sizes = [64, 1], strides = [1, 1]} : vector<64x2xf32> to vector<64x1xf32>
    %jit3A_1067 = arith.constant 0 : i32
    %convert_element_type3A_1068 = arith.sitofp %jit3A_1067 : i32 to f32
    %pad3A_1069 = vector.broadcast %convert_element_type3A_1068 : f32 to vector<64x10xf32>
    %pad3A_1070 = tpu.concatenate %pad3A_1069, %slice3A_1066 in 1 : vector<64x10xf32>, vector<64x1xf32> -> vector<64x11xf32>
    %pad3A_1071 = vector.broadcast %convert_element_type3A_1068 : f32 to vector<64x13xf32>
    %pad3A_1072 = tpu.concatenate %pad3A_1070, %pad3A_1071 in 1 : vector<64x11xf32>, vector<64x13xf32> -> vector<64x24xf32>
    %slice3A_1073 = vector.extract_strided_slice %dot_general3A_33 {offsets = [0, 1], sizes = [64, 1], strides = [1, 1]} : vector<64x2xf32> to vector<64x1xf32>
    %jit3A_1074 = arith.constant 0 : i32
    %convert_element_type3A_1075 = arith.sitofp %jit3A_1074 : i32 to f32
    %pad3A_1076 = vector.broadcast %convert_element_type3A_1075 : f32 to vector<64x22xf32>
    %pad3A_1077 = tpu.concatenate %pad3A_1076, %slice3A_1073 in 1 : vector<64x22xf32>, vector<64x1xf32> -> vector<64x23xf32>
    %pad3A_1078 = vector.broadcast %convert_element_type3A_1075 : f32 to vector<64x1xf32>
    %pad3A_1079 = tpu.concatenate %pad3A_1077, %pad3A_1078 in 1 : vector<64x23xf32>, vector<64x1xf32> -> vector<64x24xf32>
    %add3A_1080 = arith.addf %pad3A_1072, %pad3A_1079 : vector<64x24xf32>
    %dot_general3A_1081 = arith.constant dense<0.000000e+00> : vector<2048x64xf32>
    %dot_general3A_1082 = tpu.matmul %slice3A, %add3A_1080, %dot_general3A_1081 {dimension_numbers = #tpu.dot_dimension_numbers<[1], [1], [0], [0], [0, 0, 1, 0], [], []>, transpose_lhs_hint = false} : vector<2048x24xf32>, vector<64x24xf32>, vector<2048x64xf32> -> vector<2048x64xf32>
    %dot_general3A_1083 = arith.constant dense<0.000000e+00> : vector<2048x64xf32>
    %dot_general3A_1084 = tpu.matmul %add3A_1060, %get3A_29, %dot_general3A_1083 {dimension_numbers = #tpu.dot_dimension_numbers<[1], [1], [0], [0], [0, 0, 1, 0], [], []>, transpose_lhs_hint = false} : vector<2048x64xf32>, vector<64x64xf32>, vector<2048x64xf32> -> vector<2048x64xf32>
    %add3A_1085 = arith.addf %dot_general3A_1082, %dot_general3A_1084 : vector<2048x64xf32>
    %add3A_1086 = vector.broadcast %add3A_42 : vector<1x64xf32> to vector<2048x64xf32>
    %add3A_1087 = arith.addf %add3A_1085, %add3A_1086 : vector<2048x64xf32>
    %mul3A_1088 = arith.constant 5.000000e-01 : f32
    %mul3A_1089 = vector.broadcast %mul3A_1088 : f32 to vector<2048x64xf32>
    %mul3A_1090 = arith.mulf %mul3A_1089, %add3A_1087 : vector<2048x64xf32>
    %tanh3A_1091 = math.tanh %mul3A_1090 : vector<2048x64xf32>
    %add3A_1092 = arith.constant 1.000000e+00 : f32
    %add3A_1093 = vector.broadcast %add3A_1092 : f32 to vector<2048x64xf32>
    %add3A_1094 = arith.addf %tanh3A_1091, %add3A_1093 : vector<2048x64xf32>
    %mul3A_1095 = arith.constant 5.000000e-01 : f32
    %mul3A_1096 = vector.broadcast %mul3A_1095 : f32 to vector<2048x64xf32>
    %mul3A_1097 = arith.mulf %mul3A_1096, %add3A_1094 : vector<2048x64xf32>
    %slice3A_1098 = vector.extract_strided_slice %dot_general3A_53 {offsets = [0, 0], sizes = [64, 1], strides = [1, 1]} : vector<64x2xf32> to vector<64x1xf32>
    %jit3A_1099 = arith.constant 0 : i32
    %convert_element_type3A_1100 = arith.sitofp %jit3A_1099 : i32 to f32
    %pad3A_1101 = vector.broadcast %convert_element_type3A_1100 : f32 to vector<64x10xf32>
    %pad3A_1102 = tpu.concatenate %pad3A_1101, %slice3A_1098 in 1 : vector<64x10xf32>, vector<64x1xf32> -> vector<64x11xf32>
    %pad3A_1103 = vector.broadcast %convert_element_type3A_1100 : f32 to vector<64x13xf32>
    %pad3A_1104 = tpu.concatenate %pad3A_1102, %pad3A_1103 in 1 : vector<64x11xf32>, vector<64x13xf32> -> vector<64x24xf32>
    %slice3A_1105 = vector.extract_strided_slice %dot_general3A_53 {offsets = [0, 1], sizes = [64, 1], strides = [1, 1]} : vector<64x2xf32> to vector<64x1xf32>
    %jit3A_1106 = arith.constant 0 : i32
    %convert_element_type3A_1107 = arith.sitofp %jit3A_1106 : i32 to f32
    %pad3A_1108 = vector.broadcast %convert_element_type3A_1107 : f32 to vector<64x22xf32>
    %pad3A_1109 = tpu.concatenate %pad3A_1108, %slice3A_1105 in 1 : vector<64x22xf32>, vector<64x1xf32> -> vector<64x23xf32>
    %pad3A_1110 = vector.broadcast %convert_element_type3A_1107 : f32 to vector<64x1xf32>
    %pad3A_1111 = tpu.concatenate %pad3A_1109, %pad3A_1110 in 1 : vector<64x23xf32>, vector<64x1xf32> -> vector<64x24xf32>
    %add3A_1112 = arith.addf %pad3A_1104, %pad3A_1111 : vector<64x24xf32>
    %dot_general3A_1113 = arith.constant dense<0.000000e+00> : vector<2048x64xf32>
    %dot_general3A_1114 = tpu.matmul %slice3A, %add3A_1112, %dot_general3A_1113 {dimension_numbers = #tpu.dot_dimension_numbers<[1], [1], [0], [0], [0, 0, 1, 0], [], []>, transpose_lhs_hint = false} : vector<2048x24xf32>, vector<64x24xf32>, vector<2048x64xf32> -> vector<2048x64xf32>
    %dot_general3A_1115 = arith.constant dense<0.000000e+00> : vector<2048x64xf32>
    %dot_general3A_1116 = tpu.matmul %add3A_1060, %get3A_48, %dot_general3A_1115 {dimension_numbers = #tpu.dot_dimension_numbers<[1], [1], [0], [0], [0, 0, 1, 0], [], []>, transpose_lhs_hint = false} : vector<2048x64xf32>, vector<64x64xf32>, vector<2048x64xf32> -> vector<2048x64xf32>
    %add3A_1117 = arith.addf %dot_general3A_1114, %dot_general3A_1116 : vector<2048x64xf32>
    %add3A_1118 = vector.broadcast %add3A_62 : vector<1x64xf32> to vector<2048x64xf32>
    %add3A_1119 = arith.addf %add3A_1117, %add3A_1118 : vector<2048x64xf32>
    %mul3A_1120 = arith.constant 5.000000e-01 : f32
    %mul3A_1121 = vector.broadcast %mul3A_1120 : f32 to vector<2048x64xf32>
    %mul3A_1122 = arith.mulf %mul3A_1121, %add3A_1119 : vector<2048x64xf32>
    %tanh3A_1123 = math.tanh %mul3A_1122 : vector<2048x64xf32>
    %add3A_1124 = arith.constant 1.000000e+00 : f32
    %add3A_1125 = vector.broadcast %add3A_1124 : f32 to vector<2048x64xf32>
    %add3A_1126 = arith.addf %tanh3A_1123, %add3A_1125 : vector<2048x64xf32>
    %mul3A_1127 = arith.constant 5.000000e-01 : f32
    %mul3A_1128 = vector.broadcast %mul3A_1127 : f32 to vector<2048x64xf32>
    %mul3A_1129 = arith.mulf %mul3A_1128, %add3A_1126 : vector<2048x64xf32>
    %slice3A_1130 = vector.extract_strided_slice %dot_general3A_73 {offsets = [0, 0], sizes = [64, 1], strides = [1, 1]} : vector<64x2xf32> to vector<64x1xf32>
    %jit3A_1131 = arith.constant 0 : i32
    %convert_element_type3A_1132 = arith.sitofp %jit3A_1131 : i32 to f32
    %pad3A_1133 = vector.broadcast %convert_element_type3A_1132 : f32 to vector<64x10xf32>
    %pad3A_1134 = tpu.concatenate %pad3A_1133, %slice3A_1130 in 1 : vector<64x10xf32>, vector<64x1xf32> -> vector<64x11xf32>
    %pad3A_1135 = vector.broadcast %convert_element_type3A_1132 : f32 to vector<64x13xf32>
    %pad3A_1136 = tpu.concatenate %pad3A_1134, %pad3A_1135 in 1 : vector<64x11xf32>, vector<64x13xf32> -> vector<64x24xf32>
    %slice3A_1137 = vector.extract_strided_slice %dot_general3A_73 {offsets = [0, 1], sizes = [64, 1], strides = [1, 1]} : vector<64x2xf32> to vector<64x1xf32>
    %jit3A_1138 = arith.constant 0 : i32
    %convert_element_type3A_1139 = arith.sitofp %jit3A_1138 : i32 to f32
    %pad3A_1140 = vector.broadcast %convert_element_type3A_1139 : f32 to vector<64x22xf32>
    %pad3A_1141 = tpu.concatenate %pad3A_1140, %slice3A_1137 in 1 : vector<64x22xf32>, vector<64x1xf32> -> vector<64x23xf32>
    %pad3A_1142 = vector.broadcast %convert_element_type3A_1139 : f32 to vector<64x1xf32>
    %pad3A_1143 = tpu.concatenate %pad3A_1141, %pad3A_1142 in 1 : vector<64x23xf32>, vector<64x1xf32> -> vector<64x24xf32>
    %add3A_1144 = arith.addf %pad3A_1136, %pad3A_1143 : vector<64x24xf32>
    %dot_general3A_1145 = arith.constant dense<0.000000e+00> : vector<2048x64xf32>
    %dot_general3A_1146 = tpu.matmul %slice3A, %add3A_1144, %dot_general3A_1145 {dimension_numbers = #tpu.dot_dimension_numbers<[1], [1], [0], [0], [0, 0, 1, 0], [], []>, transpose_lhs_hint = false} : vector<2048x24xf32>, vector<64x24xf32>, vector<2048x64xf32> -> vector<2048x64xf32>
    %mul3A_1147 = arith.mulf %add3A_1060, %mul3A_1129 : vector<2048x64xf32>
    %dot_general3A_1148 = arith.constant dense<0.000000e+00> : vector<2048x64xf32>
    %dot_general3A_1149 = tpu.matmul %mul3A_1147, %get3A_68, %dot_general3A_1148 {dimension_numbers = #tpu.dot_dimension_numbers<[1], [1], [0], [0], [0, 0, 1, 0], [], []>, transpose_lhs_hint = false} : vector<2048x64xf32>, vector<64x64xf32>, vector<2048x64xf32> -> vector<2048x64xf32>
    %add3A_1150 = arith.addf %dot_general3A_1146, %dot_general3A_1149 : vector<2048x64xf32>
    %add3A_1151 = vector.broadcast %add3A_82 : vector<1x64xf32> to vector<2048x64xf32>
    %add3A_1152 = arith.addf %add3A_1150, %add3A_1151 : vector<2048x64xf32>
    %tanh3A_1153 = math.tanh %add3A_1152 : vector<2048x64xf32>
    %mul3A_1154 = arith.mulf %mul3A_1097, %add3A_1060 : vector<2048x64xf32>
    %sub3A_1155 = arith.constant 1.000000e+00 : f32
    %sub3A_1156 = vector.broadcast %sub3A_1155 : f32 to vector<2048x64xf32>
    %sub3A_1157 = arith.subf %sub3A_1156, %mul3A_1097 : vector<2048x64xf32>
    %mul3A_1158 = arith.mulf %sub3A_1157, %tanh3A_1153 : vector<2048x64xf32>
    %add3A_1159 = arith.addf %mul3A_1154, %mul3A_1158 : vector<2048x64xf32>
    %slice3A_1160 = vector.extract_strided_slice %div3A_23 {offsets = [0, 10], sizes = [1, 1], strides = [1, 1]} : vector<1x12xf32> to vector<1x1xf32>
    %squeeze3A_1161 = vector.extract %slice3A_1160[0, 0] : f32 from vector<1x1xf32>
    %mul3A_1162 = vector.broadcast %squeeze3A_1161 : f32 to vector<2048x64xf32>
    %mul3A_1163 = arith.mulf %mul3A_1162, %add3A_1159 : vector<2048x64xf32>
    %add3A_1164 = arith.addf %add3A_1065, %mul3A_1163 : vector<2048x64xf32>
    %slice3A_1165 = vector.extract_strided_slice %dot_general3A_33 {offsets = [0, 0], sizes = [64, 1], strides = [1, 1]} : vector<64x2xf32> to vector<64x1xf32>
    %jit3A_1166 = arith.constant 0 : i32
    %convert_element_type3A_1167 = arith.sitofp %jit3A_1166 : i32 to f32
    %pad3A_1168 = vector.broadcast %convert_element_type3A_1167 : f32 to vector<64x11xf32>
    %pad3A_1169 = tpu.concatenate %pad3A_1168, %slice3A_1165 in 1 : vector<64x11xf32>, vector<64x1xf32> -> vector<64x12xf32>
    %pad3A_1170 = vector.broadcast %convert_element_type3A_1167 : f32 to vector<64x12xf32>
    %pad3A_1171 = tpu.concatenate %pad3A_1169, %pad3A_1170 in 1 : vector<64x12xf32>, vector<64x12xf32> -> vector<64x24xf32>
    %slice3A_1172 = vector.extract_strided_slice %dot_general3A_33 {offsets = [0, 1], sizes = [64, 1], strides = [1, 1]} : vector<64x2xf32> to vector<64x1xf32>
    %jit3A_1173 = arith.constant 0 : i32
    %convert_element_type3A_1174 = arith.sitofp %jit3A_1173 : i32 to f32
    %pad3A_1175 = vector.broadcast %convert_element_type3A_1174 : f32 to vector<64x23xf32>
    %pad3A_1176 = tpu.concatenate %pad3A_1175, %slice3A_1172 in 1 : vector<64x23xf32>, vector<64x1xf32> -> vector<64x24xf32>
    %add3A_1177 = arith.addf %pad3A_1171, %pad3A_1176 : vector<64x24xf32>
    %dot_general3A_1178 = arith.constant dense<0.000000e+00> : vector<2048x64xf32>
    %dot_general3A_1179 = tpu.matmul %slice3A, %add3A_1177, %dot_general3A_1178 {dimension_numbers = #tpu.dot_dimension_numbers<[1], [1], [0], [0], [0, 0, 1, 0], [], []>, transpose_lhs_hint = false} : vector<2048x24xf32>, vector<64x24xf32>, vector<2048x64xf32> -> vector<2048x64xf32>
    %dot_general3A_1180 = arith.constant dense<0.000000e+00> : vector<2048x64xf32>
    %dot_general3A_1181 = tpu.matmul %add3A_1159, %get3A_29, %dot_general3A_1180 {dimension_numbers = #tpu.dot_dimension_numbers<[1], [1], [0], [0], [0, 0, 1, 0], [], []>, transpose_lhs_hint = false} : vector<2048x64xf32>, vector<64x64xf32>, vector<2048x64xf32> -> vector<2048x64xf32>
    %add3A_1182 = arith.addf %dot_general3A_1179, %dot_general3A_1181 : vector<2048x64xf32>
    %add3A_1183 = vector.broadcast %add3A_42 : vector<1x64xf32> to vector<2048x64xf32>
    %add3A_1184 = arith.addf %add3A_1182, %add3A_1183 : vector<2048x64xf32>
    %mul3A_1185 = arith.constant 5.000000e-01 : f32
    %mul3A_1186 = vector.broadcast %mul3A_1185 : f32 to vector<2048x64xf32>
    %mul3A_1187 = arith.mulf %mul3A_1186, %add3A_1184 : vector<2048x64xf32>
    %tanh3A_1188 = math.tanh %mul3A_1187 : vector<2048x64xf32>
    %add3A_1189 = arith.constant 1.000000e+00 : f32
    %add3A_1190 = vector.broadcast %add3A_1189 : f32 to vector<2048x64xf32>
    %add3A_1191 = arith.addf %tanh3A_1188, %add3A_1190 : vector<2048x64xf32>
    %mul3A_1192 = arith.constant 5.000000e-01 : f32
    %mul3A_1193 = vector.broadcast %mul3A_1192 : f32 to vector<2048x64xf32>
    %mul3A_1194 = arith.mulf %mul3A_1193, %add3A_1191 : vector<2048x64xf32>
    %slice3A_1195 = vector.extract_strided_slice %dot_general3A_53 {offsets = [0, 0], sizes = [64, 1], strides = [1, 1]} : vector<64x2xf32> to vector<64x1xf32>
    %jit3A_1196 = arith.constant 0 : i32
    %convert_element_type3A_1197 = arith.sitofp %jit3A_1196 : i32 to f32
    %pad3A_1198 = vector.broadcast %convert_element_type3A_1197 : f32 to vector<64x11xf32>
    %pad3A_1199 = tpu.concatenate %pad3A_1198, %slice3A_1195 in 1 : vector<64x11xf32>, vector<64x1xf32> -> vector<64x12xf32>
    %pad3A_1200 = vector.broadcast %convert_element_type3A_1197 : f32 to vector<64x12xf32>
    %pad3A_1201 = tpu.concatenate %pad3A_1199, %pad3A_1200 in 1 : vector<64x12xf32>, vector<64x12xf32> -> vector<64x24xf32>
    %slice3A_1202 = vector.extract_strided_slice %dot_general3A_53 {offsets = [0, 1], sizes = [64, 1], strides = [1, 1]} : vector<64x2xf32> to vector<64x1xf32>
    %jit3A_1203 = arith.constant 0 : i32
    %convert_element_type3A_1204 = arith.sitofp %jit3A_1203 : i32 to f32
    %pad3A_1205 = vector.broadcast %convert_element_type3A_1204 : f32 to vector<64x23xf32>
    %pad3A_1206 = tpu.concatenate %pad3A_1205, %slice3A_1202 in 1 : vector<64x23xf32>, vector<64x1xf32> -> vector<64x24xf32>
    %add3A_1207 = arith.addf %pad3A_1201, %pad3A_1206 : vector<64x24xf32>
    %dot_general3A_1208 = arith.constant dense<0.000000e+00> : vector<2048x64xf32>
    %dot_general3A_1209 = tpu.matmul %slice3A, %add3A_1207, %dot_general3A_1208 {dimension_numbers = #tpu.dot_dimension_numbers<[1], [1], [0], [0], [0, 0, 1, 0], [], []>, transpose_lhs_hint = false} : vector<2048x24xf32>, vector<64x24xf32>, vector<2048x64xf32> -> vector<2048x64xf32>
    %dot_general3A_1210 = arith.constant dense<0.000000e+00> : vector<2048x64xf32>
    %dot_general3A_1211 = tpu.matmul %add3A_1159, %get3A_48, %dot_general3A_1210 {dimension_numbers = #tpu.dot_dimension_numbers<[1], [1], [0], [0], [0, 0, 1, 0], [], []>, transpose_lhs_hint = false} : vector<2048x64xf32>, vector<64x64xf32>, vector<2048x64xf32> -> vector<2048x64xf32>
    %add3A_1212 = arith.addf %dot_general3A_1209, %dot_general3A_1211 : vector<2048x64xf32>
    %add3A_1213 = vector.broadcast %add3A_62 : vector<1x64xf32> to vector<2048x64xf32>
    %add3A_1214 = arith.addf %add3A_1212, %add3A_1213 : vector<2048x64xf32>
    %mul3A_1215 = arith.constant 5.000000e-01 : f32
    %mul3A_1216 = vector.broadcast %mul3A_1215 : f32 to vector<2048x64xf32>
    %mul3A_1217 = arith.mulf %mul3A_1216, %add3A_1214 : vector<2048x64xf32>
    %tanh3A_1218 = math.tanh %mul3A_1217 : vector<2048x64xf32>
    %add3A_1219 = arith.constant 1.000000e+00 : f32
    %add3A_1220 = vector.broadcast %add3A_1219 : f32 to vector<2048x64xf32>
    %add3A_1221 = arith.addf %tanh3A_1218, %add3A_1220 : vector<2048x64xf32>
    %mul3A_1222 = arith.constant 5.000000e-01 : f32
    %mul3A_1223 = vector.broadcast %mul3A_1222 : f32 to vector<2048x64xf32>
    %mul3A_1224 = arith.mulf %mul3A_1223, %add3A_1221 : vector<2048x64xf32>
    %slice3A_1225 = vector.extract_strided_slice %dot_general3A_73 {offsets = [0, 0], sizes = [64, 1], strides = [1, 1]} : vector<64x2xf32> to vector<64x1xf32>
    %jit3A_1226 = arith.constant 0 : i32
    %convert_element_type3A_1227 = arith.sitofp %jit3A_1226 : i32 to f32
    %pad3A_1228 = vector.broadcast %convert_element_type3A_1227 : f32 to vector<64x11xf32>
    %pad3A_1229 = tpu.concatenate %pad3A_1228, %slice3A_1225 in 1 : vector<64x11xf32>, vector<64x1xf32> -> vector<64x12xf32>
    %pad3A_1230 = vector.broadcast %convert_element_type3A_1227 : f32 to vector<64x12xf32>
    %pad3A_1231 = tpu.concatenate %pad3A_1229, %pad3A_1230 in 1 : vector<64x12xf32>, vector<64x12xf32> -> vector<64x24xf32>
    %slice3A_1232 = vector.extract_strided_slice %dot_general3A_73 {offsets = [0, 1], sizes = [64, 1], strides = [1, 1]} : vector<64x2xf32> to vector<64x1xf32>
    %jit3A_1233 = arith.constant 0 : i32
    %convert_element_type3A_1234 = arith.sitofp %jit3A_1233 : i32 to f32
    %pad3A_1235 = vector.broadcast %convert_element_type3A_1234 : f32 to vector<64x23xf32>
    %pad3A_1236 = tpu.concatenate %pad3A_1235, %slice3A_1232 in 1 : vector<64x23xf32>, vector<64x1xf32> -> vector<64x24xf32>
    %add3A_1237 = arith.addf %pad3A_1231, %pad3A_1236 : vector<64x24xf32>
    %dot_general3A_1238 = arith.constant dense<0.000000e+00> : vector<2048x64xf32>
    %dot_general3A_1239 = tpu.matmul %slice3A, %add3A_1237, %dot_general3A_1238 {dimension_numbers = #tpu.dot_dimension_numbers<[1], [1], [0], [0], [0, 0, 1, 0], [], []>, transpose_lhs_hint = false} : vector<2048x24xf32>, vector<64x24xf32>, vector<2048x64xf32> -> vector<2048x64xf32>
    %mul3A_1240 = arith.mulf %add3A_1159, %mul3A_1224 : vector<2048x64xf32>
    %dot_general3A_1241 = arith.constant dense<0.000000e+00> : vector<2048x64xf32>
    %dot_general3A_1242 = tpu.matmul %mul3A_1240, %get3A_68, %dot_general3A_1241 {dimension_numbers = #tpu.dot_dimension_numbers<[1], [1], [0], [0], [0, 0, 1, 0], [], []>, transpose_lhs_hint = false} : vector<2048x64xf32>, vector<64x64xf32>, vector<2048x64xf32> -> vector<2048x64xf32>
    %add3A_1243 = arith.addf %dot_general3A_1239, %dot_general3A_1242 : vector<2048x64xf32>
    %add3A_1244 = vector.broadcast %add3A_82 : vector<1x64xf32> to vector<2048x64xf32>
    %add3A_1245 = arith.addf %add3A_1243, %add3A_1244 : vector<2048x64xf32>
    %tanh3A_1246 = math.tanh %add3A_1245 : vector<2048x64xf32>
    %mul3A_1247 = arith.mulf %mul3A_1194, %add3A_1159 : vector<2048x64xf32>
    %sub3A_1248 = arith.constant 1.000000e+00 : f32
    %sub3A_1249 = vector.broadcast %sub3A_1248 : f32 to vector<2048x64xf32>
    %sub3A_1250 = arith.subf %sub3A_1249, %mul3A_1194 : vector<2048x64xf32>
    %mul3A_1251 = arith.mulf %sub3A_1250, %tanh3A_1246 : vector<2048x64xf32>
    %add3A_1252 = arith.addf %mul3A_1247, %mul3A_1251 : vector<2048x64xf32>
    %slice3A_1253 = vector.extract_strided_slice %div3A_23 {offsets = [0, 11], sizes = [1, 1], strides = [1, 1]} : vector<1x12xf32> to vector<1x1xf32>
    %squeeze3A_1254 = vector.extract %slice3A_1253[0, 0] : f32 from vector<1x1xf32>
    %mul3A_1255 = vector.broadcast %squeeze3A_1254 : f32 to vector<2048x64xf32>
    %mul3A_1256 = arith.mulf %mul3A_1255, %add3A_1252 : vector<2048x64xf32>
    %add3A_1257 = arith.addf %add3A_1164, %mul3A_1256 : vector<2048x64xf32>
    %transpose3A = tpu.transpose %add3A_1257, [1, 0] : vector<2048x64xf32> -> vector<64x2048xf32>
    %swap3A = arith.constant 0 : index
    %swap3A_1258 = arith.constant 0 : index
    %swap3A_1259 = vector.load %arg17[%swap3A, %swap3A_1258] : memref<64x2048xf32, #tpu.memory_space<vmem>>, vector<64x2048xf32>
    tpu.vector_store %arg17[%swap3A, %swap3A_1258], %transpose3A {strides = array<i32>} : memref<64x2048xf32, #tpu.memory_space<vmem>>, vector<64x2048xf32>,
    return
  }
  func.func @transform_0(%arg0: i32) -> (i32, i32, i32) {
    %c0_i32 = arith.constant 0 : i32
    %c0_i32_0 = arith.constant 0 : i32
    %c0_i32_1 = arith.constant 0 : i32
    return %c0_i32, %arg0, %c0_i32_0 : i32, i32, i32
  }
  func.func @transform_1(%arg0: i32) -> (i32, i32) {
    %c0_i32 = arith.constant 0 : i32
    %c0_i32_0 = arith.constant 0 : i32
    return %arg0, %c0_i32 : i32, i32
  }
  func.func @transform_2(%arg0: i32) -> (i32, i32) {
    %c0_i32 = arith.constant 0 : i32
    %c0_i32_0 = arith.constant 0 : i32
    return %arg0, %c0_i32 : i32, i32
  }
  func.func @transform_3(%arg0: i32) -> (i32, i32) {
    %c0_i32 = arith.constant 0 : i32
    %c0_i32_0 = arith.constant 0 : i32
    %c0_i32_1 = arith.constant 0 : i32
    return %c0_i32, %c0_i32_0 : i32, i32
  }
  func.func @transform_4(%arg0: i32) -> (i32, i32) {
    %c0_i32 = arith.constant 0 : i32
    %c0_i32_0 = arith.constant 0 : i32
    %c0_i32_1 = arith.constant 0 : i32
    return %c0_i32, %c0_i32_0 : i32, i32
  }
  func.func @transform_5(%arg0: i32) -> (i32, i32) {
    %c0_i32 = arith.constant 0 : i32
    %c0_i32_0 = arith.constant 0 : i32
    %c0_i32_1 = arith.constant 0 : i32
    return %c0_i32, %c0_i32_0 : i32, i32
  }
  func.func @transform_6(%arg0: i32) -> (i32, i32) {
    %c0_i32 = arith.constant 0 : i32
    %c0_i32_0 = arith.constant 0 : i32
    %c0_i32_1 = arith.constant 0 : i32
    return %c0_i32, %c0_i32_0 : i32, i32
  }
  func.func @transform_7(%arg0: i32) -> (i32, i32) {
    %c0_i32 = arith.constant 0 : i32
    %c0_i32_0 = arith.constant 0 : i32
    %c0_i32_1 = arith.constant 0 : i32
    return %c0_i32, %c0_i32_0 : i32, i32
  }
  func.func @transform_8(%arg0: i32) -> (i32, i32) {
    %c0_i32 = arith.constant 0 : i32
    %c0_i32_0 = arith.constant 0 : i32
    %c0_i32_1 = arith.constant 0 : i32
    return %c0_i32, %c0_i32_0 : i32, i32
  }
  func.func @transform_9(%arg0: i32) -> (i32, i32) {
    %c0_i32 = arith.constant 0 : i32
    %c0_i32_0 = arith.constant 0 : i32
    %c0_i32_1 = arith.constant 0 : i32
    return %c0_i32, %c0_i32_0 : i32, i32
  }
  func.func @transform_10(%arg0: i32) -> (i32, i32) {
    %c0_i32 = arith.constant 0 : i32
    %c0_i32_0 = arith.constant 0 : i32
    %c0_i32_1 = arith.constant 0 : i32
    return %c0_i32, %c0_i32_0 : i32, i32
  }
  func.func @transform_11(%arg0: i32) -> (i32, i32) {
    %c0_i32 = arith.constant 0 : i32
    %c0_i32_0 = arith.constant 0 : i32
    %c0_i32_1 = arith.constant 0 : i32
    return %c0_i32, %c0_i32_0 : i32, i32
  }
  func.func @transform_12(%arg0: i32) -> (i32, i32) {
    %c0_i32 = arith.constant 0 : i32
    %c0_i32_0 = arith.constant 0 : i32
    %c0_i32_1 = arith.constant 0 : i32
    return %c0_i32, %c0_i32_0 : i32, i32
  }
  func.func @transform_13(%arg0: i32) -> (i32, i32) {
    %c0_i32 = arith.constant 0 : i32
    %c0_i32_0 = arith.constant 0 : i32
    %c0_i32_1 = arith.constant 0 : i32
    return %c0_i32, %c0_i32_0 : i32, i32
  }
  func.func @transform_14(%arg0: i32) -> (i32, i32) {
    %c0_i32 = arith.constant 0 : i32
    %c0_i32_0 = arith.constant 0 : i32
    %c0_i32_1 = arith.constant 0 : i32
    return %c0_i32, %c0_i32_0 : i32, i32
  }
  func.func @transform_15(%arg0: i32) -> (i32, i32) {
    %c0_i32 = arith.constant 0 : i32
    %c0_i32_0 = arith.constant 0 : i32
    %c0_i32_1 = arith.constant 0 : i32
    return %c0_i32, %c0_i32_0 : i32, i32
  }
  func.func @transform_16(%arg0: i32) -> (i32, i32) {
    %c0_i32 = arith.constant 0 : i32
    %c0_i32_0 = arith.constant 0 : i32
    return %c0_i32, %arg0 : i32, i32
  }
}

</mosaic_0001>

<sc_bundles>
// kernel: kernel.10.cloned.1.call-start
scs
__scs_entry_jumppad:
0x0: {  	(pc) =	sbr.rel $0x88, $3  }
0x1: {  	(tag) =	ssettag $0x0;
	lr =	simm.s32 $0x1  }
0x2: {  	[smem:$0x3F91] =	sst lr;
	_ =	strace $0xD0000000  }
0x3: {  	_ = 	snop  }
0x4: {  	_ = 	snop  }
0x5: {  	_ = 	snop  }
0x6: {  	_ = 	snop  }
0x7: {  	_ = 	snop  }
__scs_overlays_trampoline_lowered:
0x8: {  	[smem:$0x3FA0] =	sst s0  }
0x9: {  	[smem:$0x3FA1] =	sst s1  }
0xa: {  	[smem:$0x3FA2] =	sst s2  }
0xb: {  	[smem:$0x3FA3] =	sst s3  }
0xc: {  	[smem:$0x3FA4] =	sst s4  }
0xd: {  	[smem:$0x3FA5] =	sst s5  }
0xe: {  	[smem:$0x3FA6] =	sst s6  }
0xf: {  	[smem:$0x3FA7] =	sst s7  }
0x10: {  	[smem:$0x3FA8] =	sst s8  }
0x11: {  	[smem:$0x3FA9] =	sst s9;
	s0 =	simm.s32 @!p0 $0x0  }
0x12: {  	s1 =	sld [smem:$0x3F8F];
	s0 =	simm.s32 @p0 $0x1  }
0x13: {  	[smem:$0x3FAA] =	sst s0;
	s0 =	simm.s32 @!p1 $0x0  }
0x14: {  	s2 =	sld [smem:$0x3F8E];
	s0 =	simm.s32 @p1 $0x1  }
0x15: {  	[smem:$0x3FAB] =	sst s0;
	s0 =	simm.s32 @!p2 $0x0  }
0x16: {  	s3 =	sld [smem:$0x3FDB];
	s0 =	simm.s32 @p2 $0x1  }
0x17: {  	s4 =	simm.s32 $0x1BF5;
	[smem:$0x3FAD] =	sst s0  }
0x18: {  	s0 =	sld [smem:$0x3F90];
	_ =	swait.ge [sflag:s4], $0x0  }
0x19: {  	s7 =	sld [smem:$0x3F91]  }
0x1a: {  	s8 =	sadd.s32 $0xFFFFE003, lr  }
0x1b: {  	s9 =	sadd.s32 $0xFFFFFEF7, lr;
	s5 =	simm.s32 $0xFFFFFFFF;
	p2 =	slt.u32 s8, $0xFFFFF086  }
0x1c: {  	p1 =	slt.u32 s9, $0xF7A;
	s5 =	simm.s32 @!p2 $0x0  }
0x1d: {  	s5 =	simm.s32 @p1 $0x1;
	p0 =	seq.s32 s7, s2  }
0x1e: {  	s7 =	smul.u32 @!p0 $0xF7A, s2;
	p2 =	seq.s32 @!p0 s5, $0x0  }
0x1f: {  	s9 =	smul.u32 $0xF7A, s1;
	s8 =	simm.s32 @!p0 $0x1BF5;
	p2 =	por !p2, p0  }
0x20: {  	[sflag:s8] =	ssyncset.s32 @!p0 $0xFFFFF086;
	s6 =	sadd.s32 @!p0 s3, s7;
	s7 =	simm.s32 @!p0 $0x108  }
0x21: {  	s3 =	sadd.s32 s3, s9;
	s6 =	sadd.s32 @!p0 $0x88, s6;
	s7 =	simm.s32 @p2 $0x1082  }
0x22: {  	[simem:s7], [sflag:s8] =	dma.local @!p0 [hbm:s6], $0xF7A  }
0x23: {  	s9 =	sor.u32 $0xD0000000, s2;
	s6 =	simm.s32 $0x108;
	_ =	swait.ge @!p0 [sflag:s8], $0x0  }
0x24: {  	s3 =	sadd.s32 $0x88, s3;
	s6 =	simm.s32 @!p1 $0x1082;
	[sflag:s4] =	ssyncset.s32 $0xFFFFF086  }
0x25: {  	[simem:s6], [sflag:s4] =	dma.local [hbm:s3], $0xF7A  }
0x26: {  	[smem:$0x3F91] =	sst s1;
	(tag) =	ssettag s2;
	_ =	strace s9  }
0x27: {  	s1 =	sld [smem:$0x3FA1]  }
0x28: {  	s2 =	sld [smem:$0x3FA2]  }
0x29: {  	s4 =	sld [smem:$0x3FA4]  }
0x2a: {  	p0 =	seq.s32 s5, $0x0;
	s5 =	sld [smem:$0x3FA5]  }
0x2b: {  	s6 =	sld [smem:$0x3FA6]  }
0x2c: {  	s7 =	sld [smem:$0x3FA7]  }
0x2d: {  	s3 =	simm.s32 $0x108;
	s8 =	sld [smem:$0x3FA8]  }
0x2e: {  	s3 =	simm.s32 @!p0 $0x1082;
	s9 =	sld [smem:$0x3FA9]  }
0x2f: {  	lr =	sadd.s32 s0, s3;
	s0 =	sld [smem:$0x3FA0]  }
0x30: {  	s3 =	sld [smem:$0x3FA3]  }
0x31: {  	[smem:$0x3FAC] =	sst s10  }
0x32: {  	s10 =	sld [smem:$0x3FAA];
	_ =	sdelay $0x3  }
0x33: {  	p0 =	seq.s32 s10, $0x1;
	s10 =	sld [smem:$0x3FAC];
	_ =	sdelay $0x3  }
0x34: {  	[smem:$0x3FAC] =	sst s10  }
0x35: {  	s10 =	sld [smem:$0x3FAB];
	_ =	sdelay $0x3  }
0x36: {  	p1 =	seq.s32 s10, $0x1;
	s10 =	sld [smem:$0x3FAC];
	_ =	sdelay $0x3  }
0x37: {  	[smem:$0x3FAC] =	sst s10  }
0x38: {  	s10 =	sld [smem:$0x3FAD]  }
0x39: {  	_ = 	snop;
	(pc) =	sbr.ind lr, $3  }
0x3a: {  	_ = 	snop  }
0x3b: {  	_ = 	snop  }
0x3c: {  	p2 =	seq.s32 s10, $0x1;
	s10 =	sld [smem:$0x3FAC]  }
0x3d: {  	_ =	shalt  }
0x3e: {  	_ =	shalt  }
0x3f: {  	_ =	shalt  }
0x40: {  	_ =	shalt  }
0x41: {  	_ =	shalt  }
0x42: {  	_ =	shalt  }
0x43: {  	_ =	shalt  }
0x44: {  	_ =	shalt  }
0x45: {  	_ =	shalt  }
0x46: {  	_ =	shalt  }
0x47: {  	_ =	shalt  }
0x48: {  	_ =	shalt  }
0x49: {  	_ =	shalt  }
0x4a: {  	_ =	shalt  }
0x4b: {  	_ =	shalt  }
0x4c: {  	_ =	shalt  }
0x4d: {  	_ =	shalt  }
0x4e: {  	_ =	shalt  }
0x4f: {  	_ =	shalt  }
0x50: {  	_ =	shalt  }
0x51: {  	_ =	shalt  }
0x52: {  	_ =	shalt  }
0x53: {  	_ =	shalt  }
0x54: {  	_ =	shalt  }
0x55: {  	_ =	shalt  }
0x56: {  	_ =	shalt  }
0x57: {  	_ =	shalt  }
0x58: {  	_ =	shalt  }
0x59: {  	_ =	shalt  }
0x5a: {  	_ =	shalt  }
0x5b: {  	_ =	shalt  }
0x5c: {  	_ =	shalt  }
0x5d: {  	_ =	shalt  }
0x5e: {  	_ =	shalt  }
0x5f: {  	_ =	shalt  }
0x60: {  	_ =	shalt  }
0x61: {  	_ =	shalt  }
0x62: {  	_ =	shalt  }
0x63: {  	_ =	shalt  }
0x64: {  	_ =	shalt  }
0x65: {  	_ =	shalt  }
0x66: {  	_ =	shalt  }
0x67: {  	_ =	shalt  }
0x68: {  	_ =	shalt  }
0x69: {  	_ =	shalt  }
0x6a: {  	_ =	shalt  }
0x6b: {  	_ =	shalt  }
0x6c: {  	_ =	shalt  }
0x6d: {  	_ =	shalt  }
0x6e: {  	_ =	shalt  }
0x6f: {  	_ =	shalt  }
0x70: {  	_ =	shalt  }
0x71: {  	_ =	shalt  }
0x72: {  	_ =	shalt  }
0x73: {  	_ =	shalt  }
0x74: {  	_ =	shalt  }
0x75: {  	_ =	shalt  }
0x76: {  	_ =	shalt  }
0x77: {  	_ =	shalt  }
0x78: {  	_ =	shalt  }
0x79: {  	_ =	shalt  }
0x7a: {  	_ =	shalt  }
0x7b: {  	_ =	shalt  }
0x7c: {  	_ =	shalt  }
0x7d: {  	_ =	shalt  }
0x7e: {  	_ =	shalt  }
0x7f: {  	_ =	shalt  }
0x80: {  	_ =	shalt  }
0x81: {  	_ =	shalt  }
0x82: {  	_ =	shalt  }
0x83: {  	_ =	shalt  }
0x84: {  	_ =	shalt  }
0x85: {  	_ =	shalt  }
0x86: {  	_ =	shalt  }
0x87: {  	_ =	shalt  }
.Lfunc_end0:
.L_simem_size_0:
called_computation.1_lowered:
.L_overlay_start_0:
0x88: {  	s2 =	sld [smem:$0x3FD9]  }
0x89: {  	s3 =	sld [smem:$0x3FFE];
	_ =	sdelay $0x1  }
0x8a: {  	s1 =	srdreg.scid  }
0x8b: {  	s0 =	sand.u32 $0x1, s1  }
0x8c: {  	s17 =	sshll.u32 s0, $0xA;
	s2 =	sadd.s32 s3, s2  }
0x8d: {  	s2 =	sadd.s32 s2, s17  }
0x8e: {  	[smem:$0x3FB8] =	sst s2  }
0x8f: {  	_ = 	snop  }
0x90: {  	s2 =	sld [smem:$0x3FD0];
	(tm) =	ssettm $0x1  }
0x91: {  	s18 =	sld [smem:$0x3FFB];
	_ =	sdelay $0x3  }
0x92: {  	_ =	strace s18  }
0x93: {  	s3 =	sld [smem:$0x3FFC];
	_ =	sdelay $0x3  }
0x94: {  	_ =	strace s3  }
0x95: {  	s3 =	sld [smem:$0x3FFD];
	_ =	sdelay $0x3  }
0x96: {  	_ =	strace s3  }
0x97: {  	_ =	strace $0x8FFFFFFF  }
0x98: {  	s19 =	sld [smem:$0x3FDB];
	_ =	sdelay $0x1  }
0x99: {  	s4 =	simm.s32 $_scs_section_size  }
0x9a: {  	s5 =	simm.s32 $_size__tile_overlayer_lowered;
	s6 =	simm.s32 $_tile_overlayer_lowered  }
0x9b: {  	s22 =	simm.s32 $0x1BFF;
	s21 =	sshll.u32 s6, $0x1;
	s3 =	sadd.s32 s4, s19  }
0x9c: {  	s7 =	simm.s32 $0x0;
	s20 =	sshll.u32 s5, $0x1;
	s5 =	sadd.s32 s21, s3  }
0x9d: {  	[timem:s7], [sflag:s22] =	dma.local [hbm:s5], s20  }
0x9e: {  	_ =	swait.ge [sflag:s22], s20  }
0x9f: {  	s4 =	ssub.s32 $0x0, s20;
	[sflag:s22] =	ssyncset.done $0x0  }
0xa0: {  	[sflag:s22] =	ssyncadd.s32 s4;
	_ =	sdelay $0x1  }
0xa1: {  	s23 =	simm.s32 $0x1B8B  }
0xa2: {  	_ =	swait.ge [sflag:s23], $0x1  }
0xa3: {  	[sflag:s23] =	ssyncset.done $0x0  }
0xa4: {  	s25 =	simm.s32 $0x1B8E;
	s24 =	sld [smem:$0x3FFE];
	[sflag:s23] =	ssyncadd.s32 $0xFFFFFFFF  }
0xa5: {  	s26 =	simm.s32 $execute0_lowered;
	[smem:$0x3FD2] =	sst s25  }
0xa6: {  	s5 =	sshll.u32 s26, $0x1;
	_ =	strace $0x80000049;
	[dreg:$0x1] =	wrdreg $0xFFFFFFFF  }
0xa7: {  	s28 =	simm.s32 $_size_execute0_lowered;
	s3 =	sadd.s32 s3, s5;
	[dreg:$0x0] =	wrdreg $0x0  }
0xa8: {  	s5 =	sshll.u32 s28, $0x1;
	[dreg:$0x2] =	wrdreg s3  }
0xa9: {  	[dreg:$0x3] =	wrdreg s5  }
0xaa: {  	[dreg:$0x4] =	wrdreg $0xC0  }
0xab: {  	_ =	task [dreg:s7], $0x5FFFF  }
0xac: {  	[dreg:$0x1] =	wrdreg $0xFFFFFFFF  }
0xad: {  	[dreg:$0x0] =	wrdreg $0x60  }
0xae: {  	[dreg:$0x2] =	wrdreg s24  }
0xaf: {  	[dreg:$0x3] =	wrdreg s2  }
0xb0: {  	[dreg:$0x4] =	wrdreg $0x84000  }
0xb1: {  	[dreg:$0x5] =	wrdreg $0x9  }
0xb2: {  	_ =	task.clear_ibuf [dreg:s7], $0x6FFFF;
	_ =	strace $0x90000049  }
0xb3: {  	s29 =	simm.s32 $0x9;
	_ =	strace $0x8000004B  }
0xb4: {  	_ =	swait.ge [sflag:s29], $0x1  }
0xb5: {  	[sflag:s29] =	ssyncadd.s32 $0xFFFFFFFF  }
0xb6: {  	_ =	strace $0x9000004B  }
0xb7: {  	_ =	sfence  }
0xb8: {  	s30 =	sld [smem:$0x0];
	_ =	sdelay $0x2  }
0xb9: {  	s31 =	sshll.u32 s1, $0xD;
	s1 =	sshrl.u32 s1, $0x2  }
0xba: {  	s3 =	sand.u32 $0x4000, s31;
	s1 =	sadd.s32 s1, s30  }
0xbb: {  	s0 =	sor.u32 s3, s0;
	s1 =	sshll.u32 s1, $0x11  }
0xbc: {  	s0 =	sor.u32 s1, s0  }
0xbd: {  	s0 =	sadd.s32 $0x8F2B, s0  }
0xbe: {  	[sflag:s0] =	ssyncadd.remote.s32 $0x1  }
0xbf: {  	_ =	sfence.sel $0xFFFF  }
0xc0: {  	[dreg:$0x0] =	wrdreg $0xFFFFFFFF;
	(pc) =	sbr.abs _section_cstart, $3  }
0xc1: {  	[dreg:$0x1] =	wrdreg $0xFFFFFFFF  }
0xc2: {  	_ =	task.clear_ibuf [dreg:s7], $0x2FFFF;
	_ =	strace $0x9FFFFFFF  }
0xc3: {  	(tm) =	ssettm $0x7FFFFFFF  }
tec
execute0_lowered:
.L_overlay_start_1:
0x0: {  	(tag) =	ssettag $0x1  }
0x1: {  	s0 =	rddreg [dreg:$0x0]  }
0x2: {  	s2 =	rddreg [dreg:$0x1];
	s1 =	srdreg.scid  }
0x3: {  	s3 =	rddreg [dreg:$0x2];
	s8 =	stileid.u32;
	s4 =	simm.s32 $0x0  }
0x4: {  	s29 =	simm.s32 $0x5C00;
	s1 =	sand.u32 $0x1, s1;
	s5 =	sshll.u32 s8, $0x1  }
0x5: {  	s6 =	smul.u32 $0x50000, s1;
	s5 =	sor.u32 s1, s5;
	s1 =	ssub.s32 $0x2, s1  }
0x6: {  	s31 =	simm.s32 $0x6C00;
	s5 =	smul.u32 $0x280, s5;
	s13 =	sshrl.u32 s1, $0x1  }
0x7: {  	s7 =	smul.u32 $0x5000, s8;
	[smem:$0x7FF] =	sst s4;
	s1 =	ssub.s32 s1, s13  }
0x8: {  	s8 =	smul.u32 $0x14000, s8;
	s9 =	sadd.s32 s5, s0;
	s1 =	smax.u32 s1, $0x1  }
0x9: {  	_ =	strace $0x8000004A;
	s15 =	sadd.s32 $0xD000, s9;
	[dreg:$0x8] =	wrdreg s1  }
0xa: {  	s14 =	sshrl.u32 s8, $0x2;
	s16 =	sadd.s32 $0x3000, s9;
	[dreg:$0x4] =	wrdreg s15  }
0xb: {  	s5 =	sadd.s32 s14, s3;
	s17 =	sadd.s32 $0x8000, s9;
	[dreg:$0x5] =	wrdreg s16  }
0xc: {  	s28 =	simm.s32 $0x3;
	s19 =	sadd.s32 $0x800, s5;
	[dreg:$0x6] =	wrdreg s17  }
0xd: {  	s30 =	simm.s32 $0x4;
	s20 =	sadd.s32 $0x1000, s5;
	[dreg:$0x9] =	wrdreg s19  }
0xe: {  	s18 =	sadd.s32 s7, s3;
	s21 =	sadd.s32 $0x1800, s5;
	[dreg:$0xa] =	wrdreg s20  }
0xf: {  	s6 =	sadd.s32 s7, s6;
	s22 =	sadd.s32 $0x2000, s5;
	[dreg:$0xb] =	wrdreg s21  }
0x10: {  	s12 =	sshrl.u32 s6, $0x3;
	s23 =	sadd.s32 $0x2800, s5;
	[dreg:$0xc] =	wrdreg s22  }
0x11: {  	s0 =	sadd.s32 s12, s0;
	s24 =	sadd.s32 $0x3000, s5;
	[dreg:$0xd] =	wrdreg s23  }
0x12: {  	s25 =	sadd.s32 $0x3800, s5;
	s26 =	sadd.s32 $0x4000, s5;
	[dreg:$0xe] =	wrdreg s24  }
.Ltmp0:
0x13: {  	s1 =	simm.s32 $0x0;
	[dreg:$0xf] =	wrdreg s25;
	(pc) =	sbr.rel .LBB2_1-.Ltmp0, $4  }
0x14: {  	s0 =	sadd.s32 $0x12000, s0;
	[dreg:$0x10] =	wrdreg s26;
	s19 =	sadd.s32 $0x4800, s5  }
0x15: {  	s20 =	simm.s32 $0x7C00;
	s21 =	simm.s32 $0x5;
	s23 =	simm.s32 $0x80  }
0x16: {  	s24 =	simm.s32 $0x3C00;
	s25 =	sshrl.u32 s18, $0x3;
	s26 =	simm.s32 $0x4C00  }
0x17: {  	v0 =	vimm.f32 $0.0e+00;
	s22 =	simm.s32 $0x2;
	[dreg:$0x7] =	wrdreg s0;
	s0 =	simm.s32 $0x1  }
.LBB2_12:
0x18: {  	s6 =	stileid.u32  }
0x19: {  	[bflag:$0x0] =	sbarrier.arrive $0xFFFF;
	s6 =	sshll.u32 s6, $0x6  }
0x1a: {  	s7 =	rddreg [dreg:$0x7];
	s6 =	sor.u32 $0x1C05, s6  }
0x1b: {  	[hbm:s7], [sflag:s6] =	dma.local [spmem:s25], $0xA00  }
0x1c: {  	_ =	swait.ge [sflag:s21], $0xA00  }
0x1d: {  	s1 =	sadd.s32 $0x1, s1;
	s18 =	rddreg [dreg:$0x8]  }
0x1e: {  	p0 =	sne.s32 s1, s18  }
.Ltmp1:
0x1f: {  	_ = 	snop;
	(pc) =	sbr.rel @!p0 .LBB2_13-.Ltmp1, $3  }
0x20: {  	_ =	sdelay $0x1  }
0x21: {  	[sflag:s21] =	ssyncset.done $0x0  }
0x22: {  	[sflag:s21] =	ssyncadd.s32 $0xFFFFF600  }
.LBB2_1:
0x23: {  	[tilespmem:$0x7C00] =	vst v0  }
0x24: {  	[tilespmem:$0x7C10] =	vst v0  }
0x25: {  	[tilespmem:$0x7C20] =	vst v0  }
0x26: {  	[tilespmem:$0x7C30] =	vst v0  }
0x27: {  	[tilespmem:$0x7C40] =	vst v0  }
0x28: {  	[tilespmem:$0x7C50] =	vst v0  }
0x29: {  	[tilespmem:$0x7C60] =	vst v0  }
0x2a: {  	[tilespmem:$0x7C70] =	vst v0  }
0x2b: {  	[tilespmem:$0x7C80] =	vst v0  }
0x2c: {  	[tilespmem:$0x7C90] =	vst v0  }
0x2d: {  	[tilespmem:$0x7CA0] =	vst v0  }
0x2e: {  	[tilespmem:$0x7CB0] =	vst v0  }
0x2f: {  	[tilespmem:$0x7CC0] =	vst v0  }
0x30: {  	[tilespmem:$0x7CD0] =	vst v0  }
0x31: {  	[tilespmem:$0x7CE0] =	vst v0  }
0x32: {  	[tilespmem:$0x7CF0] =	vst v0  }
0x33: {  	[tilespmem:$0x7D00] =	vst v0  }
0x34: {  	[tilespmem:$0x7D10] =	vst v0  }
0x35: {  	[tilespmem:$0x7D20] =	vst v0  }
0x36: {  	[tilespmem:$0x7D30] =	vst v0  }
0x37: {  	[tilespmem:$0x7D40] =	vst v0  }
0x38: {  	[tilespmem:$0x7D50] =	vst v0  }
0x39: {  	[tilespmem:$0x7D60] =	vst v0  }
0x3a: {  	[tilespmem:$0x7D70] =	vst v0  }
0x3b: {  	[tilespmem:$0x7D80] =	vst v0  }
0x3c: {  	[tilespmem:$0x7D90] =	vst v0  }
0x3d: {  	[tilespmem:$0x7DA0] =	vst v0  }
0x3e: {  	[tilespmem:$0x7DB0] =	vst v0  }
0x3f: {  	[tilespmem:$0x7DC0] =	vst v0  }
0x40: {  	[tilespmem:$0x7DD0] =	vst v0  }
0x41: {  	[tilespmem:$0x7DE0] =	vst v0  }
0x42: {  	[tilespmem:$0x7DF0] =	vst v0  }
0x43: {  	[tilespmem:$0x7E00] =	vst v0  }
0x44: {  	[tilespmem:$0x7E10] =	vst v0  }
0x45: {  	[tilespmem:$0x7E20] =	vst v0  }
0x46: {  	[tilespmem:$0x7E30] =	vst v0  }
0x47: {  	[tilespmem:$0x7E40] =	vst v0  }
0x48: {  	[tilespmem:$0x7E50] =	vst v0  }
0x49: {  	[tilespmem:$0x7E60] =	vst v0  }
0x4a: {  	[tilespmem:$0x7E70] =	vst v0  }
0x4b: {  	[tilespmem:$0x7E80] =	vst v0  }
0x4c: {  	[tilespmem:$0x7E90] =	vst v0  }
0x4d: {  	[tilespmem:$0x7EA0] =	vst v0  }
0x4e: {  	[tilespmem:$0x7EB0] =	vst v0  }
0x4f: {  	[tilespmem:$0x7EC0] =	vst v0  }
0x50: {  	[tilespmem:$0x7ED0] =	vst v0  }
0x51: {  	[tilespmem:$0x7EE0] =	vst v0  }
0x52: {  	[tilespmem:$0x7EF0] =	vst v0  }
0x53: {  	[tilespmem:$0x7F00] =	vst v0  }
0x54: {  	[tilespmem:$0x7F10] =	vst v0  }
0x55: {  	[tilespmem:$0x7F20] =	vst v0  }
0x56: {  	[tilespmem:$0x7F30] =	vst v0  }
0x57: {  	[tilespmem:$0x7F40] =	vst v0  }
0x58: {  	[tilespmem:$0x7F50] =	vst v0  }
0x59: {  	[tilespmem:$0x7F60] =	vst v0  }
0x5a: {  	[tilespmem:$0x7F70] =	vst v0  }
0x5b: {  	[tilespmem:$0x7F80] =	vst v0  }
0x5c: {  	[tilespmem:$0x7F90] =	vst v0  }
0x5d: {  	[tilespmem:$0x7FA0] =	vst v0  }
0x5e: {  	[tilespmem:$0x7FB0] =	vst v0  }
0x5f: {  	[tilespmem:$0x7FC0] =	vst v0  }
0x60: {  	[tilespmem:$0x7FD0] =	vst v0  }
0x61: {  	[tilespmem:$0x7FE0] =	vst v0  }
0x62: {  	[tilespmem:$0x7FF0] =	vst v0  }
0x63: {  	[tilespmem:$0x8000] =	vst v0  }
0x64: {  	[tilespmem:$0x8010] =	vst v0  }
0x65: {  	[tilespmem:$0x8020] =	vst v0  }
0x66: {  	[tilespmem:$0x8030] =	vst v0  }
0x67: {  	[tilespmem:$0x8040] =	vst v0  }
0x68: {  	[tilespmem:$0x8050] =	vst v0  }
0x69: {  	[tilespmem:$0x8060] =	vst v0  }
0x6a: {  	[tilespmem:$0x8070] =	vst v0  }
0x6b: {  	[tilespmem:$0x8080] =	vst v0  }
0x6c: {  	[tilespmem:$0x8090] =	vst v0  }
0x6d: {  	[tilespmem:$0x80A0] =	vst v0  }
0x6e: {  	[tilespmem:$0x80B0] =	vst v0  }
0x6f: {  	[tilespmem:$0x80C0] =	vst v0  }
0x70: {  	[tilespmem:$0x80D0] =	vst v0  }
0x71: {  	[tilespmem:$0x80E0] =	vst v0  }
0x72: {  	[tilespmem:$0x80F0] =	vst v0  }
0x73: {  	[tilespmem:$0x8100] =	vst v0  }
0x74: {  	[tilespmem:$0x8110] =	vst v0  }
0x75: {  	[tilespmem:$0x8120] =	vst v0  }
0x76: {  	[tilespmem:$0x8130] =	vst v0  }
0x77: {  	[tilespmem:$0x8140] =	vst v0  }
0x78: {  	[tilespmem:$0x8150] =	vst v0  }
0x79: {  	[tilespmem:$0x8160] =	vst v0  }
0x7a: {  	[tilespmem:$0x8170] =	vst v0  }
0x7b: {  	[tilespmem:$0x8180] =	vst v0  }
0x7c: {  	[tilespmem:$0x8190] =	vst v0  }
0x7d: {  	[tilespmem:$0x81A0] =	vst v0  }
0x7e: {  	[tilespmem:$0x81B0] =	vst v0  }
0x7f: {  	[tilespmem:$0x81C0] =	vst v0  }
0x80: {  	[tilespmem:$0x81D0] =	vst v0  }
0x81: {  	[tilespmem:$0x81E0] =	vst v0  }
0x82: {  	[tilespmem:$0x81F0] =	vst v0  }
0x83: {  	[tilespmem:$0x8200] =	vst v0  }
0x84: {  	[tilespmem:$0x8210] =	vst v0  }
0x85: {  	[tilespmem:$0x8220] =	vst v0  }
0x86: {  	[tilespmem:$0x8230] =	vst v0  }
0x87: {  	[tilespmem:$0x8240] =	vst v0  }
0x88: {  	[tilespmem:$0x8250] =	vst v0  }
0x89: {  	[tilespmem:$0x8260] =	vst v0  }
0x8a: {  	[tilespmem:$0x8270] =	vst v0  }
0x8b: {  	[tilespmem:$0x8280] =	vst v0  }
0x8c: {  	[tilespmem:$0x8290] =	vst v0  }
0x8d: {  	[tilespmem:$0x82A0] =	vst v0  }
0x8e: {  	[tilespmem:$0x82B0] =	vst v0  }
0x8f: {  	[tilespmem:$0x82C0] =	vst v0  }
0x90: {  	[tilespmem:$0x82D0] =	vst v0  }
0x91: {  	[tilespmem:$0x82E0] =	vst v0  }
0x92: {  	[tilespmem:$0x82F0] =	vst v0  }
0x93: {  	[tilespmem:$0x8300] =	vst v0  }
0x94: {  	[tilespmem:$0x8310] =	vst v0  }
0x95: {  	[tilespmem:$0x8320] =	vst v0  }
0x96: {  	[tilespmem:$0x8330] =	vst v0  }
0x97: {  	[tilespmem:$0x8340] =	vst v0  }
0x98: {  	[tilespmem:$0x8350] =	vst v0  }
0x99: {  	[tilespmem:$0x8360] =	vst v0  }
0x9a: {  	[tilespmem:$0x8370] =	vst v0  }
0x9b: {  	[tilespmem:$0x8380] =	vst v0  }
0x9c: {  	[tilespmem:$0x8390] =	vst v0  }
0x9d: {  	[tilespmem:$0x83A0] =	vst v0  }
0x9e: {  	[tilespmem:$0x83B0] =	vst v0  }
0x9f: {  	[tilespmem:$0x83C0] =	vst v0  }
0xa0: {  	[tilespmem:$0x83D0] =	vst v0  }
0xa1: {  	[tilespmem:$0x83E0] =	vst v0  }
0xa2: {  	[tilespmem:$0x83F0] =	vst v0  }
0xa3: {  	[spmem:s5] =	stream.linear.scatter [tilespmem:s20], [sflag:$0x5], $0x800, $0x38;
	[tilespmem:$0xD400] =	vst v63  }
0xa4: {  	_ =	swait.ge [sflag:s21], $0x800  }
0xa5: {  	[sflag:s21] =	ssyncset.done $0x0  }
0xa6: {  	s6 =	rddreg [dreg:$0x9];
	[sflag:s21] =	ssyncadd.s32 $0xFFFFF800  }
0xa7: {  	[spmem:s6] =	stream.linear.scatter [tilespmem:s20], [sflag:$0x5], $0x800, $0x38;
	[tilespmem:$0xD400] =	vst v63  }
0xa8: {  	_ =	swait.ge [sflag:s21], $0x800  }
0xa9: {  	[sflag:s21] =	ssyncset.done $0x0  }
0xaa: {  	s7 =	rddreg [dreg:$0xa];
	[sflag:s21] =	ssyncadd.s32 $0xFFFFF800  }
0xab: {  	[spmem:s7] =	stream.linear.scatter [tilespmem:s20], [sflag:$0x5], $0x800, $0x38;
	[tilespmem:$0xD400] =	vst v63  }
0xac: {  	_ =	swait.ge [sflag:s21], $0x800  }
0xad: {  	[sflag:s21] =	ssyncset.done $0x0  }
0xae: {  	s8 =	rddreg [dreg:$0xb];
	[sflag:s21] =	ssyncadd.s32 $0xFFFFF800  }
0xaf: {  	[spmem:s8] =	stream.linear.scatter [tilespmem:s20], [sflag:$0x5], $0x800, $0x38;
	[tilespmem:$0xD400] =	vst v63  }
0xb0: {  	_ =	swait.ge [sflag:s21], $0x800  }
0xb1: {  	[sflag:s21] =	ssyncset.done $0x0  }
0xb2: {  	s9 =	rddreg [dreg:$0xc];
	[sflag:s21] =	ssyncadd.s32 $0xFFFFF800  }
0xb3: {  	[spmem:s9] =	stream.linear.scatter [tilespmem:s20], [sflag:$0x5], $0x800, $0x38;
	[tilespmem:$0xD400] =	vst v63  }
0xb4: {  	_ =	swait.ge [sflag:s21], $0x800  }
0xb5: {  	[sflag:s21] =	ssyncset.done $0x0  }
0xb6: {  	s10 =	rddreg [dreg:$0xd];
	[sflag:s21] =	ssyncadd.s32 $0xFFFFF800  }
0xb7: {  	[spmem:s10] =	stream.linear.scatter [tilespmem:s20], [sflag:$0x5], $0x800, $0x38;
	[tilespmem:$0xD400] =	vst v63  }
0xb8: {  	_ =	swait.ge [sflag:s21], $0x800  }
0xb9: {  	[sflag:s21] =	ssyncset.done $0x0  }
0xba: {  	s11 =	rddreg [dreg:$0xe];
	[sflag:s21] =	ssyncadd.s32 $0xFFFFF800  }
0xbb: {  	[spmem:s11] =	stream.linear.scatter [tilespmem:s20], [sflag:$0x5], $0x800, $0x38;
	[tilespmem:$0xD400] =	vst v63  }
0xbc: {  	_ =	swait.ge [sflag:s21], $0x800  }
0xbd: {  	[sflag:s21] =	ssyncset.done $0x0  }
0xbe: {  	s12 =	rddreg [dreg:$0xf];
	[sflag:s21] =	ssyncadd.s32 $0xFFFFF800  }
0xbf: {  	[spmem:s12] =	stream.linear.scatter [tilespmem:s20], [sflag:$0x5], $0x800, $0x38;
	[tilespmem:$0xD400] =	vst v63  }
0xc0: {  	_ =	swait.ge [sflag:s21], $0x800  }
0xc1: {  	[sflag:s21] =	ssyncset.done $0x0  }
0xc2: {  	s13 =	rddreg [dreg:$0x10];
	[sflag:s21] =	ssyncadd.s32 $0xFFFFF800  }
0xc3: {  	[spmem:s13] =	stream.linear.scatter [tilespmem:s20], [sflag:$0x5], $0x800, $0x38;
	[tilespmem:$0xD400] =	vst v63  }
0xc4: {  	_ =	swait.ge [sflag:s21], $0x800  }
0xc5: {  	[sflag:s21] =	ssyncset.done $0x0  }
0xc6: {  	[sflag:s21] =	ssyncadd.s32 $0xFFFFF800  }
0xc7: {  	[spmem:s19] =	stream.linear.scatter [tilespmem:s20], [sflag:$0x5], $0x800, $0x38;
	[tilespmem:$0xD400] =	vst v63  }
0xc8: {  	_ =	swait.ge [sflag:s21], $0x800  }
0xc9: {  	[sflag:s21] =	ssyncset.done $0x0  }
0xca: {  	[sflag:s21] =	ssyncadd.s32 $0xFFFFF800  }
0xcb: {  	[bflag:$0x0] =	sbarrier.arrive $0xFFFF  }
0xcc: {  	s14 =	rddreg [dreg:$0x4]  }
0xcd: {  	[tilespmem:s4], [sflag:$0x5] =	stream.linear.gather [hbm4b:s14+s4], $0x1400, $0x38;
	[tilespmem:$0xD400] =	vst v63  }
0xce: {  	_ =	swait.ge [sflag:s21], $0x1400  }
0xcf: {  	[sflag:s21] =	ssyncset.done $0x0  }
0xd0: {  	s7 =	simm.s32 $0x1400;
	s15 =	rddreg [dreg:$0x5];
	[sflag:s21] =	ssyncadd.s32 $0xFFFFEC00  }
0xd1: {  	[tilespmem:s7], [sflag:$0x5] =	stream.linear.gather [hbm4b:s15+s4], $0x1400, $0x38;
	[tilespmem:$0xD400] =	vst v63  }
0xd2: {  	_ =	swait.ge [sflag:s21], $0x1400  }
0xd3: {  	[sflag:s21] =	ssyncset.done $0x0  }
0xd4: {  	s6 =	simm.s32 $0x2800;
	s16 =	rddreg [dreg:$0x6];
	[sflag:s21] =	ssyncadd.s32 $0xFFFFEC00  }
0xd5: {  	[tilespmem:s6], [sflag:$0x5] =	stream.linear.gather [hbm4b:s16+s4], $0x1400, $0x38;
	[tilespmem:$0xD400] =	vst v63  }
0xd6: {  	_ =	swait.ge [sflag:s21], $0x1400  }
0xd7: {  	[sflag:s21] =	ssyncset.done $0x0  }
0xd8: {  	[sflag:s21] =	ssyncadd.s32 $0xFFFFEC00  }
0xd9: {  	[tilespmem:s24], [sflag:$0x1] =	stream.indirect.gather [hbm4b:s2+s23], $0x20, s4, s23, $0xb8;
	[tilespmem:$0xD400] =	vst v63  }
0xda: {  	_ = 	snop  }
0xdb: {  	[tilespmem:s26], [sflag:$0x2] =	stream.indirect.gather [hbm4b:s2+s23], $0x20, s23, s23, $0xb8;
	[tilespmem:$0xD400] =	vst v63  }
0xdc: {  	s17 =	simm.s32 $0x100;
	s18 =	simm.s32 $0x180;
	s8 =	simm.s32 $0x2900  }
0xdd: {  	[tilespmem:s29], [sflag:$0x3] =	stream.indirect.gather [hbm4b:s2+s23], $0x20, s17, s23, $0xb8;
	[tilespmem:$0xD400] =	vst v63  }
0xde: {  	s9 =	simm.s32 $0x2980;
	s10 =	simm.s32 $0x0;
	s7 =	simm.s32 $0x2880  }
0xdf: {  	[tilespmem:s31], [sflag:$0x4] =	stream.indirect.gather [hbm4b:s2+s23], $0x20, s18, s23, $0xb8;
	[tilespmem:$0xD400] =	vst v63  }
.LBB2_2:
0xe0: {  	_ =	swait.ge [sflag:s0], $0x1000  }
0xe1: {  	[sflag:s0] =	ssyncset.done $0x0  }
0xe2: {  	s13 =	simm.s32 $0x3D00;
	[sflag:s0] =	ssyncadd.s32 $0xFFFFF000  }
0xe3: {  	v7 =	vld [tilespmem:s13+$0xFFFFFFA0]  }
0xe4: {  	v4 =	vld [tilespmem:s13+$0xFFFFFFF0]  }
0xe5: {  	v1 =	vld [tilespmem:s13+$0xFFFFFF60]  }
0xe6: {  	v8 =	vld [tilespmem:s13+$0xFFFFFFD0]  }
0xe7: {  	v5 =	vmov s6;
	v9 =	vld [tilespmem:s13+$0x80]  }
0xe8: {  	v12 =	vld [tilespmem:s13+$0xFFFFFF10]  }
0xe9: {  	v16 =	vld [tilespmem:s13+$0xE0]  }
0xea: {  	v11 =	vld [tilespmem:s13+$0xFFFFFF40]  }
0xeb: {  	s11 =	simm.s32 $0x0;
	v3 =	vld [tilespmem:s13+$0xFFFFFF90]  }
0xec: {  	v2 =	vld.idx.msk [tilespmem:v5+s11+$0x0 ss:$0x1], $0xffff  }
0xed: {  	v10 =	vld [tilespmem:s13+$0xFFFFFFC0]  }
0xee: {  	v13 =	vld [tilespmem:s13+$0xFFFFFF00]  }
0xef: {  	v14 =	vld [tilespmem:s13+$0xD0]  }
0xf0: {  	v23 =	vld [tilespmem:s13+$0xC0]  }
0xf1: {  	v21 =	vld [tilespmem:s13+$0x90];
	v19 =	vbroadcast v2, $0x0;
	v6 =	vbroadcast v2, $0xF  }
0xf2: {  	v22 =	vld [tilespmem:s13+$0xFFFFFF50];
	v20 =	vbroadcast v2, $0x2;
	v18 =	vbroadcast v2, $0xE  }
0xf3: {  	v17 =	vld [tilespmem:s13+$0xB0];
	v15 =	vbroadcast v2, $0xC;
	v25 =	vmul.f32 v19, v13  }
0xf4: {  	s12 =	sshll.u32 s10, $0xB;
	s14 =	simm.s32 $0x3D00;
	s11 =	simm.s32 $0x40;
	v13 =	vbroadcast v2, $0xD;
	v24 =	vmul.f32 v11, v20;
	v11 =	vld [tilespmem:s13+$0x60]  }
.LBB2_3:
0xf5: {  	p0 =	sne.s32 s11, $0x1C0  }
0xf6: {  	[tilespmem:s13+$0xFFFFFF00] =	vst v25;
	v25 =	vld [tilespmem:s13+$0xFFFFFFB0];
	v23 =	vmul.f32 v23, v18;
	v16 =	vmul.f32 v16, v6;
	s14 =	sadd.s32 $0x200, s14;
	s15 =	smov.u32 s11;
	s11 =	sadd.s32 $0x40, s11  }
0xf7: {  	[tilespmem:s13+$0xFFFFFF40] =	vst v24;
	v24 =	vbroadcast v2, $0xA;
	v21 =	vmul.f32 v21, v15;
	v26 =	vld [tilespmem:s13+$0xA0]  }
0xf8: {  	v12 =	vmul.f32 v12, v19;
	v19 =	vmul.f32 v22, v20;
	v20 =	vld [tilespmem:s13+$0x70];
	[tilespmem:s13+$0xE0] =	vst v16  }
0xf9: {  	v16 =	vbroadcast v2, $0x5;
	v22 =	vld [tilespmem:s13+$0xFFFFFFE0];
	v17 =	vmul.f32 v17, v13;
	[tilespmem:s13+$0xC0] =	vst v23  }
0xfa: {  	v14 =	vmul.f32 v14, v18;
	[tilespmem:s13+$0xFFFFFF10] =	vst v12;
	v12 =	vbroadcast v2, $0x6;
	v23 =	vld [tilespmem:s13+$0x40]  }
0xfb: {  	v27 =	vbroadcast v2, $0xB;
	v7 =	vmul.f32 v7, v16;
	v18 =	vld [tilespmem:s13+$0xFFFFFF20];
	[tilespmem:s13+$0x90] =	vst v21  }
0xfc: {  	[tilespmem:s13+$0xFFFFFF50] =	vst v19;
	v19 =	vbroadcast v2, $0x9;
	v21 =	vld [tilespmem:s13+$0x20];
	v13 =	vmul.f32 v26, v13  }
0xfd: {  	v16 =	vmul.f32 v25, v16;
	v25 =	vld [tilespmem:s13+$0x50];
	v20 =	vmul.f32 v20, v27;
	[tilespmem:s13+$0xD0] =	vst v14  }
0xfe: {  	v9 =	vmul.f32 v9, v15;
	v14 =	vbroadcast v2, $0x7;
	v26 =	vld [tilespmem:s13+$0x30];
	[tilespmem:s13+$0xA0] =	vst v13  }
0xff: {  	v10 =	vmul.f32 v10, v12;
	v13 =	vbroadcast v2, $0x3;
	v15 =	vld [tilespmem:s13+$0x0];
	[tilespmem:s13+$0x70] =	vst v20  }
0x100: {  	v11 =	vmul.f32 v11, v27;
	v8 =	vmul.f32 v8, v12;
	v12 =	vld [tilespmem:s13+$0x10];
	[tilespmem:s13+$0x80] =	vst v9  }
0x101: {  	v20 =	vbroadcast v2, $0x8;
	v23 =	vmul.f32 v23, v24;
	v9 =	vld [tilespmem:s13+$0xFFFFFF30];
	[tilespmem:s13+$0xB0] =	vst v17  }
0x102: {  	v17 =	vbroadcast v2, $0x1;
	v27 =	vld [tilespmem:s13+$0xFFFFFF70];
	[tilespmem:s13+$0xFFFFFFD0] =	vst v8;
	v24 =	vmul.f32 v25, v24  }
0x103: {  	v4 =	vmul.f32 v4, v14;
	v8 =	vmul.f32 v22, v14;
	[tilespmem:s13+$0xFFFFFFC0] =	vst v10;
	v10 =	vld [tilespmem:s13+$0xF0]  }
0x104: {  	v22 =	vmul.f32 v26, v19;
	v14 =	vld [tilespmem:s13+$0xFFFFFF80];
	[tilespmem:s13+$0xFFFFFFA0] =	vst v7;
	v15 =	vmul.f32 v15, v20  }
0x105: {  	v7 =	vld [tilespmem:s14+$0xFFFFFFA0];
	[tilespmem:s13+$0xFFFFFFF0] =	vst v4;
	v20 =	vmul.f32 v12, v20;
	v12 =	vmul.f32 v21, v19  }
0x106: {  	v4 =	vmul.f32 v18, v17;
	v17 =	vmul.f32 v9, v17;
	[tilespmem:s13+$0x60] =	vst v11  }
0x107: {  	v1 =	vmul.f32 v1, v13;
	v9 =	vmul.f32 v27, v13;
	[tilespmem:s13+$0xFFFFFFB0] =	vst v16  }
0x108: {  	v2 =	vbroadcast v2, $0x4;
	[tilespmem:s13+$0xFFFFFF20] =	vst v4;
	v4 =	vmul.f32 v10, v6  }
0x109: {  	[tilespmem:s13+$0xFFFFFF60] =	vst v1  }
0x10a: {  	v6 =	vmul.f32 v14, v2;
	v1 =	vmul.f32 v3, v2;
	[tilespmem:s13+$0x40] =	vst v23  }
0x10b: {  	[tilespmem:s13+$0xFFFFFFE0] =	vst v8  }
0x10c: {  	[tilespmem:s13+$0xF0] =	vst v4  }
0x10d: {  	[tilespmem:s13+$0xFFFFFF90] =	vst v1  }
0x10e: {  	[tilespmem:s13+$0xFFFFFF70] =	vst v9  }
0x10f: {  	v4 =	vld [tilespmem:s14+$0xFFFFFFF0];
	[tilespmem:s13+$0x20] =	vst v12  }
0x110: {  	v1 =	vld [tilespmem:s14+$0xFFFFFF60];
	[tilespmem:s13+$0x30] =	vst v22  }
0x111: {  	v8 =	vld [tilespmem:s14+$0xFFFFFFD0];
	[tilespmem:s13+$0xFFFFFF80] =	vst v6  }
0x112: {  	v9 =	vld [tilespmem:s14+$0x80];
	[tilespmem:s13+$0x50] =	vst v24  }
0x113: {  	v12 =	vld [tilespmem:s14+$0xFFFFFF10];
	[tilespmem:s13+$0x0] =	vst v15  }
0x114: {  	v16 =	vld [tilespmem:s14+$0xE0];
	[tilespmem:s13+$0xFFFFFF30] =	vst v17  }
0x115: {  	s15 =	sshra.s32 s15, $0x2;
	v11 =	vld [tilespmem:s14+$0xFFFFFF40];
	[tilespmem:s13+$0x10] =	vst v20;
	s13 =	smov.u32 s14  }
0x116: {  	v2 =	vld.idx.msk [tilespmem:v5+s15+$0x0 ss:$0x1], $0xffff  }
0x117: {  	v3 =	vld [tilespmem:s14+$0xFFFFFF90]  }
0x118: {  	v10 =	vld [tilespmem:s14+$0xFFFFFFC0]  }
0x119: {  	v13 =	vld [tilespmem:s14+$0xFFFFFF00]  }
0x11a: {  	v14 =	vld [tilespmem:s14+$0xD0]  }
.Ltmp2:
0x11b: {  	v23 =	vld [tilespmem:s14+$0xC0];
	(pc) =	sbr.rel @p0 .LBB2_3-.Ltmp2, $4  }
0x11c: {  	v19 =	vbroadcast v2, $0x0;
	v6 =	vbroadcast v2, $0xF;
	v21 =	vld [tilespmem:s14+$0x90]  }
0x11d: {  	v20 =	vbroadcast v2, $0x2;
	v18 =	vbroadcast v2, $0xE;
	v22 =	vld [tilespmem:s14+$0xFFFFFF50]  }
0x11e: {  	v25 =	vmul.f32 v19, v13;
	v13 =	vbroadcast v2, $0xD;
	v17 =	vld [tilespmem:s14+$0xB0]  }
0x11f: {  	v15 =	vbroadcast v2, $0xC;
	v24 =	vmul.f32 v11, v20;
	v11 =	vld [tilespmem:s14+$0x60]  }
0x120: {  	[tilespmem:s13+$0xFFFFFF00] =	vst v25;
	v5 =	vmul.f32 v16, v6  }
0x121: {  	v16 =	vmul.f32 v23, v18;
	[tilespmem:s13+$0xFFFFFF40] =	vst v24  }
0x122: {  	v12 =	vmul.f32 v12, v19;
	[tilespmem:s13+$0xE0] =	vst v5  }
0x123: {  	v23 =	vld [tilespmem:s13+$0xA0];
	v9 =	vmul.f32 v9, v15;
	[tilespmem:s13+$0xC0] =	vst v16  }
0x124: {  	v19 =	vld [tilespmem:s13+$0x70];
	v5 =	vmul.f32 v21, v15;
	v20 =	vmul.f32 v22, v20;
	[tilespmem:s13+$0xFFFFFF10] =	vst v12  }
0x125: {  	v12 =	vmul.f32 v14, v18;
	v18 =	vbroadcast v2, $0xB;
	[tilespmem:s13+$0x80] =	vst v9  }
0x126: {  	[tilespmem:s13+$0x90] =	vst v5  }
0x127: {  	[tilespmem:s13+$0xFFFFFF50] =	vst v20;
	v11 =	vmul.f32 v11, v18  }
0x128: {  	[tilespmem:s13+$0xD0] =	vst v12;
	v20 =	vmul.f32 v23, v13  }
0x129: {  	v9 =	vbroadcast v2, $0x7;
	v19 =	vmul.f32 v19, v18;
	[tilespmem:s13+$0x60] =	vst v11  }
0x12a: {  	v14 =	vld [tilespmem:s13+$0xFFFFFF20];
	v12 =	vbroadcast v2, $0x6;
	v13 =	vmul.f32 v17, v13;
	[tilespmem:s13+$0xA0] =	vst v20  }
0x12b: {  	v16 =	vld [tilespmem:s13+$0xFFFFFFB0];
	v4 =	vmul.f32 v4, v9;
	[tilespmem:s13+$0x70] =	vst v19  }
0x12c: {  	v5 =	vld [tilespmem:s13+$0xFFFFFFE0];
	v17 =	vbroadcast v2, $0x5;
	v8 =	vmul.f32 v8, v12;
	[tilespmem:s13+$0xB0] =	vst v13  }
0x12d: {  	v18 =	vbroadcast v2, $0x1;
	v10 =	vmul.f32 v10, v12;
	[tilespmem:s13+$0xFFFFFFF0] =	vst v4  }
0x12e: {  	v21 =	vld [tilespmem:s13+$0x40];
	v7 =	vmul.f32 v7, v17;
	[tilespmem:s13+$0xFFFFFFD0] =	vst v8  }
0x12f: {  	v14 =	vmul.f32 v14, v18;
	[tilespmem:s13+$0xFFFFFFC0] =	vst v10  }
0x130: {  	v13 =	vld [tilespmem:s13+$0xFFFFFF70];
	[tilespmem:s13+$0xFFFFFFA0] =	vst v7;
	v7 =	vmul.f32 v16, v17;
	v16 =	vbroadcast v2, $0x3  }
0x131: {  	v4 =	vbroadcast v2, $0xA;
	v17 =	vld [tilespmem:s13+$0xF0];
	[tilespmem:s13+$0xFFFFFF20] =	vst v14;
	v5 =	vmul.f32 v5, v9  }
0x132: {  	v8 =	vld [tilespmem:s13+$0xFFFFFF80];
	v9 =	vbroadcast v2, $0x4;
	v1 =	vmul.f32 v1, v16;
	[tilespmem:s13+$0xFFFFFFB0] =	vst v7  }
0x133: {  	v15 =	vld [tilespmem:s13+$0x20];
	v7 =	vmul.f32 v21, v4;
	[tilespmem:s13+$0xFFFFFFE0] =	vst v5  }
0x134: {  	v19 =	vld [tilespmem:s13+$0x30];
	v3 =	vmul.f32 v3, v9;
	[tilespmem:s13+$0xFFFFFF60] =	vst v1  }
0x135: {  	v22 =	vld [tilespmem:s13+$0x50];
	v5 =	vmul.f32 v13, v16;
	[tilespmem:s13+$0x40] =	vst v7  }
0x136: {  	v12 =	vld [tilespmem:s13+$0x0];
	[tilespmem:s13+$0xFFFFFF90] =	vst v3;
	v1 =	vmul.f32 v17, v6;
	v6 =	vbroadcast v2, $0x9  }
0x137: {  	v11 =	vld [tilespmem:s13+$0xFFFFFF30];
	[tilespmem:s13+$0xFFFFFF70] =	vst v5;
	v5 =	vmul.f32 v8, v9  }
0x138: {  	v10 =	vld [tilespmem:s13+$0x10];
	[tilespmem:s13+$0xF0] =	vst v1;
	v1 =	vmul.f32 v15, v6  }
0x139: {  	v2 =	vbroadcast v2, $0x8;
	v3 =	vmul.f32 v19, v6;
	[tilespmem:s13+$0xFFFFFF80] =	vst v5  }
0x13a: {  	[tilespmem:s13+$0x20] =	vst v1;
	v1 =	vmul.f32 v22, v4  }
0x13b: {  	[tilespmem:s13+$0x30] =	vst v3;
	v3 =	vmul.f32 v12, v2  }
0x13c: {  	v4 =	vmul.f32 v11, v18;
	[tilespmem:s13+$0x50] =	vst v1  }
0x13d: {  	v1 =	vmul.f32 v10, v2;
	[tilespmem:s13+$0x0] =	vst v3  }
0x13e: {  	s11 =	sshrl.u32 s12, $0x2;
	[tilespmem:s13+$0xFFFFFF30] =	vst v4  }
0x13f: {  	s17 =	sadd.s32 $0x1400, s11;
	[tilespmem:s13+$0x10] =	vst v1  }
0x140: {  	[spmem:s3] =	stream.indirect.scatter.add.f32 [tilespmem:s24], [sflag:$0x5], $0x20, s17, s23, $0xb8;
	[tilespmem:$0xD400] =	vst v63  }
0x141: {  	p0 =	seq.s32 s10, $0x9;
	_ =	swait.ge [sflag:s21], $0x1000  }
0x142: {  	s15 =	simm.s32 @!p0 $0x80;
	s13 =	sshrl.u32 @!p0 s12, $0x2;
	[sflag:s21] =	ssyncset.done $0x0  }
0x143: {  	s16 =	simm.s32 @!p0 $0x3C00;
	s14 =	sadd.s32 @!p0 $0x200, s13;
	[sflag:s21] =	ssyncadd.s32 $0xFFFFF000  }
0x144: {  	[tilespmem:s16], [sflag:$0x1] =	stream.indirect.gather @!p0 [hbm4b:s2+s15], $0x20, s14, s15, $0xb8;
	[tilespmem:$0xD400] =	vst v63  }
0x145: {  	_ =	swait.ge [sflag:s22], $0x1000  }
0x146: {  	[sflag:s22] =	ssyncset.done $0x0  }
0x147: {  	s14 =	simm.s32 $0x4DF0;
	[sflag:s22] =	ssyncadd.s32 $0xFFFFF000  }
0x148: {  	v7 =	vld [tilespmem:s14+$0xFFFFFEB0]  }
0x149: {  	v12 =	vld [tilespmem:s14+$0xFFFFFFF0]  }
0x14a: {  	v1 =	vld [tilespmem:s14+$0xFFFFFE70]  }
0x14b: {  	v4 =	vmov s7;
	v5 =	vld [tilespmem:s14+$0xFFFFFF00]  }
0x14c: {  	v8 =	vld [tilespmem:s14+$0xFFFFFEE0]  }
0x14d: {  	v9 =	vld [tilespmem:s14+$0xFFFFFF90]  }
0x14e: {  	v13 =	vld [tilespmem:s14+$0xFFFFFE20]  }
0x14f: {  	s18 =	simm.s32 $0x0;
	v11 =	vld [tilespmem:s14+$0xFFFFFE50]  }
0x150: {  	v2 =	vld.idx.msk [tilespmem:v4+s18+$0x0 ss:$0x1], $0xffff  }
0x151: {  	v3 =	vld [tilespmem:s14+$0xFFFFFEA0]  }
0x152: {  	v10 =	vld [tilespmem:s14+$0xFFFFFED0]  }
0x153: {  	v14 =	vld [tilespmem:s14+$0xFFFFFE10]  }
0x154: {  	v15 =	vld [tilespmem:s14+$0xFFFFFFE0]  }
0x155: {  	v23 =	vld [tilespmem:s14+$0xFFFFFFD0]  }
0x156: {  	v21 =	vld [tilespmem:s14+$0xFFFFFFA0];
	v19 =	vbroadcast v2, $0x0;
	v6 =	vbroadcast v2, $0xF  }
0x157: {  	v22 =	vld [tilespmem:s14+$0xFFFFFE60];
	v20 =	vbroadcast v2, $0x2;
	v18 =	vbroadcast v2, $0xE  }
0x158: {  	v17 =	vld [tilespmem:s14+$0xFFFFFFC0];
	v16 =	vbroadcast v2, $0xC;
	v25 =	vmul.f32 v19, v14  }
0x159: {  	s17 =	simm.s32 $0x4DF0;
	s15 =	sor.u32 $0x200, s12;
	s16 =	simm.s32 $0x40;
	v14 =	vbroadcast v2, $0xD;
	v24 =	vmul.f32 v11, v20;
	v11 =	vld [tilespmem:s14+$0xFFFFFF70]  }
.LBB2_5:
0x15a: {  	p1 =	sne.s32 s16, $0x1C0  }
0x15b: {  	[tilespmem:s14+$0xFFFFFE10] =	vst v25;
	v25 =	vld [tilespmem:s14+$0xFFFFFEC0];
	v23 =	vmul.f32 v23, v18;
	v12 =	vmul.f32 v12, v6;
	s17 =	sadd.s32 $0x200, s17;
	s18 =	smov.u32 s16;
	s16 =	sadd.s32 $0x40, s16  }
0x15c: {  	[tilespmem:s14+$0xFFFFFE50] =	vst v24;
	v24 =	vbroadcast v2, $0xA;
	v21 =	vmul.f32 v21, v16;
	v26 =	vld [tilespmem:s14+$0xFFFFFFB0]  }
0x15d: {  	v13 =	vmul.f32 v13, v19;
	v19 =	vmul.f32 v22, v20;
	v20 =	vld [tilespmem:s14+$0xFFFFFF80];
	[tilespmem:s14+$0xFFFFFFF0] =	vst v12  }
0x15e: {  	v12 =	vbroadcast v2, $0x5;
	v22 =	vld [tilespmem:s14+$0xFFFFFEF0];
	v17 =	vmul.f32 v17, v14;
	[tilespmem:s14+$0xFFFFFFD0] =	vst v23  }
0x15f: {  	v15 =	vmul.f32 v15, v18;
	[tilespmem:s14+$0xFFFFFE20] =	vst v13;
	v13 =	vbroadcast v2, $0x6;
	v23 =	vld [tilespmem:s14+$0xFFFFFF50]  }
0x160: {  	v27 =	vbroadcast v2, $0xB;
	v7 =	vmul.f32 v7, v12;
	v18 =	vld [tilespmem:s14+$0xFFFFFE30];
	[tilespmem:s14+$0xFFFFFFA0] =	vst v21  }
0x161: {  	[tilespmem:s14+$0xFFFFFE60] =	vst v19;
	v19 =	vbroadcast v2, $0x9;
	v21 =	vld [tilespmem:s14+$0xFFFFFF30];
	v14 =	vmul.f32 v26, v14  }
0x162: {  	v12 =	vmul.f32 v25, v12;
	v25 =	vld [tilespmem:s14+$0xFFFFFF60];
	v20 =	vmul.f32 v20, v27;
	[tilespmem:s14+$0xFFFFFFE0] =	vst v15  }
0x163: {  	v9 =	vmul.f32 v9, v16;
	v15 =	vbroadcast v2, $0x7;
	v26 =	vld [tilespmem:s14+$0xFFFFFF40];
	[tilespmem:s14+$0xFFFFFFB0] =	vst v14  }
0x164: {  	v10 =	vmul.f32 v10, v13;
	v14 =	vbroadcast v2, $0x3;
	v16 =	vld [tilespmem:s14+$0xFFFFFF10];
	[tilespmem:s14+$0xFFFFFF80] =	vst v20  }
0x165: {  	v11 =	vmul.f32 v11, v27;
	v8 =	vmul.f32 v8, v13;
	v13 =	vld [tilespmem:s14+$0xFFFFFF20];
	[tilespmem:s14+$0xFFFFFF90] =	vst v9  }
0x166: {  	v20 =	vbroadcast v2, $0x8;
	v23 =	vmul.f32 v23, v24;
	v9 =	vld [tilespmem:s14+$0xFFFFFE40];
	[tilespmem:s14+$0xFFFFFFC0] =	vst v17  }
0x167: {  	v17 =	vbroadcast v2, $0x1;
	v27 =	vld [tilespmem:s14+$0xFFFFFE80];
	[tilespmem:s14+$0xFFFFFEE0] =	vst v8;
	v24 =	vmul.f32 v25, v24  }
0x168: {  	v5 =	vmul.f32 v5, v15;
	v8 =	vmul.f32 v22, v15;
	[tilespmem:s14+$0xFFFFFED0] =	vst v10;
	v10 =	vld [tilespmem:s14+$0x0]  }
0x169: {  	v22 =	vmul.f32 v26, v19;
	v15 =	vld [tilespmem:s14+$0xFFFFFE90];
	[tilespmem:s14+$0xFFFFFEB0] =	vst v7;
	v16 =	vmul.f32 v16, v20  }
0x16a: {  	v7 =	vld [tilespmem:s17+$0xFFFFFEB0];
	[tilespmem:s14+$0xFFFFFF00] =	vst v5;
	v20 =	vmul.f32 v13, v20;
	v5 =	vmul.f32 v21, v19  }
0x16b: {  	v13 =	vmul.f32 v18, v17;
	v17 =	vmul.f32 v9, v17;
	[tilespmem:s14+$0xFFFFFF70] =	vst v11  }
0x16c: {  	v1 =	vmul.f32 v1, v14;
	v9 =	vmul.f32 v27, v14;
	[tilespmem:s14+$0xFFFFFEC0] =	vst v12  }
0x16d: {  	v2 =	vbroadcast v2, $0x4;
	[tilespmem:s14+$0xFFFFFE30] =	vst v13;
	v6 =	vmul.f32 v10, v6  }
0x16e: {  	[tilespmem:s14+$0xFFFFFE70] =	vst v1  }
0x16f: {  	v10 =	vmul.f32 v15, v2;
	v1 =	vmul.f32 v3, v2;
	[tilespmem:s14+$0xFFFFFF50] =	vst v23  }
0x170: {  	[tilespmem:s14+$0xFFFFFEF0] =	vst v8  }
0x171: {  	[tilespmem:s14+$0x0] =	vst v6  }
0x172: {  	[tilespmem:s14+$0xFFFFFEA0] =	vst v1  }
0x173: {  	[tilespmem:s14+$0xFFFFFE80] =	vst v9  }
0x174: {  	v12 =	vld [tilespmem:s17+$0xFFFFFFF0];
	[tilespmem:s14+$0xFFFFFF30] =	vst v5  }
0x175: {  	v1 =	vld [tilespmem:s17+$0xFFFFFE70];
	[tilespmem:s14+$0xFFFFFF40] =	vst v22  }
0x176: {  	v5 =	vld [tilespmem:s17+$0xFFFFFF00];
	[tilespmem:s14+$0xFFFFFE90] =	vst v10  }
0x177: {  	v8 =	vld [tilespmem:s17+$0xFFFFFEE0];
	[tilespmem:s14+$0xFFFFFF60] =	vst v24  }
0x178: {  	v9 =	vld [tilespmem:s17+$0xFFFFFF90];
	[tilespmem:s14+$0xFFFFFF10] =	vst v16  }
0x179: {  	v13 =	vld [tilespmem:s17+$0xFFFFFE20];
	[tilespmem:s14+$0xFFFFFE40] =	vst v17  }
0x17a: {  	s18 =	sshra.s32 s18, $0x2;
	v11 =	vld [tilespmem:s17+$0xFFFFFE50];
	[tilespmem:s14+$0xFFFFFF20] =	vst v20;
	s14 =	smov.u32 s17  }
0x17b: {  	v2 =	vld.idx.msk [tilespmem:v4+s18+$0x0 ss:$0x1], $0xffff  }
0x17c: {  	v3 =	vld [tilespmem:s17+$0xFFFFFEA0]  }
0x17d: {  	v10 =	vld [tilespmem:s17+$0xFFFFFED0]  }
0x17e: {  	v14 =	vld [tilespmem:s17+$0xFFFFFE10]  }
0x17f: {  	v15 =	vld [tilespmem:s17+$0xFFFFFFE0]  }
.Ltmp3:
0x180: {  	v23 =	vld [tilespmem:s17+$0xFFFFFFD0];
	(pc) =	sbr.rel @p1 .LBB2_5-.Ltmp3, $4  }
0x181: {  	v19 =	vbroadcast v2, $0x0;
	v6 =	vbroadcast v2, $0xF;
	v21 =	vld [tilespmem:s17+$0xFFFFFFA0]  }
0x182: {  	v20 =	vbroadcast v2, $0x2;
	v18 =	vbroadcast v2, $0xE;
	v22 =	vld [tilespmem:s17+$0xFFFFFE60]  }
0x183: {  	v25 =	vmul.f32 v19, v14;
	v14 =	vbroadcast v2, $0xD;
	v17 =	vld [tilespmem:s17+$0xFFFFFFC0]  }
0x184: {  	v16 =	vbroadcast v2, $0xC;
	v24 =	vmul.f32 v11, v20;
	v11 =	vld [tilespmem:s17+$0xFFFFFF70]  }
0x185: {  	[tilespmem:s14+$0xFFFFFE10] =	vst v25;
	v4 =	vmul.f32 v12, v6  }
0x186: {  	v12 =	vmul.f32 v23, v18;
	[tilespmem:s14+$0xFFFFFE50] =	vst v24  }
0x187: {  	v13 =	vmul.f32 v13, v19;
	[tilespmem:s14+$0xFFFFFFF0] =	vst v4  }
0x188: {  	v23 =	vld [tilespmem:s14+$0xFFFFFFB0];
	v9 =	vmul.f32 v9, v16;
	[tilespmem:s14+$0xFFFFFFD0] =	vst v12  }
0x189: {  	v19 =	vld [tilespmem:s14+$0xFFFFFF80];
	v4 =	vmul.f32 v21, v16;
	v20 =	vmul.f32 v22, v20;
	[tilespmem:s14+$0xFFFFFE20] =	vst v13  }
0x18a: {  	v13 =	vmul.f32 v15, v18;
	v18 =	vbroadcast v2, $0xB;
	[tilespmem:s14+$0xFFFFFF90] =	vst v9  }
0x18b: {  	[tilespmem:s14+$0xFFFFFFA0] =	vst v4  }
0x18c: {  	[tilespmem:s14+$0xFFFFFE60] =	vst v20;
	v11 =	vmul.f32 v11, v18  }
0x18d: {  	[tilespmem:s14+$0xFFFFFFE0] =	vst v13;
	v20 =	vmul.f32 v23, v14  }
0x18e: {  	v9 =	vbroadcast v2, $0x7;
	v19 =	vmul.f32 v19, v18;
	[tilespmem:s14+$0xFFFFFF70] =	vst v11  }
0x18f: {  	v15 =	vld [tilespmem:s14+$0xFFFFFE30];
	v13 =	vbroadcast v2, $0x6;
	v14 =	vmul.f32 v17, v14;
	[tilespmem:s14+$0xFFFFFFB0] =	vst v20  }
0x190: {  	v12 =	vld [tilespmem:s14+$0xFFFFFEC0];
	v5 =	vmul.f32 v5, v9;
	[tilespmem:s14+$0xFFFFFF80] =	vst v19  }
0x191: {  	v4 =	vld [tilespmem:s14+$0xFFFFFEF0];
	v17 =	vbroadcast v2, $0x5;
	v8 =	vmul.f32 v8, v13;
	[tilespmem:s14+$0xFFFFFFC0] =	vst v14  }
0x192: {  	v18 =	vbroadcast v2, $0x1;
	v10 =	vmul.f32 v10, v13;
	[tilespmem:s14+$0xFFFFFF00] =	vst v5  }
0x193: {  	v21 =	vld [tilespmem:s14+$0xFFFFFF50];
	v7 =	vmul.f32 v7, v17;
	[tilespmem:s14+$0xFFFFFEE0] =	vst v8  }
0x194: {  	v15 =	vmul.f32 v15, v18;
	[tilespmem:s14+$0xFFFFFED0] =	vst v10  }
0x195: {  	v14 =	vld [tilespmem:s14+$0xFFFFFE80];
	[tilespmem:s14+$0xFFFFFEB0] =	vst v7;
	v7 =	vmul.f32 v12, v17;
	v12 =	vbroadcast v2, $0x3  }
0x196: {  	v5 =	vbroadcast v2, $0xA;
	v17 =	vld [tilespmem:s14+$0x0];
	[tilespmem:s14+$0xFFFFFE30] =	vst v15;
	v4 =	vmul.f32 v4, v9  }
0x197: {  	v8 =	vld [tilespmem:s14+$0xFFFFFE90];
	v9 =	vbroadcast v2, $0x4;
	v1 =	vmul.f32 v1, v12;
	[tilespmem:s14+$0xFFFFFEC0] =	vst v7  }
0x198: {  	v16 =	vld [tilespmem:s14+$0xFFFFFF30];
	v7 =	vmul.f32 v21, v5;
	[tilespmem:s14+$0xFFFFFEF0] =	vst v4  }
0x199: {  	v19 =	vld [tilespmem:s14+$0xFFFFFF40];
	v3 =	vmul.f32 v3, v9;
	[tilespmem:s14+$0xFFFFFE70] =	vst v1  }
0x19a: {  	v11 =	vld [tilespmem:s14+$0xFFFFFE40];
	v4 =	vmul.f32 v14, v12;
	[tilespmem:s14+$0xFFFFFF50] =	vst v7  }
0x19b: {  	v22 =	vld [tilespmem:s14+$0xFFFFFF60];
	[tilespmem:s14+$0xFFFFFEA0] =	vst v3;
	v1 =	vmul.f32 v17, v6;
	v6 =	vbroadcast v2, $0x9  }
0x19c: {  	v13 =	vld [tilespmem:s14+$0xFFFFFF10];
	[tilespmem:s14+$0xFFFFFE80] =	vst v4;
	v4 =	vmul.f32 v8, v9  }
0x19d: {  	v10 =	vld [tilespmem:s14+$0xFFFFFF20];
	[tilespmem:s14+$0x0] =	vst v1;
	v1 =	vmul.f32 v16, v6  }
0x19e: {  	v3 =	vmul.f32 v19, v6;
	[tilespmem:s14+$0xFFFFFE90] =	vst v4  }
0x19f: {  	v2 =	vbroadcast v2, $0x8;
	v4 =	vmul.f32 v11, v18;
	[tilespmem:s14+$0xFFFFFF30] =	vst v1  }
0x1a0: {  	v1 =	vmul.f32 v22, v5;
	[tilespmem:s14+$0xFFFFFF40] =	vst v3  }
0x1a1: {  	v3 =	vmul.f32 v13, v2;
	[tilespmem:s14+$0xFFFFFE40] =	vst v4  }
0x1a2: {  	[tilespmem:s14+$0xFFFFFF60] =	vst v1;
	v1 =	vmul.f32 v10, v2  }
0x1a3: {  	s15 =	sshrl.u32 s15, $0x2;
	[tilespmem:s14+$0xFFFFFF10] =	vst v3  }
0x1a4: {  	s17 =	sadd.s32 $0x1400, s15;
	[tilespmem:s14+$0xFFFFFF20] =	vst v1  }
0x1a5: {  	[spmem:s3] =	stream.indirect.scatter.add.f32 [tilespmem:s26], [sflag:$0x5], $0x20, s17, s23, $0xb8;
	[tilespmem:$0xD400] =	vst v63  }
0x1a6: {  	_ =	swait.ge [sflag:s21], $0x1000  }
0x1a7: {  	s16 =	simm.s32 @!p0 $0x4C00;
	[sflag:s21] =	ssyncset.done $0x0  }
0x1a8: {  	s15 =	simm.s32 @!p0 $0x80;
	s14 =	sadd.s32 @!p0 $0x280, s13;
	[sflag:s21] =	ssyncadd.s32 $0xFFFFF000  }
0x1a9: {  	[tilespmem:s16], [sflag:$0x2] =	stream.indirect.gather @!p0 [hbm4b:s2+s15], $0x20, s14, s15, $0xb8;
	[tilespmem:$0xD400] =	vst v63  }
0x1aa: {  	_ =	swait.ge [sflag:s28], $0x1000  }
0x1ab: {  	[sflag:s28] =	ssyncset.done $0x0  }
0x1ac: {  	s14 =	simm.s32 $0x5DF0;
	[sflag:s28] =	ssyncadd.s32 $0xFFFFF000  }
0x1ad: {  	v7 =	vld [tilespmem:s14+$0xFFFFFEB0]  }
0x1ae: {  	v12 =	vld [tilespmem:s14+$0xFFFFFFF0]  }
0x1af: {  	v1 =	vld [tilespmem:s14+$0xFFFFFE70]  }
0x1b0: {  	v4 =	vmov s8;
	v5 =	vld [tilespmem:s14+$0xFFFFFF00]  }
0x1b1: {  	v8 =	vld [tilespmem:s14+$0xFFFFFEE0]  }
0x1b2: {  	v9 =	vld [tilespmem:s14+$0xFFFFFF90]  }
0x1b3: {  	v13 =	vld [tilespmem:s14+$0xFFFFFE20]  }
0x1b4: {  	s18 =	simm.s32 $0x0;
	v11 =	vld [tilespmem:s14+$0xFFFFFE50]  }
0x1b5: {  	v2 =	vld.idx.msk [tilespmem:v4+s18+$0x0 ss:$0x1], $0xffff  }
0x1b6: {  	v3 =	vld [tilespmem:s14+$0xFFFFFEA0]  }
0x1b7: {  	v10 =	vld [tilespmem:s14+$0xFFFFFED0]  }
0x1b8: {  	v14 =	vld [tilespmem:s14+$0xFFFFFE10]  }
0x1b9: {  	v15 =	vld [tilespmem:s14+$0xFFFFFFE0]  }
0x1ba: {  	v23 =	vld [tilespmem:s14+$0xFFFFFFD0]  }
0x1bb: {  	v21 =	vld [tilespmem:s14+$0xFFFFFFA0];
	v19 =	vbroadcast v2, $0x0;
	v6 =	vbroadcast v2, $0xF  }
0x1bc: {  	v22 =	vld [tilespmem:s14+$0xFFFFFE60];
	v20 =	vbroadcast v2, $0x2;
	v18 =	vbroadcast v2, $0xE  }
0x1bd: {  	v17 =	vld [tilespmem:s14+$0xFFFFFFC0];
	v16 =	vbroadcast v2, $0xC;
	v25 =	vmul.f32 v19, v14  }
0x1be: {  	s17 =	simm.s32 $0x5DF0;
	s15 =	sor.u32 $0x400, s12;
	s16 =	simm.s32 $0x40;
	v14 =	vbroadcast v2, $0xD;
	v24 =	vmul.f32 v11, v20;
	v11 =	vld [tilespmem:s14+$0xFFFFFF70]  }
.LBB2_7:
0x1bf: {  	p1 =	sne.s32 s16, $0x1C0  }
0x1c0: {  	[tilespmem:s14+$0xFFFFFE10] =	vst v25;
	v25 =	vld [tilespmem:s14+$0xFFFFFEC0];
	v23 =	vmul.f32 v23, v18;
	v12 =	vmul.f32 v12, v6;
	s17 =	sadd.s32 $0x200, s17;
	s18 =	smov.u32 s16;
	s16 =	sadd.s32 $0x40, s16  }
0x1c1: {  	[tilespmem:s14+$0xFFFFFE50] =	vst v24;
	v24 =	vbroadcast v2, $0xA;
	v21 =	vmul.f32 v21, v16;
	v26 =	vld [tilespmem:s14+$0xFFFFFFB0]  }
0x1c2: {  	v13 =	vmul.f32 v13, v19;
	v19 =	vmul.f32 v22, v20;
	v20 =	vld [tilespmem:s14+$0xFFFFFF80];
	[tilespmem:s14+$0xFFFFFFF0] =	vst v12  }
0x1c3: {  	v12 =	vbroadcast v2, $0x5;
	v22 =	vld [tilespmem:s14+$0xFFFFFEF0];
	v17 =	vmul.f32 v17, v14;
	[tilespmem:s14+$0xFFFFFFD0] =	vst v23  }
0x1c4: {  	v15 =	vmul.f32 v15, v18;
	[tilespmem:s14+$0xFFFFFE20] =	vst v13;
	v13 =	vbroadcast v2, $0x6;
	v23 =	vld [tilespmem:s14+$0xFFFFFF50]  }
0x1c5: {  	v27 =	vbroadcast v2, $0xB;
	v7 =	vmul.f32 v7, v12;
	v18 =	vld [tilespmem:s14+$0xFFFFFE30];
	[tilespmem:s14+$0xFFFFFFA0] =	vst v21  }
0x1c6: {  	[tilespmem:s14+$0xFFFFFE60] =	vst v19;
	v19 =	vbroadcast v2, $0x9;
	v21 =	vld [tilespmem:s14+$0xFFFFFF30];
	v14 =	vmul.f32 v26, v14  }
0x1c7: {  	v12 =	vmul.f32 v25, v12;
	v25 =	vld [tilespmem:s14+$0xFFFFFF60];
	v20 =	vmul.f32 v20, v27;
	[tilespmem:s14+$0xFFFFFFE0] =	vst v15  }
0x1c8: {  	v9 =	vmul.f32 v9, v16;
	v15 =	vbroadcast v2, $0x7;
	v26 =	vld [tilespmem:s14+$0xFFFFFF40];
	[tilespmem:s14+$0xFFFFFFB0] =	vst v14  }
0x1c9: {  	v10 =	vmul.f32 v10, v13;
	v14 =	vbroadcast v2, $0x3;
	v16 =	vld [tilespmem:s14+$0xFFFFFF10];
	[tilespmem:s14+$0xFFFFFF80] =	vst v20  }
0x1ca: {  	v11 =	vmul.f32 v11, v27;
	v8 =	vmul.f32 v8, v13;
	v13 =	vld [tilespmem:s14+$0xFFFFFF20];
	[tilespmem:s14+$0xFFFFFF90] =	vst v9  }
0x1cb: {  	v20 =	vbroadcast v2, $0x8;
	v23 =	vmul.f32 v23, v24;
	v9 =	vld [tilespmem:s14+$0xFFFFFE40];
	[tilespmem:s14+$0xFFFFFFC0] =	vst v17  }
0x1cc: {  	v17 =	vbroadcast v2, $0x1;
	v27 =	vld [tilespmem:s14+$0xFFFFFE80];
	[tilespmem:s14+$0xFFFFFEE0] =	vst v8;
	v24 =	vmul.f32 v25, v24  }
0x1cd: {  	v5 =	vmul.f32 v5, v15;
	v8 =	vmul.f32 v22, v15;
	[tilespmem:s14+$0xFFFFFED0] =	vst v10;
	v10 =	vld [tilespmem:s14+$0x0]  }
0x1ce: {  	v22 =	vmul.f32 v26, v19;
	v15 =	vld [tilespmem:s14+$0xFFFFFE90];
	[tilespmem:s14+$0xFFFFFEB0] =	vst v7;
	v16 =	vmul.f32 v16, v20  }
0x1cf: {  	v7 =	vld [tilespmem:s17+$0xFFFFFEB0];
	[tilespmem:s14+$0xFFFFFF00] =	vst v5;
	v20 =	vmul.f32 v13, v20;
	v5 =	vmul.f32 v21, v19  }
0x1d0: {  	v13 =	vmul.f32 v18, v17;
	v17 =	vmul.f32 v9, v17;
	[tilespmem:s14+$0xFFFFFF70] =	vst v11  }
0x1d1: {  	v1 =	vmul.f32 v1, v14;
	v9 =	vmul.f32 v27, v14;
	[tilespmem:s14+$0xFFFFFEC0] =	vst v12  }
0x1d2: {  	v2 =	vbroadcast v2, $0x4;
	[tilespmem:s14+$0xFFFFFE30] =	vst v13;
	v6 =	vmul.f32 v10, v6  }
0x1d3: {  	[tilespmem:s14+$0xFFFFFE70] =	vst v1  }
0x1d4: {  	v10 =	vmul.f32 v15, v2;
	v1 =	vmul.f32 v3, v2;
	[tilespmem:s14+$0xFFFFFF50] =	vst v23  }
0x1d5: {  	[tilespmem:s14+$0xFFFFFEF0] =	vst v8  }
0x1d6: {  	[tilespmem:s14+$0x0] =	vst v6  }
0x1d7: {  	[tilespmem:s14+$0xFFFFFEA0] =	vst v1  }
0x1d8: {  	[tilespmem:s14+$0xFFFFFE80] =	vst v9  }
0x1d9: {  	v12 =	vld [tilespmem:s17+$0xFFFFFFF0];
	[tilespmem:s14+$0xFFFFFF30] =	vst v5  }
0x1da: {  	v1 =	vld [tilespmem:s17+$0xFFFFFE70];
	[tilespmem:s14+$0xFFFFFF40] =	vst v22  }
0x1db: {  	v5 =	vld [tilespmem:s17+$0xFFFFFF00];
	[tilespmem:s14+$0xFFFFFE90] =	vst v10  }
0x1dc: {  	v8 =	vld [tilespmem:s17+$0xFFFFFEE0];
	[tilespmem:s14+$0xFFFFFF60] =	vst v24  }
0x1dd: {  	v9 =	vld [tilespmem:s17+$0xFFFFFF90];
	[tilespmem:s14+$0xFFFFFF10] =	vst v16  }
0x1de: {  	v13 =	vld [tilespmem:s17+$0xFFFFFE20];
	[tilespmem:s14+$0xFFFFFE40] =	vst v17  }
0x1df: {  	s18 =	sshra.s32 s18, $0x2;
	v11 =	vld [tilespmem:s17+$0xFFFFFE50];
	[tilespmem:s14+$0xFFFFFF20] =	vst v20;
	s14 =	smov.u32 s17  }
0x1e0: {  	v2 =	vld.idx.msk [tilespmem:v4+s18+$0x0 ss:$0x1], $0xffff  }
0x1e1: {  	v3 =	vld [tilespmem:s17+$0xFFFFFEA0]  }
0x1e2: {  	v10 =	vld [tilespmem:s17+$0xFFFFFED0]  }
0x1e3: {  	v14 =	vld [tilespmem:s17+$0xFFFFFE10]  }
0x1e4: {  	v15 =	vld [tilespmem:s17+$0xFFFFFFE0]  }
.Ltmp4:
0x1e5: {  	v23 =	vld [tilespmem:s17+$0xFFFFFFD0];
	(pc) =	sbr.rel @p1 .LBB2_7-.Ltmp4, $4  }
0x1e6: {  	v19 =	vbroadcast v2, $0x0;
	v6 =	vbroadcast v2, $0xF;
	v21 =	vld [tilespmem:s17+$0xFFFFFFA0]  }
0x1e7: {  	v20 =	vbroadcast v2, $0x2;
	v18 =	vbroadcast v2, $0xE;
	v22 =	vld [tilespmem:s17+$0xFFFFFE60]  }
0x1e8: {  	v25 =	vmul.f32 v19, v14;
	v14 =	vbroadcast v2, $0xD;
	v17 =	vld [tilespmem:s17+$0xFFFFFFC0]  }
0x1e9: {  	v16 =	vbroadcast v2, $0xC;
	v24 =	vmul.f32 v11, v20;
	v11 =	vld [tilespmem:s17+$0xFFFFFF70]  }
0x1ea: {  	[tilespmem:s14+$0xFFFFFE10] =	vst v25;
	v4 =	vmul.f32 v12, v6  }
0x1eb: {  	v12 =	vmul.f32 v23, v18;
	[tilespmem:s14+$0xFFFFFE50] =	vst v24  }
0x1ec: {  	v13 =	vmul.f32 v13, v19;
	[tilespmem:s14+$0xFFFFFFF0] =	vst v4  }
0x1ed: {  	v23 =	vld [tilespmem:s14+$0xFFFFFFB0];
	v9 =	vmul.f32 v9, v16;
	[tilespmem:s14+$0xFFFFFFD0] =	vst v12  }
0x1ee: {  	v19 =	vld [tilespmem:s14+$0xFFFFFF80];
	v4 =	vmul.f32 v21, v16;
	v20 =	vmul.f32 v22, v20;
	[tilespmem:s14+$0xFFFFFE20] =	vst v13  }
0x1ef: {  	v13 =	vmul.f32 v15, v18;
	v18 =	vbroadcast v2, $0xB;
	[tilespmem:s14+$0xFFFFFF90] =	vst v9  }
0x1f0: {  	[tilespmem:s14+$0xFFFFFFA0] =	vst v4  }
0x1f1: {  	[tilespmem:s14+$0xFFFFFE60] =	vst v20;
	v11 =	vmul.f32 v11, v18  }
0x1f2: {  	[tilespmem:s14+$0xFFFFFFE0] =	vst v13;
	v20 =	vmul.f32 v23, v14  }
0x1f3: {  	v9 =	vbroadcast v2, $0x7;
	v19 =	vmul.f32 v19, v18;
	[tilespmem:s14+$0xFFFFFF70] =	vst v11  }
0x1f4: {  	v15 =	vld [tilespmem:s14+$0xFFFFFE30];
	v13 =	vbroadcast v2, $0x6;
	v14 =	vmul.f32 v17, v14;
	[tilespmem:s14+$0xFFFFFFB0] =	vst v20  }
0x1f5: {  	v12 =	vld [tilespmem:s14+$0xFFFFFEC0];
	v5 =	vmul.f32 v5, v9;
	[tilespmem:s14+$0xFFFFFF80] =	vst v19  }
0x1f6: {  	v4 =	vld [tilespmem:s14+$0xFFFFFEF0];
	v17 =	vbroadcast v2, $0x5;
	v8 =	vmul.f32 v8, v13;
	[tilespmem:s14+$0xFFFFFFC0] =	vst v14  }
0x1f7: {  	v18 =	vbroadcast v2, $0x1;
	v10 =	vmul.f32 v10, v13;
	[tilespmem:s14+$0xFFFFFF00] =	vst v5  }
0x1f8: {  	v21 =	vld [tilespmem:s14+$0xFFFFFF50];
	v7 =	vmul.f32 v7, v17;
	[tilespmem:s14+$0xFFFFFEE0] =	vst v8  }
0x1f9: {  	v15 =	vmul.f32 v15, v18;
	[tilespmem:s14+$0xFFFFFED0] =	vst v10  }
0x1fa: {  	v14 =	vld [tilespmem:s14+$0xFFFFFE80];
	[tilespmem:s14+$0xFFFFFEB0] =	vst v7;
	v7 =	vmul.f32 v12, v17;
	v12 =	vbroadcast v2, $0x3  }
0x1fb: {  	v5 =	vbroadcast v2, $0xA;
	v17 =	vld [tilespmem:s14+$0x0];
	[tilespmem:s14+$0xFFFFFE30] =	vst v15;
	v4 =	vmul.f32 v4, v9  }
0x1fc: {  	v8 =	vld [tilespmem:s14+$0xFFFFFE90];
	v9 =	vbroadcast v2, $0x4;
	v1 =	vmul.f32 v1, v12;
	[tilespmem:s14+$0xFFFFFEC0] =	vst v7  }
0x1fd: {  	v16 =	vld [tilespmem:s14+$0xFFFFFF30];
	v7 =	vmul.f32 v21, v5;
	[tilespmem:s14+$0xFFFFFEF0] =	vst v4  }
0x1fe: {  	v19 =	vld [tilespmem:s14+$0xFFFFFF40];
	v3 =	vmul.f32 v3, v9;
	[tilespmem:s14+$0xFFFFFE70] =	vst v1  }
0x1ff: {  	v11 =	vld [tilespmem:s14+$0xFFFFFE40];
	v4 =	vmul.f32 v14, v12;
	[tilespmem:s14+$0xFFFFFF50] =	vst v7  }
0x200: {  	v22 =	vld [tilespmem:s14+$0xFFFFFF60];
	[tilespmem:s14+$0xFFFFFEA0] =	vst v3;
	v1 =	vmul.f32 v17, v6;
	v6 =	vbroadcast v2, $0x9  }
0x201: {  	v13 =	vld [tilespmem:s14+$0xFFFFFF10];
	[tilespmem:s14+$0xFFFFFE80] =	vst v4;
	v4 =	vmul.f32 v8, v9  }
0x202: {  	v10 =	vld [tilespmem:s14+$0xFFFFFF20];
	[tilespmem:s14+$0x0] =	vst v1;
	v1 =	vmul.f32 v16, v6  }
0x203: {  	v3 =	vmul.f32 v19, v6;
	[tilespmem:s14+$0xFFFFFE90] =	vst v4  }
0x204: {  	v2 =	vbroadcast v2, $0x8;
	v4 =	vmul.f32 v11, v18;
	[tilespmem:s14+$0xFFFFFF30] =	vst v1  }
0x205: {  	v1 =	vmul.f32 v22, v5;
	[tilespmem:s14+$0xFFFFFF40] =	vst v3  }
0x206: {  	v3 =	vmul.f32 v13, v2;
	[tilespmem:s14+$0xFFFFFE40] =	vst v4  }
0x207: {  	[tilespmem:s14+$0xFFFFFF60] =	vst v1;
	v1 =	vmul.f32 v10, v2  }
0x208: {  	s15 =	sshrl.u32 s15, $0x2;
	[tilespmem:s14+$0xFFFFFF10] =	vst v3  }
0x209: {  	s17 =	sadd.s32 $0x1400, s15;
	[tilespmem:s14+$0xFFFFFF20] =	vst v1  }
0x20a: {  	[spmem:s3] =	stream.indirect.scatter.add.f32 [tilespmem:s29], [sflag:$0x5], $0x20, s17, s23, $0xb8;
	[tilespmem:$0xD400] =	vst v63  }
0x20b: {  	_ =	swait.ge [sflag:s21], $0x1000  }
0x20c: {  	s13 =	sadd.s32 @!p0 $0x300, s13;
	[sflag:s21] =	ssyncset.done $0x0  }
0x20d: {  	s15 =	simm.s32 @!p0 $0x5C00;
	s14 =	simm.s32 @!p0 $0x80;
	[sflag:s21] =	ssyncadd.s32 $0xFFFFF000  }
0x20e: {  	[tilespmem:s15], [sflag:$0x3] =	stream.indirect.gather @!p0 [hbm4b:s2+s14], $0x20, s13, s14, $0xb8;
	[tilespmem:$0xD400] =	vst v63  }
0x20f: {  	_ =	swait.ge [sflag:s30], $0x1000  }
0x210: {  	[sflag:s30] =	ssyncset.done $0x0  }
0x211: {  	s13 =	simm.s32 $0x6DF0;
	[sflag:s30] =	ssyncadd.s32 $0xFFFFF000  }
0x212: {  	v7 =	vld [tilespmem:s13+$0xFFFFFEB0]  }
0x213: {  	v12 =	vld [tilespmem:s13+$0xFFFFFFF0]  }
0x214: {  	v1 =	vld [tilespmem:s13+$0xFFFFFE70]  }
0x215: {  	v4 =	vmov s9;
	v5 =	vld [tilespmem:s13+$0xFFFFFF00]  }
0x216: {  	v8 =	vld [tilespmem:s13+$0xFFFFFEE0]  }
0x217: {  	v9 =	vld [tilespmem:s13+$0xFFFFFF90]  }
0x218: {  	v13 =	vld [tilespmem:s13+$0xFFFFFE20]  }
0x219: {  	s18 =	simm.s32 $0x0;
	v11 =	vld [tilespmem:s13+$0xFFFFFE50]  }
0x21a: {  	v2 =	vld.idx.msk [tilespmem:v4+s18+$0x0 ss:$0x1], $0xffff  }
0x21b: {  	v3 =	vld [tilespmem:s13+$0xFFFFFEA0]  }
0x21c: {  	v10 =	vld [tilespmem:s13+$0xFFFFFED0]  }
0x21d: {  	v14 =	vld [tilespmem:s13+$0xFFFFFE10]  }
0x21e: {  	v15 =	vld [tilespmem:s13+$0xFFFFFFE0]  }
0x21f: {  	v23 =	vld [tilespmem:s13+$0xFFFFFFD0]  }
0x220: {  	v21 =	vld [tilespmem:s13+$0xFFFFFFA0];
	v19 =	vbroadcast v2, $0x0;
	v6 =	vbroadcast v2, $0xF  }
0x221: {  	v22 =	vld [tilespmem:s13+$0xFFFFFE60];
	v20 =	vbroadcast v2, $0x2;
	v18 =	vbroadcast v2, $0xE  }
0x222: {  	v17 =	vld [tilespmem:s13+$0xFFFFFFC0];
	v16 =	vbroadcast v2, $0xC;
	v25 =	vmul.f32 v19, v14  }
0x223: {  	s12 =	sor.u32 $0x600, s12;
	s14 =	simm.s32 $0x40;
	s15 =	simm.s32 $0x6DF0;
	v14 =	vbroadcast v2, $0xD;
	v24 =	vmul.f32 v11, v20;
	v11 =	vld [tilespmem:s13+$0xFFFFFF70]  }
.LBB2_9:
0x224: {  	p1 =	sne.s32 s14, $0x1C0  }
0x225: {  	[tilespmem:s13+$0xFFFFFE10] =	vst v25;
	v25 =	vld [tilespmem:s13+$0xFFFFFEC0];
	v23 =	vmul.f32 v23, v18;
	v12 =	vmul.f32 v12, v6;
	s15 =	sadd.s32 $0x200, s15;
	s16 =	smov.u32 s14;
	s14 =	sadd.s32 $0x40, s14  }
0x226: {  	[tilespmem:s13+$0xFFFFFE50] =	vst v24;
	v24 =	vbroadcast v2, $0xA;
	v21 =	vmul.f32 v21, v16;
	v26 =	vld [tilespmem:s13+$0xFFFFFFB0]  }
0x227: {  	v13 =	vmul.f32 v13, v19;
	v19 =	vmul.f32 v22, v20;
	v20 =	vld [tilespmem:s13+$0xFFFFFF80];
	[tilespmem:s13+$0xFFFFFFF0] =	vst v12  }
0x228: {  	v12 =	vbroadcast v2, $0x5;
	v22 =	vld [tilespmem:s13+$0xFFFFFEF0];
	v17 =	vmul.f32 v17, v14;
	[tilespmem:s13+$0xFFFFFFD0] =	vst v23  }
0x229: {  	v15 =	vmul.f32 v15, v18;
	[tilespmem:s13+$0xFFFFFE20] =	vst v13;
	v13 =	vbroadcast v2, $0x6;
	v23 =	vld [tilespmem:s13+$0xFFFFFF50]  }
0x22a: {  	v27 =	vbroadcast v2, $0xB;
	v7 =	vmul.f32 v7, v12;
	v18 =	vld [tilespmem:s13+$0xFFFFFE30];
	[tilespmem:s13+$0xFFFFFFA0] =	vst v21  }
0x22b: {  	[tilespmem:s13+$0xFFFFFE60] =	vst v19;
	v19 =	vbroadcast v2, $0x9;
	v21 =	vld [tilespmem:s13+$0xFFFFFF30];
	v14 =	vmul.f32 v26, v14  }
0x22c: {  	v12 =	vmul.f32 v25, v12;
	v25 =	vld [tilespmem:s13+$0xFFFFFF60];
	v20 =	vmul.f32 v20, v27;
	[tilespmem:s13+$0xFFFFFFE0] =	vst v15  }
0x22d: {  	v9 =	vmul.f32 v9, v16;
	v15 =	vbroadcast v2, $0x7;
	v26 =	vld [tilespmem:s13+$0xFFFFFF40];
	[tilespmem:s13+$0xFFFFFFB0] =	vst v14  }
0x22e: {  	v10 =	vmul.f32 v10, v13;
	v14 =	vbroadcast v2, $0x3;
	v16 =	vld [tilespmem:s13+$0xFFFFFF10];
	[tilespmem:s13+$0xFFFFFF80] =	vst v20  }
0x22f: {  	v11 =	vmul.f32 v11, v27;
	v8 =	vmul.f32 v8, v13;
	v13 =	vld [tilespmem:s13+$0xFFFFFF20];
	[tilespmem:s13+$0xFFFFFF90] =	vst v9  }
0x230: {  	v20 =	vbroadcast v2, $0x8;
	v23 =	vmul.f32 v23, v24;
	v9 =	vld [tilespmem:s13+$0xFFFFFE40];
	[tilespmem:s13+$0xFFFFFFC0] =	vst v17  }
0x231: {  	v17 =	vbroadcast v2, $0x1;
	v27 =	vld [tilespmem:s13+$0xFFFFFE80];
	[tilespmem:s13+$0xFFFFFEE0] =	vst v8;
	v24 =	vmul.f32 v25, v24  }
0x232: {  	v5 =	vmul.f32 v5, v15;
	v8 =	vmul.f32 v22, v15;
	[tilespmem:s13+$0xFFFFFED0] =	vst v10;
	v10 =	vld [tilespmem:s13+$0x0]  }
0x233: {  	v22 =	vmul.f32 v26, v19;
	v15 =	vld [tilespmem:s13+$0xFFFFFE90];
	[tilespmem:s13+$0xFFFFFEB0] =	vst v7;
	v16 =	vmul.f32 v16, v20  }
0x234: {  	v7 =	vld [tilespmem:s15+$0xFFFFFEB0];
	[tilespmem:s13+$0xFFFFFF00] =	vst v5;
	v20 =	vmul.f32 v13, v20;
	v5 =	vmul.f32 v21, v19  }
0x235: {  	v13 =	vmul.f32 v18, v17;
	v17 =	vmul.f32 v9, v17;
	[tilespmem:s13+$0xFFFFFF70] =	vst v11  }
0x236: {  	v1 =	vmul.f32 v1, v14;
	v9 =	vmul.f32 v27, v14;
	[tilespmem:s13+$0xFFFFFEC0] =	vst v12  }
0x237: {  	v2 =	vbroadcast v2, $0x4;
	[tilespmem:s13+$0xFFFFFE30] =	vst v13;
	v6 =	vmul.f32 v10, v6  }
0x238: {  	[tilespmem:s13+$0xFFFFFE70] =	vst v1  }
0x239: {  	v10 =	vmul.f32 v15, v2;
	v1 =	vmul.f32 v3, v2;
	[tilespmem:s13+$0xFFFFFF50] =	vst v23  }
0x23a: {  	[tilespmem:s13+$0xFFFFFEF0] =	vst v8  }
0x23b: {  	[tilespmem:s13+$0x0] =	vst v6  }
0x23c: {  	[tilespmem:s13+$0xFFFFFEA0] =	vst v1  }
0x23d: {  	[tilespmem:s13+$0xFFFFFE80] =	vst v9  }
0x23e: {  	v12 =	vld [tilespmem:s15+$0xFFFFFFF0];
	[tilespmem:s13+$0xFFFFFF30] =	vst v5  }
0x23f: {  	v1 =	vld [tilespmem:s15+$0xFFFFFE70];
	[tilespmem:s13+$0xFFFFFF40] =	vst v22  }
0x240: {  	v5 =	vld [tilespmem:s15+$0xFFFFFF00];
	[tilespmem:s13+$0xFFFFFE90] =	vst v10  }
0x241: {  	v8 =	vld [tilespmem:s15+$0xFFFFFEE0];
	[tilespmem:s13+$0xFFFFFF60] =	vst v24  }
0x242: {  	v9 =	vld [tilespmem:s15+$0xFFFFFF90];
	[tilespmem:s13+$0xFFFFFF10] =	vst v16  }
0x243: {  	v13 =	vld [tilespmem:s15+$0xFFFFFE20];
	[tilespmem:s13+$0xFFFFFE40] =	vst v17  }
0x244: {  	s16 =	sshra.s32 s16, $0x2;
	v11 =	vld [tilespmem:s15+$0xFFFFFE50];
	[tilespmem:s13+$0xFFFFFF20] =	vst v20;
	s13 =	smov.u32 s15  }
0x245: {  	v2 =	vld.idx.msk [tilespmem:v4+s16+$0x0 ss:$0x1], $0xffff  }
0x246: {  	v3 =	vld [tilespmem:s15+$0xFFFFFEA0]  }
0x247: {  	v10 =	vld [tilespmem:s15+$0xFFFFFED0]  }
0x248: {  	v14 =	vld [tilespmem:s15+$0xFFFFFE10]  }
0x249: {  	v15 =	vld [tilespmem:s15+$0xFFFFFFE0]  }
.Ltmp5:
0x24a: {  	v23 =	vld [tilespmem:s15+$0xFFFFFFD0];
	(pc) =	sbr.rel @p1 .LBB2_9-.Ltmp5, $4  }
0x24b: {  	v19 =	vbroadcast v2, $0x0;
	v6 =	vbroadcast v2, $0xF;
	v21 =	vld [tilespmem:s15+$0xFFFFFFA0]  }
0x24c: {  	v20 =	vbroadcast v2, $0x2;
	v18 =	vbroadcast v2, $0xE;
	v22 =	vld [tilespmem:s15+$0xFFFFFE60]  }
0x24d: {  	v25 =	vmul.f32 v19, v14;
	v14 =	vbroadcast v2, $0xD;
	v17 =	vld [tilespmem:s15+$0xFFFFFFC0]  }
0x24e: {  	v16 =	vbroadcast v2, $0xC;
	v24 =	vmul.f32 v11, v20;
	v11 =	vld [tilespmem:s15+$0xFFFFFF70]  }
0x24f: {  	[tilespmem:s13+$0xFFFFFE10] =	vst v25;
	v4 =	vmul.f32 v12, v6  }
0x250: {  	v30 =	vmul.f32 v23, v18;
	[tilespmem:s13+$0xFFFFFE50] =	vst v24  }
0x251: {  	v13 =	vmul.f32 v13, v19;
	[tilespmem:s13+$0xFFFFFFF0] =	vst v4  }
0x252: {  	v35 =	vmul.f32 v15, v18;
	[tilespmem:s13+$0xFFFFFFD0] =	vst v30  }
0x253: {  	v33 =	vmul.f32 v21, v16;
	[tilespmem:s13+$0xFFFFFE20] =	vst v13  }
0x254: {  	v41 =	vbroadcast v2, $0x6;
	v9 =	vmul.f32 v9, v16;
	[tilespmem:s13+$0xFFFFFFE0] =	vst v35  }
0x255: {  	v20 =	vmul.f32 v22, v20;
	[tilespmem:s13+$0xFFFFFFA0] =	vst v33  }
0x256: {  	v45 =	vbroadcast v2, $0x5;
	v8 =	vmul.f32 v8, v41;
	[tilespmem:s13+$0xFFFFFF90] =	vst v9  }
0x257: {  	v47 =	vbroadcast v2, $0x7;
	v10 =	vmul.f32 v10, v41;
	[tilespmem:s13+$0xFFFFFE60] =	vst v20  }
0x258: {  	v54 =	vbroadcast v2, $0x3;
	v7 =	vmul.f32 v7, v45;
	[tilespmem:s13+$0xFFFFFEE0] =	vst v8  }
0x259: {  	v31 =	vld [tilespmem:s13+$0xFFFFFFB0];
	v59 =	vbroadcast v2, $0x4;
	v5 =	vmul.f32 v5, v47;
	[tilespmem:s13+$0xFFFFFED0] =	vst v10  }
0x25a: {  	v32 =	vld [tilespmem:s13+$0xFFFFFF80];
	v1 =	vmul.f32 v1, v54;
	[tilespmem:s13+$0xFFFFFEB0] =	vst v7  }
0x25b: {  	v34 =	vld [tilespmem:s13+$0xFFFFFEC0];
	v37 =	vbroadcast v2, $0xB;
	v3 =	vmul.f32 v3, v59;
	[tilespmem:s13+$0xFFFFFF00] =	vst v5  }
0x25c: {  	v36 =	vld [tilespmem:s13+$0xFFFFFE30];
	v43 =	vmul.f32 v17, v14;
	[tilespmem:s13+$0xFFFFFE70] =	vst v1  }
0x25d: {  	v40 =	vld [tilespmem:s13+$0xFFFFFF50];
	v11 =	vmul.f32 v11, v37;
	[tilespmem:s13+$0xFFFFFEA0] =	vst v3  }
0x25e: {  	v38 =	vld [tilespmem:s13+$0xFFFFFEF0];
	v39 =	vmul.f32 v31, v14;
	[tilespmem:s13+$0xFFFFFFC0] =	vst v43  }
0x25f: {  	v52 =	vbroadcast v2, $0x1;
	v55 =	vld [tilespmem:s13+$0x0];
	v19 =	vmul.f32 v32, v37;
	[tilespmem:s13+$0xFFFFFF70] =	vst v11  }
0x260: {  	v49 =	vld [tilespmem:s13+$0xFFFFFE80];
	v56 =	vbroadcast v2, $0xA;
	v53 =	vmul.f32 v34, v45;
	[tilespmem:s13+$0xFFFFFFB0] =	vst v39  }
0x261: {  	v46 =	vld [tilespmem:s13+$0xFFFFFF40];
	v15 =	vmul.f32 v36, v52;
	[tilespmem:s13+$0xFFFFFF80] =	vst v19  }
0x262: {  	v50 =	vld [tilespmem:s13+$0xFFFFFE90];
	v58 =	vmul.f32 v40, v56;
	[tilespmem:s13+$0xFFFFFEC0] =	vst v53  }
0x263: {  	v44 =	vld [tilespmem:s13+$0xFFFFFF30];
	v4 =	vmul.f32 v38, v47;
	[tilespmem:s13+$0xFFFFFE30] =	vst v15  }
0x264: {  	v57 =	vld [tilespmem:s13+$0xFFFFFE40];
	v60 =	vbroadcast v2, $0x9;
	v1 =	vmul.f32 v55, v6;
	[tilespmem:s13+$0xFFFFFF50] =	vst v58  }
0x265: {  	v42 =	vld [tilespmem:s13+$0xFFFFFF60];
	v61 =	vmul.f32 v49, v54;
	[tilespmem:s13+$0xFFFFFEF0] =	vst v4  }
0x266: {  	v48 =	vld [tilespmem:s13+$0xFFFFFF10];
	v3 =	vmul.f32 v46, v60;
	[tilespmem:s13+$0x0] =	vst v1  }
0x267: {  	v51 =	vld [tilespmem:s13+$0xFFFFFF20];
	v62 =	vmul.f32 v50, v59;
	[tilespmem:s13+$0xFFFFFE80] =	vst v61  }
0x268: {  	v1 =	vmul.f32 v44, v60;
	[tilespmem:s13+$0xFFFFFF40] =	vst v3  }
0x269: {  	v2 =	vbroadcast v2, $0x8;
	v63 =	vmul.f32 v57, v52;
	[tilespmem:s13+$0xFFFFFE90] =	vst v62  }
0x26a: {  	[tilespmem:s13+$0xFFFFFF30] =	vst v1;
	v1 =	vmul.f32 v42, v56  }
0x26b: {  	v3 =	vmul.f32 v48, v2;
	[tilespmem:s13+$0xFFFFFE40] =	vst v63  }
0x26c: {  	[tilespmem:s13+$0xFFFFFF60] =	vst v1;
	v1 =	vmul.f32 v51, v2  }
0x26d: {  	s12 =	sshrl.u32 s12, $0x2;
	[tilespmem:s13+$0xFFFFFF10] =	vst v3  }
.Ltmp6:
0x26e: {  	s12 =	sadd.s32 $0x1400, s12;
	[tilespmem:s13+$0xFFFFFF20] =	vst v1;
	(pc) =	sbr.rel @p0 .LBB2_12-.Ltmp6, $4  }
0x26f: {  	[spmem:s3] =	stream.indirect.scatter.add.f32 [tilespmem:s31], [sflag:$0x5], $0x20, s12, s23, $0xb8;
	[tilespmem:$0xD400] =	vst v63  }
0x270: {  	_ =	swait.ge [sflag:s21], $0x1000  }
0x271: {  	[sflag:s21] =	ssyncset.done $0x0  }
0x272: {  	[sflag:s21] =	ssyncadd.s32 $0xFFFFF000  }
.Ltmp7:
0x273: {  	(pc) =	sbr.rel .LBB2_2-.Ltmp7, $4  }
0x274: {  	_ = 	snop  }
0x275: {  	s11 =	sadd.s32 $0x380, s11;
	s10 =	sadd.s32 $0x1, s10;
	s6 =	sadd.s32 $0x200, s6  }
0x276: {  	s7 =	sadd.s32 $0x200, s7;
	s8 =	sadd.s32 $0x200, s8;
	s9 =	sadd.s32 $0x200, s9  }
0x277: {  	[tilespmem:s31], [sflag:$0x4] =	stream.indirect.gather [hbm4b:s2+s23], $0x20, s11, s23, $0xb8;
	[tilespmem:$0xD400] =	vst v63  }
.LBB2_13:
0x278: {  	_ =	sfence.sel $0x180000  }
0x279: {  	[bflag:$0x0] =	sbarrier.arrive $0xFFFF  }
0x27a: {  	_ =	strace $0x9000004A  }
0x27b: {  	s0 =	stileid.u32;
	[bflag:$0x2] =	sbarrier.arrive $0xFFFF  }
0x27c: {  	p0 =	sne.s32 s0, $0x0;
	s0 =	rddreg [dreg:$0x3]  }
0x27d: {  	s0 =	sadd.s32 @!p0 $0x100000, s0  }
0x27e: {  	[sflag:s0] =	ssyncadd.tile.s32 @!p0 $0x1;
	_ =	shalt  }
.Lfunc_end2:
_tile_overlayer_lowered:
.L_overlay_start_2:
0x27f: {  	(tag) =	ssettag $0x2  }
0x280: {  	s0 =	rddreg [dreg:$0x0];
	s2 =	stileid.u32  }
0x281: {  	s1 =	rddreg [dreg:$0x1];
	p0 =	sne.s32 s2, $0x0  }
0x282: {  	s3 =	rddreg [dreg:$0x2];
	[bflag:$0x3] =	sbarrier.arrive $0xFFFF;
	s2 =	simm.s32 @!p0 $0x1C05  }
0x283: {  	[timem:s3], [sflag:s2] =	dma.local @!p0 [hbm:s0], s1  }
0x284: {  	s0 =	simm.s32 @!p0 $0x5  }
0x285: {  	_ =	swait.ge @!p0 [sflag:s0], s1  }
0x286: {  	s1 =	ssub.s32 @!p0 $0x0, s1;
	[sflag:s0] =	ssyncset.done @!p0 $0x0  }
0x287: {  	[sflag:s0] =	ssyncadd.s32 @!p0 s1  }
0x288: {  	[bflag:$0x3] =	sbarrier.arrive $0xFFFF  }
0x289: {  	_ =	shalt  }

// kernel: kernel.7.cloned.1.call-start
scs
__scs_entry_jumppad:
0x0: {  	(pc) =	sbr.rel $0x88, $3  }
0x1: {  	(tag) =	ssettag $0x0;
	lr =	simm.s32 $0x1  }
0x2: {  	[smem:$0x3F91] =	sst lr;
	_ =	strace $0xD0000000  }
0x3: {  	_ = 	snop  }
0x4: {  	_ = 	snop  }
0x5: {  	_ = 	snop  }
0x6: {  	_ = 	snop  }
0x7: {  	_ = 	snop  }
__scs_overlays_trampoline_lowered:
0x8: {  	[smem:$0x3FA0] =	sst s0  }
0x9: {  	[smem:$0x3FA1] =	sst s1  }
0xa: {  	[smem:$0x3FA2] =	sst s2  }
0xb: {  	[smem:$0x3FA3] =	sst s3  }
0xc: {  	[smem:$0x3FA4] =	sst s4  }
0xd: {  	[smem:$0x3FA5] =	sst s5  }
0xe: {  	[smem:$0x3FA6] =	sst s6  }
0xf: {  	[smem:$0x3FA7] =	sst s7  }
0x10: {  	[smem:$0x3FA8] =	sst s8  }
0x11: {  	[smem:$0x3FA9] =	sst s9;
	s0 =	simm.s32 @!p0 $0x0  }
0x12: {  	s1 =	sld [smem:$0x3F8F];
	s0 =	simm.s32 @p0 $0x1  }
0x13: {  	[smem:$0x3FAA] =	sst s0;
	s0 =	simm.s32 @!p1 $0x0  }
0x14: {  	s2 =	sld [smem:$0x3F8E];
	s0 =	simm.s32 @p1 $0x1  }
0x15: {  	[smem:$0x3FAB] =	sst s0;
	s0 =	simm.s32 @!p2 $0x0  }
0x16: {  	s3 =	sld [smem:$0x3FDB];
	s0 =	simm.s32 @p2 $0x1  }
0x17: {  	s4 =	simm.s32 $0x1BF5;
	[smem:$0x3FAD] =	sst s0  }
0x18: {  	s0 =	sld [smem:$0x3F90];
	_ =	swait.ge [sflag:s4], $0x0  }
0x19: {  	s7 =	sld [smem:$0x3F91]  }
0x1a: {  	s8 =	sadd.s32 $0xFFFFE003, lr  }
0x1b: {  	s9 =	sadd.s32 $0xFFFFFEF7, lr;
	s5 =	simm.s32 $0xFFFFFFFF;
	p2 =	slt.u32 s8, $0xFFFFF086  }
0x1c: {  	p1 =	slt.u32 s9, $0xF7A;
	s5 =	simm.s32 @!p2 $0x0  }
0x1d: {  	s5 =	simm.s32 @p1 $0x1;
	p0 =	seq.s32 s7, s2  }
0x1e: {  	s7 =	smul.u32 @!p0 $0xF7A, s2;
	p2 =	seq.s32 @!p0 s5, $0x0  }
0x1f: {  	s9 =	smul.u32 $0xF7A, s1;
	s8 =	simm.s32 @!p0 $0x1BF5;
	p2 =	por !p2, p0  }
0x20: {  	[sflag:s8] =	ssyncset.s32 @!p0 $0xFFFFF086;
	s6 =	sadd.s32 @!p0 s3, s7;
	s7 =	simm.s32 @!p0 $0x108  }
0x21: {  	s3 =	sadd.s32 s3, s9;
	s6 =	sadd.s32 @!p0 $0x88, s6;
	s7 =	simm.s32 @p2 $0x1082  }
0x22: {  	[simem:s7], [sflag:s8] =	dma.local @!p0 [hbm:s6], $0xF7A  }
0x23: {  	s9 =	sor.u32 $0xD0000000, s2;
	s6 =	simm.s32 $0x108;
	_ =	swait.ge @!p0 [sflag:s8], $0x0  }
0x24: {  	s3 =	sadd.s32 $0x88, s3;
	s6 =	simm.s32 @!p1 $0x1082;
	[sflag:s4] =	ssyncset.s32 $0xFFFFF086  }
0x25: {  	[simem:s6], [sflag:s4] =	dma.local [hbm:s3], $0xF7A  }
0x26: {  	[smem:$0x3F91] =	sst s1;
	(tag) =	ssettag s2;
	_ =	strace s9  }
0x27: {  	s1 =	sld [smem:$0x3FA1]  }
0x28: {  	s2 =	sld [smem:$0x3FA2]  }
0x29: {  	s4 =	sld [smem:$0x3FA4]  }
0x2a: {  	p0 =	seq.s32 s5, $0x0;
	s5 =	sld [smem:$0x3FA5]  }
0x2b: {  	s6 =	sld [smem:$0x3FA6]  }
0x2c: {  	s7 =	sld [smem:$0x3FA7]  }
0x2d: {  	s3 =	simm.s32 $0x108;
	s8 =	sld [smem:$0x3FA8]  }
0x2e: {  	s3 =	simm.s32 @!p0 $0x1082;
	s9 =	sld [smem:$0x3FA9]  }
0x2f: {  	lr =	sadd.s32 s0, s3;
	s0 =	sld [smem:$0x3FA0]  }
0x30: {  	s3 =	sld [smem:$0x3FA3]  }
0x31: {  	[smem:$0x3FAC] =	sst s10  }
0x32: {  	s10 =	sld [smem:$0x3FAA];
	_ =	sdelay $0x3  }
0x33: {  	p0 =	seq.s32 s10, $0x1;
	s10 =	sld [smem:$0x3FAC];
	_ =	sdelay $0x3  }
0x34: {  	[smem:$0x3FAC] =	sst s10  }
0x35: {  	s10 =	sld [smem:$0x3FAB];
	_ =	sdelay $0x3  }
0x36: {  	p1 =	seq.s32 s10, $0x1;
	s10 =	sld [smem:$0x3FAC];
	_ =	sdelay $0x3  }
0x37: {  	[smem:$0x3FAC] =	sst s10  }
0x38: {  	s10 =	sld [smem:$0x3FAD]  }
0x39: {  	_ = 	snop;
	(pc) =	sbr.ind lr, $3  }
0x3a: {  	_ = 	snop  }
0x3b: {  	_ = 	snop  }
0x3c: {  	p2 =	seq.s32 s10, $0x1;
	s10 =	sld [smem:$0x3FAC]  }
0x3d: {  	_ =	shalt  }
0x3e: {  	_ =	shalt  }
0x3f: {  	_ =	shalt  }
0x40: {  	_ =	shalt  }
0x41: {  	_ =	shalt  }
0x42: {  	_ =	shalt  }
0x43: {  	_ =	shalt  }
0x44: {  	_ =	shalt  }
0x45: {  	_ =	shalt  }
0x46: {  	_ =	shalt  }
0x47: {  	_ =	shalt  }
0x48: {  	_ =	shalt  }
0x49: {  	_ =	shalt  }
0x4a: {  	_ =	shalt  }
0x4b: {  	_ =	shalt  }
0x4c: {  	_ =	shalt  }
0x4d: {  	_ =	shalt  }
0x4e: {  	_ =	shalt  }
0x4f: {  	_ =	shalt  }
0x50: {  	_ =	shalt  }
0x51: {  	_ =	shalt  }
0x52: {  	_ =	shalt  }
0x53: {  	_ =	shalt  }
0x54: {  	_ =	shalt  }
0x55: {  	_ =	shalt  }
0x56: {  	_ =	shalt  }
0x57: {  	_ =	shalt  }
0x58: {  	_ =	shalt  }
0x59: {  	_ =	shalt  }
0x5a: {  	_ =	shalt  }
0x5b: {  	_ =	shalt  }
0x5c: {  	_ =	shalt  }
0x5d: {  	_ =	shalt  }
0x5e: {  	_ =	shalt  }
0x5f: {  	_ =	shalt  }
0x60: {  	_ =	shalt  }
0x61: {  	_ =	shalt  }
0x62: {  	_ =	shalt  }
0x63: {  	_ =	shalt  }
0x64: {  	_ =	shalt  }
0x65: {  	_ =	shalt  }
0x66: {  	_ =	shalt  }
0x67: {  	_ =	shalt  }
0x68: {  	_ =	shalt  }
0x69: {  	_ =	shalt  }
0x6a: {  	_ =	shalt  }
0x6b: {  	_ =	shalt  }
0x6c: {  	_ =	shalt  }
0x6d: {  	_ =	shalt  }
0x6e: {  	_ =	shalt  }
0x6f: {  	_ =	shalt  }
0x70: {  	_ =	shalt  }
0x71: {  	_ =	shalt  }
0x72: {  	_ =	shalt  }
0x73: {  	_ =	shalt  }
0x74: {  	_ =	shalt  }
0x75: {  	_ =	shalt  }
0x76: {  	_ =	shalt  }
0x77: {  	_ =	shalt  }
0x78: {  	_ =	shalt  }
0x79: {  	_ =	shalt  }
0x7a: {  	_ =	shalt  }
0x7b: {  	_ =	shalt  }
0x7c: {  	_ =	shalt  }
0x7d: {  	_ =	shalt  }
0x7e: {  	_ =	shalt  }
0x7f: {  	_ =	shalt  }
0x80: {  	_ =	shalt  }
0x81: {  	_ =	shalt  }
0x82: {  	_ =	shalt  }
0x83: {  	_ =	shalt  }
0x84: {  	_ =	shalt  }
0x85: {  	_ =	shalt  }
0x86: {  	_ =	shalt  }
0x87: {  	_ =	shalt  }
.Lfunc_end0:
.L_simem_size_0:
called_computation_lowered:
.L_overlay_start_0:
0x88: {  	s2 =	sld [smem:$0x3FD9]  }
0x89: {  	s3 =	sld [smem:$0x3FFE];
	_ =	sdelay $0x1  }
0x8a: {  	s1 =	srdreg.scid  }
0x8b: {  	s0 =	sand.u32 $0x1, s1  }
0x8c: {  	s17 =	sshll.u32 s0, $0xA;
	s2 =	sadd.s32 s3, s2  }
0x8d: {  	s2 =	sadd.s32 s2, s17  }
0x8e: {  	[smem:$0x3FB8] =	sst s2  }
0x8f: {  	_ = 	snop  }
0x90: {  	s2 =	sld [smem:$0x3FD0];
	(tm) =	ssettm $0x1  }
0x91: {  	s18 =	sld [smem:$0x3FFB];
	_ =	sdelay $0x3  }
0x92: {  	_ =	strace s18  }
0x93: {  	s3 =	sld [smem:$0x3FFC];
	_ =	sdelay $0x3  }
0x94: {  	_ =	strace s3  }
0x95: {  	s3 =	sld [smem:$0x3FFD];
	_ =	sdelay $0x3  }
0x96: {  	_ =	strace s3  }
0x97: {  	_ =	strace $0x8FFFFFFF  }
0x98: {  	s19 =	sld [smem:$0x3FDB];
	_ =	sdelay $0x1  }
0x99: {  	s4 =	simm.s32 $_scs_section_size  }
0x9a: {  	s5 =	simm.s32 $_size__tile_overlayer_lowered;
	s6 =	simm.s32 $_tile_overlayer_lowered  }
0x9b: {  	s22 =	simm.s32 $0x1BFF;
	s21 =	sshll.u32 s6, $0x1;
	s3 =	sadd.s32 s4, s19  }
0x9c: {  	s7 =	simm.s32 $0x0;
	s20 =	sshll.u32 s5, $0x1;
	s5 =	sadd.s32 s21, s3  }
0x9d: {  	[timem:s7], [sflag:s22] =	dma.local [hbm:s5], s20  }
0x9e: {  	_ =	swait.ge [sflag:s22], s20  }
0x9f: {  	s4 =	ssub.s32 $0x0, s20;
	[sflag:s22] =	ssyncset.done $0x0  }
0xa0: {  	[sflag:s22] =	ssyncadd.s32 s4;
	_ =	sdelay $0x1  }
0xa1: {  	s23 =	simm.s32 $0x1B8B  }
0xa2: {  	_ =	swait.ge [sflag:s23], $0x1  }
0xa3: {  	[sflag:s23] =	ssyncset.done $0x0  }
0xa4: {  	s25 =	simm.s32 $0x1B8E;
	s24 =	sld [smem:$0x3FFE];
	[sflag:s23] =	ssyncadd.s32 $0xFFFFFFFF  }
0xa5: {  	s26 =	simm.s32 $execute0_lowered;
	[smem:$0x3FD2] =	sst s25  }
0xa6: {  	s5 =	sshll.u32 s26, $0x1;
	_ =	strace $0x80000046;
	[dreg:$0x1] =	wrdreg $0xFFFFFFFF  }
0xa7: {  	s28 =	simm.s32 $_size_execute0_lowered;
	s3 =	sadd.s32 s3, s5;
	[dreg:$0x0] =	wrdreg $0x0  }
0xa8: {  	s5 =	sshll.u32 s28, $0x1;
	[dreg:$0x2] =	wrdreg s3  }
0xa9: {  	[dreg:$0x3] =	wrdreg s5  }
0xaa: {  	[dreg:$0x4] =	wrdreg $0xC0  }
0xab: {  	_ =	task [dreg:s7], $0x5FFFF  }
0xac: {  	[dreg:$0x1] =	wrdreg $0xFFFFFFFF  }
0xad: {  	[dreg:$0x0] =	wrdreg $0x60  }
0xae: {  	[dreg:$0x2] =	wrdreg s24  }
0xaf: {  	[dreg:$0x3] =	wrdreg s2  }
0xb0: {  	[dreg:$0x4] =	wrdreg $0x54000  }
0xb1: {  	[dreg:$0x5] =	wrdreg $0x9  }
0xb2: {  	_ =	task.clear_ibuf [dreg:s7], $0x6FFFF;
	_ =	strace $0x90000046  }
0xb3: {  	s29 =	simm.s32 $0x9;
	_ =	strace $0x80000048  }
0xb4: {  	_ =	swait.ge [sflag:s29], $0x1  }
0xb5: {  	[sflag:s29] =	ssyncadd.s32 $0xFFFFFFFF  }
0xb6: {  	_ =	strace $0x90000048  }
0xb7: {  	_ =	sfence  }
0xb8: {  	s30 =	sld [smem:$0x0];
	_ =	sdelay $0x2  }
0xb9: {  	s31 =	sshll.u32 s1, $0xD;
	s1 =	sshrl.u32 s1, $0x2  }
0xba: {  	s3 =	sand.u32 $0x4000, s31;
	s1 =	sadd.s32 s1, s30  }
0xbb: {  	s0 =	sor.u32 s3, s0;
	s1 =	sshll.u32 s1, $0x11  }
0xbc: {  	s0 =	sor.u32 s1, s0  }
0xbd: {  	s0 =	sadd.s32 $0x8F2B, s0  }
0xbe: {  	[sflag:s0] =	ssyncadd.remote.s32 $0x1  }
0xbf: {  	_ =	sfence.sel $0xFFFF  }
0xc0: {  	[dreg:$0x0] =	wrdreg $0xFFFFFFFF;
	(pc) =	sbr.abs _section_cstart, $3  }
0xc1: {  	[dreg:$0x1] =	wrdreg $0xFFFFFFFF  }
0xc2: {  	_ =	task.clear_ibuf [dreg:s7], $0x2FFFF;
	_ =	strace $0x9FFFFFFF  }
0xc3: {  	(tm) =	ssettm $0x7FFFFFFF  }
tec
execute0_lowered:
.L_overlay_start_1:
0x0: {  	(tag) =	ssettag $0x1  }
0x1: {  	s4 =	rddreg [dreg:$0x0]  }
0x2: {  	s8 =	rddreg [dreg:$0x1]  }
0x3: {  	s2 =	rddreg [dreg:$0x2]  }
0x4: {  	s0 =	rddreg [dreg:$0x3]  }
0x5: {  	s3 =	simm.s32 $0x0;
	s1 =	stileid.u32;
	s6 =	srdreg.scid  }
0x6: {  	s12 =	simm.s32 $0x2800;
	s13 =	simm.s32 $0x80;
	s14 =	simm.s32 $0x1  }
0x7: {  	s15 =	simm.s32 $0x5280;
	s16 =	simm.s32 $0x0;
	[smem:$0x7FF] =	sst s3  }
0x8: {  	s5 =	smul.u32 $0x500, s1;
	s6 =	sand.u32 $0x1, s6;
	s7 =	sshll.u32 s1, $0x1  }
0x9: {  	s9 =	smul.u32 $0xA00, s1;
	_ =	strace $0x80000047;
	s26 =	ssub.s32 $0x2, s6  }
0xa: {  	s28 =	sor.u32 s6, s7;
	s10 =	sadd.s32 s5, s4;
	s29 =	sshrl.u32 s26, $0x1  }
0xb: {  	s30 =	sshrl.u32 s9, $0x2;
	s31 =	smul.u32 $0x140, s28;
	s11 =	ssub.s32 s26, s29  }
0xc: {  	s4 =	sadd.s32 s30, s2;
	s5 =	sadd.s32 $0x3000, s10;
	s6 =	sadd.s32 $0x8000, s10  }
0xd: {  	s10 =	simm.s32 $0x5000;
	s7 =	sadd.s32 s31, s2;
	s9 =	sshrl.u32 s31, $0x3  }
0xe: {  	v0 =	vimm.f32 $0.0e+00;
	s8 =	sadd.s32 s8, s9;
	s9 =	smax.u32 s11, $0x1;
	s11 =	simm.s32 $0x2  }
.LBB2_1:
0xf: {  	[tilespmem:$0x5000] =	vst v0  }
0x10: {  	[tilespmem:$0x5010] =	vst v0  }
0x11: {  	[tilespmem:$0x5020] =	vst v0  }
0x12: {  	[tilespmem:$0x5030] =	vst v0  }
0x13: {  	[tilespmem:$0x5040] =	vst v0  }
0x14: {  	[tilespmem:$0x5050] =	vst v0  }
0x15: {  	[tilespmem:$0x5060] =	vst v0  }
0x16: {  	[tilespmem:$0x5070] =	vst v0  }
0x17: {  	[tilespmem:$0x5080] =	vst v0  }
0x18: {  	[tilespmem:$0x5090] =	vst v0  }
0x19: {  	[tilespmem:$0x50A0] =	vst v0  }
0x1a: {  	[tilespmem:$0x50B0] =	vst v0  }
0x1b: {  	[tilespmem:$0x50C0] =	vst v0  }
0x1c: {  	[tilespmem:$0x50D0] =	vst v0  }
0x1d: {  	[tilespmem:$0x50E0] =	vst v0  }
0x1e: {  	[tilespmem:$0x50F0] =	vst v0  }
0x1f: {  	[tilespmem:$0x5100] =	vst v0  }
0x20: {  	[tilespmem:$0x5110] =	vst v0  }
0x21: {  	[tilespmem:$0x5120] =	vst v0  }
0x22: {  	[tilespmem:$0x5130] =	vst v0  }
0x23: {  	[tilespmem:$0x5140] =	vst v0  }
0x24: {  	[tilespmem:$0x5150] =	vst v0  }
0x25: {  	[tilespmem:$0x5160] =	vst v0  }
0x26: {  	[tilespmem:$0x5170] =	vst v0  }
0x27: {  	[tilespmem:$0x5180] =	vst v0  }
0x28: {  	[tilespmem:$0x5190] =	vst v0  }
0x29: {  	[tilespmem:$0x51A0] =	vst v0  }
0x2a: {  	[tilespmem:$0x51B0] =	vst v0  }
0x2b: {  	[tilespmem:$0x51C0] =	vst v0  }
0x2c: {  	[tilespmem:$0x51D0] =	vst v0  }
0x2d: {  	[tilespmem:$0x51E0] =	vst v0  }
0x2e: {  	[tilespmem:$0x51F0] =	vst v0  }
0x2f: {  	[tilespmem:$0x5200] =	vst v0  }
0x30: {  	[tilespmem:$0x5210] =	vst v0  }
0x31: {  	[tilespmem:$0x5220] =	vst v0  }
0x32: {  	[tilespmem:$0x5230] =	vst v0  }
0x33: {  	[tilespmem:$0x5240] =	vst v0  }
0x34: {  	[tilespmem:$0x5250] =	vst v0  }
0x35: {  	[tilespmem:$0x5260] =	vst v0  }
0x36: {  	[tilespmem:$0x5270] =	vst v0  }
0x37: {  	[spmem:s4] =	stream.linear.scatter [tilespmem:s10], [sflag:$0x2], $0x280, $0x38;
	[tilespmem:$0x5680] =	vst v63  }
0x38: {  	_ =	swait.ge [sflag:s11], $0x280  }
0x39: {  	[sflag:s11] =	ssyncset.done $0x0  }
0x3a: {  	[sflag:s11] =	ssyncadd.s32 $0xFFFFFD80  }
0x3b: {  	[bflag:$0x0] =	sbarrier.arrive $0xFFFF  }
0x3c: {  	[tilespmem:s3], [sflag:$0x2] =	stream.linear.gather [hbm4b:s5+s3], $0x2800, $0x38;
	[tilespmem:$0x5680] =	vst v63  }
0x3d: {  	_ =	swait.ge [sflag:s11], $0x2800  }
0x3e: {  	[sflag:s11] =	ssyncset.done $0x0  }
0x3f: {  	[sflag:s11] =	ssyncadd.s32 $0xFFFFD800  }
0x40: {  	[tilespmem:s12], [sflag:$0x2] =	stream.linear.gather [hbm4b:s6+s3], $0x2800, $0x38;
	[tilespmem:$0x5680] =	vst v63  }
0x41: {  	_ =	swait.ge [sflag:s11], $0x2800  }
0x42: {  	[sflag:s11] =	ssyncset.done $0x0  }
0x43: {  	s17 =	simm.s32 $0x0;
	[sflag:s11] =	ssyncadd.s32 $0xFFFFD800  }
.LBB2_2:
0x44: {  	p0 =	sne.s32 s17, $0x9E00  }
.Ltmp0:
0x45: {  	_ = 	snop;
	(pc) =	sbr.rel @p0 .LBB2_2-.Ltmp0, $4  }
0x46: {  	_ = 	snop  }
0x47: {  	s18 =	sshra.s32 s17, $0x2  }
0x48: {  	s17 =	sadd.s32 $0x200, s17;
	s19 =	sadd.s32 $0x2800, s18  }
0x49: {  	[spmem:s2] =	stream.indirect.scatter.add.f32 [tilespmem:s19], [sflag:$0x1], $0x1, s18, s13, $0xb8;
	[tilespmem:$0x5680] =	vst v63  }
0x4a: {  	_ =	swait.ge [sflag:s14], $0x80  }
0x4b: {  	s17 =	simm.s32 $0x4F;
	[sflag:s14] =	ssyncset.done $0x0  }
.LBB2_4:
0x4c: {  	p0 =	sne.s32 s17, $0x1;
	s17 =	sadd.s32 $0xFFFFFFFF, s17;
	[sflag:s14] =	ssyncadd.s32 $0xFFFFFF80  }
.Ltmp1:
0x4d: {  	(pc) =	sbr.rel @p0 .LBB2_4-.Ltmp1, $3  }
0x4e: {  	_ =	sdelay $0x1  }
0x4f: {  	_ =	swait.ge [sflag:s14], $0x80  }
0x50: {  	[sflag:s14] =	ssyncset.done $0x0  }
0x51: {  	[sflag:s14] =	ssyncadd.s32 $0xFFFFFF80  }
0x52: {  	[bflag:$0x0] =	sbarrier.arrive $0xFFFF  }
0x53: {  	[tilespmem:s15], [sflag:$0x2] =	stream.linear.gather [spmem:s7], $0x140, $0x38;
	[tilespmem:$0x5680] =	vst v63  }
0x54: {  	s16 =	sadd.s32 $0x1, s16;
	_ =	swait.ge [sflag:s11], $0x140  }
0x55: {  	p0 =	sne.s32 s16, s9;
	[sflag:s11] =	ssyncset.done $0x0  }
.Ltmp2:
0x56: {  	[sflag:s11] =	ssyncadd.s32 $0xFFFFFEC0;
	(pc) =	sbr.rel @p0 .LBB2_1-.Ltmp2, $4  }
0x57: {  	[hbm4b:s8+s3] =	stream.linear.scatter [tilespmem:s15], [sflag:$0x2], $0x140, $0x38;
	[tilespmem:$0x5680] =	vst v63  }
0x58: {  	_ =	swait.ge [sflag:s11], $0x140  }
0x59: {  	[sflag:s11] =	ssyncset.done $0x0  }
0x5a: {  	[sflag:s11] =	ssyncadd.s32 $0xFFFFFEC0  }
0x5b: {  	_ =	sfence.sel $0x180000  }
0x5c: {  	[bflag:$0x0] =	sbarrier.arrive $0xFFFF  }
0x5d: {  	p0 =	sne.s32 s1, $0x0;
	_ =	strace $0x90000047  }
0x5e: {  	s0 =	sadd.s32 @!p0 $0x100000, s0;
	[bflag:$0x2] =	sbarrier.arrive $0xFFFF  }
0x5f: {  	[sflag:s0] =	ssyncadd.tile.s32 @!p0 $0x1;
	_ =	shalt  }
.Lfunc_end2:
_tile_overlayer_lowered:
.L_overlay_start_2:
0x60: {  	(tag) =	ssettag $0x2  }
0x61: {  	s0 =	rddreg [dreg:$0x0];
	s2 =	stileid.u32  }
0x62: {  	s1 =	rddreg [dreg:$0x1];
	p0 =	sne.s32 s2, $0x0  }
0x63: {  	s3 =	rddreg [dreg:$0x2];
	[bflag:$0x3] =	sbarrier.arrive $0xFFFF;
	s2 =	simm.s32 @!p0 $0x1C02  }
0x64: {  	[timem:s3], [sflag:s2] =	dma.local @!p0 [hbm:s0], s1  }
0x65: {  	s0 =	simm.s32 @!p0 $0x2  }
0x66: {  	_ =	swait.ge @!p0 [sflag:s0], s1  }
0x67: {  	s1 =	ssub.s32 @!p0 $0x0, s1;
	[sflag:s0] =	ssyncset.done @!p0 $0x0  }
0x68: {  	[sflag:s0] =	ssyncadd.s32 @!p0 s1  }
0x69: {  	[bflag:$0x3] =	sbarrier.arrive $0xFFFF  }
0x6a: {  	_ =	shalt  }

</sc_bundles>
